<compile_context>
chip_gen: v7x
topology: tpu7x:2x2x1
jax: 0.10.2.dev20260603
libtpu: 0.0.44.dev20260713+nightly
codegen_flags: <defaults>
</compile_context>

<pallas_src>
import jax
import jax.numpy as jnp
import numpy as np
from jax import lax
from jax.experimental import pallas as pl
from jax.experimental.pallas import tpu as pltpu
from jax.experimental.pallas import tpu_sc as plsc

N = 50000
E = 800000
R = 50176
CH = 128
NCH = 6400
EPAD = NCH * CH
NS = 16
TROWS = R // NS
ZR = 112
IB = 8
NBUF = 2
K1 = 40000
K2 = 32000


def _sortable_const(v):
    b = np.float32(v).view(np.int32)
    return int(b ^ ((b >> 31) & np.int32(0x7FFFFFFF)))


_KLO = _sortable_const(-2.0)
_KHI = _sortable_const(1.0) + 1


def _make_sc_agg(ncols, split_edges, gl, ibg):
    nblk = (EPAD // 32 if split_edges else EPAD // NS) // (gl * ibg)
    mesh = plsc.VectorSubcoreMesh(core_axis_name="c", subcore_axis_name="s")

    def body(tab, src3, dst3, out, src_v, dst_v, rows_v, zbuf, acc,
             gsem, ssem):
        c = lax.axis_index("c")
        s = lax.axis_index("s")

        z16 = jnp.zeros((16,), jnp.float32)

        def zrow(i, _):
            for c0 in range(0, ncols, 16):
                zbuf[i, pl.ds(c0, 16)] = z16
            return 0

        lax.fori_loop(0, ZR, zrow, 0)

        def zacc(t, _):
            pltpu.sync_copy(zbuf, acc.at[pl.ds(s * TROWS + t * ZR, ZR)])
            return 0

        lax.fori_loop(0, TROWS // ZR, zacc, 0)
        plsc.subcore_barrier()

        if split_edges:
            base_blk = (c * NS + s) * nblk
        else:
            base_blk = s * nblk

        def block(b, _):
            blk = base_blk + b
            pltpu.sync_copy(src3.at[blk], src_v)
            pltpu.sync_copy(dst3.at[blk], dst_v)

            def start_gather(j, q):
                idx = src_v.at[j]
                if split_edges:
                    return pltpu.async_copy(
                        tab.at[0].at[idx], rows_v.at[q], gsem.at[q])

                @pl.when(c == 0)
                def _():
                    pltpu.async_copy(
                        tab.at[0].at[idx], rows_v.at[q], gsem.at[q])

                @pl.when(c == 1)
                def _():
                    pltpu.async_copy(
                        tab.at[1].at[idx], rows_v.at[q], gsem.at[q])
                return pltpu.make_async_copy(
                    tab.at[0].at[idx], rows_v.at[q], gsem.at[q])

            def start_scatter(j, q):
                return pltpu.async_copy(
                    rows_v.at[q], acc.at[dst_v.at[j]], ssem.at[q], add=True)

            gds = {}
            sds = {}
            for j in range(ibg):
                q = j % NBUF
                if j >= NBUF:
                    sds[j - NBUF].wait()
                gds[j] = start_gather(j, q)
                if j >= 1:
                    gds[j - 1].wait()
                    sds[j - 1] = start_scatter(j - 1, (j - 1) % NBUF)
            gds[ibg - 1].wait()
            sds[ibg - 1] = start_scatter(ibg - 1, (ibg - 1) % NBUF)
            for j in range(max(0, ibg - NBUF), ibg):
                sds[j].wait()
            return 0

        lax.fori_loop(0, nblk, block, 0)
        plsc.subcore_barrier()

        def wout(t, _):
            sl = pl.ds(s * TROWS + t * ZR, ZR)
            pltpu.sync_copy(acc.at[sl], out.at[c].at[sl])
            return 0

        lax.fori_loop(0, TROWS // ZR, wout, 0)

    return pl.kernel(
        body,
        out_type=jax.ShapeDtypeStruct((2, R, ncols), jnp.float32),
        mesh=mesh,
        compiler_params=pltpu.CompilerParams(use_tc_tiling_on_sc=False),
        scratch_types=[
            pltpu.VMEM((ibg, gl), jnp.int32),
            pltpu.VMEM((ibg, gl), jnp.int32),
            pltpu.VMEM((NBUF, gl, ncols), jnp.float32),
            pltpu.VMEM((ZR, ncols), jnp.float32),
            pltpu.VMEM_SHARED((R, ncols), jnp.float32),
            pltpu.SemaphoreType.DMA((NBUF,)),
            pltpu.SemaphoreType.DMA((NBUF,)),
        ],
    )


_sc_l1 = _make_sc_agg(32, True, 256, 4)
_sc_l2f = _make_sc_agg(32, False, 256, 8)
_sc_l2c = _make_sc_agg(16, True, 512, 2)


BR = 1024
NB = R // BR
SR = BR // 128


def _keys_of(score):
    b = lax.bitcast_convert_type(score, jnp.int32)
    return b ^ ((b >> 31) & jnp.int32(0x7FFFFFFF))


def _score_block(h, wp, i):
    inv = lax.rsqrt(jnp.sum(wp * wp))
    s = jnp.tanh(jnp.dot(h, wp, preferred_element_type=jnp.float32) * inv)
    rows = lax.broadcasted_iota(jnp.int32, (BR, 1), 0) + i * BR
    return jnp.where(rows < N, s, -2.0), rows


def _kept_block(s, rows, thr, jstar):
    keys = _keys_of(s)
    return (keys > thr) | ((keys == thr) & (rows < jstar))


def _bisect(scores, k):
    keys = _keys_of(scores)
    flat = (lax.broadcasted_iota(jnp.int32, (R // 128, 128), 0) * 128
            + lax.broadcasted_iota(jnp.int32, (R // 128, 128), 1))

    def cge(t):
        return jnp.sum((keys >= t).astype(jnp.int32))

    def bis(_, lh):
        lo, hi = lh
        mid = lo + (hi - lo) // 2
        big = cge(mid) >= k
        return jnp.where(big, mid, lo), jnp.where(big, hi, mid)

    lo, _ = lax.fori_loop(
        0, 32, bis, (jnp.int32(_KLO), jnp.int32(_KHI)))
    need = k - cge(lo + 1)

    def ctie(j):
        return jnp.sum(((keys == lo) & (flat < j)).astype(jnp.int32))

    def bis2(_, lh):
        lo2, hi2 = lh
        mid = (lo2 + hi2) // 2
        big = ctie(mid) >= need
        return jnp.where(big, lo2, mid + 1), jnp.where(big, mid, hi2)

    _, jstar = lax.fori_loop(0, 17, bis2, (jnp.int32(0), jnp.int32(R)))
    return lo, jstar


def _tc1a(xp_ref, parts_ref, wl1t_ref, wr1t_ref, bl1_ref, wp1_ref,
          h_ref, sc_ref):
    i = pl.program_id(0)
    agg = parts_ref[0] + parts_ref[1]
    mean1 = agg[:, :24] / jnp.maximum(agg[:, 24:25], 1.0)
    h = jnp.dot(mean1, wl1t_ref[...], preferred_element_type=jnp.float32)
    h = h + jnp.dot(xp_ref[...], wr1t_ref[...],
                    preferred_element_type=jnp.float32)
    h = jnp.maximum(h + bl1_ref[...], 0.0)
    h_ref[...] = h
    s, _ = _score_block(h, wp1_ref[...], i)
    sc_ref[...] = s.reshape(1, SR, 128)


def _tc1c(h_ref, wp1_ref, sc_ref, gcat_ref, tc_ref, x1_ref, tk_smem):
    i = pl.program_id(0)

    @pl.when(i == 0)
    def _():
        thr0, jstar0 = _bisect(sc_ref[...], K1)
        tk_smem[0] = thr0
        tk_smem[1] = jstar0

    h = h_ref[...]
    s, rows = _score_block(h, wp1_ref[...], i)
    kept = _kept_block(s, rows, tk_smem[0], tk_smem[1])
    g = h * jnp.where(kept, s, 0.0)
    gcat_ref[0] = g[:, :32]
    gcat_ref[1] = g[:, 32:]
    tc_ref[...] = jnp.concatenate(
        [kept.astype(jnp.float32), jnp.zeros((BR, 15), jnp.float32)], axis=1)
    bmax = jnp.max(jnp.where(kept, g, -jnp.inf), axis=0, keepdims=True)
    bsum = jnp.sum(g, axis=0, keepdims=True) * (1.0 / K1)

    @pl.when(i == 0)
    def _():
        x1_ref[0:1, :] = bmax
        x1_ref[1:2, :] = bsum

    @pl.when(i > 0)
    def _():
        x1_ref[0:1, :] = jnp.maximum(x1_ref[0:1, :], bmax)
        x1_ref[1:2, :] = x1_ref[1:2, :] + bsum


def _tc2a(a_ref, cp_ref, g_ref, tc_ref, wl2t_ref, wr2t_ref, bl2_ref,
          wp2_ref, h2_ref, sc2_ref):
    i = pl.program_id(0)
    agg2 = jnp.concatenate([a_ref[0], a_ref[1]], axis=1)
    cnt2 = cp_ref[0][:, 0:1] + cp_ref[1][:, 0:1]
    g = jnp.concatenate([g_ref[0], g_ref[1]], axis=1)
    mean2 = agg2 / jnp.maximum(cnt2, 1.0)
    h2 = jnp.dot(mean2, wl2t_ref[...], preferred_element_type=jnp.float32)
    h2 = h2 + jnp.dot(g, wr2t_ref[...], preferred_element_type=jnp.float32)
    h2 = jnp.maximum(h2 + bl2_ref[...], 0.0)
    h2_ref[...] = h2
    s2, _ = _score_block(h2, wp2_ref[...], i)
    kf = tc_ref[:, 0:1]
    s2 = jnp.where(kf > 0.0, s2, -2.0)
    sc2_ref[...] = s2.reshape(1, SR, 128)


def _tc2c(h2_ref, tc_ref, wp2_ref, sc_ref, x1_ref,
          w1t_ref, b1_ref, w2t_ref, b2_ref, out_ref, x2_acc, tk_smem):
    i = pl.program_id(0)

    @pl.when(i == 0)
    def _():
        thr0, jstar0 = _bisect(sc_ref[...], K2)
        tk_smem[0] = thr0
        tk_smem[1] = jstar0

    h2 = h2_ref[...]
    s2, rows = _score_block(h2, wp2_ref[...], i)
    kf = tc_ref[:, 0:1]
    s2 = jnp.where(kf > 0.0, s2, -2.0)
    kept2 = _kept_block(s2, rows, tk_smem[0], tk_smem[1])
    g2 = h2 * jnp.where(kept2, s2, 0.0)
    bmax = jnp.max(jnp.where(kept2, g2, -jnp.inf), axis=0, keepdims=True)
    bsum = jnp.sum(g2, axis=0, keepdims=True) * (1.0 / K2)

    @pl.when(i == 0)
    def _():
        x2_acc[0:1, :] = bmax
        x2_acc[1:2, :] = bsum

    @pl.when(i > 0)
    def _():
        x2_acc[0:1, :] = jnp.maximum(x2_acc[0:1, :], bmax)
        x2_acc[1:2, :] = x2_acc[1:2, :] + bsum

    @pl.when(i == NB - 1)
    def _():
        x1v = x1_ref[...]
        x2v = x2_acc[...]
        z = jnp.concatenate(
            [x1v[0:1, :] + x2v[0:1, :], x1v[1:2, :] + x2v[1:2, :]], axis=1)
        z = jnp.maximum(
            jnp.dot(z, w1t_ref[...], preferred_element_type=jnp.float32)
            + b1_ref[...], 0.0)
        out_ref[...] = (
            jnp.dot(z, w2t_ref[...], preferred_element_type=jnp.float32)
            + b2_ref[...])


def _full(shape):
    return pl.BlockSpec(shape, lambda i: (0,) * len(shape))


_tc1a_call = pl.pallas_call(
    _tc1a,
    grid=(NB,),
    in_specs=[
        pl.BlockSpec((BR, 24), lambda i: (i, 0)),
        pl.BlockSpec((2, BR, 32), lambda i: (0, i, 0)),
        _full((24, 64)), _full((24, 64)), _full((1, 64)), _full((64, 1)),
    ],
    out_specs=[
        pl.BlockSpec((BR, 64), lambda i: (i, 0)),
        pl.BlockSpec((1, SR, 128), lambda i: (i, 0, 0)),
    ],
    out_shape=[
        jax.ShapeDtypeStruct((R, 64), jnp.float32),
        jax.ShapeDtypeStruct((NB, SR, 128), jnp.float32),
    ],
)



_tc1c_call = pl.pallas_call(
    _tc1c,
    grid=(NB,),
    in_specs=[
        pl.BlockSpec((BR, 64), lambda i: (i, 0)),
        _full((64, 1)), _full((R // 128, 128)),
    ],
    scratch_shapes=[pltpu.SMEM((2,), jnp.int32)],
    out_specs=[
        pl.BlockSpec((2, BR, 32), lambda i: (0, i, 0)),
        pl.BlockSpec((BR, 16), lambda i: (i, 0)),
        _full((2, 64)),
    ],
    out_shape=[
        jax.ShapeDtypeStruct((2, R, 32), jnp.float32),
        jax.ShapeDtypeStruct((R, 16), jnp.float32),
        jax.ShapeDtypeStruct((2, 64), jnp.float32),
    ],
)

_tc2a_call = pl.pallas_call(
    _tc2a,
    grid=(NB,),
    in_specs=[
        pl.BlockSpec((2, BR, 32), lambda i: (0, i, 0)),
        pl.BlockSpec((2, BR, 16), lambda i: (0, i, 0)),
        pl.BlockSpec((2, BR, 32), lambda i: (0, i, 0)),
        pl.BlockSpec((BR, 16), lambda i: (i, 0)),
        _full((64, 64)), _full((64, 64)), _full((1, 64)), _full((64, 1)),
    ],
    out_specs=[
        pl.BlockSpec((BR, 64), lambda i: (i, 0)),
        pl.BlockSpec((1, SR, 128), lambda i: (i, 0, 0)),
    ],
    out_shape=[
        jax.ShapeDtypeStruct((R, 64), jnp.float32),
        jax.ShapeDtypeStruct((NB, SR, 128), jnp.float32),
    ],
)

_tc2c_call = pl.pallas_call(
    _tc2c,
    grid=(NB,),
    in_specs=[
        pl.BlockSpec((BR, 64), lambda i: (i, 0)),
        pl.BlockSpec((BR, 16), lambda i: (i, 0)),
        _full((64, 1)), _full((R // 128, 128)), _full((2, 64)),
        _full((128, 64)), _full((1, 64)), _full((64, 12)), _full((1, 12)),
    ],
    out_specs=[_full((1, 12))],
    out_shape=[jax.ShapeDtypeStruct((1, 12), jnp.float32)],
    scratch_shapes=[pltpu.VMEM((2, 64), jnp.float32),
                    pltpu.SMEM((2,), jnp.int32)],
)


@jax.jit
def kernel(x, edge_index, batch, Wl1, bl1, Wr1, wp1,
           Wl2, bl2, Wr2, wp2, W1, b1, W2, b2):
    del batch
    f32 = jnp.float32
    pad = jnp.full((EPAD - E,), N, jnp.int32)
    srcf = jnp.concatenate([edge_index[0], pad])
    dstf = jnp.concatenate([edge_index[1], pad])

    x32 = jnp.zeros((R, 32), f32).at[:N, :24].set(x).at[:N, 24].set(1.0)
    xp = jnp.zeros((R, 24), f32).at[:N].set(x)

    parts1 = _sc_l1(x32[None], srcf.reshape(800, 4, 256),
                    dstf.reshape(800, 4, 256))

    h, sc1 = _tc1a_call(xp, parts1, Wl1.T, Wr1.T,
                        bl1.reshape(1, 64), wp1.reshape(64, 1))
    gcat, tc_tab, x1 = _tc1c_call(
        h, wp1.reshape(64, 1), sc1.reshape(R // 128, 128))

    agg2 = _sc_l2f(gcat, srcf.reshape(400, 8, 256),
                   dstf.reshape(400, 8, 256))
    cparts = _sc_l2c(tc_tab[None], srcf.reshape(800, 2, 512),
                     dstf.reshape(800, 2, 512))

    h2, sc2 = _tc2a_call(agg2, cparts, gcat, tc_tab, Wl2.T, Wr2.T,
                         bl2.reshape(1, 64), wp2.reshape(64, 1))
    (out,) = _tc2c_call(h2, tc_tab, wp2.reshape(64, 1),
                        sc2.reshape(R // 128, 128), x1,
                        W1.T, b1.reshape(1, 64), W2.T, b2.reshape(1, 12))
    return out

# --- scband reference (transcript-rebuilt; emitter-appended) ---
"""Pipeline reference for scband-sageconv-net-12189117186688 (READ-ONLY COPY).

The authoritative reference and input builder live on the scoring server;
editing this copy changes nothing except your own understanding.
"""

import jax, jax.numpy as jnp
import numpy as np
import math

N = 50000
E = 800000
LOOKBACK = 24
DIM = 64
OUT = 12
RATIO = 0.8


def setup_inputs(seed: int = 0) -> dict:
    key = jax.random.key(seed)
    ks = jax.random.split(key, 16)
    x = jax.random.normal(ks[0], (N, LOOKBACK), dtype=jnp.float32)
    edge_index = jax.random.randint(ks[1], (2, E), 0, N, dtype=jnp.int32)
    batch = jnp.zeros((N,), dtype=jnp.int32)
    # SAGEConv1: lin_l (neighbor mean, with bias) and lin_r (root, no bias)
    Wl1 = jax.random.normal(ks[2], (DIM, LOOKBACK), dtype=jnp.float32) * 0.1
    bl1 = jnp.zeros((DIM,), dtype=jnp.float32)
    Wr1 = jax.random.normal(ks[3], (DIM, LOOKBACK), dtype=jnp.float32) * 0.1
    # TopKPooling1 score weight
    wp1 = jax.random.normal(ks[4], (DIM,), dtype=jnp.float32) * 0.1
    # SAGEConv2
    Wl2 = jax.random.normal(ks[5], (DIM, DIM), dtype=jnp.float32) * 0.1
    bl2 = jnp.zeros((DIM,), dtype=jnp.float32)
    Wr2 = jax.random.normal(ks[6], (DIM, DIM), dtype=jnp.float32) * 0.1
    # TopKPooling2 score weight
    wp2 = jax.random.normal(ks[7], (DIM,), dtype=jnp.float32) * 0.1
    # MLP head
    W1 = jax.random.normal(ks[8], (DIM, 2 * DIM), dtype=jnp.float32) * 0.1
    b1 = jnp.zeros((DIM,), dtype=jnp.float32)
    W2 = jax.random.normal(ks[9], (OUT, DIM), dtype=jnp.float32) * 0.1
    b2 = jnp.zeros((OUT,), dtype=jnp.float32)
    return {"x": x, "edge_index": edge_index, "batch": batch,
            "Wl1": Wl1, "bl1": bl1, "Wr1": Wr1, "wp1": wp1,
            "Wl2": Wl2, "bl2": bl2, "Wr2": Wr2, "wp2": wp2,
            "W1": W1, "b1": b1, "W2": W2, "b2": b2}


def _sage_conv(h, src, dst, emask, Wl, bl, Wr, n):
    # PyG SAGEConv (aggr='mean', root_weight=True):
    # out_i = lin_l(mean_{j->i} h_j) + lin_r(h_i)
    w = emask.astype(h.dtype)
    src_c = jnp.where(emask, src, 0)
    dst_c = jnp.where(emask, dst, 0)
    msg = jnp.take(h, src_c, axis=0) * w[:, None]
    agg = jax.ops.segment_sum(msg, dst_c, num_segments=n)
    cnt = jax.ops.segment_sum(w, dst_c, num_segments=n)
    mean = agg / jnp.maximum(cnt, 1.0)[:, None]
    return mean @ Wl.T + bl + h @ Wr.T


def _topk_pool(h, src, dst, emask, batch, w, ratio):
    # PyG TopKPooling: score = tanh(x @ w / ||w||); keep top ceil(ratio*n) nodes
    # (batch is all-zeros -> single graph, so global top-k is exact),
    # gate kept features by score, and filter/remap edges.
    n = h.shape[0]
    score = jnp.tanh((h @ w) / jnp.linalg.norm(w))
    k = int(math.ceil(ratio * n))
    vals, perm = jax.lax.top_k(score, k)
    h_new = jnp.take(h, perm, axis=0) * vals[:, None]
    kept = jnp.zeros((n,), dtype=bool).at[perm].set(True)
    idx_map = jnp.zeros((n,), dtype=jnp.int32).at[perm].set(jnp.arange(k, dtype=jnp.int32))
    new_mask = emask & kept[src] & kept[dst]
    src_new = jnp.where(new_mask, idx_map[src], 0)
    dst_new = jnp.where(new_mask, idx_map[dst], 0)
    batch_new = jnp.take(batch, perm, axis=0)
    return h_new, src_new, dst_new, new_mask, batch_new


def _readout(h, batch):
    # cat([global_max_pool, global_mean_pool], dim=1); single graph (B=1)
    B = 1
    mx = jax.ops.segment_max(h, batch, num_segments=B)
    sm = jax.ops.segment_sum(h, batch, num_segments=B)
    cnt = jax.ops.segment_sum(jnp.ones((h.shape[0],), dtype=h.dtype), batch, num_segments=B)
    mean = sm / jnp.maximum(cnt, 1.0)[:, None]
    return jnp.concatenate([mx, mean], axis=1)


def reference(x, edge_index, batch, Wl1, bl1, Wr1, wp1, Wl2, bl2, Wr2, wp2, W1, b1, W2, b2):
    src = edge_index[0]
    dst = edge_index[1]
    emask = jnp.ones((src.shape[0],), dtype=bool)
    h = jax.nn.relu(_sage_conv(x, src, dst, emask, Wl1, bl1, Wr1, x.shape[0]))
    h, src, dst, emask, batch = _topk_pool(h, src, dst, emask, batch, wp1, RATIO)
    x1 = _readout(h, batch)
    h2 = jax.nn.relu(_sage_conv(h, src, dst, emask, Wl2, bl2, Wr2, h.shape[0]))
    h2, src, dst, emask, batch = _topk_pool(h2, src, dst, emask, batch, wp2, RATIO)
    x2 = _readout(h2, batch)
    z = x1 + x2
    z = jax.nn.relu(z @ W1.T + b1)
    return z @ W2.T + b2

if __name__ == "__main__":
    import jax
    _d = setup_inputs()
    print(jax.jit(kernel)(*tuple(_d.values())))

</pallas_src>

<mosaic_0001>
#map = affine_map<(d0, d1) -> (0, 0, 0)>
module attributes {stable_mosaic.version = 14 : i64} {
  func.func @body(%arg0: i32, %arg1: i32, %arg2: memref<1x50176x32xf32, #tpu.memory_space<hbm>>, %arg3: memref<800x4x256xi32, #tpu.memory_space<hbm>>, %arg4: memref<800x4x256xi32, #tpu.memory_space<hbm>>, %arg5: memref<2x50176x32xf32, #tpu.memory_space<hbm>>, %arg6: memref<4x256xi32, #tpu.memory_space<vmem>>, %arg7: memref<4x256xi32, #tpu.memory_space<vmem>>, %arg8: memref<2x256x32xf32, #tpu.memory_space<vmem>>, %arg9: memref<112x32xf32, #tpu.memory_space<vmem>>, %arg10: memref<50176x32xf32, #tpu.memory_space<vmem_shared>>, %arg11: memref<2x!tpu.dma_semaphore, #tpu.memory_space<semaphore_mem>>, %arg12: memref<2x!tpu.dma_semaphore, #tpu.memory_space<semaphore_mem>>) attributes {dimension_semantics = [#tpu.dimension_semantics<core_parallel>, #tpu.dimension_semantics<subcore_parallel>], iteration_bounds = array<i64: 2, 16>, scalar_prefetch = 0 : i64, scratch_operands = 7 : i64, tpu.core_type = #tpu.core_type<sc_vector_subcore>, window_params = [{transform_indices = #map}, {transform_indices = #map}, {transform_indices = #map}, {transform_indices = #map}]} {
    %broadcast_in_dim3A = arith.constant 0.000000e+00 : f32
    %broadcast_in_dim3A_0 = vector.broadcast %broadcast_in_dim3A : f32 to vector<16xf32>
    %scan3A = arith.constant 0 : i32
    %scan3A_1 = arith.constant 0 : i32
    %scan3A_2 = arith.constant 112 : i32
    %scan3A_3 = arith.addi %scan3A_1, %scan3A_2 : i32
    %scan3A_4 = arith.constant 1 : i32
    %scan3A_5 = scf.for %scan3A_32 = %scan3A_1 to %scan3A_3 step %scan3A_4 iter_args(%scan3A_33 = %scan3A) -> (i32)  : i32 {
      %swap3A = arith.index_cast %scan3A_32 : i32 to index
      %swap3A_34 = arith.constant 0 : index
      %swap3A_35 = tpu.vector_load %arg9[%swap3A, %swap3A_34] {strides = array<i32>} : memref<112x32xf32, #tpu.memory_space<vmem>>, vector<1x16xf32>,
      %swap3A_36 = vector.shape_cast %swap3A_35 : vector<1x16xf32> to vector<16xf32>
      %swap3A_37 = vector.shape_cast %broadcast_in_dim3A_0 : vector<16xf32> to vector<1x16xf32>
      tpu.vector_store %arg9[%swap3A, %swap3A_34], %swap3A_37 {strides = array<i32>} : memref<112x32xf32, #tpu.memory_space<vmem>>, vector<1x16xf32>,
      %swap3A_38 = arith.index_cast %scan3A_32 : i32 to index
      %swap3A_39 = arith.constant 16 : index
      %swap3A_40 = tpu.vector_load %arg9[%swap3A_38, %swap3A_39] {strides = array<i32>} : memref<112x32xf32, #tpu.memory_space<vmem>>, vector<1x16xf32>,
      %swap3A_41 = vector.shape_cast %swap3A_40 : vector<1x16xf32> to vector<16xf32>
      %swap3A_42 = vector.shape_cast %broadcast_in_dim3A_0 : vector<16xf32> to vector<1x16xf32>
      tpu.vector_store %arg9[%swap3A_38, %swap3A_39], %swap3A_42 {strides = array<i32>} : memref<112x32xf32, #tpu.memory_space<vmem>>, vector<1x16xf32>,
      %scan3A_43 = arith.constant 0 : i32
      scf.yield %scan3A_43 : i32
    }
    %scan3A_6 = arith.constant 112 : i32
    %scan3A_7 = arith.constant 0 : i32
    %scan3A_8 = arith.constant 0 : i32
    %scan3A_9 = arith.constant 28 : i32
    %scan3A_10 = arith.addi %scan3A_8, %scan3A_9 : i32
    %scan3A_11 = arith.constant 1 : i32
    %scan3A_12 = scf.for %scan3A_32 = %scan3A_8 to %scan3A_10 step %scan3A_11 iter_args(%scan3A_33 = %scan3A_7) -> (i32)  : i32 {
      %mul3A_34 = arith.constant 3136 : i32
      %mul3A_35 = arith.muli %arg1, %mul3A_34 : i32
      %mul3A_36 = arith.constant 112 : i32
      %mul3A_37 = arith.muli %scan3A_32, %mul3A_36 : i32
      %add3A_38 = arith.addi %mul3A_35, %mul3A_37 : i32
      "tpu.region"() ({
        %run_scoped3A = tpu.sem_alloc : memref<!tpu.dma_semaphore, #tpu.memory_space<semaphore_mem>>
        %dma_start3A = arith.constant 0 : i32
        %dma_start3A_40 = tpu.memref_slice %arg10[%add3A_38, %dma_start3A] : memref<50176x32xf32, #tpu.memory_space<vmem_shared>> -> memref<112x32xf32, #tpu.memory_space<vmem_shared>>
        %dma_start3A_41 = arith.constant 0 : i32
        %dma_start3A_42 = tpu.memref_slice %arg10[%add3A_38, %dma_start3A_41] : memref<50176x32xf32, #tpu.memory_space<vmem_shared>> -> memref<112x32xf32, #tpu.memory_space<vmem_shared>>
        tpu.enqueue_dma source(%arg9 : memref<112x32xf32, #tpu.memory_space<vmem>>) target(%dma_start3A_42 : memref<112x32xf32, #tpu.memory_space<vmem_shared>>) target_semaphore(%run_scoped3A : memref<!tpu.dma_semaphore, #tpu.memory_space<semaphore_mem>>)
        %dma_wait3A = arith.constant 0 : i32
        %dma_wait3A_43 = tpu.memref_slice %arg10[%add3A_38, %dma_wait3A] : memref<50176x32xf32, #tpu.memory_space<vmem_shared>> -> memref<112x32xf32, #tpu.memory_space<vmem_shared>>
        %dma_wait3A_44 = arith.constant 0 : i32
        %dma_wait3A_45 = tpu.memref_slice %arg10[%add3A_38, %dma_wait3A_44] : memref<50176x32xf32, #tpu.memory_space<vmem_shared>> -> memref<112x32xf32, #tpu.memory_space<vmem_shared>>
        tpu.wait_dma2 semaphore(%run_scoped3A : memref<!tpu.dma_semaphore, #tpu.memory_space<semaphore_mem>>) src(%arg9 : memref<112x32xf32, #tpu.memory_space<vmem>>) dst(%dma_wait3A_45 : memref<112x32xf32, #tpu.memory_space<vmem_shared>>)
        tpu.yield
      }) : () -> ()
      %scan3A_39 = arith.constant 0 : i32
      scf.yield %scan3A_39 : i32
    }
    %scan3A_13 = arith.constant 28 : i32
    %barrier3A = arith.constant 0 : index
    tpu.barrier barrier_id(%barrier3A)
    %mul3A = arith.constant 16 : i32
    %mul3A_14 = arith.muli %arg0, %mul3A : i32
    %add3A = arith.addi %mul3A_14, %arg1 : i32
    %mul3A_15 = arith.constant 25 : i32
    %mul3A_16 = arith.muli %add3A, %mul3A_15 : i32
    %scan3A_17 = arith.constant 0 : i32
    %scan3A_18 = arith.constant 0 : i32
    %scan3A_19 = arith.constant 25 : i32
    %scan3A_20 = arith.addi %scan3A_18, %scan3A_19 : i32
    %scan3A_21 = arith.constant 1 : i32
    %scan3A_22 = scf.for %scan3A_32 = %scan3A_18 to %scan3A_20 step %scan3A_21 iter_args(%scan3A_33 = %scan3A_17) -> (i32)  : i32 {
      %add3A_34 = arith.addi %mul3A_16, %scan3A_32 : i32
      "tpu.region"() ({
        %run_scoped3A = tpu.sem_alloc : memref<!tpu.dma_semaphore, #tpu.memory_space<semaphore_mem>>
        %dma_start3A_314 = arith.constant 0 : i32
        %dma_start3A_315 = arith.constant 0 : i32
        %dma_start3A_316 = tpu.memref_slice %arg3[%add3A_34, %dma_start3A_314, %dma_start3A_315] : memref<800x4x256xi32, #tpu.memory_space<hbm>> -> memref<1x4x256xi32, #tpu.memory_space<hbm>>
        %dma_start3A_317 = tpu.memref_squeeze %dma_start3A_316 : memref<1x4x256xi32, #tpu.memory_space<hbm>> -> memref<4x256xi32, #tpu.memory_space<hbm>>
        %dma_start3A_318 = arith.constant 0 : i32
        %dma_start3A_319 = arith.constant 0 : i32
        %dma_start3A_320 = tpu.memref_slice %arg3[%add3A_34, %dma_start3A_318, %dma_start3A_319] : memref<800x4x256xi32, #tpu.memory_space<hbm>> -> memref<1x4x256xi32, #tpu.memory_space<hbm>>
        %dma_start3A_321 = tpu.memref_squeeze %dma_start3A_320 : memref<1x4x256xi32, #tpu.memory_space<hbm>> -> memref<4x256xi32, #tpu.memory_space<hbm>>
        tpu.enqueue_dma source(%dma_start3A_321 : memref<4x256xi32, #tpu.memory_space<hbm>>) target(%arg6 : memref<4x256xi32, #tpu.memory_space<vmem>>) target_semaphore(%run_scoped3A : memref<!tpu.dma_semaphore, #tpu.memory_space<semaphore_mem>>)
        %dma_wait3A_322 = arith.constant 0 : i32
        %dma_wait3A_323 = arith.constant 0 : i32
        %dma_wait3A_324 = tpu.memref_slice %arg3[%add3A_34, %dma_wait3A_322, %dma_wait3A_323] : memref<800x4x256xi32, #tpu.memory_space<hbm>> -> memref<1x4x256xi32, #tpu.memory_space<hbm>>
        %dma_wait3A_325 = tpu.memref_squeeze %dma_wait3A_324 : memref<1x4x256xi32, #tpu.memory_space<hbm>> -> memref<4x256xi32, #tpu.memory_space<hbm>>
        %dma_wait3A_326 = arith.constant 0 : i32
        %dma_wait3A_327 = arith.constant 0 : i32
        %dma_wait3A_328 = tpu.memref_slice %arg3[%add3A_34, %dma_wait3A_326, %dma_wait3A_327] : memref<800x4x256xi32, #tpu.memory_space<hbm>> -> memref<1x4x256xi32, #tpu.memory_space<hbm>>
        %dma_wait3A_329 = tpu.memref_squeeze %dma_wait3A_328 : memref<1x4x256xi32, #tpu.memory_space<hbm>> -> memref<4x256xi32, #tpu.memory_space<hbm>>
        tpu.wait_dma2 semaphore(%run_scoped3A : memref<!tpu.dma_semaphore, #tpu.memory_space<semaphore_mem>>) src(%dma_wait3A_329 : memref<4x256xi32, #tpu.memory_space<hbm>>) dst(%arg6 : memref<4x256xi32, #tpu.memory_space<vmem>>)
        tpu.yield
      }) : () -> ()
      "tpu.region"() ({
        %run_scoped3A = tpu.sem_alloc : memref<!tpu.dma_semaphore, #tpu.memory_space<semaphore_mem>>
        %dma_start3A_314 = arith.constant 0 : i32
        %dma_start3A_315 = arith.constant 0 : i32
        %dma_start3A_316 = tpu.memref_slice %arg4[%add3A_34, %dma_start3A_314, %dma_start3A_315] : memref<800x4x256xi32, #tpu.memory_space<hbm>> -> memref<1x4x256xi32, #tpu.memory_space<hbm>>
        %dma_start3A_317 = tpu.memref_squeeze %dma_start3A_316 : memref<1x4x256xi32, #tpu.memory_space<hbm>> -> memref<4x256xi32, #tpu.memory_space<hbm>>
        %dma_start3A_318 = arith.constant 0 : i32
        %dma_start3A_319 = arith.constant 0 : i32
        %dma_start3A_320 = tpu.memref_slice %arg4[%add3A_34, %dma_start3A_318, %dma_start3A_319] : memref<800x4x256xi32, #tpu.memory_space<hbm>> -> memref<1x4x256xi32, #tpu.memory_space<hbm>>
        %dma_start3A_321 = tpu.memref_squeeze %dma_start3A_320 : memref<1x4x256xi32, #tpu.memory_space<hbm>> -> memref<4x256xi32, #tpu.memory_space<hbm>>
        tpu.enqueue_dma source(%dma_start3A_321 : memref<4x256xi32, #tpu.memory_space<hbm>>) target(%arg7 : memref<4x256xi32, #tpu.memory_space<vmem>>) target_semaphore(%run_scoped3A : memref<!tpu.dma_semaphore, #tpu.memory_space<semaphore_mem>>)
        %dma_wait3A_322 = arith.constant 0 : i32
        %dma_wait3A_323 = arith.constant 0 : i32
        %dma_wait3A_324 = tpu.memref_slice %arg4[%add3A_34, %dma_wait3A_322, %dma_wait3A_323] : memref<800x4x256xi32, #tpu.memory_space<hbm>> -> memref<1x4x256xi32, #tpu.memory_space<hbm>>
        %dma_wait3A_325 = tpu.memref_squeeze %dma_wait3A_324 : memref<1x4x256xi32, #tpu.memory_space<hbm>> -> memref<4x256xi32, #tpu.memory_space<hbm>>
        %dma_wait3A_326 = arith.constant 0 : i32
        %dma_wait3A_327 = arith.constant 0 : i32
        %dma_wait3A_328 = tpu.memref_slice %arg4[%add3A_34, %dma_wait3A_326, %dma_wait3A_327] : memref<800x4x256xi32, #tpu.memory_space<hbm>> -> memref<1x4x256xi32, #tpu.memory_space<hbm>>
        %dma_wait3A_329 = tpu.memref_squeeze %dma_wait3A_328 : memref<1x4x256xi32, #tpu.memory_space<hbm>> -> memref<4x256xi32, #tpu.memory_space<hbm>>
        tpu.wait_dma2 semaphore(%run_scoped3A : memref<!tpu.dma_semaphore, #tpu.memory_space<semaphore_mem>>) src(%dma_wait3A_329 : memref<4x256xi32, #tpu.memory_space<hbm>>) dst(%arg7 : memref<4x256xi32, #tpu.memory_space<vmem>>)
        tpu.yield
      }) : () -> ()
      %dma_start3A = arith.constant 0 : i32
      %dma_start3A_35 = arith.constant 0 : i32
      %dma_start3A_36 = arith.constant 0 : i32
      %dma_start3A_37 = arith.constant 0 : i32
      %dma_start3A_38 = arith.constant 0 : i32
      %dma_start3A_39 = arith.constant 0 : i32
      %dma_start3A_40 = tpu.memref_slice %arg8[%dma_start3A_36, %dma_start3A_38, %dma_start3A_39] : memref<2x256x32xf32, #tpu.memory_space<vmem>> -> memref<1x256x32xf32, #tpu.memory_space<vmem>>
      %dma_start3A_41 = tpu.memref_squeeze %dma_start3A_40 : memref<1x256x32xf32, #tpu.memory_space<vmem>> -> memref<256x32xf32, #tpu.memory_space<vmem>>
      %dma_start3A_42 = arith.constant 0 : i32
      %dma_start3A_43 = tpu.memref_slice %arg6[%dma_start3A_35, %dma_start3A_42] : memref<4x256xi32, #tpu.memory_space<vmem>> -> memref<1x256xi32, #tpu.memory_space<vmem>>
      %dma_start3A_44 = tpu.memref_squeeze %dma_start3A_43 : memref<1x256xi32, #tpu.memory_space<vmem>> -> memref<256xi32, #tpu.memory_space<vmem>>
      %dma_start3A_45 = arith.constant 0 : i32
      %dma_start3A_46 = arith.constant 0 : i32
      %dma_start3A_47 = tpu.memref_slice %arg2[%dma_start3A, %dma_start3A_45, %dma_start3A_46] : memref<1x50176x32xf32, #tpu.memory_space<hbm>> -> memref<1x50176x32xf32, #tpu.memory_space<hbm>>
      %dma_start3A_48 = tpu.memref_squeeze %dma_start3A_47 : memref<1x50176x32xf32, #tpu.memory_space<hbm>> -> memref<50176x32xf32, #tpu.memory_space<hbm>>
      %dma_start3A_49 = arith.constant 0 : i32
      %dma_start3A_50 = arith.constant 0 : i32
      %dma_start3A_51 = tpu.memref_slice %dma_start3A_48[%dma_start3A_49, %dma_start3A_50] : memref<50176x32xf32, #tpu.memory_space<hbm>> -> memref<50176x32xf32, #tpu.memory_space<hbm>>
      %dma_start3A_52 = tpu.memref_slice %arg11[%dma_start3A_37] : memref<2x!tpu.dma_semaphore, #tpu.memory_space<semaphore_mem>> -> memref<1x!tpu.dma_semaphore, #tpu.memory_space<semaphore_mem>>
      %dma_start3A_53 = tpu.memref_squeeze %dma_start3A_52 : memref<1x!tpu.dma_semaphore, #tpu.memory_space<semaphore_mem>> -> memref<!tpu.dma_semaphore, #tpu.memory_space<semaphore_mem>>
      tpu.enqueue_indirect_dma source(%dma_start3A_51 : memref<50176x32xf32, #tpu.memory_space<hbm>>) target(%dma_start3A_41 : memref<256x32xf32, #tpu.memory_space<vmem>>) offsets(%dma_start3A_44 : memref<256xi32, #tpu.memory_space<vmem>>) semaphore(%dma_start3A_53 : memref<!tpu.dma_semaphore, #tpu.memory_space<semaphore_mem>>)
      %dma_start3A_54 = arith.constant 0 : i32
      %dma_start3A_55 = arith.constant 1 : i32
      %dma_start3A_56 = arith.constant 1 : i32
      %dma_start3A_57 = arith.constant 1 : i32
      %dma_start3A_58 = arith.constant 0 : i32
      %dma_start3A_59 = arith.constant 0 : i32
      %dma_start3A_60 = tpu.memref_slice %arg8[%dma_start3A_56, %dma_start3A_58, %dma_start3A_59] : memref<2x256x32xf32, #tpu.memory_space<vmem>> -> memref<1x256x32xf32, #tpu.memory_space<vmem>>
      %dma_start3A_61 = tpu.memref_squeeze %dma_start3A_60 : memref<1x256x32xf32, #tpu.memory_space<vmem>> -> memref<256x32xf32, #tpu.memory_space<vmem>>
      %dma_start3A_62 = arith.constant 0 : i32
      %dma_start3A_63 = tpu.memref_slice %arg6[%dma_start3A_55, %dma_start3A_62] : memref<4x256xi32, #tpu.memory_space<vmem>> -> memref<1x256xi32, #tpu.memory_space<vmem>>
      %dma_start3A_64 = tpu.memref_squeeze %dma_start3A_63 : memref<1x256xi32, #tpu.memory_space<vmem>> -> memref<256xi32, #tpu.memory_space<vmem>>
      %dma_start3A_65 = arith.constant 0 : i32
      %dma_start3A_66 = arith.constant 0 : i32
      %dma_start3A_67 = tpu.memref_slice %arg2[%dma_start3A_54, %dma_start3A_65, %dma_start3A_66] : memref<1x50176x32xf32, #tpu.memory_space<hbm>> -> memref<1x50176x32xf32, #tpu.memory_space<hbm>>
      %dma_start3A_68 = tpu.memref_squeeze %dma_start3A_67 : memref<1x50176x32xf32, #tpu.memory_space<hbm>> -> memref<50176x32xf32, #tpu.memory_space<hbm>>
      %dma_start3A_69 = arith.constant 0 : i32
      %dma_start3A_70 = arith.constant 0 : i32
      %dma_start3A_71 = tpu.memref_slice %dma_start3A_68[%dma_start3A_69, %dma_start3A_70] : memref<50176x32xf32, #tpu.memory_space<hbm>> -> memref<50176x32xf32, #tpu.memory_space<hbm>>
      %dma_start3A_72 = tpu.memref_slice %arg11[%dma_start3A_57] : memref<2x!tpu.dma_semaphore, #tpu.memory_space<semaphore_mem>> -> memref<1x!tpu.dma_semaphore, #tpu.memory_space<semaphore_mem>>
      %dma_start3A_73 = tpu.memref_squeeze %dma_start3A_72 : memref<1x!tpu.dma_semaphore, #tpu.memory_space<semaphore_mem>> -> memref<!tpu.dma_semaphore, #tpu.memory_space<semaphore_mem>>
      tpu.enqueue_indirect_dma source(%dma_start3A_71 : memref<50176x32xf32, #tpu.memory_space<hbm>>) target(%dma_start3A_61 : memref<256x32xf32, #tpu.memory_space<vmem>>) offsets(%dma_start3A_64 : memref<256xi32, #tpu.memory_space<vmem>>) semaphore(%dma_start3A_73 : memref<!tpu.dma_semaphore, #tpu.memory_space<semaphore_mem>>)
      %dma_wait3A = arith.constant 0 : i32
      %dma_wait3A_74 = arith.constant 0 : i32
      %dma_wait3A_75 = arith.constant 0 : i32
      %dma_wait3A_76 = arith.constant 0 : i32
      %dma_wait3A_77 = arith.constant 0 : i32
      %dma_wait3A_78 = arith.constant 0 : i32
      %dma_wait3A_79 = tpu.memref_slice %arg8[%dma_wait3A_75, %dma_wait3A_77, %dma_wait3A_78] : memref<2x256x32xf32, #tpu.memory_space<vmem>> -> memref<1x256x32xf32, #tpu.memory_space<vmem>>
      %dma_wait3A_80 = tpu.memref_squeeze %dma_wait3A_79 : memref<1x256x32xf32, #tpu.memory_space<vmem>> -> memref<256x32xf32, #tpu.memory_space<vmem>>
      %dma_wait3A_81 = arith.constant 0 : i32
      %dma_wait3A_82 = tpu.memref_slice %arg6[%dma_wait3A_74, %dma_wait3A_81] : memref<4x256xi32, #tpu.memory_space<vmem>> -> memref<1x256xi32, #tpu.memory_space<vmem>>
      %dma_wait3A_83 = tpu.memref_squeeze %dma_wait3A_82 : memref<1x256xi32, #tpu.memory_space<vmem>> -> memref<256xi32, #tpu.memory_space<vmem>>
      %dma_wait3A_84 = arith.constant 0 : i32
      %dma_wait3A_85 = arith.constant 0 : i32
      %dma_wait3A_86 = tpu.memref_slice %arg2[%dma_wait3A, %dma_wait3A_84, %dma_wait3A_85] : memref<1x50176x32xf32, #tpu.memory_space<hbm>> -> memref<1x50176x32xf32, #tpu.memory_space<hbm>>
      %dma_wait3A_87 = tpu.memref_squeeze %dma_wait3A_86 : memref<1x50176x32xf32, #tpu.memory_space<hbm>> -> memref<50176x32xf32, #tpu.memory_space<hbm>>
      %dma_wait3A_88 = arith.constant 0 : i32
      %dma_wait3A_89 = arith.constant 0 : i32
      %dma_wait3A_90 = tpu.memref_slice %dma_wait3A_87[%dma_wait3A_88, %dma_wait3A_89] : memref<50176x32xf32, #tpu.memory_space<hbm>> -> memref<50176x32xf32, #tpu.memory_space<hbm>>
      %dma_wait3A_91 = tpu.memref_slice %arg11[%dma_wait3A_76] : memref<2x!tpu.dma_semaphore, #tpu.memory_space<semaphore_mem>> -> memref<1x!tpu.dma_semaphore, #tpu.memory_space<semaphore_mem>>
      %dma_wait3A_92 = tpu.memref_squeeze %dma_wait3A_91 : memref<1x!tpu.dma_semaphore, #tpu.memory_space<semaphore_mem>> -> memref<!tpu.dma_semaphore, #tpu.memory_space<semaphore_mem>>
      tpu.wait_indirect_dma semaphore(%dma_wait3A_92 : memref<!tpu.dma_semaphore, #tpu.memory_space<semaphore_mem>>) src(%dma_wait3A_90 : memref<50176x32xf32, #tpu.memory_space<hbm>>) dst(%dma_wait3A_80 : memref<256x32xf32, #tpu.memory_space<vmem>>)
      %dma_start3A_93 = arith.constant 0 : i32
      %dma_start3A_94 = arith.constant 0 : i32
      %dma_start3A_95 = arith.constant 0 : i32
      %dma_start3A_96 = arith.constant 0 : i32
      %dma_start3A_97 = arith.constant 0 : i32
      %dma_start3A_98 = tpu.memref_slice %arg8[%dma_start3A_93, %dma_start3A_96, %dma_start3A_97] : memref<2x256x32xf32, #tpu.memory_space<vmem>> -> memref<1x256x32xf32, #tpu.memory_space<vmem>>
      %dma_start3A_99 = tpu.memref_squeeze %dma_start3A_98 : memref<1x256x32xf32, #tpu.memory_space<vmem>> -> memref<256x32xf32, #tpu.memory_space<vmem>>
      %dma_start3A_100 = arith.constant 0 : i32
      %dma_start3A_101 = tpu.memref_slice %arg7[%dma_start3A_94, %dma_start3A_100] : memref<4x256xi32, #tpu.memory_space<vmem>> -> memref<1x256xi32, #tpu.memory_space<vmem>>
      %dma_start3A_102 = tpu.memref_squeeze %dma_start3A_101 : memref<1x256xi32, #tpu.memory_space<vmem>> -> memref<256xi32, #tpu.memory_space<vmem>>
      %dma_start3A_103 = arith.constant 0 : i32
      %dma_start3A_104 = arith.constant 0 : i32
      %dma_start3A_105 = tpu.memref_slice %arg10[%dma_start3A_103, %dma_start3A_104] : memref<50176x32xf32, #tpu.memory_space<vmem_shared>> -> memref<50176x32xf32, #tpu.memory_space<vmem_shared>>
      %dma_start3A_106 = tpu.memref_slice %arg12[%dma_start3A_95] : memref<2x!tpu.dma_semaphore, #tpu.memory_space<semaphore_mem>> -> memref<1x!tpu.dma_semaphore, #tpu.memory_space<semaphore_mem>>
      %dma_start3A_107 = tpu.memref_squeeze %dma_start3A_106 : memref<1x!tpu.dma_semaphore, #tpu.memory_space<semaphore_mem>> -> memref<!tpu.dma_semaphore, #tpu.memory_space<semaphore_mem>>
      tpu.enqueue_indirect_dma source(%dma_start3A_99 : memref<256x32xf32, #tpu.memory_space<vmem>>) target(%dma_start3A_105 : memref<50176x32xf32, #tpu.memory_space<vmem_shared>>) offsets(%dma_start3A_102 : memref<256xi32, #tpu.memory_space<vmem>>) semaphore(%dma_start3A_107 : memref<!tpu.dma_semaphore, #tpu.memory_space<semaphore_mem>>) {add = true}
      %dma_wait3A_108 = arith.constant 0 : i32
      %dma_wait3A_109 = arith.constant 0 : i32
      %dma_wait3A_110 = arith.constant 0 : i32
      %dma_wait3A_111 = arith.constant 0 : i32
      %dma_wait3A_112 = arith.constant 0 : i32
      %dma_wait3A_113 = tpu.memref_slice %arg8[%dma_wait3A_108, %dma_wait3A_111, %dma_wait3A_112] : memref<2x256x32xf32, #tpu.memory_space<vmem>> -> memref<1x256x32xf32, #tpu.memory_space<vmem>>
      %dma_wait3A_114 = tpu.memref_squeeze %dma_wait3A_113 : memref<1x256x32xf32, #tpu.memory_space<vmem>> -> memref<256x32xf32, #tpu.memory_space<vmem>>
      %dma_wait3A_115 = arith.constant 0 : i32
      %dma_wait3A_116 = tpu.memref_slice %arg7[%dma_wait3A_109, %dma_wait3A_115] : memref<4x256xi32, #tpu.memory_space<vmem>> -> memref<1x256xi32, #tpu.memory_space<vmem>>
      %dma_wait3A_117 = tpu.memref_squeeze %dma_wait3A_116 : memref<1x256xi32, #tpu.memory_space<vmem>> -> memref<256xi32, #tpu.memory_space<vmem>>
      %dma_wait3A_118 = arith.constant 0 : i32
      %dma_wait3A_119 = arith.constant 0 : i32
      %dma_wait3A_120 = tpu.memref_slice %arg10[%dma_wait3A_118, %dma_wait3A_119] : memref<50176x32xf32, #tpu.memory_space<vmem_shared>> -> memref<50176x32xf32, #tpu.memory_space<vmem_shared>>
      %dma_wait3A_121 = tpu.memref_slice %arg12[%dma_wait3A_110] : memref<2x!tpu.dma_semaphore, #tpu.memory_space<semaphore_mem>> -> memref<1x!tpu.dma_semaphore, #tpu.memory_space<semaphore_mem>>
      %dma_wait3A_122 = tpu.memref_squeeze %dma_wait3A_121 : memref<1x!tpu.dma_semaphore, #tpu.memory_space<semaphore_mem>> -> memref<!tpu.dma_semaphore, #tpu.memory_space<semaphore_mem>>
      tpu.wait_indirect_dma semaphore(%dma_wait3A_122 : memref<!tpu.dma_semaphore, #tpu.memory_space<semaphore_mem>>) src(%dma_wait3A_114 : memref<256x32xf32, #tpu.memory_space<vmem>>) dst(%dma_wait3A_120 : memref<50176x32xf32, #tpu.memory_space<vmem_shared>>)
      %dma_start3A_123 = arith.constant 0 : i32
      %dma_start3A_124 = arith.constant 2 : i32
      %dma_start3A_125 = arith.constant 0 : i32
      %dma_start3A_126 = arith.constant 0 : i32
      %dma_start3A_127 = arith.constant 0 : i32
      %dma_start3A_128 = arith.constant 0 : i32
      %dma_start3A_129 = tpu.memref_slice %arg8[%dma_start3A_125, %dma_start3A_127, %dma_start3A_128] : memref<2x256x32xf32, #tpu.memory_space<vmem>> -> memref<1x256x32xf32, #tpu.memory_space<vmem>>
      %dma_start3A_130 = tpu.memref_squeeze %dma_start3A_129 : memref<1x256x32xf32, #tpu.memory_space<vmem>> -> memref<256x32xf32, #tpu.memory_space<vmem>>
      %dma_start3A_131 = arith.constant 0 : i32
      %dma_start3A_132 = tpu.memref_slice %arg6[%dma_start3A_124, %dma_start3A_131] : memref<4x256xi32, #tpu.memory_space<vmem>> -> memref<1x256xi32, #tpu.memory_space<vmem>>
      %dma_start3A_133 = tpu.memref_squeeze %dma_start3A_132 : memref<1x256xi32, #tpu.memory_space<vmem>> -> memref<256xi32, #tpu.memory_space<vmem>>
      %dma_start3A_134 = arith.constant 0 : i32
      %dma_start3A_135 = arith.constant 0 : i32
      %dma_start3A_136 = tpu.memref_slice %arg2[%dma_start3A_123, %dma_start3A_134, %dma_start3A_135] : memref<1x50176x32xf32, #tpu.memory_space<hbm>> -> memref<1x50176x32xf32, #tpu.memory_space<hbm>>
      %dma_start3A_137 = tpu.memref_squeeze %dma_start3A_136 : memref<1x50176x32xf32, #tpu.memory_space<hbm>> -> memref<50176x32xf32, #tpu.memory_space<hbm>>
      %dma_start3A_138 = arith.constant 0 : i32
      %dma_start3A_139 = arith.constant 0 : i32
      %dma_start3A_140 = tpu.memref_slice %dma_start3A_137[%dma_start3A_138, %dma_start3A_139] : memref<50176x32xf32, #tpu.memory_space<hbm>> -> memref<50176x32xf32, #tpu.memory_space<hbm>>
      %dma_start3A_141 = tpu.memref_slice %arg11[%dma_start3A_126] : memref<2x!tpu.dma_semaphore, #tpu.memory_space<semaphore_mem>> -> memref<1x!tpu.dma_semaphore, #tpu.memory_space<semaphore_mem>>
      %dma_start3A_142 = tpu.memref_squeeze %dma_start3A_141 : memref<1x!tpu.dma_semaphore, #tpu.memory_space<semaphore_mem>> -> memref<!tpu.dma_semaphore, #tpu.memory_space<semaphore_mem>>
      tpu.enqueue_indirect_dma source(%dma_start3A_140 : memref<50176x32xf32, #tpu.memory_space<hbm>>) target(%dma_start3A_130 : memref<256x32xf32, #tpu.memory_space<vmem>>) offsets(%dma_start3A_133 : memref<256xi32, #tpu.memory_space<vmem>>) semaphore(%dma_start3A_142 : memref<!tpu.dma_semaphore, #tpu.memory_space<semaphore_mem>>)
      %dma_wait3A_143 = arith.constant 0 : i32
      %dma_wait3A_144 = arith.constant 1 : i32
      %dma_wait3A_145 = arith.constant 1 : i32
      %dma_wait3A_146 = arith.constant 1 : i32
      %dma_wait3A_147 = arith.constant 0 : i32
      %dma_wait3A_148 = arith.constant 0 : i32
      %dma_wait3A_149 = tpu.memref_slice %arg8[%dma_wait3A_145, %dma_wait3A_147, %dma_wait3A_148] : memref<2x256x32xf32, #tpu.memory_space<vmem>> -> memref<1x256x32xf32, #tpu.memory_space<vmem>>
      %dma_wait3A_150 = tpu.memref_squeeze %dma_wait3A_149 : memref<1x256x32xf32, #tpu.memory_space<vmem>> -> memref<256x32xf32, #tpu.memory_space<vmem>>
      %dma_wait3A_151 = arith.constant 0 : i32
      %dma_wait3A_152 = tpu.memref_slice %arg6[%dma_wait3A_144, %dma_wait3A_151] : memref<4x256xi32, #tpu.memory_space<vmem>> -> memref<1x256xi32, #tpu.memory_space<vmem>>
      %dma_wait3A_153 = tpu.memref_squeeze %dma_wait3A_152 : memref<1x256xi32, #tpu.memory_space<vmem>> -> memref<256xi32, #tpu.memory_space<vmem>>
      %dma_wait3A_154 = arith.constant 0 : i32
      %dma_wait3A_155 = arith.constant 0 : i32
      %dma_wait3A_156 = tpu.memref_slice %arg2[%dma_wait3A_143, %dma_wait3A_154, %dma_wait3A_155] : memref<1x50176x32xf32, #tpu.memory_space<hbm>> -> memref<1x50176x32xf32, #tpu.memory_space<hbm>>
      %dma_wait3A_157 = tpu.memref_squeeze %dma_wait3A_156 : memref<1x50176x32xf32, #tpu.memory_space<hbm>> -> memref<50176x32xf32, #tpu.memory_space<hbm>>
      %dma_wait3A_158 = arith.constant 0 : i32
      %dma_wait3A_159 = arith.constant 0 : i32
      %dma_wait3A_160 = tpu.memref_slice %dma_wait3A_157[%dma_wait3A_158, %dma_wait3A_159] : memref<50176x32xf32, #tpu.memory_space<hbm>> -> memref<50176x32xf32, #tpu.memory_space<hbm>>
      %dma_wait3A_161 = tpu.memref_slice %arg11[%dma_wait3A_146] : memref<2x!tpu.dma_semaphore, #tpu.memory_space<semaphore_mem>> -> memref<1x!tpu.dma_semaphore, #tpu.memory_space<semaphore_mem>>
      %dma_wait3A_162 = tpu.memref_squeeze %dma_wait3A_161 : memref<1x!tpu.dma_semaphore, #tpu.memory_space<semaphore_mem>> -> memref<!tpu.dma_semaphore, #tpu.memory_space<semaphore_mem>>
      tpu.wait_indirect_dma semaphore(%dma_wait3A_162 : memref<!tpu.dma_semaphore, #tpu.memory_space<semaphore_mem>>) src(%dma_wait3A_160 : memref<50176x32xf32, #tpu.memory_space<hbm>>) dst(%dma_wait3A_150 : memref<256x32xf32, #tpu.memory_space<vmem>>)
      %dma_start3A_163 = arith.constant 1 : i32
      %dma_start3A_164 = arith.constant 1 : i32
      %dma_start3A_165 = arith.constant 1 : i32
      %dma_start3A_166 = arith.constant 0 : i32
      %dma_start3A_167 = arith.constant 0 : i32
      %dma_start3A_168 = tpu.memref_slice %arg8[%dma_start3A_163, %dma_start3A_166, %dma_start3A_167] : memref<2x256x32xf32, #tpu.memory_space<vmem>> -> memref<1x256x32xf32, #tpu.memory_space<vmem>>
      %dma_start3A_169 = tpu.memref_squeeze %dma_start3A_168 : memref<1x256x32xf32, #tpu.memory_space<vmem>> -> memref<256x32xf32, #tpu.memory_space<vmem>>
      %dma_start3A_170 = arith.constant 0 : i32
      %dma_start3A_171 = tpu.memref_slice %arg7[%dma_start3A_164, %dma_start3A_170] : memref<4x256xi32, #tpu.memory_space<vmem>> -> memref<1x256xi32, #tpu.memory_space<vmem>>
      %dma_start3A_172 = tpu.memref_squeeze %dma_start3A_171 : memref<1x256xi32, #tpu.memory_space<vmem>> -> memref<256xi32, #tpu.memory_space<vmem>>
      %dma_start3A_173 = arith.constant 0 : i32
      %dma_start3A_174 = arith.constant 0 : i32
      %dma_start3A_175 = tpu.memref_slice %arg10[%dma_start3A_173, %dma_start3A_174] : memref<50176x32xf32, #tpu.memory_space<vmem_shared>> -> memref<50176x32xf32, #tpu.memory_space<vmem_shared>>
      %dma_start3A_176 = tpu.memref_slice %arg12[%dma_start3A_165] : memref<2x!tpu.dma_semaphore, #tpu.memory_space<semaphore_mem>> -> memref<1x!tpu.dma_semaphore, #tpu.memory_space<semaphore_mem>>
      %dma_start3A_177 = tpu.memref_squeeze %dma_start3A_176 : memref<1x!tpu.dma_semaphore, #tpu.memory_space<semaphore_mem>> -> memref<!tpu.dma_semaphore, #tpu.memory_space<semaphore_mem>>
      tpu.enqueue_indirect_dma source(%dma_start3A_169 : memref<256x32xf32, #tpu.memory_space<vmem>>) target(%dma_start3A_175 : memref<50176x32xf32, #tpu.memory_space<vmem_shared>>) offsets(%dma_start3A_172 : memref<256xi32, #tpu.memory_space<vmem>>) semaphore(%dma_start3A_177 : memref<!tpu.dma_semaphore, #tpu.memory_space<semaphore_mem>>) {add = true}
      %dma_wait3A_178 = arith.constant 1 : i32
      %dma_wait3A_179 = arith.constant 1 : i32
      %dma_wait3A_180 = arith.constant 1 : i32
      %dma_wait3A_181 = arith.constant 0 : i32
      %dma_wait3A_182 = arith.constant 0 : i32
      %dma_wait3A_183 = tpu.memref_slice %arg8[%dma_wait3A_178, %dma_wait3A_181, %dma_wait3A_182] : memref<2x256x32xf32, #tpu.memory_space<vmem>> -> memref<1x256x32xf32, #tpu.memory_space<vmem>>
      %dma_wait3A_184 = tpu.memref_squeeze %dma_wait3A_183 : memref<1x256x32xf32, #tpu.memory_space<vmem>> -> memref<256x32xf32, #tpu.memory_space<vmem>>
      %dma_wait3A_185 = arith.constant 0 : i32
      %dma_wait3A_186 = tpu.memref_slice %arg7[%dma_wait3A_179, %dma_wait3A_185] : memref<4x256xi32, #tpu.memory_space<vmem>> -> memref<1x256xi32, #tpu.memory_space<vmem>>
      %dma_wait3A_187 = tpu.memref_squeeze %dma_wait3A_186 : memref<1x256xi32, #tpu.memory_space<vmem>> -> memref<256xi32, #tpu.memory_space<vmem>>
      %dma_wait3A_188 = arith.constant 0 : i32
      %dma_wait3A_189 = arith.constant 0 : i32
      %dma_wait3A_190 = tpu.memref_slice %arg10[%dma_wait3A_188, %dma_wait3A_189] : memref<50176x32xf32, #tpu.memory_space<vmem_shared>> -> memref<50176x32xf32, #tpu.memory_space<vmem_shared>>
      %dma_wait3A_191 = tpu.memref_slice %arg12[%dma_wait3A_180] : memref<2x!tpu.dma_semaphore, #tpu.memory_space<semaphore_mem>> -> memref<1x!tpu.dma_semaphore, #tpu.memory_space<semaphore_mem>>
      %dma_wait3A_192 = tpu.memref_squeeze %dma_wait3A_191 : memref<1x!tpu.dma_semaphore, #tpu.memory_space<semaphore_mem>> -> memref<!tpu.dma_semaphore, #tpu.memory_space<semaphore_mem>>
      tpu.wait_indirect_dma semaphore(%dma_wait3A_192 : memref<!tpu.dma_semaphore, #tpu.memory_space<semaphore_mem>>) src(%dma_wait3A_184 : memref<256x32xf32, #tpu.memory_space<vmem>>) dst(%dma_wait3A_190 : memref<50176x32xf32, #tpu.memory_space<vmem_shared>>)
      %dma_start3A_193 = arith.constant 0 : i32
      %dma_start3A_194 = arith.constant 3 : i32
      %dma_start3A_195 = arith.constant 1 : i32
      %dma_start3A_196 = arith.constant 1 : i32
      %dma_start3A_197 = arith.constant 0 : i32
      %dma_start3A_198 = arith.constant 0 : i32
      %dma_start3A_199 = tpu.memref_slice %arg8[%dma_start3A_195, %dma_start3A_197, %dma_start3A_198] : memref<2x256x32xf32, #tpu.memory_space<vmem>> -> memref<1x256x32xf32, #tpu.memory_space<vmem>>
      %dma_start3A_200 = tpu.memref_squeeze %dma_start3A_199 : memref<1x256x32xf32, #tpu.memory_space<vmem>> -> memref<256x32xf32, #tpu.memory_space<vmem>>
      %dma_start3A_201 = arith.constant 0 : i32
      %dma_start3A_202 = tpu.memref_slice %arg6[%dma_start3A_194, %dma_start3A_201] : memref<4x256xi32, #tpu.memory_space<vmem>> -> memref<1x256xi32, #tpu.memory_space<vmem>>
      %dma_start3A_203 = tpu.memref_squeeze %dma_start3A_202 : memref<1x256xi32, #tpu.memory_space<vmem>> -> memref<256xi32, #tpu.memory_space<vmem>>
      %dma_start3A_204 = arith.constant 0 : i32
      %dma_start3A_205 = arith.constant 0 : i32
      %dma_start3A_206 = tpu.memref_slice %arg2[%dma_start3A_193, %dma_start3A_204, %dma_start3A_205] : memref<1x50176x32xf32, #tpu.memory_space<hbm>> -> memref<1x50176x32xf32, #tpu.memory_space<hbm>>
      %dma_start3A_207 = tpu.memref_squeeze %dma_start3A_206 : memref<1x50176x32xf32, #tpu.memory_space<hbm>> -> memref<50176x32xf32, #tpu.memory_space<hbm>>
      %dma_start3A_208 = arith.constant 0 : i32
      %dma_start3A_209 = arith.constant 0 : i32
      %dma_start3A_210 = tpu.memref_slice %dma_start3A_207[%dma_start3A_208, %dma_start3A_209] : memref<50176x32xf32, #tpu.memory_space<hbm>> -> memref<50176x32xf32, #tpu.memory_space<hbm>>
      %dma_start3A_211 = tpu.memref_slice %arg11[%dma_start3A_196] : memref<2x!tpu.dma_semaphore, #tpu.memory_space<semaphore_mem>> -> memref<1x!tpu.dma_semaphore, #tpu.memory_space<semaphore_mem>>
      %dma_start3A_212 = tpu.memref_squeeze %dma_start3A_211 : memref<1x!tpu.dma_semaphore, #tpu.memory_space<semaphore_mem>> -> memref<!tpu.dma_semaphore, #tpu.memory_space<semaphore_mem>>
      tpu.enqueue_indirect_dma source(%dma_start3A_210 : memref<50176x32xf32, #tpu.memory_space<hbm>>) target(%dma_start3A_200 : memref<256x32xf32, #tpu.memory_space<vmem>>) offsets(%dma_start3A_203 : memref<256xi32, #tpu.memory_space<vmem>>) semaphore(%dma_start3A_212 : memref<!tpu.dma_semaphore, #tpu.memory_space<semaphore_mem>>)
      %dma_wait3A_213 = arith.constant 0 : i32
      %dma_wait3A_214 = arith.constant 2 : i32
      %dma_wait3A_215 = arith.constant 0 : i32
      %dma_wait3A_216 = arith.constant 0 : i32
      %dma_wait3A_217 = arith.constant 0 : i32
      %dma_wait3A_218 = arith.constant 0 : i32
      %dma_wait3A_219 = tpu.memref_slice %arg8[%dma_wait3A_215, %dma_wait3A_217, %dma_wait3A_218] : memref<2x256x32xf32, #tpu.memory_space<vmem>> -> memref<1x256x32xf32, #tpu.memory_space<vmem>>
      %dma_wait3A_220 = tpu.memref_squeeze %dma_wait3A_219 : memref<1x256x32xf32, #tpu.memory_space<vmem>> -> memref<256x32xf32, #tpu.memory_space<vmem>>
      %dma_wait3A_221 = arith.constant 0 : i32
      %dma_wait3A_222 = tpu.memref_slice %arg6[%dma_wait3A_214, %dma_wait3A_221] : memref<4x256xi32, #tpu.memory_space<vmem>> -> memref<1x256xi32, #tpu.memory_space<vmem>>
      %dma_wait3A_223 = tpu.memref_squeeze %dma_wait3A_222 : memref<1x256xi32, #tpu.memory_space<vmem>> -> memref<256xi32, #tpu.memory_space<vmem>>
      %dma_wait3A_224 = arith.constant 0 : i32
      %dma_wait3A_225 = arith.constant 0 : i32
      %dma_wait3A_226 = tpu.memref_slice %arg2[%dma_wait3A_213, %dma_wait3A_224, %dma_wait3A_225] : memref<1x50176x32xf32, #tpu.memory_space<hbm>> -> memref<1x50176x32xf32, #tpu.memory_space<hbm>>
      %dma_wait3A_227 = tpu.memref_squeeze %dma_wait3A_226 : memref<1x50176x32xf32, #tpu.memory_space<hbm>> -> memref<50176x32xf32, #tpu.memory_space<hbm>>
      %dma_wait3A_228 = arith.constant 0 : i32
      %dma_wait3A_229 = arith.constant 0 : i32
      %dma_wait3A_230 = tpu.memref_slice %dma_wait3A_227[%dma_wait3A_228, %dma_wait3A_229] : memref<50176x32xf32, #tpu.memory_space<hbm>> -> memref<50176x32xf32, #tpu.memory_space<hbm>>
      %dma_wait3A_231 = tpu.memref_slice %arg11[%dma_wait3A_216] : memref<2x!tpu.dma_semaphore, #tpu.memory_space<semaphore_mem>> -> memref<1x!tpu.dma_semaphore, #tpu.memory_space<semaphore_mem>>
      %dma_wait3A_232 = tpu.memref_squeeze %dma_wait3A_231 : memref<1x!tpu.dma_semaphore, #tpu.memory_space<semaphore_mem>> -> memref<!tpu.dma_semaphore, #tpu.memory_space<semaphore_mem>>
      tpu.wait_indirect_dma semaphore(%dma_wait3A_232 : memref<!tpu.dma_semaphore, #tpu.memory_space<semaphore_mem>>) src(%dma_wait3A_230 : memref<50176x32xf32, #tpu.memory_space<hbm>>) dst(%dma_wait3A_220 : memref<256x32xf32, #tpu.memory_space<vmem>>)
      %dma_start3A_233 = arith.constant 0 : i32
      %dma_start3A_234 = arith.constant 2 : i32
      %dma_start3A_235 = arith.constant 0 : i32
      %dma_start3A_236 = arith.constant 0 : i32
      %dma_start3A_237 = arith.constant 0 : i32
      %dma_start3A_238 = tpu.memref_slice %arg8[%dma_start3A_233, %dma_start3A_236, %dma_start3A_237] : memref<2x256x32xf32, #tpu.memory_space<vmem>> -> memref<1x256x32xf32, #tpu.memory_space<vmem>>
      %dma_start3A_239 = tpu.memref_squeeze %dma_start3A_238 : memref<1x256x32xf32, #tpu.memory_space<vmem>> -> memref<256x32xf32, #tpu.memory_space<vmem>>
      %dma_start3A_240 = arith.constant 0 : i32
      %dma_start3A_241 = tpu.memref_slice %arg7[%dma_start3A_234, %dma_start3A_240] : memref<4x256xi32, #tpu.memory_space<vmem>> -> memref<1x256xi32, #tpu.memory_space<vmem>>
      %dma_start3A_242 = tpu.memref_squeeze %dma_start3A_241 : memref<1x256xi32, #tpu.memory_space<vmem>> -> memref<256xi32, #tpu.memory_space<vmem>>
      %dma_start3A_243 = arith.constant 0 : i32
      %dma_start3A_244 = arith.constant 0 : i32
      %dma_start3A_245 = tpu.memref_slice %arg10[%dma_start3A_243, %dma_start3A_244] : memref<50176x32xf32, #tpu.memory_space<vmem_shared>> -> memref<50176x32xf32, #tpu.memory_space<vmem_shared>>
      %dma_start3A_246 = tpu.memref_slice %arg12[%dma_start3A_235] : memref<2x!tpu.dma_semaphore, #tpu.memory_space<semaphore_mem>> -> memref<1x!tpu.dma_semaphore, #tpu.memory_space<semaphore_mem>>
      %dma_start3A_247 = tpu.memref_squeeze %dma_start3A_246 : memref<1x!tpu.dma_semaphore, #tpu.memory_space<semaphore_mem>> -> memref<!tpu.dma_semaphore, #tpu.memory_space<semaphore_mem>>
      tpu.enqueue_indirect_dma source(%dma_start3A_239 : memref<256x32xf32, #tpu.memory_space<vmem>>) target(%dma_start3A_245 : memref<50176x32xf32, #tpu.memory_space<vmem_shared>>) offsets(%dma_start3A_242 : memref<256xi32, #tpu.memory_space<vmem>>) semaphore(%dma_start3A_247 : memref<!tpu.dma_semaphore, #tpu.memory_space<semaphore_mem>>) {add = true}
      %dma_wait3A_248 = arith.constant 0 : i32
      %dma_wait3A_249 = arith.constant 3 : i32
      %dma_wait3A_250 = arith.constant 1 : i32
      %dma_wait3A_251 = arith.constant 1 : i32
      %dma_wait3A_252 = arith.constant 0 : i32
      %dma_wait3A_253 = arith.constant 0 : i32
      %dma_wait3A_254 = tpu.memref_slice %arg8[%dma_wait3A_250, %dma_wait3A_252, %dma_wait3A_253] : memref<2x256x32xf32, #tpu.memory_space<vmem>> -> memref<1x256x32xf32, #tpu.memory_space<vmem>>
      %dma_wait3A_255 = tpu.memref_squeeze %dma_wait3A_254 : memref<1x256x32xf32, #tpu.memory_space<vmem>> -> memref<256x32xf32, #tpu.memory_space<vmem>>
      %dma_wait3A_256 = arith.constant 0 : i32
      %dma_wait3A_257 = tpu.memref_slice %arg6[%dma_wait3A_249, %dma_wait3A_256] : memref<4x256xi32, #tpu.memory_space<vmem>> -> memref<1x256xi32, #tpu.memory_space<vmem>>
      %dma_wait3A_258 = tpu.memref_squeeze %dma_wait3A_257 : memref<1x256xi32, #tpu.memory_space<vmem>> -> memref<256xi32, #tpu.memory_space<vmem>>
      %dma_wait3A_259 = arith.constant 0 : i32
      %dma_wait3A_260 = arith.constant 0 : i32
      %dma_wait3A_261 = tpu.memref_slice %arg2[%dma_wait3A_248, %dma_wait3A_259, %dma_wait3A_260] : memref<1x50176x32xf32, #tpu.memory_space<hbm>> -> memref<1x50176x32xf32, #tpu.memory_space<hbm>>
      %dma_wait3A_262 = tpu.memref_squeeze %dma_wait3A_261 : memref<1x50176x32xf32, #tpu.memory_space<hbm>> -> memref<50176x32xf32, #tpu.memory_space<hbm>>
      %dma_wait3A_263 = arith.constant 0 : i32
      %dma_wait3A_264 = arith.constant 0 : i32
      %dma_wait3A_265 = tpu.memref_slice %dma_wait3A_262[%dma_wait3A_263, %dma_wait3A_264] : memref<50176x32xf32, #tpu.memory_space<hbm>> -> memref<50176x32xf32, #tpu.memory_space<hbm>>
      %dma_wait3A_266 = tpu.memref_slice %arg11[%dma_wait3A_251] : memref<2x!tpu.dma_semaphore, #tpu.memory_space<semaphore_mem>> -> memref<1x!tpu.dma_semaphore, #tpu.memory_space<semaphore_mem>>
      %dma_wait3A_267 = tpu.memref_squeeze %dma_wait3A_266 : memref<1x!tpu.dma_semaphore, #tpu.memory_space<semaphore_mem>> -> memref<!tpu.dma_semaphore, #tpu.memory_space<semaphore_mem>>
      tpu.wait_indirect_dma semaphore(%dma_wait3A_267 : memref<!tpu.dma_semaphore, #tpu.memory_space<semaphore_mem>>) src(%dma_wait3A_265 : memref<50176x32xf32, #tpu.memory_space<hbm>>) dst(%dma_wait3A_255 : memref<256x32xf32, #tpu.memory_space<vmem>>)
      %dma_start3A_268 = arith.constant 1 : i32
      %dma_start3A_269 = arith.constant 3 : i32
      %dma_start3A_270 = arith.constant 1 : i32
      %dma_start3A_271 = arith.constant 0 : i32
      %dma_start3A_272 = arith.constant 0 : i32
      %dma_start3A_273 = tpu.memref_slice %arg8[%dma_start3A_268, %dma_start3A_271, %dma_start3A_272] : memref<2x256x32xf32, #tpu.memory_space<vmem>> -> memref<1x256x32xf32, #tpu.memory_space<vmem>>
      %dma_start3A_274 = tpu.memref_squeeze %dma_start3A_273 : memref<1x256x32xf32, #tpu.memory_space<vmem>> -> memref<256x32xf32, #tpu.memory_space<vmem>>
      %dma_start3A_275 = arith.constant 0 : i32
      %dma_start3A_276 = tpu.memref_slice %arg7[%dma_start3A_269, %dma_start3A_275] : memref<4x256xi32, #tpu.memory_space<vmem>> -> memref<1x256xi32, #tpu.memory_space<vmem>>
      %dma_start3A_277 = tpu.memref_squeeze %dma_start3A_276 : memref<1x256xi32, #tpu.memory_space<vmem>> -> memref<256xi32, #tpu.memory_space<vmem>>
      %dma_start3A_278 = arith.constant 0 : i32
      %dma_start3A_279 = arith.constant 0 : i32
      %dma_start3A_280 = tpu.memref_slice %arg10[%dma_start3A_278, %dma_start3A_279] : memref<50176x32xf32, #tpu.memory_space<vmem_shared>> -> memref<50176x32xf32, #tpu.memory_space<vmem_shared>>
      %dma_start3A_281 = tpu.memref_slice %arg12[%dma_start3A_270] : memref<2x!tpu.dma_semaphore, #tpu.memory_space<semaphore_mem>> -> memref<1x!tpu.dma_semaphore, #tpu.memory_space<semaphore_mem>>
      %dma_start3A_282 = tpu.memref_squeeze %dma_start3A_281 : memref<1x!tpu.dma_semaphore, #tpu.memory_space<semaphore_mem>> -> memref<!tpu.dma_semaphore, #tpu.memory_space<semaphore_mem>>
      tpu.enqueue_indirect_dma source(%dma_start3A_274 : memref<256x32xf32, #tpu.memory_space<vmem>>) target(%dma_start3A_280 : memref<50176x32xf32, #tpu.memory_space<vmem_shared>>) offsets(%dma_start3A_277 : memref<256xi32, #tpu.memory_space<vmem>>) semaphore(%dma_start3A_282 : memref<!tpu.dma_semaphore, #tpu.memory_space<semaphore_mem>>) {add = true}
      %dma_wait3A_283 = arith.constant 0 : i32
      %dma_wait3A_284 = arith.constant 2 : i32
      %dma_wait3A_285 = arith.constant 0 : i32
      %dma_wait3A_286 = arith.constant 0 : i32
      %dma_wait3A_287 = arith.constant 0 : i32
      %dma_wait3A_288 = tpu.memref_slice %arg8[%dma_wait3A_283, %dma_wait3A_286, %dma_wait3A_287] : memref<2x256x32xf32, #tpu.memory_space<vmem>> -> memref<1x256x32xf32, #tpu.memory_space<vmem>>
      %dma_wait3A_289 = tpu.memref_squeeze %dma_wait3A_288 : memref<1x256x32xf32, #tpu.memory_space<vmem>> -> memref<256x32xf32, #tpu.memory_space<vmem>>
      %dma_wait3A_290 = arith.constant 0 : i32
      %dma_wait3A_291 = tpu.memref_slice %arg7[%dma_wait3A_284, %dma_wait3A_290] : memref<4x256xi32, #tpu.memory_space<vmem>> -> memref<1x256xi32, #tpu.memory_space<vmem>>
      %dma_wait3A_292 = tpu.memref_squeeze %dma_wait3A_291 : memref<1x256xi32, #tpu.memory_space<vmem>> -> memref<256xi32, #tpu.memory_space<vmem>>
      %dma_wait3A_293 = arith.constant 0 : i32
      %dma_wait3A_294 = arith.constant 0 : i32
      %dma_wait3A_295 = tpu.memref_slice %arg10[%dma_wait3A_293, %dma_wait3A_294] : memref<50176x32xf32, #tpu.memory_space<vmem_shared>> -> memref<50176x32xf32, #tpu.memory_space<vmem_shared>>
      %dma_wait3A_296 = tpu.memref_slice %arg12[%dma_wait3A_285] : memref<2x!tpu.dma_semaphore, #tpu.memory_space<semaphore_mem>> -> memref<1x!tpu.dma_semaphore, #tpu.memory_space<semaphore_mem>>
      %dma_wait3A_297 = tpu.memref_squeeze %dma_wait3A_296 : memref<1x!tpu.dma_semaphore, #tpu.memory_space<semaphore_mem>> -> memref<!tpu.dma_semaphore, #tpu.memory_space<semaphore_mem>>
      tpu.wait_indirect_dma semaphore(%dma_wait3A_297 : memref<!tpu.dma_semaphore, #tpu.memory_space<semaphore_mem>>) src(%dma_wait3A_289 : memref<256x32xf32, #tpu.memory_space<vmem>>) dst(%dma_wait3A_295 : memref<50176x32xf32, #tpu.memory_space<vmem_shared>>)
      %dma_wait3A_298 = arith.constant 1 : i32
      %dma_wait3A_299 = arith.constant 3 : i32
      %dma_wait3A_300 = arith.constant 1 : i32
      %dma_wait3A_301 = arith.constant 0 : i32
      %dma_wait3A_302 = arith.constant 0 : i32
      %dma_wait3A_303 = tpu.memref_slice %arg8[%dma_wait3A_298, %dma_wait3A_301, %dma_wait3A_302] : memref<2x256x32xf32, #tpu.memory_space<vmem>> -> memref<1x256x32xf32, #tpu.memory_space<vmem>>
      %dma_wait3A_304 = tpu.memref_squeeze %dma_wait3A_303 : memref<1x256x32xf32, #tpu.memory_space<vmem>> -> memref<256x32xf32, #tpu.memory_space<vmem>>
      %dma_wait3A_305 = arith.constant 0 : i32
      %dma_wait3A_306 = tpu.memref_slice %arg7[%dma_wait3A_299, %dma_wait3A_305] : memref<4x256xi32, #tpu.memory_space<vmem>> -> memref<1x256xi32, #tpu.memory_space<vmem>>
      %dma_wait3A_307 = tpu.memref_squeeze %dma_wait3A_306 : memref<1x256xi32, #tpu.memory_space<vmem>> -> memref<256xi32, #tpu.memory_space<vmem>>
      %dma_wait3A_308 = arith.constant 0 : i32
      %dma_wait3A_309 = arith.constant 0 : i32
      %dma_wait3A_310 = tpu.memref_slice %arg10[%dma_wait3A_308, %dma_wait3A_309] : memref<50176x32xf32, #tpu.memory_space<vmem_shared>> -> memref<50176x32xf32, #tpu.memory_space<vmem_shared>>
      %dma_wait3A_311 = tpu.memref_slice %arg12[%dma_wait3A_300] : memref<2x!tpu.dma_semaphore, #tpu.memory_space<semaphore_mem>> -> memref<1x!tpu.dma_semaphore, #tpu.memory_space<semaphore_mem>>
      %dma_wait3A_312 = tpu.memref_squeeze %dma_wait3A_311 : memref<1x!tpu.dma_semaphore, #tpu.memory_space<semaphore_mem>> -> memref<!tpu.dma_semaphore, #tpu.memory_space<semaphore_mem>>
      tpu.wait_indirect_dma semaphore(%dma_wait3A_312 : memref<!tpu.dma_semaphore, #tpu.memory_space<semaphore_mem>>) src(%dma_wait3A_304 : memref<256x32xf32, #tpu.memory_space<vmem>>) dst(%dma_wait3A_310 : memref<50176x32xf32, #tpu.memory_space<vmem_shared>>)
      %scan3A_313 = arith.constant 0 : i32
      scf.yield %scan3A_313 : i32
    }
    %scan3A_23 = arith.constant 25 : i32
    %barrier3A_24 = arith.constant 0 : index
    tpu.barrier barrier_id(%barrier3A_24)
    %scan3A_25 = arith.constant 0 : i32
    %scan3A_26 = arith.constant 0 : i32
    %scan3A_27 = arith.constant 28 : i32
    %scan3A_28 = arith.addi %scan3A_26, %scan3A_27 : i32
    %scan3A_29 = arith.constant 1 : i32
    %scan3A_30 = scf.for %scan3A_32 = %scan3A_26 to %scan3A_28 step %scan3A_29 iter_args(%scan3A_33 = %scan3A_25) -> (i32)  : i32 {
      %mul3A_34 = arith.constant 3136 : i32
      %mul3A_35 = arith.muli %arg1, %mul3A_34 : i32
      %mul3A_36 = arith.constant 112 : i32
      %mul3A_37 = arith.muli %scan3A_32, %mul3A_36 : i32
      %add3A_38 = arith.addi %mul3A_35, %mul3A_37 : i32
      "tpu.region"() ({
        %run_scoped3A = tpu.sem_alloc : memref<!tpu.dma_semaphore, #tpu.memory_space<semaphore_mem>>
        %dma_start3A = arith.constant 0 : i32
        %dma_start3A_40 = arith.constant 0 : i32
        %dma_start3A_41 = tpu.memref_slice %arg5[%arg0, %dma_start3A, %dma_start3A_40] : memref<2x50176x32xf32, #tpu.memory_space<hbm>> -> memref<1x50176x32xf32, #tpu.memory_space<hbm>>
        %dma_start3A_42 = tpu.memref_squeeze %dma_start3A_41 : memref<1x50176x32xf32, #tpu.memory_space<hbm>> -> memref<50176x32xf32, #tpu.memory_space<hbm>>
        %dma_start3A_43 = arith.constant 0 : i32
        %dma_start3A_44 = tpu.memref_slice %dma_start3A_42[%add3A_38, %dma_start3A_43] : memref<50176x32xf32, #tpu.memory_space<hbm>> -> memref<112x32xf32, #tpu.memory_space<hbm>>
        %dma_start3A_45 = arith.constant 0 : i32
        %dma_start3A_46 = tpu.memref_slice %arg10[%add3A_38, %dma_start3A_45] : memref<50176x32xf32, #tpu.memory_space<vmem_shared>> -> memref<112x32xf32, #tpu.memory_space<vmem_shared>>
        tpu.enqueue_dma source(%dma_start3A_46 : memref<112x32xf32, #tpu.memory_space<vmem_shared>>) target(%dma_start3A_44 : memref<112x32xf32, #tpu.memory_space<hbm>>) target_semaphore(%run_scoped3A : memref<!tpu.dma_semaphore, #tpu.memory_space<semaphore_mem>>)
        %dma_wait3A = arith.constant 0 : i32
        %dma_wait3A_47 = arith.constant 0 : i32
        %dma_wait3A_48 = tpu.memref_slice %arg5[%arg0, %dma_wait3A, %dma_wait3A_47] : memref<2x50176x32xf32, #tpu.memory_space<hbm>> -> memref<1x50176x32xf32, #tpu.memory_space<hbm>>
        %dma_wait3A_49 = tpu.memref_squeeze %dma_wait3A_48 : memref<1x50176x32xf32, #tpu.memory_space<hbm>> -> memref<50176x32xf32, #tpu.memory_space<hbm>>
        %dma_wait3A_50 = arith.constant 0 : i32
        %dma_wait3A_51 = tpu.memref_slice %dma_wait3A_49[%add3A_38, %dma_wait3A_50] : memref<50176x32xf32, #tpu.memory_space<hbm>> -> memref<112x32xf32, #tpu.memory_space<hbm>>
        %dma_wait3A_52 = arith.constant 0 : i32
        %dma_wait3A_53 = tpu.memref_slice %arg10[%add3A_38, %dma_wait3A_52] : memref<50176x32xf32, #tpu.memory_space<vmem_shared>> -> memref<112x32xf32, #tpu.memory_space<vmem_shared>>
        tpu.wait_dma2 semaphore(%run_scoped3A : memref<!tpu.dma_semaphore, #tpu.memory_space<semaphore_mem>>) src(%dma_wait3A_53 : memref<112x32xf32, #tpu.memory_space<vmem_shared>>) dst(%dma_wait3A_51 : memref<112x32xf32, #tpu.memory_space<hbm>>)
        tpu.yield
      }) : () -> ()
      %scan3A_39 = arith.constant 0 : i32
      scf.yield %scan3A_39 : i32
    }
    %scan3A_31 = arith.constant 28 : i32
    return
  }
}

#map = affine_map<(d0, d1) -> (0, 0, 0)>
module attributes {stable_mosaic.version = 14 : i64} {
  func.func @body(%arg0: i32, %arg1: i32, %arg2: memref<1x50176x16xf32, #tpu.memory_space<hbm>>, %arg3: memref<800x2x512xi32, #tpu.memory_space<hbm>>, %arg4: memref<800x2x512xi32, #tpu.memory_space<hbm>>, %arg5: memref<2x50176x16xf32, #tpu.memory_space<hbm>>, %arg6: memref<2x512xi32, #tpu.memory_space<vmem>>, %arg7: memref<2x512xi32, #tpu.memory_space<vmem>>, %arg8: memref<2x512x16xf32, #tpu.memory_space<vmem>>, %arg9: memref<112x16xf32, #tpu.memory_space<vmem>>, %arg10: memref<50176x16xf32, #tpu.memory_space<vmem_shared>>, %arg11: memref<2x!tpu.dma_semaphore, #tpu.memory_space<semaphore_mem>>, %arg12: memref<2x!tpu.dma_semaphore, #tpu.memory_space<semaphore_mem>>) attributes {dimension_semantics = [#tpu.dimension_semantics<core_parallel>, #tpu.dimension_semantics<subcore_parallel>], iteration_bounds = array<i64: 2, 16>, scalar_prefetch = 0 : i64, scratch_operands = 7 : i64, tpu.core_type = #tpu.core_type<sc_vector_subcore>, window_params = [{transform_indices = #map}, {transform_indices = #map}, {transform_indices = #map}, {transform_indices = #map}]} {
    %broadcast_in_dim3A = arith.constant 0.000000e+00 : f32
    %broadcast_in_dim3A_0 = vector.broadcast %broadcast_in_dim3A : f32 to vector<16xf32>
    %scan3A = arith.constant 0 : i32
    %scan3A_1 = arith.constant 0 : i32
    %scan3A_2 = arith.constant 112 : i32
    %scan3A_3 = arith.addi %scan3A_1, %scan3A_2 : i32
    %scan3A_4 = arith.constant 1 : i32
    %scan3A_5 = scf.for %scan3A_32 = %scan3A_1 to %scan3A_3 step %scan3A_4 iter_args(%scan3A_33 = %scan3A) -> (i32)  : i32 {
      %swap3A = arith.index_cast %scan3A_32 : i32 to index
      %swap3A_34 = arith.constant 0 : index
      %swap3A_35 = tpu.vector_load %arg9[%swap3A, %swap3A_34] {strides = array<i32>} : memref<112x16xf32, #tpu.memory_space<vmem>>, vector<1x16xf32>,
      %swap3A_36 = vector.shape_cast %swap3A_35 : vector<1x16xf32> to vector<16xf32>
      %swap3A_37 = vector.shape_cast %broadcast_in_dim3A_0 : vector<16xf32> to vector<1x16xf32>
      tpu.vector_store %arg9[%swap3A, %swap3A_34], %swap3A_37 {strides = array<i32>} : memref<112x16xf32, #tpu.memory_space<vmem>>, vector<1x16xf32>,
      %scan3A_38 = arith.constant 0 : i32
      scf.yield %scan3A_38 : i32
    }
    %scan3A_6 = arith.constant 112 : i32
    %scan3A_7 = arith.constant 0 : i32
    %scan3A_8 = arith.constant 0 : i32
    %scan3A_9 = arith.constant 28 : i32
    %scan3A_10 = arith.addi %scan3A_8, %scan3A_9 : i32
    %scan3A_11 = arith.constant 1 : i32
    %scan3A_12 = scf.for %scan3A_32 = %scan3A_8 to %scan3A_10 step %scan3A_11 iter_args(%scan3A_33 = %scan3A_7) -> (i32)  : i32 {
      %mul3A_34 = arith.constant 3136 : i32
      %mul3A_35 = arith.muli %arg1, %mul3A_34 : i32
      %mul3A_36 = arith.constant 112 : i32
      %mul3A_37 = arith.muli %scan3A_32, %mul3A_36 : i32
      %add3A_38 = arith.addi %mul3A_35, %mul3A_37 : i32
      "tpu.region"() ({
        %run_scoped3A = tpu.sem_alloc : memref<!tpu.dma_semaphore, #tpu.memory_space<semaphore_mem>>
        %dma_start3A = arith.constant 0 : i32
        %dma_start3A_40 = tpu.memref_slice %arg10[%add3A_38, %dma_start3A] : memref<50176x16xf32, #tpu.memory_space<vmem_shared>> -> memref<112x16xf32, #tpu.memory_space<vmem_shared>>
        %dma_start3A_41 = arith.constant 0 : i32
        %dma_start3A_42 = tpu.memref_slice %arg10[%add3A_38, %dma_start3A_41] : memref<50176x16xf32, #tpu.memory_space<vmem_shared>> -> memref<112x16xf32, #tpu.memory_space<vmem_shared>>
        tpu.enqueue_dma source(%arg9 : memref<112x16xf32, #tpu.memory_space<vmem>>) target(%dma_start3A_42 : memref<112x16xf32, #tpu.memory_space<vmem_shared>>) target_semaphore(%run_scoped3A : memref<!tpu.dma_semaphore, #tpu.memory_space<semaphore_mem>>)
        %dma_wait3A = arith.constant 0 : i32
        %dma_wait3A_43 = tpu.memref_slice %arg10[%add3A_38, %dma_wait3A] : memref<50176x16xf32, #tpu.memory_space<vmem_shared>> -> memref<112x16xf32, #tpu.memory_space<vmem_shared>>
        %dma_wait3A_44 = arith.constant 0 : i32
        %dma_wait3A_45 = tpu.memref_slice %arg10[%add3A_38, %dma_wait3A_44] : memref<50176x16xf32, #tpu.memory_space<vmem_shared>> -> memref<112x16xf32, #tpu.memory_space<vmem_shared>>
        tpu.wait_dma2 semaphore(%run_scoped3A : memref<!tpu.dma_semaphore, #tpu.memory_space<semaphore_mem>>) src(%arg9 : memref<112x16xf32, #tpu.memory_space<vmem>>) dst(%dma_wait3A_45 : memref<112x16xf32, #tpu.memory_space<vmem_shared>>)
        tpu.yield
      }) : () -> ()
      %scan3A_39 = arith.constant 0 : i32
      scf.yield %scan3A_39 : i32
    }
    %scan3A_13 = arith.constant 28 : i32
    %barrier3A = arith.constant 0 : index
    tpu.barrier barrier_id(%barrier3A)
    %mul3A = arith.constant 16 : i32
    %mul3A_14 = arith.muli %arg0, %mul3A : i32
    %add3A = arith.addi %mul3A_14, %arg1 : i32
    %mul3A_15 = arith.constant 25 : i32
    %mul3A_16 = arith.muli %add3A, %mul3A_15 : i32
    %scan3A_17 = arith.constant 0 : i32
    %scan3A_18 = arith.constant 0 : i32
    %scan3A_19 = arith.constant 25 : i32
    %scan3A_20 = arith.addi %scan3A_18, %scan3A_19 : i32
    %scan3A_21 = arith.constant 1 : i32
    %scan3A_22 = scf.for %scan3A_32 = %scan3A_18 to %scan3A_20 step %scan3A_21 iter_args(%scan3A_33 = %scan3A_17) -> (i32)  : i32 {
      %add3A_34 = arith.addi %mul3A_16, %scan3A_32 : i32
      "tpu.region"() ({
        %run_scoped3A = tpu.sem_alloc : memref<!tpu.dma_semaphore, #tpu.memory_space<semaphore_mem>>
        %dma_start3A_174 = arith.constant 0 : i32
        %dma_start3A_175 = arith.constant 0 : i32
        %dma_start3A_176 = tpu.memref_slice %arg3[%add3A_34, %dma_start3A_174, %dma_start3A_175] : memref<800x2x512xi32, #tpu.memory_space<hbm>> -> memref<1x2x512xi32, #tpu.memory_space<hbm>>
        %dma_start3A_177 = tpu.memref_squeeze %dma_start3A_176 : memref<1x2x512xi32, #tpu.memory_space<hbm>> -> memref<2x512xi32, #tpu.memory_space<hbm>>
        %dma_start3A_178 = arith.constant 0 : i32
        %dma_start3A_179 = arith.constant 0 : i32
        %dma_start3A_180 = tpu.memref_slice %arg3[%add3A_34, %dma_start3A_178, %dma_start3A_179] : memref<800x2x512xi32, #tpu.memory_space<hbm>> -> memref<1x2x512xi32, #tpu.memory_space<hbm>>
        %dma_start3A_181 = tpu.memref_squeeze %dma_start3A_180 : memref<1x2x512xi32, #tpu.memory_space<hbm>> -> memref<2x512xi32, #tpu.memory_space<hbm>>
        tpu.enqueue_dma source(%dma_start3A_181 : memref<2x512xi32, #tpu.memory_space<hbm>>) target(%arg6 : memref<2x512xi32, #tpu.memory_space<vmem>>) target_semaphore(%run_scoped3A : memref<!tpu.dma_semaphore, #tpu.memory_space<semaphore_mem>>)
        %dma_wait3A_182 = arith.constant 0 : i32
        %dma_wait3A_183 = arith.constant 0 : i32
        %dma_wait3A_184 = tpu.memref_slice %arg3[%add3A_34, %dma_wait3A_182, %dma_wait3A_183] : memref<800x2x512xi32, #tpu.memory_space<hbm>> -> memref<1x2x512xi32, #tpu.memory_space<hbm>>
        %dma_wait3A_185 = tpu.memref_squeeze %dma_wait3A_184 : memref<1x2x512xi32, #tpu.memory_space<hbm>> -> memref<2x512xi32, #tpu.memory_space<hbm>>
        %dma_wait3A_186 = arith.constant 0 : i32
        %dma_wait3A_187 = arith.constant 0 : i32
        %dma_wait3A_188 = tpu.memref_slice %arg3[%add3A_34, %dma_wait3A_186, %dma_wait3A_187] : memref<800x2x512xi32, #tpu.memory_space<hbm>> -> memref<1x2x512xi32, #tpu.memory_space<hbm>>
        %dma_wait3A_189 = tpu.memref_squeeze %dma_wait3A_188 : memref<1x2x512xi32, #tpu.memory_space<hbm>> -> memref<2x512xi32, #tpu.memory_space<hbm>>
        tpu.wait_dma2 semaphore(%run_scoped3A : memref<!tpu.dma_semaphore, #tpu.memory_space<semaphore_mem>>) src(%dma_wait3A_189 : memref<2x512xi32, #tpu.memory_space<hbm>>) dst(%arg6 : memref<2x512xi32, #tpu.memory_space<vmem>>)
        tpu.yield
      }) : () -> ()
      "tpu.region"() ({
        %run_scoped3A = tpu.sem_alloc : memref<!tpu.dma_semaphore, #tpu.memory_space<semaphore_mem>>
        %dma_start3A_174 = arith.constant 0 : i32
        %dma_start3A_175 = arith.constant 0 : i32
        %dma_start3A_176 = tpu.memref_slice %arg4[%add3A_34, %dma_start3A_174, %dma_start3A_175] : memref<800x2x512xi32, #tpu.memory_space<hbm>> -> memref<1x2x512xi32, #tpu.memory_space<hbm>>
        %dma_start3A_177 = tpu.memref_squeeze %dma_start3A_176 : memref<1x2x512xi32, #tpu.memory_space<hbm>> -> memref<2x512xi32, #tpu.memory_space<hbm>>
        %dma_start3A_178 = arith.constant 0 : i32
        %dma_start3A_179 = arith.constant 0 : i32
        %dma_start3A_180 = tpu.memref_slice %arg4[%add3A_34, %dma_start3A_178, %dma_start3A_179] : memref<800x2x512xi32, #tpu.memory_space<hbm>> -> memref<1x2x512xi32, #tpu.memory_space<hbm>>
        %dma_start3A_181 = tpu.memref_squeeze %dma_start3A_180 : memref<1x2x512xi32, #tpu.memory_space<hbm>> -> memref<2x512xi32, #tpu.memory_space<hbm>>
        tpu.enqueue_dma source(%dma_start3A_181 : memref<2x512xi32, #tpu.memory_space<hbm>>) target(%arg7 : memref<2x512xi32, #tpu.memory_space<vmem>>) target_semaphore(%run_scoped3A : memref<!tpu.dma_semaphore, #tpu.memory_space<semaphore_mem>>)
        %dma_wait3A_182 = arith.constant 0 : i32
        %dma_wait3A_183 = arith.constant 0 : i32
        %dma_wait3A_184 = tpu.memref_slice %arg4[%add3A_34, %dma_wait3A_182, %dma_wait3A_183] : memref<800x2x512xi32, #tpu.memory_space<hbm>> -> memref<1x2x512xi32, #tpu.memory_space<hbm>>
        %dma_wait3A_185 = tpu.memref_squeeze %dma_wait3A_184 : memref<1x2x512xi32, #tpu.memory_space<hbm>> -> memref<2x512xi32, #tpu.memory_space<hbm>>
        %dma_wait3A_186 = arith.constant 0 : i32
        %dma_wait3A_187 = arith.constant 0 : i32
        %dma_wait3A_188 = tpu.memref_slice %arg4[%add3A_34, %dma_wait3A_186, %dma_wait3A_187] : memref<800x2x512xi32, #tpu.memory_space<hbm>> -> memref<1x2x512xi32, #tpu.memory_space<hbm>>
        %dma_wait3A_189 = tpu.memref_squeeze %dma_wait3A_188 : memref<1x2x512xi32, #tpu.memory_space<hbm>> -> memref<2x512xi32, #tpu.memory_space<hbm>>
        tpu.wait_dma2 semaphore(%run_scoped3A : memref<!tpu.dma_semaphore, #tpu.memory_space<semaphore_mem>>) src(%dma_wait3A_189 : memref<2x512xi32, #tpu.memory_space<hbm>>) dst(%arg7 : memref<2x512xi32, #tpu.memory_space<vmem>>)
        tpu.yield
      }) : () -> ()
      %dma_start3A = arith.constant 0 : i32
      %dma_start3A_35 = arith.constant 0 : i32
      %dma_start3A_36 = arith.constant 0 : i32
      %dma_start3A_37 = arith.constant 0 : i32
      %dma_start3A_38 = arith.constant 0 : i32
      %dma_start3A_39 = arith.constant 0 : i32
      %dma_start3A_40 = tpu.memref_slice %arg8[%dma_start3A_36, %dma_start3A_38, %dma_start3A_39] : memref<2x512x16xf32, #tpu.memory_space<vmem>> -> memref<1x512x16xf32, #tpu.memory_space<vmem>>
      %dma_start3A_41 = tpu.memref_squeeze %dma_start3A_40 : memref<1x512x16xf32, #tpu.memory_space<vmem>> -> memref<512x16xf32, #tpu.memory_space<vmem>>
      %dma_start3A_42 = arith.constant 0 : i32
      %dma_start3A_43 = tpu.memref_slice %arg6[%dma_start3A_35, %dma_start3A_42] : memref<2x512xi32, #tpu.memory_space<vmem>> -> memref<1x512xi32, #tpu.memory_space<vmem>>
      %dma_start3A_44 = tpu.memref_squeeze %dma_start3A_43 : memref<1x512xi32, #tpu.memory_space<vmem>> -> memref<512xi32, #tpu.memory_space<vmem>>
      %dma_start3A_45 = arith.constant 0 : i32
      %dma_start3A_46 = arith.constant 0 : i32
      %dma_start3A_47 = tpu.memref_slice %arg2[%dma_start3A, %dma_start3A_45, %dma_start3A_46] : memref<1x50176x16xf32, #tpu.memory_space<hbm>> -> memref<1x50176x16xf32, #tpu.memory_space<hbm>>
      %dma_start3A_48 = tpu.memref_squeeze %dma_start3A_47 : memref<1x50176x16xf32, #tpu.memory_space<hbm>> -> memref<50176x16xf32, #tpu.memory_space<hbm>>
      %dma_start3A_49 = arith.constant 0 : i32
      %dma_start3A_50 = arith.constant 0 : i32
      %dma_start3A_51 = tpu.memref_slice %dma_start3A_48[%dma_start3A_49, %dma_start3A_50] : memref<50176x16xf32, #tpu.memory_space<hbm>> -> memref<50176x16xf32, #tpu.memory_space<hbm>>
      %dma_start3A_52 = tpu.memref_slice %arg11[%dma_start3A_37] : memref<2x!tpu.dma_semaphore, #tpu.memory_space<semaphore_mem>> -> memref<1x!tpu.dma_semaphore, #tpu.memory_space<semaphore_mem>>
      %dma_start3A_53 = tpu.memref_squeeze %dma_start3A_52 : memref<1x!tpu.dma_semaphore, #tpu.memory_space<semaphore_mem>> -> memref<!tpu.dma_semaphore, #tpu.memory_space<semaphore_mem>>
      tpu.enqueue_indirect_dma source(%dma_start3A_51 : memref<50176x16xf32, #tpu.memory_space<hbm>>) target(%dma_start3A_41 : memref<512x16xf32, #tpu.memory_space<vmem>>) offsets(%dma_start3A_44 : memref<512xi32, #tpu.memory_space<vmem>>) semaphore(%dma_start3A_53 : memref<!tpu.dma_semaphore, #tpu.memory_space<semaphore_mem>>)
      %dma_start3A_54 = arith.constant 0 : i32
      %dma_start3A_55 = arith.constant 1 : i32
      %dma_start3A_56 = arith.constant 1 : i32
      %dma_start3A_57 = arith.constant 1 : i32
      %dma_start3A_58 = arith.constant 0 : i32
      %dma_start3A_59 = arith.constant 0 : i32
      %dma_start3A_60 = tpu.memref_slice %arg8[%dma_start3A_56, %dma_start3A_58, %dma_start3A_59] : memref<2x512x16xf32, #tpu.memory_space<vmem>> -> memref<1x512x16xf32, #tpu.memory_space<vmem>>
      %dma_start3A_61 = tpu.memref_squeeze %dma_start3A_60 : memref<1x512x16xf32, #tpu.memory_space<vmem>> -> memref<512x16xf32, #tpu.memory_space<vmem>>
      %dma_start3A_62 = arith.constant 0 : i32
      %dma_start3A_63 = tpu.memref_slice %arg6[%dma_start3A_55, %dma_start3A_62] : memref<2x512xi32, #tpu.memory_space<vmem>> -> memref<1x512xi32, #tpu.memory_space<vmem>>
      %dma_start3A_64 = tpu.memref_squeeze %dma_start3A_63 : memref<1x512xi32, #tpu.memory_space<vmem>> -> memref<512xi32, #tpu.memory_space<vmem>>
      %dma_start3A_65 = arith.constant 0 : i32
      %dma_start3A_66 = arith.constant 0 : i32
      %dma_start3A_67 = tpu.memref_slice %arg2[%dma_start3A_54, %dma_start3A_65, %dma_start3A_66] : memref<1x50176x16xf32, #tpu.memory_space<hbm>> -> memref<1x50176x16xf32, #tpu.memory_space<hbm>>
      %dma_start3A_68 = tpu.memref_squeeze %dma_start3A_67 : memref<1x50176x16xf32, #tpu.memory_space<hbm>> -> memref<50176x16xf32, #tpu.memory_space<hbm>>
      %dma_start3A_69 = arith.constant 0 : i32
      %dma_start3A_70 = arith.constant 0 : i32
      %dma_start3A_71 = tpu.memref_slice %dma_start3A_68[%dma_start3A_69, %dma_start3A_70] : memref<50176x16xf32, #tpu.memory_space<hbm>> -> memref<50176x16xf32, #tpu.memory_space<hbm>>
      %dma_start3A_72 = tpu.memref_slice %arg11[%dma_start3A_57] : memref<2x!tpu.dma_semaphore, #tpu.memory_space<semaphore_mem>> -> memref<1x!tpu.dma_semaphore, #tpu.memory_space<semaphore_mem>>
      %dma_start3A_73 = tpu.memref_squeeze %dma_start3A_72 : memref<1x!tpu.dma_semaphore, #tpu.memory_space<semaphore_mem>> -> memref<!tpu.dma_semaphore, #tpu.memory_space<semaphore_mem>>
      tpu.enqueue_indirect_dma source(%dma_start3A_71 : memref<50176x16xf32, #tpu.memory_space<hbm>>) target(%dma_start3A_61 : memref<512x16xf32, #tpu.memory_space<vmem>>) offsets(%dma_start3A_64 : memref<512xi32, #tpu.memory_space<vmem>>) semaphore(%dma_start3A_73 : memref<!tpu.dma_semaphore, #tpu.memory_space<semaphore_mem>>)
      %dma_wait3A = arith.constant 0 : i32
      %dma_wait3A_74 = arith.constant 0 : i32
      %dma_wait3A_75 = arith.constant 0 : i32
      %dma_wait3A_76 = arith.constant 0 : i32
      %dma_wait3A_77 = arith.constant 0 : i32
      %dma_wait3A_78 = arith.constant 0 : i32
      %dma_wait3A_79 = tpu.memref_slice %arg8[%dma_wait3A_75, %dma_wait3A_77, %dma_wait3A_78] : memref<2x512x16xf32, #tpu.memory_space<vmem>> -> memref<1x512x16xf32, #tpu.memory_space<vmem>>
      %dma_wait3A_80 = tpu.memref_squeeze %dma_wait3A_79 : memref<1x512x16xf32, #tpu.memory_space<vmem>> -> memref<512x16xf32, #tpu.memory_space<vmem>>
      %dma_wait3A_81 = arith.constant 0 : i32
      %dma_wait3A_82 = tpu.memref_slice %arg6[%dma_wait3A_74, %dma_wait3A_81] : memref<2x512xi32, #tpu.memory_space<vmem>> -> memref<1x512xi32, #tpu.memory_space<vmem>>
      %dma_wait3A_83 = tpu.memref_squeeze %dma_wait3A_82 : memref<1x512xi32, #tpu.memory_space<vmem>> -> memref<512xi32, #tpu.memory_space<vmem>>
      %dma_wait3A_84 = arith.constant 0 : i32
      %dma_wait3A_85 = arith.constant 0 : i32
      %dma_wait3A_86 = tpu.memref_slice %arg2[%dma_wait3A, %dma_wait3A_84, %dma_wait3A_85] : memref<1x50176x16xf32, #tpu.memory_space<hbm>> -> memref<1x50176x16xf32, #tpu.memory_space<hbm>>
      %dma_wait3A_87 = tpu.memref_squeeze %dma_wait3A_86 : memref<1x50176x16xf32, #tpu.memory_space<hbm>> -> memref<50176x16xf32, #tpu.memory_space<hbm>>
      %dma_wait3A_88 = arith.constant 0 : i32
      %dma_wait3A_89 = arith.constant 0 : i32
      %dma_wait3A_90 = tpu.memref_slice %dma_wait3A_87[%dma_wait3A_88, %dma_wait3A_89] : memref<50176x16xf32, #tpu.memory_space<hbm>> -> memref<50176x16xf32, #tpu.memory_space<hbm>>
      %dma_wait3A_91 = tpu.memref_slice %arg11[%dma_wait3A_76] : memref<2x!tpu.dma_semaphore, #tpu.memory_space<semaphore_mem>> -> memref<1x!tpu.dma_semaphore, #tpu.memory_space<semaphore_mem>>
      %dma_wait3A_92 = tpu.memref_squeeze %dma_wait3A_91 : memref<1x!tpu.dma_semaphore, #tpu.memory_space<semaphore_mem>> -> memref<!tpu.dma_semaphore, #tpu.memory_space<semaphore_mem>>
      tpu.wait_indirect_dma semaphore(%dma_wait3A_92 : memref<!tpu.dma_semaphore, #tpu.memory_space<semaphore_mem>>) src(%dma_wait3A_90 : memref<50176x16xf32, #tpu.memory_space<hbm>>) dst(%dma_wait3A_80 : memref<512x16xf32, #tpu.memory_space<vmem>>)
      %dma_start3A_93 = arith.constant 0 : i32
      %dma_start3A_94 = arith.constant 0 : i32
      %dma_start3A_95 = arith.constant 0 : i32
      %dma_start3A_96 = arith.constant 0 : i32
      %dma_start3A_97 = arith.constant 0 : i32
      %dma_start3A_98 = tpu.memref_slice %arg8[%dma_start3A_93, %dma_start3A_96, %dma_start3A_97] : memref<2x512x16xf32, #tpu.memory_space<vmem>> -> memref<1x512x16xf32, #tpu.memory_space<vmem>>
      %dma_start3A_99 = tpu.memref_squeeze %dma_start3A_98 : memref<1x512x16xf32, #tpu.memory_space<vmem>> -> memref<512x16xf32, #tpu.memory_space<vmem>>
      %dma_start3A_100 = arith.constant 0 : i32
      %dma_start3A_101 = tpu.memref_slice %arg7[%dma_start3A_94, %dma_start3A_100] : memref<2x512xi32, #tpu.memory_space<vmem>> -> memref<1x512xi32, #tpu.memory_space<vmem>>
      %dma_start3A_102 = tpu.memref_squeeze %dma_start3A_101 : memref<1x512xi32, #tpu.memory_space<vmem>> -> memref<512xi32, #tpu.memory_space<vmem>>
      %dma_start3A_103 = arith.constant 0 : i32
      %dma_start3A_104 = arith.constant 0 : i32
      %dma_start3A_105 = tpu.memref_slice %arg10[%dma_start3A_103, %dma_start3A_104] : memref<50176x16xf32, #tpu.memory_space<vmem_shared>> -> memref<50176x16xf32, #tpu.memory_space<vmem_shared>>
      %dma_start3A_106 = tpu.memref_slice %arg12[%dma_start3A_95] : memref<2x!tpu.dma_semaphore, #tpu.memory_space<semaphore_mem>> -> memref<1x!tpu.dma_semaphore, #tpu.memory_space<semaphore_mem>>
      %dma_start3A_107 = tpu.memref_squeeze %dma_start3A_106 : memref<1x!tpu.dma_semaphore, #tpu.memory_space<semaphore_mem>> -> memref<!tpu.dma_semaphore, #tpu.memory_space<semaphore_mem>>
      tpu.enqueue_indirect_dma source(%dma_start3A_99 : memref<512x16xf32, #tpu.memory_space<vmem>>) target(%dma_start3A_105 : memref<50176x16xf32, #tpu.memory_space<vmem_shared>>) offsets(%dma_start3A_102 : memref<512xi32, #tpu.memory_space<vmem>>) semaphore(%dma_start3A_107 : memref<!tpu.dma_semaphore, #tpu.memory_space<semaphore_mem>>) {add = true}
      %dma_wait3A_108 = arith.constant 0 : i32
      %dma_wait3A_109 = arith.constant 1 : i32
      %dma_wait3A_110 = arith.constant 1 : i32
      %dma_wait3A_111 = arith.constant 1 : i32
      %dma_wait3A_112 = arith.constant 0 : i32
      %dma_wait3A_113 = arith.constant 0 : i32
      %dma_wait3A_114 = tpu.memref_slice %arg8[%dma_wait3A_110, %dma_wait3A_112, %dma_wait3A_113] : memref<2x512x16xf32, #tpu.memory_space<vmem>> -> memref<1x512x16xf32, #tpu.memory_space<vmem>>
      %dma_wait3A_115 = tpu.memref_squeeze %dma_wait3A_114 : memref<1x512x16xf32, #tpu.memory_space<vmem>> -> memref<512x16xf32, #tpu.memory_space<vmem>>
      %dma_wait3A_116 = arith.constant 0 : i32
      %dma_wait3A_117 = tpu.memref_slice %arg6[%dma_wait3A_109, %dma_wait3A_116] : memref<2x512xi32, #tpu.memory_space<vmem>> -> memref<1x512xi32, #tpu.memory_space<vmem>>
      %dma_wait3A_118 = tpu.memref_squeeze %dma_wait3A_117 : memref<1x512xi32, #tpu.memory_space<vmem>> -> memref<512xi32, #tpu.memory_space<vmem>>
      %dma_wait3A_119 = arith.constant 0 : i32
      %dma_wait3A_120 = arith.constant 0 : i32
      %dma_wait3A_121 = tpu.memref_slice %arg2[%dma_wait3A_108, %dma_wait3A_119, %dma_wait3A_120] : memref<1x50176x16xf32, #tpu.memory_space<hbm>> -> memref<1x50176x16xf32, #tpu.memory_space<hbm>>
      %dma_wait3A_122 = tpu.memref_squeeze %dma_wait3A_121 : memref<1x50176x16xf32, #tpu.memory_space<hbm>> -> memref<50176x16xf32, #tpu.memory_space<hbm>>
      %dma_wait3A_123 = arith.constant 0 : i32
      %dma_wait3A_124 = arith.constant 0 : i32
      %dma_wait3A_125 = tpu.memref_slice %dma_wait3A_122[%dma_wait3A_123, %dma_wait3A_124] : memref<50176x16xf32, #tpu.memory_space<hbm>> -> memref<50176x16xf32, #tpu.memory_space<hbm>>
      %dma_wait3A_126 = tpu.memref_slice %arg11[%dma_wait3A_111] : memref<2x!tpu.dma_semaphore, #tpu.memory_space<semaphore_mem>> -> memref<1x!tpu.dma_semaphore, #tpu.memory_space<semaphore_mem>>
      %dma_wait3A_127 = tpu.memref_squeeze %dma_wait3A_126 : memref<1x!tpu.dma_semaphore, #tpu.memory_space<semaphore_mem>> -> memref<!tpu.dma_semaphore, #tpu.memory_space<semaphore_mem>>
      tpu.wait_indirect_dma semaphore(%dma_wait3A_127 : memref<!tpu.dma_semaphore, #tpu.memory_space<semaphore_mem>>) src(%dma_wait3A_125 : memref<50176x16xf32, #tpu.memory_space<hbm>>) dst(%dma_wait3A_115 : memref<512x16xf32, #tpu.memory_space<vmem>>)
      %dma_start3A_128 = arith.constant 1 : i32
      %dma_start3A_129 = arith.constant 1 : i32
      %dma_start3A_130 = arith.constant 1 : i32
      %dma_start3A_131 = arith.constant 0 : i32
      %dma_start3A_132 = arith.constant 0 : i32
      %dma_start3A_133 = tpu.memref_slice %arg8[%dma_start3A_128, %dma_start3A_131, %dma_start3A_132] : memref<2x512x16xf32, #tpu.memory_space<vmem>> -> memref<1x512x16xf32, #tpu.memory_space<vmem>>
      %dma_start3A_134 = tpu.memref_squeeze %dma_start3A_133 : memref<1x512x16xf32, #tpu.memory_space<vmem>> -> memref<512x16xf32, #tpu.memory_space<vmem>>
      %dma_start3A_135 = arith.constant 0 : i32
      %dma_start3A_136 = tpu.memref_slice %arg7[%dma_start3A_129, %dma_start3A_135] : memref<2x512xi32, #tpu.memory_space<vmem>> -> memref<1x512xi32, #tpu.memory_space<vmem>>
      %dma_start3A_137 = tpu.memref_squeeze %dma_start3A_136 : memref<1x512xi32, #tpu.memory_space<vmem>> -> memref<512xi32, #tpu.memory_space<vmem>>
      %dma_start3A_138 = arith.constant 0 : i32
      %dma_start3A_139 = arith.constant 0 : i32
      %dma_start3A_140 = tpu.memref_slice %arg10[%dma_start3A_138, %dma_start3A_139] : memref<50176x16xf32, #tpu.memory_space<vmem_shared>> -> memref<50176x16xf32, #tpu.memory_space<vmem_shared>>
      %dma_start3A_141 = tpu.memref_slice %arg12[%dma_start3A_130] : memref<2x!tpu.dma_semaphore, #tpu.memory_space<semaphore_mem>> -> memref<1x!tpu.dma_semaphore, #tpu.memory_space<semaphore_mem>>
      %dma_start3A_142 = tpu.memref_squeeze %dma_start3A_141 : memref<1x!tpu.dma_semaphore, #tpu.memory_space<semaphore_mem>> -> memref<!tpu.dma_semaphore, #tpu.memory_space<semaphore_mem>>
      tpu.enqueue_indirect_dma source(%dma_start3A_134 : memref<512x16xf32, #tpu.memory_space<vmem>>) target(%dma_start3A_140 : memref<50176x16xf32, #tpu.memory_space<vmem_shared>>) offsets(%dma_start3A_137 : memref<512xi32, #tpu.memory_space<vmem>>) semaphore(%dma_start3A_142 : memref<!tpu.dma_semaphore, #tpu.memory_space<semaphore_mem>>) {add = true}
      %dma_wait3A_143 = arith.constant 0 : i32
      %dma_wait3A_144 = arith.constant 0 : i32
      %dma_wait3A_145 = arith.constant 0 : i32
      %dma_wait3A_146 = arith.constant 0 : i32
      %dma_wait3A_147 = arith.constant 0 : i32
      %dma_wait3A_148 = tpu.memref_slice %arg8[%dma_wait3A_143, %dma_wait3A_146, %dma_wait3A_147] : memref<2x512x16xf32, #tpu.memory_space<vmem>> -> memref<1x512x16xf32, #tpu.memory_space<vmem>>
      %dma_wait3A_149 = tpu.memref_squeeze %dma_wait3A_148 : memref<1x512x16xf32, #tpu.memory_space<vmem>> -> memref<512x16xf32, #tpu.memory_space<vmem>>
      %dma_wait3A_150 = arith.constant 0 : i32
      %dma_wait3A_151 = tpu.memref_slice %arg7[%dma_wait3A_144, %dma_wait3A_150] : memref<2x512xi32, #tpu.memory_space<vmem>> -> memref<1x512xi32, #tpu.memory_space<vmem>>
      %dma_wait3A_152 = tpu.memref_squeeze %dma_wait3A_151 : memref<1x512xi32, #tpu.memory_space<vmem>> -> memref<512xi32, #tpu.memory_space<vmem>>
      %dma_wait3A_153 = arith.constant 0 : i32
      %dma_wait3A_154 = arith.constant 0 : i32
      %dma_wait3A_155 = tpu.memref_slice %arg10[%dma_wait3A_153, %dma_wait3A_154] : memref<50176x16xf32, #tpu.memory_space<vmem_shared>> -> memref<50176x16xf32, #tpu.memory_space<vmem_shared>>
      %dma_wait3A_156 = tpu.memref_slice %arg12[%dma_wait3A_145] : memref<2x!tpu.dma_semaphore, #tpu.memory_space<semaphore_mem>> -> memref<1x!tpu.dma_semaphore, #tpu.memory_space<semaphore_mem>>
      %dma_wait3A_157 = tpu.memref_squeeze %dma_wait3A_156 : memref<1x!tpu.dma_semaphore, #tpu.memory_space<semaphore_mem>> -> memref<!tpu.dma_semaphore, #tpu.memory_space<semaphore_mem>>
      tpu.wait_indirect_dma semaphore(%dma_wait3A_157 : memref<!tpu.dma_semaphore, #tpu.memory_space<semaphore_mem>>) src(%dma_wait3A_149 : memref<512x16xf32, #tpu.memory_space<vmem>>) dst(%dma_wait3A_155 : memref<50176x16xf32, #tpu.memory_space<vmem_shared>>)
      %dma_wait3A_158 = arith.constant 1 : i32
      %dma_wait3A_159 = arith.constant 1 : i32
      %dma_wait3A_160 = arith.constant 1 : i32
      %dma_wait3A_161 = arith.constant 0 : i32
      %dma_wait3A_162 = arith.constant 0 : i32
      %dma_wait3A_163 = tpu.memref_slice %arg8[%dma_wait3A_158, %dma_wait3A_161, %dma_wait3A_162] : memref<2x512x16xf32, #tpu.memory_space<vmem>> -> memref<1x512x16xf32, #tpu.memory_space<vmem>>
      %dma_wait3A_164 = tpu.memref_squeeze %dma_wait3A_163 : memref<1x512x16xf32, #tpu.memory_space<vmem>> -> memref<512x16xf32, #tpu.memory_space<vmem>>
      %dma_wait3A_165 = arith.constant 0 : i32
      %dma_wait3A_166 = tpu.memref_slice %arg7[%dma_wait3A_159, %dma_wait3A_165] : memref<2x512xi32, #tpu.memory_space<vmem>> -> memref<1x512xi32, #tpu.memory_space<vmem>>
      %dma_wait3A_167 = tpu.memref_squeeze %dma_wait3A_166 : memref<1x512xi32, #tpu.memory_space<vmem>> -> memref<512xi32, #tpu.memory_space<vmem>>
      %dma_wait3A_168 = arith.constant 0 : i32
      %dma_wait3A_169 = arith.constant 0 : i32
      %dma_wait3A_170 = tpu.memref_slice %arg10[%dma_wait3A_168, %dma_wait3A_169] : memref<50176x16xf32, #tpu.memory_space<vmem_shared>> -> memref<50176x16xf32, #tpu.memory_space<vmem_shared>>
      %dma_wait3A_171 = tpu.memref_slice %arg12[%dma_wait3A_160] : memref<2x!tpu.dma_semaphore, #tpu.memory_space<semaphore_mem>> -> memref<1x!tpu.dma_semaphore, #tpu.memory_space<semaphore_mem>>
      %dma_wait3A_172 = tpu.memref_squeeze %dma_wait3A_171 : memref<1x!tpu.dma_semaphore, #tpu.memory_space<semaphore_mem>> -> memref<!tpu.dma_semaphore, #tpu.memory_space<semaphore_mem>>
      tpu.wait_indirect_dma semaphore(%dma_wait3A_172 : memref<!tpu.dma_semaphore, #tpu.memory_space<semaphore_mem>>) src(%dma_wait3A_164 : memref<512x16xf32, #tpu.memory_space<vmem>>) dst(%dma_wait3A_170 : memref<50176x16xf32, #tpu.memory_space<vmem_shared>>)
      %scan3A_173 = arith.constant 0 : i32
      scf.yield %scan3A_173 : i32
    }
    %scan3A_23 = arith.constant 25 : i32
    %barrier3A_24 = arith.constant 0 : index
    tpu.barrier barrier_id(%barrier3A_24)
    %scan3A_25 = arith.constant 0 : i32
    %scan3A_26 = arith.constant 0 : i32
    %scan3A_27 = arith.constant 28 : i32
    %scan3A_28 = arith.addi %scan3A_26, %scan3A_27 : i32
    %scan3A_29 = arith.constant 1 : i32
    %scan3A_30 = scf.for %scan3A_32 = %scan3A_26 to %scan3A_28 step %scan3A_29 iter_args(%scan3A_33 = %scan3A_25) -> (i32)  : i32 {
      %mul3A_34 = arith.constant 3136 : i32
      %mul3A_35 = arith.muli %arg1, %mul3A_34 : i32
      %mul3A_36 = arith.constant 112 : i32
      %mul3A_37 = arith.muli %scan3A_32, %mul3A_36 : i32
      %add3A_38 = arith.addi %mul3A_35, %mul3A_37 : i32
      "tpu.region"() ({
        %run_scoped3A = tpu.sem_alloc : memref<!tpu.dma_semaphore, #tpu.memory_space<semaphore_mem>>
        %dma_start3A = arith.constant 0 : i32
        %dma_start3A_40 = arith.constant 0 : i32
        %dma_start3A_41 = tpu.memref_slice %arg5[%arg0, %dma_start3A, %dma_start3A_40] : memref<2x50176x16xf32, #tpu.memory_space<hbm>> -> memref<1x50176x16xf32, #tpu.memory_space<hbm>>
        %dma_start3A_42 = tpu.memref_squeeze %dma_start3A_41 : memref<1x50176x16xf32, #tpu.memory_space<hbm>> -> memref<50176x16xf32, #tpu.memory_space<hbm>>
        %dma_start3A_43 = arith.constant 0 : i32
        %dma_start3A_44 = tpu.memref_slice %dma_start3A_42[%add3A_38, %dma_start3A_43] : memref<50176x16xf32, #tpu.memory_space<hbm>> -> memref<112x16xf32, #tpu.memory_space<hbm>>
        %dma_start3A_45 = arith.constant 0 : i32
        %dma_start3A_46 = tpu.memref_slice %arg10[%add3A_38, %dma_start3A_45] : memref<50176x16xf32, #tpu.memory_space<vmem_shared>> -> memref<112x16xf32, #tpu.memory_space<vmem_shared>>
        tpu.enqueue_dma source(%dma_start3A_46 : memref<112x16xf32, #tpu.memory_space<vmem_shared>>) target(%dma_start3A_44 : memref<112x16xf32, #tpu.memory_space<hbm>>) target_semaphore(%run_scoped3A : memref<!tpu.dma_semaphore, #tpu.memory_space<semaphore_mem>>)
        %dma_wait3A = arith.constant 0 : i32
        %dma_wait3A_47 = arith.constant 0 : i32
        %dma_wait3A_48 = tpu.memref_slice %arg5[%arg0, %dma_wait3A, %dma_wait3A_47] : memref<2x50176x16xf32, #tpu.memory_space<hbm>> -> memref<1x50176x16xf32, #tpu.memory_space<hbm>>
        %dma_wait3A_49 = tpu.memref_squeeze %dma_wait3A_48 : memref<1x50176x16xf32, #tpu.memory_space<hbm>> -> memref<50176x16xf32, #tpu.memory_space<hbm>>
        %dma_wait3A_50 = arith.constant 0 : i32
        %dma_wait3A_51 = tpu.memref_slice %dma_wait3A_49[%add3A_38, %dma_wait3A_50] : memref<50176x16xf32, #tpu.memory_space<hbm>> -> memref<112x16xf32, #tpu.memory_space<hbm>>
        %dma_wait3A_52 = arith.constant 0 : i32
        %dma_wait3A_53 = tpu.memref_slice %arg10[%add3A_38, %dma_wait3A_52] : memref<50176x16xf32, #tpu.memory_space<vmem_shared>> -> memref<112x16xf32, #tpu.memory_space<vmem_shared>>
        tpu.wait_dma2 semaphore(%run_scoped3A : memref<!tpu.dma_semaphore, #tpu.memory_space<semaphore_mem>>) src(%dma_wait3A_53 : memref<112x16xf32, #tpu.memory_space<vmem_shared>>) dst(%dma_wait3A_51 : memref<112x16xf32, #tpu.memory_space<hbm>>)
        tpu.yield
      }) : () -> ()
      %scan3A_39 = arith.constant 0 : i32
      scf.yield %scan3A_39 : i32
    }
    %scan3A_31 = arith.constant 28 : i32
    return
  }
}

#map = affine_map<(d0, d1) -> (0, 0, 0)>
module attributes {stable_mosaic.version = 14 : i64} {
  func.func @body(%arg0: i32, %arg1: i32, %arg2: memref<2x50176x32xf32, #tpu.memory_space<hbm>>, %arg3: memref<400x8x256xi32, #tpu.memory_space<hbm>>, %arg4: memref<400x8x256xi32, #tpu.memory_space<hbm>>, %arg5: memref<2x50176x32xf32, #tpu.memory_space<hbm>>, %arg6: memref<8x256xi32, #tpu.memory_space<vmem>>, %arg7: memref<8x256xi32, #tpu.memory_space<vmem>>, %arg8: memref<2x256x32xf32, #tpu.memory_space<vmem>>, %arg9: memref<112x32xf32, #tpu.memory_space<vmem>>, %arg10: memref<50176x32xf32, #tpu.memory_space<vmem_shared>>, %arg11: memref<2x!tpu.dma_semaphore, #tpu.memory_space<semaphore_mem>>, %arg12: memref<2x!tpu.dma_semaphore, #tpu.memory_space<semaphore_mem>>) attributes {dimension_semantics = [#tpu.dimension_semantics<core_parallel>, #tpu.dimension_semantics<subcore_parallel>], iteration_bounds = array<i64: 2, 16>, scalar_prefetch = 0 : i64, scratch_operands = 7 : i64, tpu.core_type = #tpu.core_type<sc_vector_subcore>, window_params = [{transform_indices = #map}, {transform_indices = #map}, {transform_indices = #map}, {transform_indices = #map}]} {
    %broadcast_in_dim3A = arith.constant 0.000000e+00 : f32
    %broadcast_in_dim3A_0 = vector.broadcast %broadcast_in_dim3A : f32 to vector<16xf32>
    %scan3A = arith.constant 0 : i32
    %scan3A_1 = arith.constant 0 : i32
    %scan3A_2 = arith.constant 112 : i32
    %scan3A_3 = arith.addi %scan3A_1, %scan3A_2 : i32
    %scan3A_4 = arith.constant 1 : i32
    %scan3A_5 = scf.for %scan3A_30 = %scan3A_1 to %scan3A_3 step %scan3A_4 iter_args(%scan3A_31 = %scan3A) -> (i32)  : i32 {
      %swap3A = arith.index_cast %scan3A_30 : i32 to index
      %swap3A_32 = arith.constant 0 : index
      %swap3A_33 = tpu.vector_load %arg9[%swap3A, %swap3A_32] {strides = array<i32>} : memref<112x32xf32, #tpu.memory_space<vmem>>, vector<1x16xf32>,
      %swap3A_34 = vector.shape_cast %swap3A_33 : vector<1x16xf32> to vector<16xf32>
      %swap3A_35 = vector.shape_cast %broadcast_in_dim3A_0 : vector<16xf32> to vector<1x16xf32>
      tpu.vector_store %arg9[%swap3A, %swap3A_32], %swap3A_35 {strides = array<i32>} : memref<112x32xf32, #tpu.memory_space<vmem>>, vector<1x16xf32>,
      %swap3A_36 = arith.index_cast %scan3A_30 : i32 to index
      %swap3A_37 = arith.constant 16 : index
      %swap3A_38 = tpu.vector_load %arg9[%swap3A_36, %swap3A_37] {strides = array<i32>} : memref<112x32xf32, #tpu.memory_space<vmem>>, vector<1x16xf32>,
      %swap3A_39 = vector.shape_cast %swap3A_38 : vector<1x16xf32> to vector<16xf32>
      %swap3A_40 = vector.shape_cast %broadcast_in_dim3A_0 : vector<16xf32> to vector<1x16xf32>
      tpu.vector_store %arg9[%swap3A_36, %swap3A_37], %swap3A_40 {strides = array<i32>} : memref<112x32xf32, #tpu.memory_space<vmem>>, vector<1x16xf32>,
      %scan3A_41 = arith.constant 0 : i32
      scf.yield %scan3A_41 : i32
    }
    %scan3A_6 = arith.constant 112 : i32
    %scan3A_7 = arith.constant 0 : i32
    %scan3A_8 = arith.constant 0 : i32
    %scan3A_9 = arith.constant 28 : i32
    %scan3A_10 = arith.addi %scan3A_8, %scan3A_9 : i32
    %scan3A_11 = arith.constant 1 : i32
    %scan3A_12 = scf.for %scan3A_30 = %scan3A_8 to %scan3A_10 step %scan3A_11 iter_args(%scan3A_31 = %scan3A_7) -> (i32)  : i32 {
      %mul3A_32 = arith.constant 3136 : i32
      %mul3A_33 = arith.muli %arg1, %mul3A_32 : i32
      %mul3A_34 = arith.constant 112 : i32
      %mul3A_35 = arith.muli %scan3A_30, %mul3A_34 : i32
      %add3A = arith.addi %mul3A_33, %mul3A_35 : i32
      "tpu.region"() ({
        %run_scoped3A = tpu.sem_alloc : memref<!tpu.dma_semaphore, #tpu.memory_space<semaphore_mem>>
        %dma_start3A = arith.constant 0 : i32
        %dma_start3A_37 = tpu.memref_slice %arg10[%add3A, %dma_start3A] : memref<50176x32xf32, #tpu.memory_space<vmem_shared>> -> memref<112x32xf32, #tpu.memory_space<vmem_shared>>
        %dma_start3A_38 = arith.constant 0 : i32
        %dma_start3A_39 = tpu.memref_slice %arg10[%add3A, %dma_start3A_38] : memref<50176x32xf32, #tpu.memory_space<vmem_shared>> -> memref<112x32xf32, #tpu.memory_space<vmem_shared>>
        tpu.enqueue_dma source(%arg9 : memref<112x32xf32, #tpu.memory_space<vmem>>) target(%dma_start3A_39 : memref<112x32xf32, #tpu.memory_space<vmem_shared>>) target_semaphore(%run_scoped3A : memref<!tpu.dma_semaphore, #tpu.memory_space<semaphore_mem>>)
        %dma_wait3A = arith.constant 0 : i32
        %dma_wait3A_40 = tpu.memref_slice %arg10[%add3A, %dma_wait3A] : memref<50176x32xf32, #tpu.memory_space<vmem_shared>> -> memref<112x32xf32, #tpu.memory_space<vmem_shared>>
        %dma_wait3A_41 = arith.constant 0 : i32
        %dma_wait3A_42 = tpu.memref_slice %arg10[%add3A, %dma_wait3A_41] : memref<50176x32xf32, #tpu.memory_space<vmem_shared>> -> memref<112x32xf32, #tpu.memory_space<vmem_shared>>
        tpu.wait_dma2 semaphore(%run_scoped3A : memref<!tpu.dma_semaphore, #tpu.memory_space<semaphore_mem>>) src(%arg9 : memref<112x32xf32, #tpu.memory_space<vmem>>) dst(%dma_wait3A_42 : memref<112x32xf32, #tpu.memory_space<vmem_shared>>)
        tpu.yield
      }) : () -> ()
      %scan3A_36 = arith.constant 0 : i32
      scf.yield %scan3A_36 : i32
    }
    %scan3A_13 = arith.constant 28 : i32
    %barrier3A = arith.constant 0 : index
    tpu.barrier barrier_id(%barrier3A)
    %mul3A = arith.constant 25 : i32
    %mul3A_14 = arith.muli %arg1, %mul3A : i32
    %scan3A_15 = arith.constant 0 : i32
    %scan3A_16 = arith.constant 0 : i32
    %scan3A_17 = arith.constant 25 : i32
    %scan3A_18 = arith.addi %scan3A_16, %scan3A_17 : i32
    %scan3A_19 = arith.constant 1 : i32
    %scan3A_20 = scf.for %scan3A_30 = %scan3A_16 to %scan3A_18 step %scan3A_19 iter_args(%scan3A_31 = %scan3A_15) -> (i32)  : i32 {
      %add3A = arith.addi %mul3A_14, %scan3A_30 : i32
      "tpu.region"() ({
        %run_scoped3A = tpu.sem_alloc : memref<!tpu.dma_semaphore, #tpu.memory_space<semaphore_mem>>
        %dma_start3A_524 = arith.constant 0 : i32
        %dma_start3A_525 = arith.constant 0 : i32
        %dma_start3A_526 = tpu.memref_slice %arg3[%add3A, %dma_start3A_524, %dma_start3A_525] : memref<400x8x256xi32, #tpu.memory_space<hbm>> -> memref<1x8x256xi32, #tpu.memory_space<hbm>>
        %dma_start3A_527 = tpu.memref_squeeze %dma_start3A_526 : memref<1x8x256xi32, #tpu.memory_space<hbm>> -> memref<8x256xi32, #tpu.memory_space<hbm>>
        %dma_start3A_528 = arith.constant 0 : i32
        %dma_start3A_529 = arith.constant 0 : i32
        %dma_start3A_530 = tpu.memref_slice %arg3[%add3A, %dma_start3A_528, %dma_start3A_529] : memref<400x8x256xi32, #tpu.memory_space<hbm>> -> memref<1x8x256xi32, #tpu.memory_space<hbm>>
        %dma_start3A_531 = tpu.memref_squeeze %dma_start3A_530 : memref<1x8x256xi32, #tpu.memory_space<hbm>> -> memref<8x256xi32, #tpu.memory_space<hbm>>
        tpu.enqueue_dma source(%dma_start3A_531 : memref<8x256xi32, #tpu.memory_space<hbm>>) target(%arg6 : memref<8x256xi32, #tpu.memory_space<vmem>>) target_semaphore(%run_scoped3A : memref<!tpu.dma_semaphore, #tpu.memory_space<semaphore_mem>>)
        %dma_wait3A_532 = arith.constant 0 : i32
        %dma_wait3A_533 = arith.constant 0 : i32
        %dma_wait3A_534 = tpu.memref_slice %arg3[%add3A, %dma_wait3A_532, %dma_wait3A_533] : memref<400x8x256xi32, #tpu.memory_space<hbm>> -> memref<1x8x256xi32, #tpu.memory_space<hbm>>
        %dma_wait3A_535 = tpu.memref_squeeze %dma_wait3A_534 : memref<1x8x256xi32, #tpu.memory_space<hbm>> -> memref<8x256xi32, #tpu.memory_space<hbm>>
        %dma_wait3A_536 = arith.constant 0 : i32
        %dma_wait3A_537 = arith.constant 0 : i32
        %dma_wait3A_538 = tpu.memref_slice %arg3[%add3A, %dma_wait3A_536, %dma_wait3A_537] : memref<400x8x256xi32, #tpu.memory_space<hbm>> -> memref<1x8x256xi32, #tpu.memory_space<hbm>>
        %dma_wait3A_539 = tpu.memref_squeeze %dma_wait3A_538 : memref<1x8x256xi32, #tpu.memory_space<hbm>> -> memref<8x256xi32, #tpu.memory_space<hbm>>
        tpu.wait_dma2 semaphore(%run_scoped3A : memref<!tpu.dma_semaphore, #tpu.memory_space<semaphore_mem>>) src(%dma_wait3A_539 : memref<8x256xi32, #tpu.memory_space<hbm>>) dst(%arg6 : memref<8x256xi32, #tpu.memory_space<vmem>>)
        tpu.yield
      }) : () -> ()
      "tpu.region"() ({
        %run_scoped3A = tpu.sem_alloc : memref<!tpu.dma_semaphore, #tpu.memory_space<semaphore_mem>>
        %dma_start3A_524 = arith.constant 0 : i32
        %dma_start3A_525 = arith.constant 0 : i32
        %dma_start3A_526 = tpu.memref_slice %arg4[%add3A, %dma_start3A_524, %dma_start3A_525] : memref<400x8x256xi32, #tpu.memory_space<hbm>> -> memref<1x8x256xi32, #tpu.memory_space<hbm>>
        %dma_start3A_527 = tpu.memref_squeeze %dma_start3A_526 : memref<1x8x256xi32, #tpu.memory_space<hbm>> -> memref<8x256xi32, #tpu.memory_space<hbm>>
        %dma_start3A_528 = arith.constant 0 : i32
        %dma_start3A_529 = arith.constant 0 : i32
        %dma_start3A_530 = tpu.memref_slice %arg4[%add3A, %dma_start3A_528, %dma_start3A_529] : memref<400x8x256xi32, #tpu.memory_space<hbm>> -> memref<1x8x256xi32, #tpu.memory_space<hbm>>
        %dma_start3A_531 = tpu.memref_squeeze %dma_start3A_530 : memref<1x8x256xi32, #tpu.memory_space<hbm>> -> memref<8x256xi32, #tpu.memory_space<hbm>>
        tpu.enqueue_dma source(%dma_start3A_531 : memref<8x256xi32, #tpu.memory_space<hbm>>) target(%arg7 : memref<8x256xi32, #tpu.memory_space<vmem>>) target_semaphore(%run_scoped3A : memref<!tpu.dma_semaphore, #tpu.memory_space<semaphore_mem>>)
        %dma_wait3A_532 = arith.constant 0 : i32
        %dma_wait3A_533 = arith.constant 0 : i32
        %dma_wait3A_534 = tpu.memref_slice %arg4[%add3A, %dma_wait3A_532, %dma_wait3A_533] : memref<400x8x256xi32, #tpu.memory_space<hbm>> -> memref<1x8x256xi32, #tpu.memory_space<hbm>>
        %dma_wait3A_535 = tpu.memref_squeeze %dma_wait3A_534 : memref<1x8x256xi32, #tpu.memory_space<hbm>> -> memref<8x256xi32, #tpu.memory_space<hbm>>
        %dma_wait3A_536 = arith.constant 0 : i32
        %dma_wait3A_537 = arith.constant 0 : i32
        %dma_wait3A_538 = tpu.memref_slice %arg4[%add3A, %dma_wait3A_536, %dma_wait3A_537] : memref<400x8x256xi32, #tpu.memory_space<hbm>> -> memref<1x8x256xi32, #tpu.memory_space<hbm>>
        %dma_wait3A_539 = tpu.memref_squeeze %dma_wait3A_538 : memref<1x8x256xi32, #tpu.memory_space<hbm>> -> memref<8x256xi32, #tpu.memory_space<hbm>>
        tpu.wait_dma2 semaphore(%run_scoped3A : memref<!tpu.dma_semaphore, #tpu.memory_space<semaphore_mem>>) src(%dma_wait3A_539 : memref<8x256xi32, #tpu.memory_space<hbm>>) dst(%arg7 : memref<8x256xi32, #tpu.memory_space<vmem>>)
        tpu.yield
      }) : () -> ()
      %eq3A = arith.constant 0 : i32
      %eq3A_32 = arith.cmpi eq, %arg0, %eq3A : i32
      %convert_element_type3A = arith.extui %eq3A_32 : i1 to i32
      %cond3A = arith.constant 0 : i32
      %cond3A_33 = arith.constant 0 : i32
      %cond3A_34 = arith.cmpi ne, %convert_element_type3A, %cond3A_33 : i32
      scf.if %cond3A_34 {
        %dma_start3A_524 = arith.constant 0 : i32
        %dma_start3A_525 = arith.constant 0 : i32
        %dma_start3A_526 = arith.constant 0 : i32
        %dma_start3A_527 = arith.constant 0 : i32
        %dma_start3A_528 = arith.constant 0 : i32
        %dma_start3A_529 = tpu.memref_slice %arg8[%dma_start3A_525, %dma_start3A_527, %dma_start3A_528] : memref<2x256x32xf32, #tpu.memory_space<vmem>> -> memref<1x256x32xf32, #tpu.memory_space<vmem>>
        %dma_start3A_530 = tpu.memref_squeeze %dma_start3A_529 : memref<1x256x32xf32, #tpu.memory_space<vmem>> -> memref<256x32xf32, #tpu.memory_space<vmem>>
        %dma_start3A_531 = arith.constant 0 : i32
        %dma_start3A_532 = tpu.memref_slice %arg6[%cond3A, %dma_start3A_531] : memref<8x256xi32, #tpu.memory_space<vmem>> -> memref<1x256xi32, #tpu.memory_space<vmem>>
        %dma_start3A_533 = tpu.memref_squeeze %dma_start3A_532 : memref<1x256xi32, #tpu.memory_space<vmem>> -> memref<256xi32, #tpu.memory_space<vmem>>
        %dma_start3A_534 = arith.constant 0 : i32
        %dma_start3A_535 = arith.constant 0 : i32
        %dma_start3A_536 = tpu.memref_slice %arg2[%dma_start3A_524, %dma_start3A_534, %dma_start3A_535] : memref<2x50176x32xf32, #tpu.memory_space<hbm>> -> memref<1x50176x32xf32, #tpu.memory_space<hbm>>
        %dma_start3A_537 = tpu.memref_squeeze %dma_start3A_536 : memref<1x50176x32xf32, #tpu.memory_space<hbm>> -> memref<50176x32xf32, #tpu.memory_space<hbm>>
        %dma_start3A_538 = arith.constant 0 : i32
        %dma_start3A_539 = arith.constant 0 : i32
        %dma_start3A_540 = tpu.memref_slice %dma_start3A_537[%dma_start3A_538, %dma_start3A_539] : memref<50176x32xf32, #tpu.memory_space<hbm>> -> memref<50176x32xf32, #tpu.memory_space<hbm>>
        %dma_start3A_541 = tpu.memref_slice %arg11[%dma_start3A_526] : memref<2x!tpu.dma_semaphore, #tpu.memory_space<semaphore_mem>> -> memref<1x!tpu.dma_semaphore, #tpu.memory_space<semaphore_mem>>
        %dma_start3A_542 = tpu.memref_squeeze %dma_start3A_541 : memref<1x!tpu.dma_semaphore, #tpu.memory_space<semaphore_mem>> -> memref<!tpu.dma_semaphore, #tpu.memory_space<semaphore_mem>>
        tpu.enqueue_indirect_dma source(%dma_start3A_540 : memref<50176x32xf32, #tpu.memory_space<hbm>>) target(%dma_start3A_530 : memref<256x32xf32, #tpu.memory_space<vmem>>) offsets(%dma_start3A_533 : memref<256xi32, #tpu.memory_space<vmem>>) semaphore(%dma_start3A_542 : memref<!tpu.dma_semaphore, #tpu.memory_space<semaphore_mem>>)
      } else {
      }
      %eq3A_35 = arith.constant 1 : i32
      %eq3A_36 = arith.cmpi eq, %arg0, %eq3A_35 : i32
      %convert_element_type3A_37 = arith.extui %eq3A_36 : i1 to i32
      %cond3A_38 = arith.constant 0 : i32
      %cond3A_39 = arith.constant 0 : i32
      %cond3A_40 = arith.cmpi ne, %convert_element_type3A_37, %cond3A_39 : i32
      scf.if %cond3A_40 {
        %dma_start3A_524 = arith.constant 1 : i32
        %dma_start3A_525 = arith.constant 0 : i32
        %dma_start3A_526 = arith.constant 0 : i32
        %dma_start3A_527 = arith.constant 0 : i32
        %dma_start3A_528 = arith.constant 0 : i32
        %dma_start3A_529 = tpu.memref_slice %arg8[%dma_start3A_525, %dma_start3A_527, %dma_start3A_528] : memref<2x256x32xf32, #tpu.memory_space<vmem>> -> memref<1x256x32xf32, #tpu.memory_space<vmem>>
        %dma_start3A_530 = tpu.memref_squeeze %dma_start3A_529 : memref<1x256x32xf32, #tpu.memory_space<vmem>> -> memref<256x32xf32, #tpu.memory_space<vmem>>
        %dma_start3A_531 = arith.constant 0 : i32
        %dma_start3A_532 = tpu.memref_slice %arg6[%cond3A_38, %dma_start3A_531] : memref<8x256xi32, #tpu.memory_space<vmem>> -> memref<1x256xi32, #tpu.memory_space<vmem>>
        %dma_start3A_533 = tpu.memref_squeeze %dma_start3A_532 : memref<1x256xi32, #tpu.memory_space<vmem>> -> memref<256xi32, #tpu.memory_space<vmem>>
        %dma_start3A_534 = arith.constant 0 : i32
        %dma_start3A_535 = arith.constant 0 : i32
        %dma_start3A_536 = tpu.memref_slice %arg2[%dma_start3A_524, %dma_start3A_534, %dma_start3A_535] : memref<2x50176x32xf32, #tpu.memory_space<hbm>> -> memref<1x50176x32xf32, #tpu.memory_space<hbm>>
        %dma_start3A_537 = tpu.memref_squeeze %dma_start3A_536 : memref<1x50176x32xf32, #tpu.memory_space<hbm>> -> memref<50176x32xf32, #tpu.memory_space<hbm>>
        %dma_start3A_538 = arith.constant 0 : i32
        %dma_start3A_539 = arith.constant 0 : i32
        %dma_start3A_540 = tpu.memref_slice %dma_start3A_537[%dma_start3A_538, %dma_start3A_539] : memref<50176x32xf32, #tpu.memory_space<hbm>> -> memref<50176x32xf32, #tpu.memory_space<hbm>>
        %dma_start3A_541 = tpu.memref_slice %arg11[%dma_start3A_526] : memref<2x!tpu.dma_semaphore, #tpu.memory_space<semaphore_mem>> -> memref<1x!tpu.dma_semaphore, #tpu.memory_space<semaphore_mem>>
        %dma_start3A_542 = tpu.memref_squeeze %dma_start3A_541 : memref<1x!tpu.dma_semaphore, #tpu.memory_space<semaphore_mem>> -> memref<!tpu.dma_semaphore, #tpu.memory_space<semaphore_mem>>
        tpu.enqueue_indirect_dma source(%dma_start3A_540 : memref<50176x32xf32, #tpu.memory_space<hbm>>) target(%dma_start3A_530 : memref<256x32xf32, #tpu.memory_space<vmem>>) offsets(%dma_start3A_533 : memref<256xi32, #tpu.memory_space<vmem>>) semaphore(%dma_start3A_542 : memref<!tpu.dma_semaphore, #tpu.memory_space<semaphore_mem>>)
      } else {
      }
      %eq3A_41 = arith.constant 0 : i32
      %eq3A_42 = arith.cmpi eq, %arg0, %eq3A_41 : i32
      %convert_element_type3A_43 = arith.extui %eq3A_42 : i1 to i32
      %cond3A_44 = arith.constant 1 : i32
      %cond3A_45 = arith.constant 0 : i32
      %cond3A_46 = arith.cmpi ne, %convert_element_type3A_43, %cond3A_45 : i32
      scf.if %cond3A_46 {
        %dma_start3A_524 = arith.constant 0 : i32
        %dma_start3A_525 = arith.constant 1 : i32
        %dma_start3A_526 = arith.constant 1 : i32
        %dma_start3A_527 = arith.constant 0 : i32
        %dma_start3A_528 = arith.constant 0 : i32
        %dma_start3A_529 = tpu.memref_slice %arg8[%dma_start3A_525, %dma_start3A_527, %dma_start3A_528] : memref<2x256x32xf32, #tpu.memory_space<vmem>> -> memref<1x256x32xf32, #tpu.memory_space<vmem>>
        %dma_start3A_530 = tpu.memref_squeeze %dma_start3A_529 : memref<1x256x32xf32, #tpu.memory_space<vmem>> -> memref<256x32xf32, #tpu.memory_space<vmem>>
        %dma_start3A_531 = arith.constant 0 : i32
        %dma_start3A_532 = tpu.memref_slice %arg6[%cond3A_44, %dma_start3A_531] : memref<8x256xi32, #tpu.memory_space<vmem>> -> memref<1x256xi32, #tpu.memory_space<vmem>>
        %dma_start3A_533 = tpu.memref_squeeze %dma_start3A_532 : memref<1x256xi32, #tpu.memory_space<vmem>> -> memref<256xi32, #tpu.memory_space<vmem>>
        %dma_start3A_534 = arith.constant 0 : i32
        %dma_start3A_535 = arith.constant 0 : i32
        %dma_start3A_536 = tpu.memref_slice %arg2[%dma_start3A_524, %dma_start3A_534, %dma_start3A_535] : memref<2x50176x32xf32, #tpu.memory_space<hbm>> -> memref<1x50176x32xf32, #tpu.memory_space<hbm>>
        %dma_start3A_537 = tpu.memref_squeeze %dma_start3A_536 : memref<1x50176x32xf32, #tpu.memory_space<hbm>> -> memref<50176x32xf32, #tpu.memory_space<hbm>>
        %dma_start3A_538 = arith.constant 0 : i32
        %dma_start3A_539 = arith.constant 0 : i32
        %dma_start3A_540 = tpu.memref_slice %dma_start3A_537[%dma_start3A_538, %dma_start3A_539] : memref<50176x32xf32, #tpu.memory_space<hbm>> -> memref<50176x32xf32, #tpu.memory_space<hbm>>
        %dma_start3A_541 = tpu.memref_slice %arg11[%dma_start3A_526] : memref<2x!tpu.dma_semaphore, #tpu.memory_space<semaphore_mem>> -> memref<1x!tpu.dma_semaphore, #tpu.memory_space<semaphore_mem>>
        %dma_start3A_542 = tpu.memref_squeeze %dma_start3A_541 : memref<1x!tpu.dma_semaphore, #tpu.memory_space<semaphore_mem>> -> memref<!tpu.dma_semaphore, #tpu.memory_space<semaphore_mem>>
        tpu.enqueue_indirect_dma source(%dma_start3A_540 : memref<50176x32xf32, #tpu.memory_space<hbm>>) target(%dma_start3A_530 : memref<256x32xf32, #tpu.memory_space<vmem>>) offsets(%dma_start3A_533 : memref<256xi32, #tpu.memory_space<vmem>>) semaphore(%dma_start3A_542 : memref<!tpu.dma_semaphore, #tpu.memory_space<semaphore_mem>>)
      } else {
      }
      %eq3A_47 = arith.constant 1 : i32
      %eq3A_48 = arith.cmpi eq, %arg0, %eq3A_47 : i32
      %convert_element_type3A_49 = arith.extui %eq3A_48 : i1 to i32
      %cond3A_50 = arith.constant 1 : i32
      %cond3A_51 = arith.constant 0 : i32
      %cond3A_52 = arith.cmpi ne, %convert_element_type3A_49, %cond3A_51 : i32
      scf.if %cond3A_52 {
        %dma_start3A_524 = arith.constant 1 : i32
        %dma_start3A_525 = arith.constant 1 : i32
        %dma_start3A_526 = arith.constant 1 : i32
        %dma_start3A_527 = arith.constant 0 : i32
        %dma_start3A_528 = arith.constant 0 : i32
        %dma_start3A_529 = tpu.memref_slice %arg8[%dma_start3A_525, %dma_start3A_527, %dma_start3A_528] : memref<2x256x32xf32, #tpu.memory_space<vmem>> -> memref<1x256x32xf32, #tpu.memory_space<vmem>>
        %dma_start3A_530 = tpu.memref_squeeze %dma_start3A_529 : memref<1x256x32xf32, #tpu.memory_space<vmem>> -> memref<256x32xf32, #tpu.memory_space<vmem>>
        %dma_start3A_531 = arith.constant 0 : i32
        %dma_start3A_532 = tpu.memref_slice %arg6[%cond3A_50, %dma_start3A_531] : memref<8x256xi32, #tpu.memory_space<vmem>> -> memref<1x256xi32, #tpu.memory_space<vmem>>
        %dma_start3A_533 = tpu.memref_squeeze %dma_start3A_532 : memref<1x256xi32, #tpu.memory_space<vmem>> -> memref<256xi32, #tpu.memory_space<vmem>>
        %dma_start3A_534 = arith.constant 0 : i32
        %dma_start3A_535 = arith.constant 0 : i32
        %dma_start3A_536 = tpu.memref_slice %arg2[%dma_start3A_524, %dma_start3A_534, %dma_start3A_535] : memref<2x50176x32xf32, #tpu.memory_space<hbm>> -> memref<1x50176x32xf32, #tpu.memory_space<hbm>>
        %dma_start3A_537 = tpu.memref_squeeze %dma_start3A_536 : memref<1x50176x32xf32, #tpu.memory_space<hbm>> -> memref<50176x32xf32, #tpu.memory_space<hbm>>
        %dma_start3A_538 = arith.constant 0 : i32
        %dma_start3A_539 = arith.constant 0 : i32
        %dma_start3A_540 = tpu.memref_slice %dma_start3A_537[%dma_start3A_538, %dma_start3A_539] : memref<50176x32xf32, #tpu.memory_space<hbm>> -> memref<50176x32xf32, #tpu.memory_space<hbm>>
        %dma_start3A_541 = tpu.memref_slice %arg11[%dma_start3A_526] : memref<2x!tpu.dma_semaphore, #tpu.memory_space<semaphore_mem>> -> memref<1x!tpu.dma_semaphore, #tpu.memory_space<semaphore_mem>>
        %dma_start3A_542 = tpu.memref_squeeze %dma_start3A_541 : memref<1x!tpu.dma_semaphore, #tpu.memory_space<semaphore_mem>> -> memref<!tpu.dma_semaphore, #tpu.memory_space<semaphore_mem>>
        tpu.enqueue_indirect_dma source(%dma_start3A_540 : memref<50176x32xf32, #tpu.memory_space<hbm>>) target(%dma_start3A_530 : memref<256x32xf32, #tpu.memory_space<vmem>>) offsets(%dma_start3A_533 : memref<256xi32, #tpu.memory_space<vmem>>) semaphore(%dma_start3A_542 : memref<!tpu.dma_semaphore, #tpu.memory_space<semaphore_mem>>)
      } else {
      }
      %dma_wait3A = arith.constant 0 : i32
      %dma_wait3A_53 = arith.constant 0 : i32
      %dma_wait3A_54 = arith.constant 0 : i32
      %dma_wait3A_55 = arith.constant 0 : i32
      %dma_wait3A_56 = arith.constant 0 : i32
      %dma_wait3A_57 = arith.constant 0 : i32
      %dma_wait3A_58 = tpu.memref_slice %arg8[%dma_wait3A_54, %dma_wait3A_56, %dma_wait3A_57] : memref<2x256x32xf32, #tpu.memory_space<vmem>> -> memref<1x256x32xf32, #tpu.memory_space<vmem>>
      %dma_wait3A_59 = tpu.memref_squeeze %dma_wait3A_58 : memref<1x256x32xf32, #tpu.memory_space<vmem>> -> memref<256x32xf32, #tpu.memory_space<vmem>>
      %dma_wait3A_60 = arith.constant 0 : i32
      %dma_wait3A_61 = tpu.memref_slice %arg6[%dma_wait3A_53, %dma_wait3A_60] : memref<8x256xi32, #tpu.memory_space<vmem>> -> memref<1x256xi32, #tpu.memory_space<vmem>>
      %dma_wait3A_62 = tpu.memref_squeeze %dma_wait3A_61 : memref<1x256xi32, #tpu.memory_space<vmem>> -> memref<256xi32, #tpu.memory_space<vmem>>
      %dma_wait3A_63 = arith.constant 0 : i32
      %dma_wait3A_64 = arith.constant 0 : i32
      %dma_wait3A_65 = tpu.memref_slice %arg2[%dma_wait3A, %dma_wait3A_63, %dma_wait3A_64] : memref<2x50176x32xf32, #tpu.memory_space<hbm>> -> memref<1x50176x32xf32, #tpu.memory_space<hbm>>
      %dma_wait3A_66 = tpu.memref_squeeze %dma_wait3A_65 : memref<1x50176x32xf32, #tpu.memory_space<hbm>> -> memref<50176x32xf32, #tpu.memory_space<hbm>>
      %dma_wait3A_67 = arith.constant 0 : i32
      %dma_wait3A_68 = arith.constant 0 : i32
      %dma_wait3A_69 = tpu.memref_slice %dma_wait3A_66[%dma_wait3A_67, %dma_wait3A_68] : memref<50176x32xf32, #tpu.memory_space<hbm>> -> memref<50176x32xf32, #tpu.memory_space<hbm>>
      %dma_wait3A_70 = tpu.memref_slice %arg11[%dma_wait3A_55] : memref<2x!tpu.dma_semaphore, #tpu.memory_space<semaphore_mem>> -> memref<1x!tpu.dma_semaphore, #tpu.memory_space<semaphore_mem>>
      %dma_wait3A_71 = tpu.memref_squeeze %dma_wait3A_70 : memref<1x!tpu.dma_semaphore, #tpu.memory_space<semaphore_mem>> -> memref<!tpu.dma_semaphore, #tpu.memory_space<semaphore_mem>>
      tpu.wait_indirect_dma semaphore(%dma_wait3A_71 : memref<!tpu.dma_semaphore, #tpu.memory_space<semaphore_mem>>) src(%dma_wait3A_69 : memref<50176x32xf32, #tpu.memory_space<hbm>>) dst(%dma_wait3A_59 : memref<256x32xf32, #tpu.memory_space<vmem>>)
      %dma_start3A = arith.constant 0 : i32
      %dma_start3A_72 = arith.constant 0 : i32
      %dma_start3A_73 = arith.constant 0 : i32
      %dma_start3A_74 = arith.constant 0 : i32
      %dma_start3A_75 = arith.constant 0 : i32
      %dma_start3A_76 = tpu.memref_slice %arg8[%dma_start3A, %dma_start3A_74, %dma_start3A_75] : memref<2x256x32xf32, #tpu.memory_space<vmem>> -> memref<1x256x32xf32, #tpu.memory_space<vmem>>
      %dma_start3A_77 = tpu.memref_squeeze %dma_start3A_76 : memref<1x256x32xf32, #tpu.memory_space<vmem>> -> memref<256x32xf32, #tpu.memory_space<vmem>>
      %dma_start3A_78 = arith.constant 0 : i32
      %dma_start3A_79 = tpu.memref_slice %arg7[%dma_start3A_72, %dma_start3A_78] : memref<8x256xi32, #tpu.memory_space<vmem>> -> memref<1x256xi32, #tpu.memory_space<vmem>>
      %dma_start3A_80 = tpu.memref_squeeze %dma_start3A_79 : memref<1x256xi32, #tpu.memory_space<vmem>> -> memref<256xi32, #tpu.memory_space<vmem>>
      %dma_start3A_81 = arith.constant 0 : i32
      %dma_start3A_82 = arith.constant 0 : i32
      %dma_start3A_83 = tpu.memref_slice %arg10[%dma_start3A_81, %dma_start3A_82] : memref<50176x32xf32, #tpu.memory_space<vmem_shared>> -> memref<50176x32xf32, #tpu.memory_space<vmem_shared>>
      %dma_start3A_84 = tpu.memref_slice %arg12[%dma_start3A_73] : memref<2x!tpu.dma_semaphore, #tpu.memory_space<semaphore_mem>> -> memref<1x!tpu.dma_semaphore, #tpu.memory_space<semaphore_mem>>
      %dma_start3A_85 = tpu.memref_squeeze %dma_start3A_84 : memref<1x!tpu.dma_semaphore, #tpu.memory_space<semaphore_mem>> -> memref<!tpu.dma_semaphore, #tpu.memory_space<semaphore_mem>>
      tpu.enqueue_indirect_dma source(%dma_start3A_77 : memref<256x32xf32, #tpu.memory_space<vmem>>) target(%dma_start3A_83 : memref<50176x32xf32, #tpu.memory_space<vmem_shared>>) offsets(%dma_start3A_80 : memref<256xi32, #tpu.memory_space<vmem>>) semaphore(%dma_start3A_85 : memref<!tpu.dma_semaphore, #tpu.memory_space<semaphore_mem>>) {add = true}
      %dma_wait3A_86 = arith.constant 0 : i32
      %dma_wait3A_87 = arith.constant 0 : i32
      %dma_wait3A_88 = arith.constant 0 : i32
      %dma_wait3A_89 = arith.constant 0 : i32
      %dma_wait3A_90 = arith.constant 0 : i32
      %dma_wait3A_91 = tpu.memref_slice %arg8[%dma_wait3A_86, %dma_wait3A_89, %dma_wait3A_90] : memref<2x256x32xf32, #tpu.memory_space<vmem>> -> memref<1x256x32xf32, #tpu.memory_space<vmem>>
      %dma_wait3A_92 = tpu.memref_squeeze %dma_wait3A_91 : memref<1x256x32xf32, #tpu.memory_space<vmem>> -> memref<256x32xf32, #tpu.memory_space<vmem>>
      %dma_wait3A_93 = arith.constant 0 : i32
      %dma_wait3A_94 = tpu.memref_slice %arg7[%dma_wait3A_87, %dma_wait3A_93] : memref<8x256xi32, #tpu.memory_space<vmem>> -> memref<1x256xi32, #tpu.memory_space<vmem>>
      %dma_wait3A_95 = tpu.memref_squeeze %dma_wait3A_94 : memref<1x256xi32, #tpu.memory_space<vmem>> -> memref<256xi32, #tpu.memory_space<vmem>>
      %dma_wait3A_96 = arith.constant 0 : i32
      %dma_wait3A_97 = arith.constant 0 : i32
      %dma_wait3A_98 = tpu.memref_slice %arg10[%dma_wait3A_96, %dma_wait3A_97] : memref<50176x32xf32, #tpu.memory_space<vmem_shared>> -> memref<50176x32xf32, #tpu.memory_space<vmem_shared>>
      %dma_wait3A_99 = tpu.memref_slice %arg12[%dma_wait3A_88] : memref<2x!tpu.dma_semaphore, #tpu.memory_space<semaphore_mem>> -> memref<1x!tpu.dma_semaphore, #tpu.memory_space<semaphore_mem>>
      %dma_wait3A_100 = tpu.memref_squeeze %dma_wait3A_99 : memref<1x!tpu.dma_semaphore, #tpu.memory_space<semaphore_mem>> -> memref<!tpu.dma_semaphore, #tpu.memory_space<semaphore_mem>>
      tpu.wait_indirect_dma semaphore(%dma_wait3A_100 : memref<!tpu.dma_semaphore, #tpu.memory_space<semaphore_mem>>) src(%dma_wait3A_92 : memref<256x32xf32, #tpu.memory_space<vmem>>) dst(%dma_wait3A_98 : memref<50176x32xf32, #tpu.memory_space<vmem_shared>>)
      %eq3A_101 = arith.constant 0 : i32
      %eq3A_102 = arith.cmpi eq, %arg0, %eq3A_101 : i32
      %convert_element_type3A_103 = arith.extui %eq3A_102 : i1 to i32
      %cond3A_104 = arith.constant 2 : i32
      %cond3A_105 = arith.constant 0 : i32
      %cond3A_106 = arith.cmpi ne, %convert_element_type3A_103, %cond3A_105 : i32
      scf.if %cond3A_106 {
        %dma_start3A_524 = arith.constant 0 : i32
        %dma_start3A_525 = arith.constant 0 : i32
        %dma_start3A_526 = arith.constant 0 : i32
        %dma_start3A_527 = arith.constant 0 : i32
        %dma_start3A_528 = arith.constant 0 : i32
        %dma_start3A_529 = tpu.memref_slice %arg8[%dma_start3A_525, %dma_start3A_527, %dma_start3A_528] : memref<2x256x32xf32, #tpu.memory_space<vmem>> -> memref<1x256x32xf32, #tpu.memory_space<vmem>>
        %dma_start3A_530 = tpu.memref_squeeze %dma_start3A_529 : memref<1x256x32xf32, #tpu.memory_space<vmem>> -> memref<256x32xf32, #tpu.memory_space<vmem>>
        %dma_start3A_531 = arith.constant 0 : i32
        %dma_start3A_532 = tpu.memref_slice %arg6[%cond3A_104, %dma_start3A_531] : memref<8x256xi32, #tpu.memory_space<vmem>> -> memref<1x256xi32, #tpu.memory_space<vmem>>
        %dma_start3A_533 = tpu.memref_squeeze %dma_start3A_532 : memref<1x256xi32, #tpu.memory_space<vmem>> -> memref<256xi32, #tpu.memory_space<vmem>>
        %dma_start3A_534 = arith.constant 0 : i32
        %dma_start3A_535 = arith.constant 0 : i32
        %dma_start3A_536 = tpu.memref_slice %arg2[%dma_start3A_524, %dma_start3A_534, %dma_start3A_535] : memref<2x50176x32xf32, #tpu.memory_space<hbm>> -> memref<1x50176x32xf32, #tpu.memory_space<hbm>>
        %dma_start3A_537 = tpu.memref_squeeze %dma_start3A_536 : memref<1x50176x32xf32, #tpu.memory_space<hbm>> -> memref<50176x32xf32, #tpu.memory_space<hbm>>
        %dma_start3A_538 = arith.constant 0 : i32
        %dma_start3A_539 = arith.constant 0 : i32
        %dma_start3A_540 = tpu.memref_slice %dma_start3A_537[%dma_start3A_538, %dma_start3A_539] : memref<50176x32xf32, #tpu.memory_space<hbm>> -> memref<50176x32xf32, #tpu.memory_space<hbm>>
        %dma_start3A_541 = tpu.memref_slice %arg11[%dma_start3A_526] : memref<2x!tpu.dma_semaphore, #tpu.memory_space<semaphore_mem>> -> memref<1x!tpu.dma_semaphore, #tpu.memory_space<semaphore_mem>>
        %dma_start3A_542 = tpu.memref_squeeze %dma_start3A_541 : memref<1x!tpu.dma_semaphore, #tpu.memory_space<semaphore_mem>> -> memref<!tpu.dma_semaphore, #tpu.memory_space<semaphore_mem>>
        tpu.enqueue_indirect_dma source(%dma_start3A_540 : memref<50176x32xf32, #tpu.memory_space<hbm>>) target(%dma_start3A_530 : memref<256x32xf32, #tpu.memory_space<vmem>>) offsets(%dma_start3A_533 : memref<256xi32, #tpu.memory_space<vmem>>) semaphore(%dma_start3A_542 : memref<!tpu.dma_semaphore, #tpu.memory_space<semaphore_mem>>)
      } else {
      }
      %eq3A_107 = arith.constant 1 : i32
      %eq3A_108 = arith.cmpi eq, %arg0, %eq3A_107 : i32
      %convert_element_type3A_109 = arith.extui %eq3A_108 : i1 to i32
      %cond3A_110 = arith.constant 2 : i32
      %cond3A_111 = arith.constant 0 : i32
      %cond3A_112 = arith.cmpi ne, %convert_element_type3A_109, %cond3A_111 : i32
      scf.if %cond3A_112 {
        %dma_start3A_524 = arith.constant 1 : i32
        %dma_start3A_525 = arith.constant 0 : i32
        %dma_start3A_526 = arith.constant 0 : i32
        %dma_start3A_527 = arith.constant 0 : i32
        %dma_start3A_528 = arith.constant 0 : i32
        %dma_start3A_529 = tpu.memref_slice %arg8[%dma_start3A_525, %dma_start3A_527, %dma_start3A_528] : memref<2x256x32xf32, #tpu.memory_space<vmem>> -> memref<1x256x32xf32, #tpu.memory_space<vmem>>
        %dma_start3A_530 = tpu.memref_squeeze %dma_start3A_529 : memref<1x256x32xf32, #tpu.memory_space<vmem>> -> memref<256x32xf32, #tpu.memory_space<vmem>>
        %dma_start3A_531 = arith.constant 0 : i32
        %dma_start3A_532 = tpu.memref_slice %arg6[%cond3A_110, %dma_start3A_531] : memref<8x256xi32, #tpu.memory_space<vmem>> -> memref<1x256xi32, #tpu.memory_space<vmem>>
        %dma_start3A_533 = tpu.memref_squeeze %dma_start3A_532 : memref<1x256xi32, #tpu.memory_space<vmem>> -> memref<256xi32, #tpu.memory_space<vmem>>
        %dma_start3A_534 = arith.constant 0 : i32
        %dma_start3A_535 = arith.constant 0 : i32
        %dma_start3A_536 = tpu.memref_slice %arg2[%dma_start3A_524, %dma_start3A_534, %dma_start3A_535] : memref<2x50176x32xf32, #tpu.memory_space<hbm>> -> memref<1x50176x32xf32, #tpu.memory_space<hbm>>
        %dma_start3A_537 = tpu.memref_squeeze %dma_start3A_536 : memref<1x50176x32xf32, #tpu.memory_space<hbm>> -> memref<50176x32xf32, #tpu.memory_space<hbm>>
        %dma_start3A_538 = arith.constant 0 : i32
        %dma_start3A_539 = arith.constant 0 : i32
        %dma_start3A_540 = tpu.memref_slice %dma_start3A_537[%dma_start3A_538, %dma_start3A_539] : memref<50176x32xf32, #tpu.memory_space<hbm>> -> memref<50176x32xf32, #tpu.memory_space<hbm>>
        %dma_start3A_541 = tpu.memref_slice %arg11[%dma_start3A_526] : memref<2x!tpu.dma_semaphore, #tpu.memory_space<semaphore_mem>> -> memref<1x!tpu.dma_semaphore, #tpu.memory_space<semaphore_mem>>
        %dma_start3A_542 = tpu.memref_squeeze %dma_start3A_541 : memref<1x!tpu.dma_semaphore, #tpu.memory_space<semaphore_mem>> -> memref<!tpu.dma_semaphore, #tpu.memory_space<semaphore_mem>>
        tpu.enqueue_indirect_dma source(%dma_start3A_540 : memref<50176x32xf32, #tpu.memory_space<hbm>>) target(%dma_start3A_530 : memref<256x32xf32, #tpu.memory_space<vmem>>) offsets(%dma_start3A_533 : memref<256xi32, #tpu.memory_space<vmem>>) semaphore(%dma_start3A_542 : memref<!tpu.dma_semaphore, #tpu.memory_space<semaphore_mem>>)
      } else {
      }
      %dma_wait3A_113 = arith.constant 0 : i32
      %dma_wait3A_114 = arith.constant 1 : i32
      %dma_wait3A_115 = arith.constant 1 : i32
      %dma_wait3A_116 = arith.constant 1 : i32
      %dma_wait3A_117 = arith.constant 0 : i32
      %dma_wait3A_118 = arith.constant 0 : i32
      %dma_wait3A_119 = tpu.memref_slice %arg8[%dma_wait3A_115, %dma_wait3A_117, %dma_wait3A_118] : memref<2x256x32xf32, #tpu.memory_space<vmem>> -> memref<1x256x32xf32, #tpu.memory_space<vmem>>
      %dma_wait3A_120 = tpu.memref_squeeze %dma_wait3A_119 : memref<1x256x32xf32, #tpu.memory_space<vmem>> -> memref<256x32xf32, #tpu.memory_space<vmem>>
      %dma_wait3A_121 = arith.constant 0 : i32
      %dma_wait3A_122 = tpu.memref_slice %arg6[%dma_wait3A_114, %dma_wait3A_121] : memref<8x256xi32, #tpu.memory_space<vmem>> -> memref<1x256xi32, #tpu.memory_space<vmem>>
      %dma_wait3A_123 = tpu.memref_squeeze %dma_wait3A_122 : memref<1x256xi32, #tpu.memory_space<vmem>> -> memref<256xi32, #tpu.memory_space<vmem>>
      %dma_wait3A_124 = arith.constant 0 : i32
      %dma_wait3A_125 = arith.constant 0 : i32
      %dma_wait3A_126 = tpu.memref_slice %arg2[%dma_wait3A_113, %dma_wait3A_124, %dma_wait3A_125] : memref<2x50176x32xf32, #tpu.memory_space<hbm>> -> memref<1x50176x32xf32, #tpu.memory_space<hbm>>
      %dma_wait3A_127 = tpu.memref_squeeze %dma_wait3A_126 : memref<1x50176x32xf32, #tpu.memory_space<hbm>> -> memref<50176x32xf32, #tpu.memory_space<hbm>>
      %dma_wait3A_128 = arith.constant 0 : i32
      %dma_wait3A_129 = arith.constant 0 : i32
      %dma_wait3A_130 = tpu.memref_slice %dma_wait3A_127[%dma_wait3A_128, %dma_wait3A_129] : memref<50176x32xf32, #tpu.memory_space<hbm>> -> memref<50176x32xf32, #tpu.memory_space<hbm>>
      %dma_wait3A_131 = tpu.memref_slice %arg11[%dma_wait3A_116] : memref<2x!tpu.dma_semaphore, #tpu.memory_space<semaphore_mem>> -> memref<1x!tpu.dma_semaphore, #tpu.memory_space<semaphore_mem>>
      %dma_wait3A_132 = tpu.memref_squeeze %dma_wait3A_131 : memref<1x!tpu.dma_semaphore, #tpu.memory_space<semaphore_mem>> -> memref<!tpu.dma_semaphore, #tpu.memory_space<semaphore_mem>>
      tpu.wait_indirect_dma semaphore(%dma_wait3A_132 : memref<!tpu.dma_semaphore, #tpu.memory_space<semaphore_mem>>) src(%dma_wait3A_130 : memref<50176x32xf32, #tpu.memory_space<hbm>>) dst(%dma_wait3A_120 : memref<256x32xf32, #tpu.memory_space<vmem>>)
      %dma_start3A_133 = arith.constant 1 : i32
      %dma_start3A_134 = arith.constant 1 : i32
      %dma_start3A_135 = arith.constant 1 : i32
      %dma_start3A_136 = arith.constant 0 : i32
      %dma_start3A_137 = arith.constant 0 : i32
      %dma_start3A_138 = tpu.memref_slice %arg8[%dma_start3A_133, %dma_start3A_136, %dma_start3A_137] : memref<2x256x32xf32, #tpu.memory_space<vmem>> -> memref<1x256x32xf32, #tpu.memory_space<vmem>>
      %dma_start3A_139 = tpu.memref_squeeze %dma_start3A_138 : memref<1x256x32xf32, #tpu.memory_space<vmem>> -> memref<256x32xf32, #tpu.memory_space<vmem>>
      %dma_start3A_140 = arith.constant 0 : i32
      %dma_start3A_141 = tpu.memref_slice %arg7[%dma_start3A_134, %dma_start3A_140] : memref<8x256xi32, #tpu.memory_space<vmem>> -> memref<1x256xi32, #tpu.memory_space<vmem>>
      %dma_start3A_142 = tpu.memref_squeeze %dma_start3A_141 : memref<1x256xi32, #tpu.memory_space<vmem>> -> memref<256xi32, #tpu.memory_space<vmem>>
      %dma_start3A_143 = arith.constant 0 : i32
      %dma_start3A_144 = arith.constant 0 : i32
      %dma_start3A_145 = tpu.memref_slice %arg10[%dma_start3A_143, %dma_start3A_144] : memref<50176x32xf32, #tpu.memory_space<vmem_shared>> -> memref<50176x32xf32, #tpu.memory_space<vmem_shared>>
      %dma_start3A_146 = tpu.memref_slice %arg12[%dma_start3A_135] : memref<2x!tpu.dma_semaphore, #tpu.memory_space<semaphore_mem>> -> memref<1x!tpu.dma_semaphore, #tpu.memory_space<semaphore_mem>>
      %dma_start3A_147 = tpu.memref_squeeze %dma_start3A_146 : memref<1x!tpu.dma_semaphore, #tpu.memory_space<semaphore_mem>> -> memref<!tpu.dma_semaphore, #tpu.memory_space<semaphore_mem>>
      tpu.enqueue_indirect_dma source(%dma_start3A_139 : memref<256x32xf32, #tpu.memory_space<vmem>>) target(%dma_start3A_145 : memref<50176x32xf32, #tpu.memory_space<vmem_shared>>) offsets(%dma_start3A_142 : memref<256xi32, #tpu.memory_space<vmem>>) semaphore(%dma_start3A_147 : memref<!tpu.dma_semaphore, #tpu.memory_space<semaphore_mem>>) {add = true}
      %dma_wait3A_148 = arith.constant 1 : i32
      %dma_wait3A_149 = arith.constant 1 : i32
      %dma_wait3A_150 = arith.constant 1 : i32
      %dma_wait3A_151 = arith.constant 0 : i32
      %dma_wait3A_152 = arith.constant 0 : i32
      %dma_wait3A_153 = tpu.memref_slice %arg8[%dma_wait3A_148, %dma_wait3A_151, %dma_wait3A_152] : memref<2x256x32xf32, #tpu.memory_space<vmem>> -> memref<1x256x32xf32, #tpu.memory_space<vmem>>
      %dma_wait3A_154 = tpu.memref_squeeze %dma_wait3A_153 : memref<1x256x32xf32, #tpu.memory_space<vmem>> -> memref<256x32xf32, #tpu.memory_space<vmem>>
      %dma_wait3A_155 = arith.constant 0 : i32
      %dma_wait3A_156 = tpu.memref_slice %arg7[%dma_wait3A_149, %dma_wait3A_155] : memref<8x256xi32, #tpu.memory_space<vmem>> -> memref<1x256xi32, #tpu.memory_space<vmem>>
      %dma_wait3A_157 = tpu.memref_squeeze %dma_wait3A_156 : memref<1x256xi32, #tpu.memory_space<vmem>> -> memref<256xi32, #tpu.memory_space<vmem>>
      %dma_wait3A_158 = arith.constant 0 : i32
      %dma_wait3A_159 = arith.constant 0 : i32
      %dma_wait3A_160 = tpu.memref_slice %arg10[%dma_wait3A_158, %dma_wait3A_159] : memref<50176x32xf32, #tpu.memory_space<vmem_shared>> -> memref<50176x32xf32, #tpu.memory_space<vmem_shared>>
      %dma_wait3A_161 = tpu.memref_slice %arg12[%dma_wait3A_150] : memref<2x!tpu.dma_semaphore, #tpu.memory_space<semaphore_mem>> -> memref<1x!tpu.dma_semaphore, #tpu.memory_space<semaphore_mem>>
      %dma_wait3A_162 = tpu.memref_squeeze %dma_wait3A_161 : memref<1x!tpu.dma_semaphore, #tpu.memory_space<semaphore_mem>> -> memref<!tpu.dma_semaphore, #tpu.memory_space<semaphore_mem>>
      tpu.wait_indirect_dma semaphore(%dma_wait3A_162 : memref<!tpu.dma_semaphore, #tpu.memory_space<semaphore_mem>>) src(%dma_wait3A_154 : memref<256x32xf32, #tpu.memory_space<vmem>>) dst(%dma_wait3A_160 : memref<50176x32xf32, #tpu.memory_space<vmem_shared>>)
      %eq3A_163 = arith.constant 0 : i32
      %eq3A_164 = arith.cmpi eq, %arg0, %eq3A_163 : i32
      %convert_element_type3A_165 = arith.extui %eq3A_164 : i1 to i32
      %cond3A_166 = arith.constant 3 : i32
      %cond3A_167 = arith.constant 0 : i32
      %cond3A_168 = arith.cmpi ne, %convert_element_type3A_165, %cond3A_167 : i32
      scf.if %cond3A_168 {
        %dma_start3A_524 = arith.constant 0 : i32
        %dma_start3A_525 = arith.constant 1 : i32
        %dma_start3A_526 = arith.constant 1 : i32
        %dma_start3A_527 = arith.constant 0 : i32
        %dma_start3A_528 = arith.constant 0 : i32
        %dma_start3A_529 = tpu.memref_slice %arg8[%dma_start3A_525, %dma_start3A_527, %dma_start3A_528] : memref<2x256x32xf32, #tpu.memory_space<vmem>> -> memref<1x256x32xf32, #tpu.memory_space<vmem>>
        %dma_start3A_530 = tpu.memref_squeeze %dma_start3A_529 : memref<1x256x32xf32, #tpu.memory_space<vmem>> -> memref<256x32xf32, #tpu.memory_space<vmem>>
        %dma_start3A_531 = arith.constant 0 : i32
        %dma_start3A_532 = tpu.memref_slice %arg6[%cond3A_166, %dma_start3A_531] : memref<8x256xi32, #tpu.memory_space<vmem>> -> memref<1x256xi32, #tpu.memory_space<vmem>>
        %dma_start3A_533 = tpu.memref_squeeze %dma_start3A_532 : memref<1x256xi32, #tpu.memory_space<vmem>> -> memref<256xi32, #tpu.memory_space<vmem>>
        %dma_start3A_534 = arith.constant 0 : i32
        %dma_start3A_535 = arith.constant 0 : i32
        %dma_start3A_536 = tpu.memref_slice %arg2[%dma_start3A_524, %dma_start3A_534, %dma_start3A_535] : memref<2x50176x32xf32, #tpu.memory_space<hbm>> -> memref<1x50176x32xf32, #tpu.memory_space<hbm>>
        %dma_start3A_537 = tpu.memref_squeeze %dma_start3A_536 : memref<1x50176x32xf32, #tpu.memory_space<hbm>> -> memref<50176x32xf32, #tpu.memory_space<hbm>>
        %dma_start3A_538 = arith.constant 0 : i32
        %dma_start3A_539 = arith.constant 0 : i32
        %dma_start3A_540 = tpu.memref_slice %dma_start3A_537[%dma_start3A_538, %dma_start3A_539] : memref<50176x32xf32, #tpu.memory_space<hbm>> -> memref<50176x32xf32, #tpu.memory_space<hbm>>
        %dma_start3A_541 = tpu.memref_slice %arg11[%dma_start3A_526] : memref<2x!tpu.dma_semaphore, #tpu.memory_space<semaphore_mem>> -> memref<1x!tpu.dma_semaphore, #tpu.memory_space<semaphore_mem>>
        %dma_start3A_542 = tpu.memref_squeeze %dma_start3A_541 : memref<1x!tpu.dma_semaphore, #tpu.memory_space<semaphore_mem>> -> memref<!tpu.dma_semaphore, #tpu.memory_space<semaphore_mem>>
        tpu.enqueue_indirect_dma source(%dma_start3A_540 : memref<50176x32xf32, #tpu.memory_space<hbm>>) target(%dma_start3A_530 : memref<256x32xf32, #tpu.memory_space<vmem>>) offsets(%dma_start3A_533 : memref<256xi32, #tpu.memory_space<vmem>>) semaphore(%dma_start3A_542 : memref<!tpu.dma_semaphore, #tpu.memory_space<semaphore_mem>>)
      } else {
      }
      %eq3A_169 = arith.constant 1 : i32
      %eq3A_170 = arith.cmpi eq, %arg0, %eq3A_169 : i32
      %convert_element_type3A_171 = arith.extui %eq3A_170 : i1 to i32
      %cond3A_172 = arith.constant 3 : i32
      %cond3A_173 = arith.constant 0 : i32
      %cond3A_174 = arith.cmpi ne, %convert_element_type3A_171, %cond3A_173 : i32
      scf.if %cond3A_174 {
        %dma_start3A_524 = arith.constant 1 : i32
        %dma_start3A_525 = arith.constant 1 : i32
        %dma_start3A_526 = arith.constant 1 : i32
        %dma_start3A_527 = arith.constant 0 : i32
        %dma_start3A_528 = arith.constant 0 : i32
        %dma_start3A_529 = tpu.memref_slice %arg8[%dma_start3A_525, %dma_start3A_527, %dma_start3A_528] : memref<2x256x32xf32, #tpu.memory_space<vmem>> -> memref<1x256x32xf32, #tpu.memory_space<vmem>>
        %dma_start3A_530 = tpu.memref_squeeze %dma_start3A_529 : memref<1x256x32xf32, #tpu.memory_space<vmem>> -> memref<256x32xf32, #tpu.memory_space<vmem>>
        %dma_start3A_531 = arith.constant 0 : i32
        %dma_start3A_532 = tpu.memref_slice %arg6[%cond3A_172, %dma_start3A_531] : memref<8x256xi32, #tpu.memory_space<vmem>> -> memref<1x256xi32, #tpu.memory_space<vmem>>
        %dma_start3A_533 = tpu.memref_squeeze %dma_start3A_532 : memref<1x256xi32, #tpu.memory_space<vmem>> -> memref<256xi32, #tpu.memory_space<vmem>>
        %dma_start3A_534 = arith.constant 0 : i32
        %dma_start3A_535 = arith.constant 0 : i32
        %dma_start3A_536 = tpu.memref_slice %arg2[%dma_start3A_524, %dma_start3A_534, %dma_start3A_535] : memref<2x50176x32xf32, #tpu.memory_space<hbm>> -> memref<1x50176x32xf32, #tpu.memory_space<hbm>>
        %dma_start3A_537 = tpu.memref_squeeze %dma_start3A_536 : memref<1x50176x32xf32, #tpu.memory_space<hbm>> -> memref<50176x32xf32, #tpu.memory_space<hbm>>
        %dma_start3A_538 = arith.constant 0 : i32
        %dma_start3A_539 = arith.constant 0 : i32
        %dma_start3A_540 = tpu.memref_slice %dma_start3A_537[%dma_start3A_538, %dma_start3A_539] : memref<50176x32xf32, #tpu.memory_space<hbm>> -> memref<50176x32xf32, #tpu.memory_space<hbm>>
        %dma_start3A_541 = tpu.memref_slice %arg11[%dma_start3A_526] : memref<2x!tpu.dma_semaphore, #tpu.memory_space<semaphore_mem>> -> memref<1x!tpu.dma_semaphore, #tpu.memory_space<semaphore_mem>>
        %dma_start3A_542 = tpu.memref_squeeze %dma_start3A_541 : memref<1x!tpu.dma_semaphore, #tpu.memory_space<semaphore_mem>> -> memref<!tpu.dma_semaphore, #tpu.memory_space<semaphore_mem>>
        tpu.enqueue_indirect_dma source(%dma_start3A_540 : memref<50176x32xf32, #tpu.memory_space<hbm>>) target(%dma_start3A_530 : memref<256x32xf32, #tpu.memory_space<vmem>>) offsets(%dma_start3A_533 : memref<256xi32, #tpu.memory_space<vmem>>) semaphore(%dma_start3A_542 : memref<!tpu.dma_semaphore, #tpu.memory_space<semaphore_mem>>)
      } else {
      }
      %dma_wait3A_175 = arith.constant 0 : i32
      %dma_wait3A_176 = arith.constant 2 : i32
      %dma_wait3A_177 = arith.constant 0 : i32
      %dma_wait3A_178 = arith.constant 0 : i32
      %dma_wait3A_179 = arith.constant 0 : i32
      %dma_wait3A_180 = arith.constant 0 : i32
      %dma_wait3A_181 = tpu.memref_slice %arg8[%dma_wait3A_177, %dma_wait3A_179, %dma_wait3A_180] : memref<2x256x32xf32, #tpu.memory_space<vmem>> -> memref<1x256x32xf32, #tpu.memory_space<vmem>>
      %dma_wait3A_182 = tpu.memref_squeeze %dma_wait3A_181 : memref<1x256x32xf32, #tpu.memory_space<vmem>> -> memref<256x32xf32, #tpu.memory_space<vmem>>
      %dma_wait3A_183 = arith.constant 0 : i32
      %dma_wait3A_184 = tpu.memref_slice %arg6[%dma_wait3A_176, %dma_wait3A_183] : memref<8x256xi32, #tpu.memory_space<vmem>> -> memref<1x256xi32, #tpu.memory_space<vmem>>
      %dma_wait3A_185 = tpu.memref_squeeze %dma_wait3A_184 : memref<1x256xi32, #tpu.memory_space<vmem>> -> memref<256xi32, #tpu.memory_space<vmem>>
      %dma_wait3A_186 = arith.constant 0 : i32
      %dma_wait3A_187 = arith.constant 0 : i32
      %dma_wait3A_188 = tpu.memref_slice %arg2[%dma_wait3A_175, %dma_wait3A_186, %dma_wait3A_187] : memref<2x50176x32xf32, #tpu.memory_space<hbm>> -> memref<1x50176x32xf32, #tpu.memory_space<hbm>>
      %dma_wait3A_189 = tpu.memref_squeeze %dma_wait3A_188 : memref<1x50176x32xf32, #tpu.memory_space<hbm>> -> memref<50176x32xf32, #tpu.memory_space<hbm>>
      %dma_wait3A_190 = arith.constant 0 : i32
      %dma_wait3A_191 = arith.constant 0 : i32
      %dma_wait3A_192 = tpu.memref_slice %dma_wait3A_189[%dma_wait3A_190, %dma_wait3A_191] : memref<50176x32xf32, #tpu.memory_space<hbm>> -> memref<50176x32xf32, #tpu.memory_space<hbm>>
      %dma_wait3A_193 = tpu.memref_slice %arg11[%dma_wait3A_178] : memref<2x!tpu.dma_semaphore, #tpu.memory_space<semaphore_mem>> -> memref<1x!tpu.dma_semaphore, #tpu.memory_space<semaphore_mem>>
      %dma_wait3A_194 = tpu.memref_squeeze %dma_wait3A_193 : memref<1x!tpu.dma_semaphore, #tpu.memory_space<semaphore_mem>> -> memref<!tpu.dma_semaphore, #tpu.memory_space<semaphore_mem>>
      tpu.wait_indirect_dma semaphore(%dma_wait3A_194 : memref<!tpu.dma_semaphore, #tpu.memory_space<semaphore_mem>>) src(%dma_wait3A_192 : memref<50176x32xf32, #tpu.memory_space<hbm>>) dst(%dma_wait3A_182 : memref<256x32xf32, #tpu.memory_space<vmem>>)
      %dma_start3A_195 = arith.constant 0 : i32
      %dma_start3A_196 = arith.constant 2 : i32
      %dma_start3A_197 = arith.constant 0 : i32
      %dma_start3A_198 = arith.constant 0 : i32
      %dma_start3A_199 = arith.constant 0 : i32
      %dma_start3A_200 = tpu.memref_slice %arg8[%dma_start3A_195, %dma_start3A_198, %dma_start3A_199] : memref<2x256x32xf32, #tpu.memory_space<vmem>> -> memref<1x256x32xf32, #tpu.memory_space<vmem>>
      %dma_start3A_201 = tpu.memref_squeeze %dma_start3A_200 : memref<1x256x32xf32, #tpu.memory_space<vmem>> -> memref<256x32xf32, #tpu.memory_space<vmem>>
      %dma_start3A_202 = arith.constant 0 : i32
      %dma_start3A_203 = tpu.memref_slice %arg7[%dma_start3A_196, %dma_start3A_202] : memref<8x256xi32, #tpu.memory_space<vmem>> -> memref<1x256xi32, #tpu.memory_space<vmem>>
      %dma_start3A_204 = tpu.memref_squeeze %dma_start3A_203 : memref<1x256xi32, #tpu.memory_space<vmem>> -> memref<256xi32, #tpu.memory_space<vmem>>
      %dma_start3A_205 = arith.constant 0 : i32
      %dma_start3A_206 = arith.constant 0 : i32
      %dma_start3A_207 = tpu.memref_slice %arg10[%dma_start3A_205, %dma_start3A_206] : memref<50176x32xf32, #tpu.memory_space<vmem_shared>> -> memref<50176x32xf32, #tpu.memory_space<vmem_shared>>
      %dma_start3A_208 = tpu.memref_slice %arg12[%dma_start3A_197] : memref<2x!tpu.dma_semaphore, #tpu.memory_space<semaphore_mem>> -> memref<1x!tpu.dma_semaphore, #tpu.memory_space<semaphore_mem>>
      %dma_start3A_209 = tpu.memref_squeeze %dma_start3A_208 : memref<1x!tpu.dma_semaphore, #tpu.memory_space<semaphore_mem>> -> memref<!tpu.dma_semaphore, #tpu.memory_space<semaphore_mem>>
      tpu.enqueue_indirect_dma source(%dma_start3A_201 : memref<256x32xf32, #tpu.memory_space<vmem>>) target(%dma_start3A_207 : memref<50176x32xf32, #tpu.memory_space<vmem_shared>>) offsets(%dma_start3A_204 : memref<256xi32, #tpu.memory_space<vmem>>) semaphore(%dma_start3A_209 : memref<!tpu.dma_semaphore, #tpu.memory_space<semaphore_mem>>) {add = true}
      %dma_wait3A_210 = arith.constant 0 : i32
      %dma_wait3A_211 = arith.constant 2 : i32
      %dma_wait3A_212 = arith.constant 0 : i32
      %dma_wait3A_213 = arith.constant 0 : i32
      %dma_wait3A_214 = arith.constant 0 : i32
      %dma_wait3A_215 = tpu.memref_slice %arg8[%dma_wait3A_210, %dma_wait3A_213, %dma_wait3A_214] : memref<2x256x32xf32, #tpu.memory_space<vmem>> -> memref<1x256x32xf32, #tpu.memory_space<vmem>>
      %dma_wait3A_216 = tpu.memref_squeeze %dma_wait3A_215 : memref<1x256x32xf32, #tpu.memory_space<vmem>> -> memref<256x32xf32, #tpu.memory_space<vmem>>
      %dma_wait3A_217 = arith.constant 0 : i32
      %dma_wait3A_218 = tpu.memref_slice %arg7[%dma_wait3A_211, %dma_wait3A_217] : memref<8x256xi32, #tpu.memory_space<vmem>> -> memref<1x256xi32, #tpu.memory_space<vmem>>
      %dma_wait3A_219 = tpu.memref_squeeze %dma_wait3A_218 : memref<1x256xi32, #tpu.memory_space<vmem>> -> memref<256xi32, #tpu.memory_space<vmem>>
      %dma_wait3A_220 = arith.constant 0 : i32
      %dma_wait3A_221 = arith.constant 0 : i32
      %dma_wait3A_222 = tpu.memref_slice %arg10[%dma_wait3A_220, %dma_wait3A_221] : memref<50176x32xf32, #tpu.memory_space<vmem_shared>> -> memref<50176x32xf32, #tpu.memory_space<vmem_shared>>
      %dma_wait3A_223 = tpu.memref_slice %arg12[%dma_wait3A_212] : memref<2x!tpu.dma_semaphore, #tpu.memory_space<semaphore_mem>> -> memref<1x!tpu.dma_semaphore, #tpu.memory_space<semaphore_mem>>
      %dma_wait3A_224 = tpu.memref_squeeze %dma_wait3A_223 : memref<1x!tpu.dma_semaphore, #tpu.memory_space<semaphore_mem>> -> memref<!tpu.dma_semaphore, #tpu.memory_space<semaphore_mem>>
      tpu.wait_indirect_dma semaphore(%dma_wait3A_224 : memref<!tpu.dma_semaphore, #tpu.memory_space<semaphore_mem>>) src(%dma_wait3A_216 : memref<256x32xf32, #tpu.memory_space<vmem>>) dst(%dma_wait3A_222 : memref<50176x32xf32, #tpu.memory_space<vmem_shared>>)
      %eq3A_225 = arith.constant 0 : i32
      %eq3A_226 = arith.cmpi eq, %arg0, %eq3A_225 : i32
      %convert_element_type3A_227 = arith.extui %eq3A_226 : i1 to i32
      %cond3A_228 = arith.constant 4 : i32
      %cond3A_229 = arith.constant 0 : i32
      %cond3A_230 = arith.cmpi ne, %convert_element_type3A_227, %cond3A_229 : i32
      scf.if %cond3A_230 {
        %dma_start3A_524 = arith.constant 0 : i32
        %dma_start3A_525 = arith.constant 0 : i32
        %dma_start3A_526 = arith.constant 0 : i32
        %dma_start3A_527 = arith.constant 0 : i32
        %dma_start3A_528 = arith.constant 0 : i32
        %dma_start3A_529 = tpu.memref_slice %arg8[%dma_start3A_525, %dma_start3A_527, %dma_start3A_528] : memref<2x256x32xf32, #tpu.memory_space<vmem>> -> memref<1x256x32xf32, #tpu.memory_space<vmem>>
        %dma_start3A_530 = tpu.memref_squeeze %dma_start3A_529 : memref<1x256x32xf32, #tpu.memory_space<vmem>> -> memref<256x32xf32, #tpu.memory_space<vmem>>
        %dma_start3A_531 = arith.constant 0 : i32
        %dma_start3A_532 = tpu.memref_slice %arg6[%cond3A_228, %dma_start3A_531] : memref<8x256xi32, #tpu.memory_space<vmem>> -> memref<1x256xi32, #tpu.memory_space<vmem>>
        %dma_start3A_533 = tpu.memref_squeeze %dma_start3A_532 : memref<1x256xi32, #tpu.memory_space<vmem>> -> memref<256xi32, #tpu.memory_space<vmem>>
        %dma_start3A_534 = arith.constant 0 : i32
        %dma_start3A_535 = arith.constant 0 : i32
        %dma_start3A_536 = tpu.memref_slice %arg2[%dma_start3A_524, %dma_start3A_534, %dma_start3A_535] : memref<2x50176x32xf32, #tpu.memory_space<hbm>> -> memref<1x50176x32xf32, #tpu.memory_space<hbm>>
        %dma_start3A_537 = tpu.memref_squeeze %dma_start3A_536 : memref<1x50176x32xf32, #tpu.memory_space<hbm>> -> memref<50176x32xf32, #tpu.memory_space<hbm>>
        %dma_start3A_538 = arith.constant 0 : i32
        %dma_start3A_539 = arith.constant 0 : i32
        %dma_start3A_540 = tpu.memref_slice %dma_start3A_537[%dma_start3A_538, %dma_start3A_539] : memref<50176x32xf32, #tpu.memory_space<hbm>> -> memref<50176x32xf32, #tpu.memory_space<hbm>>
        %dma_start3A_541 = tpu.memref_slice %arg11[%dma_start3A_526] : memref<2x!tpu.dma_semaphore, #tpu.memory_space<semaphore_mem>> -> memref<1x!tpu.dma_semaphore, #tpu.memory_space<semaphore_mem>>
        %dma_start3A_542 = tpu.memref_squeeze %dma_start3A_541 : memref<1x!tpu.dma_semaphore, #tpu.memory_space<semaphore_mem>> -> memref<!tpu.dma_semaphore, #tpu.memory_space<semaphore_mem>>
        tpu.enqueue_indirect_dma source(%dma_start3A_540 : memref<50176x32xf32, #tpu.memory_space<hbm>>) target(%dma_start3A_530 : memref<256x32xf32, #tpu.memory_space<vmem>>) offsets(%dma_start3A_533 : memref<256xi32, #tpu.memory_space<vmem>>) semaphore(%dma_start3A_542 : memref<!tpu.dma_semaphore, #tpu.memory_space<semaphore_mem>>)
      } else {
      }
      %eq3A_231 = arith.constant 1 : i32
      %eq3A_232 = arith.cmpi eq, %arg0, %eq3A_231 : i32
      %convert_element_type3A_233 = arith.extui %eq3A_232 : i1 to i32
      %cond3A_234 = arith.constant 4 : i32
      %cond3A_235 = arith.constant 0 : i32
      %cond3A_236 = arith.cmpi ne, %convert_element_type3A_233, %cond3A_235 : i32
      scf.if %cond3A_236 {
        %dma_start3A_524 = arith.constant 1 : i32
        %dma_start3A_525 = arith.constant 0 : i32
        %dma_start3A_526 = arith.constant 0 : i32
        %dma_start3A_527 = arith.constant 0 : i32
        %dma_start3A_528 = arith.constant 0 : i32
        %dma_start3A_529 = tpu.memref_slice %arg8[%dma_start3A_525, %dma_start3A_527, %dma_start3A_528] : memref<2x256x32xf32, #tpu.memory_space<vmem>> -> memref<1x256x32xf32, #tpu.memory_space<vmem>>
        %dma_start3A_530 = tpu.memref_squeeze %dma_start3A_529 : memref<1x256x32xf32, #tpu.memory_space<vmem>> -> memref<256x32xf32, #tpu.memory_space<vmem>>
        %dma_start3A_531 = arith.constant 0 : i32
        %dma_start3A_532 = tpu.memref_slice %arg6[%cond3A_234, %dma_start3A_531] : memref<8x256xi32, #tpu.memory_space<vmem>> -> memref<1x256xi32, #tpu.memory_space<vmem>>
        %dma_start3A_533 = tpu.memref_squeeze %dma_start3A_532 : memref<1x256xi32, #tpu.memory_space<vmem>> -> memref<256xi32, #tpu.memory_space<vmem>>
        %dma_start3A_534 = arith.constant 0 : i32
        %dma_start3A_535 = arith.constant 0 : i32
        %dma_start3A_536 = tpu.memref_slice %arg2[%dma_start3A_524, %dma_start3A_534, %dma_start3A_535] : memref<2x50176x32xf32, #tpu.memory_space<hbm>> -> memref<1x50176x32xf32, #tpu.memory_space<hbm>>
        %dma_start3A_537 = tpu.memref_squeeze %dma_start3A_536 : memref<1x50176x32xf32, #tpu.memory_space<hbm>> -> memref<50176x32xf32, #tpu.memory_space<hbm>>
        %dma_start3A_538 = arith.constant 0 : i32
        %dma_start3A_539 = arith.constant 0 : i32
        %dma_start3A_540 = tpu.memref_slice %dma_start3A_537[%dma_start3A_538, %dma_start3A_539] : memref<50176x32xf32, #tpu.memory_space<hbm>> -> memref<50176x32xf32, #tpu.memory_space<hbm>>
        %dma_start3A_541 = tpu.memref_slice %arg11[%dma_start3A_526] : memref<2x!tpu.dma_semaphore, #tpu.memory_space<semaphore_mem>> -> memref<1x!tpu.dma_semaphore, #tpu.memory_space<semaphore_mem>>
        %dma_start3A_542 = tpu.memref_squeeze %dma_start3A_541 : memref<1x!tpu.dma_semaphore, #tpu.memory_space<semaphore_mem>> -> memref<!tpu.dma_semaphore, #tpu.memory_space<semaphore_mem>>
        tpu.enqueue_indirect_dma source(%dma_start3A_540 : memref<50176x32xf32, #tpu.memory_space<hbm>>) target(%dma_start3A_530 : memref<256x32xf32, #tpu.memory_space<vmem>>) offsets(%dma_start3A_533 : memref<256xi32, #tpu.memory_space<vmem>>) semaphore(%dma_start3A_542 : memref<!tpu.dma_semaphore, #tpu.memory_space<semaphore_mem>>)
      } else {
      }
      %dma_wait3A_237 = arith.constant 0 : i32
      %dma_wait3A_238 = arith.constant 3 : i32
      %dma_wait3A_239 = arith.constant 1 : i32
      %dma_wait3A_240 = arith.constant 1 : i32
      %dma_wait3A_241 = arith.constant 0 : i32
      %dma_wait3A_242 = arith.constant 0 : i32
      %dma_wait3A_243 = tpu.memref_slice %arg8[%dma_wait3A_239, %dma_wait3A_241, %dma_wait3A_242] : memref<2x256x32xf32, #tpu.memory_space<vmem>> -> memref<1x256x32xf32, #tpu.memory_space<vmem>>
      %dma_wait3A_244 = tpu.memref_squeeze %dma_wait3A_243 : memref<1x256x32xf32, #tpu.memory_space<vmem>> -> memref<256x32xf32, #tpu.memory_space<vmem>>
      %dma_wait3A_245 = arith.constant 0 : i32
      %dma_wait3A_246 = tpu.memref_slice %arg6[%dma_wait3A_238, %dma_wait3A_245] : memref<8x256xi32, #tpu.memory_space<vmem>> -> memref<1x256xi32, #tpu.memory_space<vmem>>
      %dma_wait3A_247 = tpu.memref_squeeze %dma_wait3A_246 : memref<1x256xi32, #tpu.memory_space<vmem>> -> memref<256xi32, #tpu.memory_space<vmem>>
      %dma_wait3A_248 = arith.constant 0 : i32
      %dma_wait3A_249 = arith.constant 0 : i32
      %dma_wait3A_250 = tpu.memref_slice %arg2[%dma_wait3A_237, %dma_wait3A_248, %dma_wait3A_249] : memref<2x50176x32xf32, #tpu.memory_space<hbm>> -> memref<1x50176x32xf32, #tpu.memory_space<hbm>>
      %dma_wait3A_251 = tpu.memref_squeeze %dma_wait3A_250 : memref<1x50176x32xf32, #tpu.memory_space<hbm>> -> memref<50176x32xf32, #tpu.memory_space<hbm>>
      %dma_wait3A_252 = arith.constant 0 : i32
      %dma_wait3A_253 = arith.constant 0 : i32
      %dma_wait3A_254 = tpu.memref_slice %dma_wait3A_251[%dma_wait3A_252, %dma_wait3A_253] : memref<50176x32xf32, #tpu.memory_space<hbm>> -> memref<50176x32xf32, #tpu.memory_space<hbm>>
      %dma_wait3A_255 = tpu.memref_slice %arg11[%dma_wait3A_240] : memref<2x!tpu.dma_semaphore, #tpu.memory_space<semaphore_mem>> -> memref<1x!tpu.dma_semaphore, #tpu.memory_space<semaphore_mem>>
      %dma_wait3A_256 = tpu.memref_squeeze %dma_wait3A_255 : memref<1x!tpu.dma_semaphore, #tpu.memory_space<semaphore_mem>> -> memref<!tpu.dma_semaphore, #tpu.memory_space<semaphore_mem>>
      tpu.wait_indirect_dma semaphore(%dma_wait3A_256 : memref<!tpu.dma_semaphore, #tpu.memory_space<semaphore_mem>>) src(%dma_wait3A_254 : memref<50176x32xf32, #tpu.memory_space<hbm>>) dst(%dma_wait3A_244 : memref<256x32xf32, #tpu.memory_space<vmem>>)
      %dma_start3A_257 = arith.constant 1 : i32
      %dma_start3A_258 = arith.constant 3 : i32
      %dma_start3A_259 = arith.constant 1 : i32
      %dma_start3A_260 = arith.constant 0 : i32
      %dma_start3A_261 = arith.constant 0 : i32
      %dma_start3A_262 = tpu.memref_slice %arg8[%dma_start3A_257, %dma_start3A_260, %dma_start3A_261] : memref<2x256x32xf32, #tpu.memory_space<vmem>> -> memref<1x256x32xf32, #tpu.memory_space<vmem>>
      %dma_start3A_263 = tpu.memref_squeeze %dma_start3A_262 : memref<1x256x32xf32, #tpu.memory_space<vmem>> -> memref<256x32xf32, #tpu.memory_space<vmem>>
      %dma_start3A_264 = arith.constant 0 : i32
      %dma_start3A_265 = tpu.memref_slice %arg7[%dma_start3A_258, %dma_start3A_264] : memref<8x256xi32, #tpu.memory_space<vmem>> -> memref<1x256xi32, #tpu.memory_space<vmem>>
      %dma_start3A_266 = tpu.memref_squeeze %dma_start3A_265 : memref<1x256xi32, #tpu.memory_space<vmem>> -> memref<256xi32, #tpu.memory_space<vmem>>
      %dma_start3A_267 = arith.constant 0 : i32
      %dma_start3A_268 = arith.constant 0 : i32
      %dma_start3A_269 = tpu.memref_slice %arg10[%dma_start3A_267, %dma_start3A_268] : memref<50176x32xf32, #tpu.memory_space<vmem_shared>> -> memref<50176x32xf32, #tpu.memory_space<vmem_shared>>
      %dma_start3A_270 = tpu.memref_slice %arg12[%dma_start3A_259] : memref<2x!tpu.dma_semaphore, #tpu.memory_space<semaphore_mem>> -> memref<1x!tpu.dma_semaphore, #tpu.memory_space<semaphore_mem>>
      %dma_start3A_271 = tpu.memref_squeeze %dma_start3A_270 : memref<1x!tpu.dma_semaphore, #tpu.memory_space<semaphore_mem>> -> memref<!tpu.dma_semaphore, #tpu.memory_space<semaphore_mem>>
      tpu.enqueue_indirect_dma source(%dma_start3A_263 : memref<256x32xf32, #tpu.memory_space<vmem>>) target(%dma_start3A_269 : memref<50176x32xf32, #tpu.memory_space<vmem_shared>>) offsets(%dma_start3A_266 : memref<256xi32, #tpu.memory_space<vmem>>) semaphore(%dma_start3A_271 : memref<!tpu.dma_semaphore, #tpu.memory_space<semaphore_mem>>) {add = true}
      %dma_wait3A_272 = arith.constant 1 : i32
      %dma_wait3A_273 = arith.constant 3 : i32
      %dma_wait3A_274 = arith.constant 1 : i32
      %dma_wait3A_275 = arith.constant 0 : i32
      %dma_wait3A_276 = arith.constant 0 : i32
      %dma_wait3A_277 = tpu.memref_slice %arg8[%dma_wait3A_272, %dma_wait3A_275, %dma_wait3A_276] : memref<2x256x32xf32, #tpu.memory_space<vmem>> -> memref<1x256x32xf32, #tpu.memory_space<vmem>>
      %dma_wait3A_278 = tpu.memref_squeeze %dma_wait3A_277 : memref<1x256x32xf32, #tpu.memory_space<vmem>> -> memref<256x32xf32, #tpu.memory_space<vmem>>
      %dma_wait3A_279 = arith.constant 0 : i32
      %dma_wait3A_280 = tpu.memref_slice %arg7[%dma_wait3A_273, %dma_wait3A_279] : memref<8x256xi32, #tpu.memory_space<vmem>> -> memref<1x256xi32, #tpu.memory_space<vmem>>
      %dma_wait3A_281 = tpu.memref_squeeze %dma_wait3A_280 : memref<1x256xi32, #tpu.memory_space<vmem>> -> memref<256xi32, #tpu.memory_space<vmem>>
      %dma_wait3A_282 = arith.constant 0 : i32
      %dma_wait3A_283 = arith.constant 0 : i32
      %dma_wait3A_284 = tpu.memref_slice %arg10[%dma_wait3A_282, %dma_wait3A_283] : memref<50176x32xf32, #tpu.memory_space<vmem_shared>> -> memref<50176x32xf32, #tpu.memory_space<vmem_shared>>
      %dma_wait3A_285 = tpu.memref_slice %arg12[%dma_wait3A_274] : memref<2x!tpu.dma_semaphore, #tpu.memory_space<semaphore_mem>> -> memref<1x!tpu.dma_semaphore, #tpu.memory_space<semaphore_mem>>
      %dma_wait3A_286 = tpu.memref_squeeze %dma_wait3A_285 : memref<1x!tpu.dma_semaphore, #tpu.memory_space<semaphore_mem>> -> memref<!tpu.dma_semaphore, #tpu.memory_space<semaphore_mem>>
      tpu.wait_indirect_dma semaphore(%dma_wait3A_286 : memref<!tpu.dma_semaphore, #tpu.memory_space<semaphore_mem>>) src(%dma_wait3A_278 : memref<256x32xf32, #tpu.memory_space<vmem>>) dst(%dma_wait3A_284 : memref<50176x32xf32, #tpu.memory_space<vmem_shared>>)
      %eq3A_287 = arith.constant 0 : i32
      %eq3A_288 = arith.cmpi eq, %arg0, %eq3A_287 : i32
      %convert_element_type3A_289 = arith.extui %eq3A_288 : i1 to i32
      %cond3A_290 = arith.constant 5 : i32
      %cond3A_291 = arith.constant 0 : i32
      %cond3A_292 = arith.cmpi ne, %convert_element_type3A_289, %cond3A_291 : i32
      scf.if %cond3A_292 {
        %dma_start3A_524 = arith.constant 0 : i32
        %dma_start3A_525 = arith.constant 1 : i32
        %dma_start3A_526 = arith.constant 1 : i32
        %dma_start3A_527 = arith.constant 0 : i32
        %dma_start3A_528 = arith.constant 0 : i32
        %dma_start3A_529 = tpu.memref_slice %arg8[%dma_start3A_525, %dma_start3A_527, %dma_start3A_528] : memref<2x256x32xf32, #tpu.memory_space<vmem>> -> memref<1x256x32xf32, #tpu.memory_space<vmem>>
        %dma_start3A_530 = tpu.memref_squeeze %dma_start3A_529 : memref<1x256x32xf32, #tpu.memory_space<vmem>> -> memref<256x32xf32, #tpu.memory_space<vmem>>
        %dma_start3A_531 = arith.constant 0 : i32
        %dma_start3A_532 = tpu.memref_slice %arg6[%cond3A_290, %dma_start3A_531] : memref<8x256xi32, #tpu.memory_space<vmem>> -> memref<1x256xi32, #tpu.memory_space<vmem>>
        %dma_start3A_533 = tpu.memref_squeeze %dma_start3A_532 : memref<1x256xi32, #tpu.memory_space<vmem>> -> memref<256xi32, #tpu.memory_space<vmem>>
        %dma_start3A_534 = arith.constant 0 : i32
        %dma_start3A_535 = arith.constant 0 : i32
        %dma_start3A_536 = tpu.memref_slice %arg2[%dma_start3A_524, %dma_start3A_534, %dma_start3A_535] : memref<2x50176x32xf32, #tpu.memory_space<hbm>> -> memref<1x50176x32xf32, #tpu.memory_space<hbm>>
        %dma_start3A_537 = tpu.memref_squeeze %dma_start3A_536 : memref<1x50176x32xf32, #tpu.memory_space<hbm>> -> memref<50176x32xf32, #tpu.memory_space<hbm>>
        %dma_start3A_538 = arith.constant 0 : i32
        %dma_start3A_539 = arith.constant 0 : i32
        %dma_start3A_540 = tpu.memref_slice %dma_start3A_537[%dma_start3A_538, %dma_start3A_539] : memref<50176x32xf32, #tpu.memory_space<hbm>> -> memref<50176x32xf32, #tpu.memory_space<hbm>>
        %dma_start3A_541 = tpu.memref_slice %arg11[%dma_start3A_526] : memref<2x!tpu.dma_semaphore, #tpu.memory_space<semaphore_mem>> -> memref<1x!tpu.dma_semaphore, #tpu.memory_space<semaphore_mem>>
        %dma_start3A_542 = tpu.memref_squeeze %dma_start3A_541 : memref<1x!tpu.dma_semaphore, #tpu.memory_space<semaphore_mem>> -> memref<!tpu.dma_semaphore, #tpu.memory_space<semaphore_mem>>
        tpu.enqueue_indirect_dma source(%dma_start3A_540 : memref<50176x32xf32, #tpu.memory_space<hbm>>) target(%dma_start3A_530 : memref<256x32xf32, #tpu.memory_space<vmem>>) offsets(%dma_start3A_533 : memref<256xi32, #tpu.memory_space<vmem>>) semaphore(%dma_start3A_542 : memref<!tpu.dma_semaphore, #tpu.memory_space<semaphore_mem>>)
      } else {
      }
      %eq3A_293 = arith.constant 1 : i32
      %eq3A_294 = arith.cmpi eq, %arg0, %eq3A_293 : i32
      %convert_element_type3A_295 = arith.extui %eq3A_294 : i1 to i32
      %cond3A_296 = arith.constant 5 : i32
      %cond3A_297 = arith.constant 0 : i32
      %cond3A_298 = arith.cmpi ne, %convert_element_type3A_295, %cond3A_297 : i32
      scf.if %cond3A_298 {
        %dma_start3A_524 = arith.constant 1 : i32
        %dma_start3A_525 = arith.constant 1 : i32
        %dma_start3A_526 = arith.constant 1 : i32
        %dma_start3A_527 = arith.constant 0 : i32
        %dma_start3A_528 = arith.constant 0 : i32
        %dma_start3A_529 = tpu.memref_slice %arg8[%dma_start3A_525, %dma_start3A_527, %dma_start3A_528] : memref<2x256x32xf32, #tpu.memory_space<vmem>> -> memref<1x256x32xf32, #tpu.memory_space<vmem>>
        %dma_start3A_530 = tpu.memref_squeeze %dma_start3A_529 : memref<1x256x32xf32, #tpu.memory_space<vmem>> -> memref<256x32xf32, #tpu.memory_space<vmem>>
        %dma_start3A_531 = arith.constant 0 : i32
        %dma_start3A_532 = tpu.memref_slice %arg6[%cond3A_296, %dma_start3A_531] : memref<8x256xi32, #tpu.memory_space<vmem>> -> memref<1x256xi32, #tpu.memory_space<vmem>>
        %dma_start3A_533 = tpu.memref_squeeze %dma_start3A_532 : memref<1x256xi32, #tpu.memory_space<vmem>> -> memref<256xi32, #tpu.memory_space<vmem>>
        %dma_start3A_534 = arith.constant 0 : i32
        %dma_start3A_535 = arith.constant 0 : i32
        %dma_start3A_536 = tpu.memref_slice %arg2[%dma_start3A_524, %dma_start3A_534, %dma_start3A_535] : memref<2x50176x32xf32, #tpu.memory_space<hbm>> -> memref<1x50176x32xf32, #tpu.memory_space<hbm>>
        %dma_start3A_537 = tpu.memref_squeeze %dma_start3A_536 : memref<1x50176x32xf32, #tpu.memory_space<hbm>> -> memref<50176x32xf32, #tpu.memory_space<hbm>>
        %dma_start3A_538 = arith.constant 0 : i32
        %dma_start3A_539 = arith.constant 0 : i32
        %dma_start3A_540 = tpu.memref_slice %dma_start3A_537[%dma_start3A_538, %dma_start3A_539] : memref<50176x32xf32, #tpu.memory_space<hbm>> -> memref<50176x32xf32, #tpu.memory_space<hbm>>
        %dma_start3A_541 = tpu.memref_slice %arg11[%dma_start3A_526] : memref<2x!tpu.dma_semaphore, #tpu.memory_space<semaphore_mem>> -> memref<1x!tpu.dma_semaphore, #tpu.memory_space<semaphore_mem>>
        %dma_start3A_542 = tpu.memref_squeeze %dma_start3A_541 : memref<1x!tpu.dma_semaphore, #tpu.memory_space<semaphore_mem>> -> memref<!tpu.dma_semaphore, #tpu.memory_space<semaphore_mem>>
        tpu.enqueue_indirect_dma source(%dma_start3A_540 : memref<50176x32xf32, #tpu.memory_space<hbm>>) target(%dma_start3A_530 : memref<256x32xf32, #tpu.memory_space<vmem>>) offsets(%dma_start3A_533 : memref<256xi32, #tpu.memory_space<vmem>>) semaphore(%dma_start3A_542 : memref<!tpu.dma_semaphore, #tpu.memory_space<semaphore_mem>>)
      } else {
      }
      %dma_wait3A_299 = arith.constant 0 : i32
      %dma_wait3A_300 = arith.constant 4 : i32
      %dma_wait3A_301 = arith.constant 0 : i32
      %dma_wait3A_302 = arith.constant 0 : i32
      %dma_wait3A_303 = arith.constant 0 : i32
      %dma_wait3A_304 = arith.constant 0 : i32
      %dma_wait3A_305 = tpu.memref_slice %arg8[%dma_wait3A_301, %dma_wait3A_303, %dma_wait3A_304] : memref<2x256x32xf32, #tpu.memory_space<vmem>> -> memref<1x256x32xf32, #tpu.memory_space<vmem>>
      %dma_wait3A_306 = tpu.memref_squeeze %dma_wait3A_305 : memref<1x256x32xf32, #tpu.memory_space<vmem>> -> memref<256x32xf32, #tpu.memory_space<vmem>>
      %dma_wait3A_307 = arith.constant 0 : i32
      %dma_wait3A_308 = tpu.memref_slice %arg6[%dma_wait3A_300, %dma_wait3A_307] : memref<8x256xi32, #tpu.memory_space<vmem>> -> memref<1x256xi32, #tpu.memory_space<vmem>>
      %dma_wait3A_309 = tpu.memref_squeeze %dma_wait3A_308 : memref<1x256xi32, #tpu.memory_space<vmem>> -> memref<256xi32, #tpu.memory_space<vmem>>
      %dma_wait3A_310 = arith.constant 0 : i32
      %dma_wait3A_311 = arith.constant 0 : i32
      %dma_wait3A_312 = tpu.memref_slice %arg2[%dma_wait3A_299, %dma_wait3A_310, %dma_wait3A_311] : memref<2x50176x32xf32, #tpu.memory_space<hbm>> -> memref<1x50176x32xf32, #tpu.memory_space<hbm>>
      %dma_wait3A_313 = tpu.memref_squeeze %dma_wait3A_312 : memref<1x50176x32xf32, #tpu.memory_space<hbm>> -> memref<50176x32xf32, #tpu.memory_space<hbm>>
      %dma_wait3A_314 = arith.constant 0 : i32
      %dma_wait3A_315 = arith.constant 0 : i32
      %dma_wait3A_316 = tpu.memref_slice %dma_wait3A_313[%dma_wait3A_314, %dma_wait3A_315] : memref<50176x32xf32, #tpu.memory_space<hbm>> -> memref<50176x32xf32, #tpu.memory_space<hbm>>
      %dma_wait3A_317 = tpu.memref_slice %arg11[%dma_wait3A_302] : memref<2x!tpu.dma_semaphore, #tpu.memory_space<semaphore_mem>> -> memref<1x!tpu.dma_semaphore, #tpu.memory_space<semaphore_mem>>
      %dma_wait3A_318 = tpu.memref_squeeze %dma_wait3A_317 : memref<1x!tpu.dma_semaphore, #tpu.memory_space<semaphore_mem>> -> memref<!tpu.dma_semaphore, #tpu.memory_space<semaphore_mem>>
      tpu.wait_indirect_dma semaphore(%dma_wait3A_318 : memref<!tpu.dma_semaphore, #tpu.memory_space<semaphore_mem>>) src(%dma_wait3A_316 : memref<50176x32xf32, #tpu.memory_space<hbm>>) dst(%dma_wait3A_306 : memref<256x32xf32, #tpu.memory_space<vmem>>)
      %dma_start3A_319 = arith.constant 0 : i32
      %dma_start3A_320 = arith.constant 4 : i32
      %dma_start3A_321 = arith.constant 0 : i32
      %dma_start3A_322 = arith.constant 0 : i32
      %dma_start3A_323 = arith.constant 0 : i32
      %dma_start3A_324 = tpu.memref_slice %arg8[%dma_start3A_319, %dma_start3A_322, %dma_start3A_323] : memref<2x256x32xf32, #tpu.memory_space<vmem>> -> memref<1x256x32xf32, #tpu.memory_space<vmem>>
      %dma_start3A_325 = tpu.memref_squeeze %dma_start3A_324 : memref<1x256x32xf32, #tpu.memory_space<vmem>> -> memref<256x32xf32, #tpu.memory_space<vmem>>
      %dma_start3A_326 = arith.constant 0 : i32
      %dma_start3A_327 = tpu.memref_slice %arg7[%dma_start3A_320, %dma_start3A_326] : memref<8x256xi32, #tpu.memory_space<vmem>> -> memref<1x256xi32, #tpu.memory_space<vmem>>
      %dma_start3A_328 = tpu.memref_squeeze %dma_start3A_327 : memref<1x256xi32, #tpu.memory_space<vmem>> -> memref<256xi32, #tpu.memory_space<vmem>>
      %dma_start3A_329 = arith.constant 0 : i32
      %dma_start3A_330 = arith.constant 0 : i32
      %dma_start3A_331 = tpu.memref_slice %arg10[%dma_start3A_329, %dma_start3A_330] : memref<50176x32xf32, #tpu.memory_space<vmem_shared>> -> memref<50176x32xf32, #tpu.memory_space<vmem_shared>>
      %dma_start3A_332 = tpu.memref_slice %arg12[%dma_start3A_321] : memref<2x!tpu.dma_semaphore, #tpu.memory_space<semaphore_mem>> -> memref<1x!tpu.dma_semaphore, #tpu.memory_space<semaphore_mem>>
      %dma_start3A_333 = tpu.memref_squeeze %dma_start3A_332 : memref<1x!tpu.dma_semaphore, #tpu.memory_space<semaphore_mem>> -> memref<!tpu.dma_semaphore, #tpu.memory_space<semaphore_mem>>
      tpu.enqueue_indirect_dma source(%dma_start3A_325 : memref<256x32xf32, #tpu.memory_space<vmem>>) target(%dma_start3A_331 : memref<50176x32xf32, #tpu.memory_space<vmem_shared>>) offsets(%dma_start3A_328 : memref<256xi32, #tpu.memory_space<vmem>>) semaphore(%dma_start3A_333 : memref<!tpu.dma_semaphore, #tpu.memory_space<semaphore_mem>>) {add = true}
      %dma_wait3A_334 = arith.constant 0 : i32
      %dma_wait3A_335 = arith.constant 4 : i32
      %dma_wait3A_336 = arith.constant 0 : i32
      %dma_wait3A_337 = arith.constant 0 : i32
      %dma_wait3A_338 = arith.constant 0 : i32
      %dma_wait3A_339 = tpu.memref_slice %arg8[%dma_wait3A_334, %dma_wait3A_337, %dma_wait3A_338] : memref<2x256x32xf32, #tpu.memory_space<vmem>> -> memref<1x256x32xf32, #tpu.memory_space<vmem>>
      %dma_wait3A_340 = tpu.memref_squeeze %dma_wait3A_339 : memref<1x256x32xf32, #tpu.memory_space<vmem>> -> memref<256x32xf32, #tpu.memory_space<vmem>>
      %dma_wait3A_341 = arith.constant 0 : i32
      %dma_wait3A_342 = tpu.memref_slice %arg7[%dma_wait3A_335, %dma_wait3A_341] : memref<8x256xi32, #tpu.memory_space<vmem>> -> memref<1x256xi32, #tpu.memory_space<vmem>>
      %dma_wait3A_343 = tpu.memref_squeeze %dma_wait3A_342 : memref<1x256xi32, #tpu.memory_space<vmem>> -> memref<256xi32, #tpu.memory_space<vmem>>
      %dma_wait3A_344 = arith.constant 0 : i32
      %dma_wait3A_345 = arith.constant 0 : i32
      %dma_wait3A_346 = tpu.memref_slice %arg10[%dma_wait3A_344, %dma_wait3A_345] : memref<50176x32xf32, #tpu.memory_space<vmem_shared>> -> memref<50176x32xf32, #tpu.memory_space<vmem_shared>>
      %dma_wait3A_347 = tpu.memref_slice %arg12[%dma_wait3A_336] : memref<2x!tpu.dma_semaphore, #tpu.memory_space<semaphore_mem>> -> memref<1x!tpu.dma_semaphore, #tpu.memory_space<semaphore_mem>>
      %dma_wait3A_348 = tpu.memref_squeeze %dma_wait3A_347 : memref<1x!tpu.dma_semaphore, #tpu.memory_space<semaphore_mem>> -> memref<!tpu.dma_semaphore, #tpu.memory_space<semaphore_mem>>
      tpu.wait_indirect_dma semaphore(%dma_wait3A_348 : memref<!tpu.dma_semaphore, #tpu.memory_space<semaphore_mem>>) src(%dma_wait3A_340 : memref<256x32xf32, #tpu.memory_space<vmem>>) dst(%dma_wait3A_346 : memref<50176x32xf32, #tpu.memory_space<vmem_shared>>)
      %eq3A_349 = arith.constant 0 : i32
      %eq3A_350 = arith.cmpi eq, %arg0, %eq3A_349 : i32
      %convert_element_type3A_351 = arith.extui %eq3A_350 : i1 to i32
      %cond3A_352 = arith.constant 6 : i32
      %cond3A_353 = arith.constant 0 : i32
      %cond3A_354 = arith.cmpi ne, %convert_element_type3A_351, %cond3A_353 : i32
      scf.if %cond3A_354 {
        %dma_start3A_524 = arith.constant 0 : i32
        %dma_start3A_525 = arith.constant 0 : i32
        %dma_start3A_526 = arith.constant 0 : i32
        %dma_start3A_527 = arith.constant 0 : i32
        %dma_start3A_528 = arith.constant 0 : i32
        %dma_start3A_529 = tpu.memref_slice %arg8[%dma_start3A_525, %dma_start3A_527, %dma_start3A_528] : memref<2x256x32xf32, #tpu.memory_space<vmem>> -> memref<1x256x32xf32, #tpu.memory_space<vmem>>
        %dma_start3A_530 = tpu.memref_squeeze %dma_start3A_529 : memref<1x256x32xf32, #tpu.memory_space<vmem>> -> memref<256x32xf32, #tpu.memory_space<vmem>>
        %dma_start3A_531 = arith.constant 0 : i32
        %dma_start3A_532 = tpu.memref_slice %arg6[%cond3A_352, %dma_start3A_531] : memref<8x256xi32, #tpu.memory_space<vmem>> -> memref<1x256xi32, #tpu.memory_space<vmem>>
        %dma_start3A_533 = tpu.memref_squeeze %dma_start3A_532 : memref<1x256xi32, #tpu.memory_space<vmem>> -> memref<256xi32, #tpu.memory_space<vmem>>
        %dma_start3A_534 = arith.constant 0 : i32
        %dma_start3A_535 = arith.constant 0 : i32
        %dma_start3A_536 = tpu.memref_slice %arg2[%dma_start3A_524, %dma_start3A_534, %dma_start3A_535] : memref<2x50176x32xf32, #tpu.memory_space<hbm>> -> memref<1x50176x32xf32, #tpu.memory_space<hbm>>
        %dma_start3A_537 = tpu.memref_squeeze %dma_start3A_536 : memref<1x50176x32xf32, #tpu.memory_space<hbm>> -> memref<50176x32xf32, #tpu.memory_space<hbm>>
        %dma_start3A_538 = arith.constant 0 : i32
        %dma_start3A_539 = arith.constant 0 : i32
        %dma_start3A_540 = tpu.memref_slice %dma_start3A_537[%dma_start3A_538, %dma_start3A_539] : memref<50176x32xf32, #tpu.memory_space<hbm>> -> memref<50176x32xf32, #tpu.memory_space<hbm>>
        %dma_start3A_541 = tpu.memref_slice %arg11[%dma_start3A_526] : memref<2x!tpu.dma_semaphore, #tpu.memory_space<semaphore_mem>> -> memref<1x!tpu.dma_semaphore, #tpu.memory_space<semaphore_mem>>
        %dma_start3A_542 = tpu.memref_squeeze %dma_start3A_541 : memref<1x!tpu.dma_semaphore, #tpu.memory_space<semaphore_mem>> -> memref<!tpu.dma_semaphore, #tpu.memory_space<semaphore_mem>>
        tpu.enqueue_indirect_dma source(%dma_start3A_540 : memref<50176x32xf32, #tpu.memory_space<hbm>>) target(%dma_start3A_530 : memref<256x32xf32, #tpu.memory_space<vmem>>) offsets(%dma_start3A_533 : memref<256xi32, #tpu.memory_space<vmem>>) semaphore(%dma_start3A_542 : memref<!tpu.dma_semaphore, #tpu.memory_space<semaphore_mem>>)
      } else {
      }
      %eq3A_355 = arith.constant 1 : i32
      %eq3A_356 = arith.cmpi eq, %arg0, %eq3A_355 : i32
      %convert_element_type3A_357 = arith.extui %eq3A_356 : i1 to i32
      %cond3A_358 = arith.constant 6 : i32
      %cond3A_359 = arith.constant 0 : i32
      %cond3A_360 = arith.cmpi ne, %convert_element_type3A_357, %cond3A_359 : i32
      scf.if %cond3A_360 {
        %dma_start3A_524 = arith.constant 1 : i32
        %dma_start3A_525 = arith.constant 0 : i32
        %dma_start3A_526 = arith.constant 0 : i32
        %dma_start3A_527 = arith.constant 0 : i32
        %dma_start3A_528 = arith.constant 0 : i32
        %dma_start3A_529 = tpu.memref_slice %arg8[%dma_start3A_525, %dma_start3A_527, %dma_start3A_528] : memref<2x256x32xf32, #tpu.memory_space<vmem>> -> memref<1x256x32xf32, #tpu.memory_space<vmem>>
        %dma_start3A_530 = tpu.memref_squeeze %dma_start3A_529 : memref<1x256x32xf32, #tpu.memory_space<vmem>> -> memref<256x32xf32, #tpu.memory_space<vmem>>
        %dma_start3A_531 = arith.constant 0 : i32
        %dma_start3A_532 = tpu.memref_slice %arg6[%cond3A_358, %dma_start3A_531] : memref<8x256xi32, #tpu.memory_space<vmem>> -> memref<1x256xi32, #tpu.memory_space<vmem>>
        %dma_start3A_533 = tpu.memref_squeeze %dma_start3A_532 : memref<1x256xi32, #tpu.memory_space<vmem>> -> memref<256xi32, #tpu.memory_space<vmem>>
        %dma_start3A_534 = arith.constant 0 : i32
        %dma_start3A_535 = arith.constant 0 : i32
        %dma_start3A_536 = tpu.memref_slice %arg2[%dma_start3A_524, %dma_start3A_534, %dma_start3A_535] : memref<2x50176x32xf32, #tpu.memory_space<hbm>> -> memref<1x50176x32xf32, #tpu.memory_space<hbm>>
        %dma_start3A_537 = tpu.memref_squeeze %dma_start3A_536 : memref<1x50176x32xf32, #tpu.memory_space<hbm>> -> memref<50176x32xf32, #tpu.memory_space<hbm>>
        %dma_start3A_538 = arith.constant 0 : i32
        %dma_start3A_539 = arith.constant 0 : i32
        %dma_start3A_540 = tpu.memref_slice %dma_start3A_537[%dma_start3A_538, %dma_start3A_539] : memref<50176x32xf32, #tpu.memory_space<hbm>> -> memref<50176x32xf32, #tpu.memory_space<hbm>>
        %dma_start3A_541 = tpu.memref_slice %arg11[%dma_start3A_526] : memref<2x!tpu.dma_semaphore, #tpu.memory_space<semaphore_mem>> -> memref<1x!tpu.dma_semaphore, #tpu.memory_space<semaphore_mem>>
        %dma_start3A_542 = tpu.memref_squeeze %dma_start3A_541 : memref<1x!tpu.dma_semaphore, #tpu.memory_space<semaphore_mem>> -> memref<!tpu.dma_semaphore, #tpu.memory_space<semaphore_mem>>
        tpu.enqueue_indirect_dma source(%dma_start3A_540 : memref<50176x32xf32, #tpu.memory_space<hbm>>) target(%dma_start3A_530 : memref<256x32xf32, #tpu.memory_space<vmem>>) offsets(%dma_start3A_533 : memref<256xi32, #tpu.memory_space<vmem>>) semaphore(%dma_start3A_542 : memref<!tpu.dma_semaphore, #tpu.memory_space<semaphore_mem>>)
      } else {
      }
      %dma_wait3A_361 = arith.constant 0 : i32
      %dma_wait3A_362 = arith.constant 5 : i32
      %dma_wait3A_363 = arith.constant 1 : i32
      %dma_wait3A_364 = arith.constant 1 : i32
      %dma_wait3A_365 = arith.constant 0 : i32
      %dma_wait3A_366 = arith.constant 0 : i32
      %dma_wait3A_367 = tpu.memref_slice %arg8[%dma_wait3A_363, %dma_wait3A_365, %dma_wait3A_366] : memref<2x256x32xf32, #tpu.memory_space<vmem>> -> memref<1x256x32xf32, #tpu.memory_space<vmem>>
      %dma_wait3A_368 = tpu.memref_squeeze %dma_wait3A_367 : memref<1x256x32xf32, #tpu.memory_space<vmem>> -> memref<256x32xf32, #tpu.memory_space<vmem>>
      %dma_wait3A_369 = arith.constant 0 : i32
      %dma_wait3A_370 = tpu.memref_slice %arg6[%dma_wait3A_362, %dma_wait3A_369] : memref<8x256xi32, #tpu.memory_space<vmem>> -> memref<1x256xi32, #tpu.memory_space<vmem>>
      %dma_wait3A_371 = tpu.memref_squeeze %dma_wait3A_370 : memref<1x256xi32, #tpu.memory_space<vmem>> -> memref<256xi32, #tpu.memory_space<vmem>>
      %dma_wait3A_372 = arith.constant 0 : i32
      %dma_wait3A_373 = arith.constant 0 : i32
      %dma_wait3A_374 = tpu.memref_slice %arg2[%dma_wait3A_361, %dma_wait3A_372, %dma_wait3A_373] : memref<2x50176x32xf32, #tpu.memory_space<hbm>> -> memref<1x50176x32xf32, #tpu.memory_space<hbm>>
      %dma_wait3A_375 = tpu.memref_squeeze %dma_wait3A_374 : memref<1x50176x32xf32, #tpu.memory_space<hbm>> -> memref<50176x32xf32, #tpu.memory_space<hbm>>
      %dma_wait3A_376 = arith.constant 0 : i32
      %dma_wait3A_377 = arith.constant 0 : i32
      %dma_wait3A_378 = tpu.memref_slice %dma_wait3A_375[%dma_wait3A_376, %dma_wait3A_377] : memref<50176x32xf32, #tpu.memory_space<hbm>> -> memref<50176x32xf32, #tpu.memory_space<hbm>>
      %dma_wait3A_379 = tpu.memref_slice %arg11[%dma_wait3A_364] : memref<2x!tpu.dma_semaphore, #tpu.memory_space<semaphore_mem>> -> memref<1x!tpu.dma_semaphore, #tpu.memory_space<semaphore_mem>>
      %dma_wait3A_380 = tpu.memref_squeeze %dma_wait3A_379 : memref<1x!tpu.dma_semaphore, #tpu.memory_space<semaphore_mem>> -> memref<!tpu.dma_semaphore, #tpu.memory_space<semaphore_mem>>
      tpu.wait_indirect_dma semaphore(%dma_wait3A_380 : memref<!tpu.dma_semaphore, #tpu.memory_space<semaphore_mem>>) src(%dma_wait3A_378 : memref<50176x32xf32, #tpu.memory_space<hbm>>) dst(%dma_wait3A_368 : memref<256x32xf32, #tpu.memory_space<vmem>>)
      %dma_start3A_381 = arith.constant 1 : i32
      %dma_start3A_382 = arith.constant 5 : i32
      %dma_start3A_383 = arith.constant 1 : i32
      %dma_start3A_384 = arith.constant 0 : i32
      %dma_start3A_385 = arith.constant 0 : i32
      %dma_start3A_386 = tpu.memref_slice %arg8[%dma_start3A_381, %dma_start3A_384, %dma_start3A_385] : memref<2x256x32xf32, #tpu.memory_space<vmem>> -> memref<1x256x32xf32, #tpu.memory_space<vmem>>
      %dma_start3A_387 = tpu.memref_squeeze %dma_start3A_386 : memref<1x256x32xf32, #tpu.memory_space<vmem>> -> memref<256x32xf32, #tpu.memory_space<vmem>>
      %dma_start3A_388 = arith.constant 0 : i32
      %dma_start3A_389 = tpu.memref_slice %arg7[%dma_start3A_382, %dma_start3A_388] : memref<8x256xi32, #tpu.memory_space<vmem>> -> memref<1x256xi32, #tpu.memory_space<vmem>>
      %dma_start3A_390 = tpu.memref_squeeze %dma_start3A_389 : memref<1x256xi32, #tpu.memory_space<vmem>> -> memref<256xi32, #tpu.memory_space<vmem>>
      %dma_start3A_391 = arith.constant 0 : i32
      %dma_start3A_392 = arith.constant 0 : i32
      %dma_start3A_393 = tpu.memref_slice %arg10[%dma_start3A_391, %dma_start3A_392] : memref<50176x32xf32, #tpu.memory_space<vmem_shared>> -> memref<50176x32xf32, #tpu.memory_space<vmem_shared>>
      %dma_start3A_394 = tpu.memref_slice %arg12[%dma_start3A_383] : memref<2x!tpu.dma_semaphore, #tpu.memory_space<semaphore_mem>> -> memref<1x!tpu.dma_semaphore, #tpu.memory_space<semaphore_mem>>
      %dma_start3A_395 = tpu.memref_squeeze %dma_start3A_394 : memref<1x!tpu.dma_semaphore, #tpu.memory_space<semaphore_mem>> -> memref<!tpu.dma_semaphore, #tpu.memory_space<semaphore_mem>>
      tpu.enqueue_indirect_dma source(%dma_start3A_387 : memref<256x32xf32, #tpu.memory_space<vmem>>) target(%dma_start3A_393 : memref<50176x32xf32, #tpu.memory_space<vmem_shared>>) offsets(%dma_start3A_390 : memref<256xi32, #tpu.memory_space<vmem>>) semaphore(%dma_start3A_395 : memref<!tpu.dma_semaphore, #tpu.memory_space<semaphore_mem>>) {add = true}
      %dma_wait3A_396 = arith.constant 1 : i32
      %dma_wait3A_397 = arith.constant 5 : i32
      %dma_wait3A_398 = arith.constant 1 : i32
      %dma_wait3A_399 = arith.constant 0 : i32
      %dma_wait3A_400 = arith.constant 0 : i32
      %dma_wait3A_401 = tpu.memref_slice %arg8[%dma_wait3A_396, %dma_wait3A_399, %dma_wait3A_400] : memref<2x256x32xf32, #tpu.memory_space<vmem>> -> memref<1x256x32xf32, #tpu.memory_space<vmem>>
      %dma_wait3A_402 = tpu.memref_squeeze %dma_wait3A_401 : memref<1x256x32xf32, #tpu.memory_space<vmem>> -> memref<256x32xf32, #tpu.memory_space<vmem>>
      %dma_wait3A_403 = arith.constant 0 : i32
      %dma_wait3A_404 = tpu.memref_slice %arg7[%dma_wait3A_397, %dma_wait3A_403] : memref<8x256xi32, #tpu.memory_space<vmem>> -> memref<1x256xi32, #tpu.memory_space<vmem>>
      %dma_wait3A_405 = tpu.memref_squeeze %dma_wait3A_404 : memref<1x256xi32, #tpu.memory_space<vmem>> -> memref<256xi32, #tpu.memory_space<vmem>>
      %dma_wait3A_406 = arith.constant 0 : i32
      %dma_wait3A_407 = arith.constant 0 : i32
      %dma_wait3A_408 = tpu.memref_slice %arg10[%dma_wait3A_406, %dma_wait3A_407] : memref<50176x32xf32, #tpu.memory_space<vmem_shared>> -> memref<50176x32xf32, #tpu.memory_space<vmem_shared>>
      %dma_wait3A_409 = tpu.memref_slice %arg12[%dma_wait3A_398] : memref<2x!tpu.dma_semaphore, #tpu.memory_space<semaphore_mem>> -> memref<1x!tpu.dma_semaphore, #tpu.memory_space<semaphore_mem>>
      %dma_wait3A_410 = tpu.memref_squeeze %dma_wait3A_409 : memref<1x!tpu.dma_semaphore, #tpu.memory_space<semaphore_mem>> -> memref<!tpu.dma_semaphore, #tpu.memory_space<semaphore_mem>>
      tpu.wait_indirect_dma semaphore(%dma_wait3A_410 : memref<!tpu.dma_semaphore, #tpu.memory_space<semaphore_mem>>) src(%dma_wait3A_402 : memref<256x32xf32, #tpu.memory_space<vmem>>) dst(%dma_wait3A_408 : memref<50176x32xf32, #tpu.memory_space<vmem_shared>>)
      %eq3A_411 = arith.constant 0 : i32
      %eq3A_412 = arith.cmpi eq, %arg0, %eq3A_411 : i32
      %convert_element_type3A_413 = arith.extui %eq3A_412 : i1 to i32
      %cond3A_414 = arith.constant 7 : i32
      %cond3A_415 = arith.constant 0 : i32
      %cond3A_416 = arith.cmpi ne, %convert_element_type3A_413, %cond3A_415 : i32
      scf.if %cond3A_416 {
        %dma_start3A_524 = arith.constant 0 : i32
        %dma_start3A_525 = arith.constant 1 : i32
        %dma_start3A_526 = arith.constant 1 : i32
        %dma_start3A_527 = arith.constant 0 : i32
        %dma_start3A_528 = arith.constant 0 : i32
        %dma_start3A_529 = tpu.memref_slice %arg8[%dma_start3A_525, %dma_start3A_527, %dma_start3A_528] : memref<2x256x32xf32, #tpu.memory_space<vmem>> -> memref<1x256x32xf32, #tpu.memory_space<vmem>>
        %dma_start3A_530 = tpu.memref_squeeze %dma_start3A_529 : memref<1x256x32xf32, #tpu.memory_space<vmem>> -> memref<256x32xf32, #tpu.memory_space<vmem>>
        %dma_start3A_531 = arith.constant 0 : i32
        %dma_start3A_532 = tpu.memref_slice %arg6[%cond3A_414, %dma_start3A_531] : memref<8x256xi32, #tpu.memory_space<vmem>> -> memref<1x256xi32, #tpu.memory_space<vmem>>
        %dma_start3A_533 = tpu.memref_squeeze %dma_start3A_532 : memref<1x256xi32, #tpu.memory_space<vmem>> -> memref<256xi32, #tpu.memory_space<vmem>>
        %dma_start3A_534 = arith.constant 0 : i32
        %dma_start3A_535 = arith.constant 0 : i32
        %dma_start3A_536 = tpu.memref_slice %arg2[%dma_start3A_524, %dma_start3A_534, %dma_start3A_535] : memref<2x50176x32xf32, #tpu.memory_space<hbm>> -> memref<1x50176x32xf32, #tpu.memory_space<hbm>>
        %dma_start3A_537 = tpu.memref_squeeze %dma_start3A_536 : memref<1x50176x32xf32, #tpu.memory_space<hbm>> -> memref<50176x32xf32, #tpu.memory_space<hbm>>
        %dma_start3A_538 = arith.constant 0 : i32
        %dma_start3A_539 = arith.constant 0 : i32
        %dma_start3A_540 = tpu.memref_slice %dma_start3A_537[%dma_start3A_538, %dma_start3A_539] : memref<50176x32xf32, #tpu.memory_space<hbm>> -> memref<50176x32xf32, #tpu.memory_space<hbm>>
        %dma_start3A_541 = tpu.memref_slice %arg11[%dma_start3A_526] : memref<2x!tpu.dma_semaphore, #tpu.memory_space<semaphore_mem>> -> memref<1x!tpu.dma_semaphore, #tpu.memory_space<semaphore_mem>>
        %dma_start3A_542 = tpu.memref_squeeze %dma_start3A_541 : memref<1x!tpu.dma_semaphore, #tpu.memory_space<semaphore_mem>> -> memref<!tpu.dma_semaphore, #tpu.memory_space<semaphore_mem>>
        tpu.enqueue_indirect_dma source(%dma_start3A_540 : memref<50176x32xf32, #tpu.memory_space<hbm>>) target(%dma_start3A_530 : memref<256x32xf32, #tpu.memory_space<vmem>>) offsets(%dma_start3A_533 : memref<256xi32, #tpu.memory_space<vmem>>) semaphore(%dma_start3A_542 : memref<!tpu.dma_semaphore, #tpu.memory_space<semaphore_mem>>)
      } else {
      }
      %eq3A_417 = arith.constant 1 : i32
      %eq3A_418 = arith.cmpi eq, %arg0, %eq3A_417 : i32
      %convert_element_type3A_419 = arith.extui %eq3A_418 : i1 to i32
      %cond3A_420 = arith.constant 7 : i32
      %cond3A_421 = arith.constant 0 : i32
      %cond3A_422 = arith.cmpi ne, %convert_element_type3A_419, %cond3A_421 : i32
      scf.if %cond3A_422 {
        %dma_start3A_524 = arith.constant 1 : i32
        %dma_start3A_525 = arith.constant 1 : i32
        %dma_start3A_526 = arith.constant 1 : i32
        %dma_start3A_527 = arith.constant 0 : i32
        %dma_start3A_528 = arith.constant 0 : i32
        %dma_start3A_529 = tpu.memref_slice %arg8[%dma_start3A_525, %dma_start3A_527, %dma_start3A_528] : memref<2x256x32xf32, #tpu.memory_space<vmem>> -> memref<1x256x32xf32, #tpu.memory_space<vmem>>
        %dma_start3A_530 = tpu.memref_squeeze %dma_start3A_529 : memref<1x256x32xf32, #tpu.memory_space<vmem>> -> memref<256x32xf32, #tpu.memory_space<vmem>>
        %dma_start3A_531 = arith.constant 0 : i32
        %dma_start3A_532 = tpu.memref_slice %arg6[%cond3A_420, %dma_start3A_531] : memref<8x256xi32, #tpu.memory_space<vmem>> -> memref<1x256xi32, #tpu.memory_space<vmem>>
        %dma_start3A_533 = tpu.memref_squeeze %dma_start3A_532 : memref<1x256xi32, #tpu.memory_space<vmem>> -> memref<256xi32, #tpu.memory_space<vmem>>
        %dma_start3A_534 = arith.constant 0 : i32
        %dma_start3A_535 = arith.constant 0 : i32
        %dma_start3A_536 = tpu.memref_slice %arg2[%dma_start3A_524, %dma_start3A_534, %dma_start3A_535] : memref<2x50176x32xf32, #tpu.memory_space<hbm>> -> memref<1x50176x32xf32, #tpu.memory_space<hbm>>
        %dma_start3A_537 = tpu.memref_squeeze %dma_start3A_536 : memref<1x50176x32xf32, #tpu.memory_space<hbm>> -> memref<50176x32xf32, #tpu.memory_space<hbm>>
        %dma_start3A_538 = arith.constant 0 : i32
        %dma_start3A_539 = arith.constant 0 : i32
        %dma_start3A_540 = tpu.memref_slice %dma_start3A_537[%dma_start3A_538, %dma_start3A_539] : memref<50176x32xf32, #tpu.memory_space<hbm>> -> memref<50176x32xf32, #tpu.memory_space<hbm>>
        %dma_start3A_541 = tpu.memref_slice %arg11[%dma_start3A_526] : memref<2x!tpu.dma_semaphore, #tpu.memory_space<semaphore_mem>> -> memref<1x!tpu.dma_semaphore, #tpu.memory_space<semaphore_mem>>
        %dma_start3A_542 = tpu.memref_squeeze %dma_start3A_541 : memref<1x!tpu.dma_semaphore, #tpu.memory_space<semaphore_mem>> -> memref<!tpu.dma_semaphore, #tpu.memory_space<semaphore_mem>>
        tpu.enqueue_indirect_dma source(%dma_start3A_540 : memref<50176x32xf32, #tpu.memory_space<hbm>>) target(%dma_start3A_530 : memref<256x32xf32, #tpu.memory_space<vmem>>) offsets(%dma_start3A_533 : memref<256xi32, #tpu.memory_space<vmem>>) semaphore(%dma_start3A_542 : memref<!tpu.dma_semaphore, #tpu.memory_space<semaphore_mem>>)
      } else {
      }
      %dma_wait3A_423 = arith.constant 0 : i32
      %dma_wait3A_424 = arith.constant 6 : i32
      %dma_wait3A_425 = arith.constant 0 : i32
      %dma_wait3A_426 = arith.constant 0 : i32
      %dma_wait3A_427 = arith.constant 0 : i32
      %dma_wait3A_428 = arith.constant 0 : i32
      %dma_wait3A_429 = tpu.memref_slice %arg8[%dma_wait3A_425, %dma_wait3A_427, %dma_wait3A_428] : memref<2x256x32xf32, #tpu.memory_space<vmem>> -> memref<1x256x32xf32, #tpu.memory_space<vmem>>
      %dma_wait3A_430 = tpu.memref_squeeze %dma_wait3A_429 : memref<1x256x32xf32, #tpu.memory_space<vmem>> -> memref<256x32xf32, #tpu.memory_space<vmem>>
      %dma_wait3A_431 = arith.constant 0 : i32
      %dma_wait3A_432 = tpu.memref_slice %arg6[%dma_wait3A_424, %dma_wait3A_431] : memref<8x256xi32, #tpu.memory_space<vmem>> -> memref<1x256xi32, #tpu.memory_space<vmem>>
      %dma_wait3A_433 = tpu.memref_squeeze %dma_wait3A_432 : memref<1x256xi32, #tpu.memory_space<vmem>> -> memref<256xi32, #tpu.memory_space<vmem>>
      %dma_wait3A_434 = arith.constant 0 : i32
      %dma_wait3A_435 = arith.constant 0 : i32
      %dma_wait3A_436 = tpu.memref_slice %arg2[%dma_wait3A_423, %dma_wait3A_434, %dma_wait3A_435] : memref<2x50176x32xf32, #tpu.memory_space<hbm>> -> memref<1x50176x32xf32, #tpu.memory_space<hbm>>
      %dma_wait3A_437 = tpu.memref_squeeze %dma_wait3A_436 : memref<1x50176x32xf32, #tpu.memory_space<hbm>> -> memref<50176x32xf32, #tpu.memory_space<hbm>>
      %dma_wait3A_438 = arith.constant 0 : i32
      %dma_wait3A_439 = arith.constant 0 : i32
      %dma_wait3A_440 = tpu.memref_slice %dma_wait3A_437[%dma_wait3A_438, %dma_wait3A_439] : memref<50176x32xf32, #tpu.memory_space<hbm>> -> memref<50176x32xf32, #tpu.memory_space<hbm>>
      %dma_wait3A_441 = tpu.memref_slice %arg11[%dma_wait3A_426] : memref<2x!tpu.dma_semaphore, #tpu.memory_space<semaphore_mem>> -> memref<1x!tpu.dma_semaphore, #tpu.memory_space<semaphore_mem>>
      %dma_wait3A_442 = tpu.memref_squeeze %dma_wait3A_441 : memref<1x!tpu.dma_semaphore, #tpu.memory_space<semaphore_mem>> -> memref<!tpu.dma_semaphore, #tpu.memory_space<semaphore_mem>>
      tpu.wait_indirect_dma semaphore(%dma_wait3A_442 : memref<!tpu.dma_semaphore, #tpu.memory_space<semaphore_mem>>) src(%dma_wait3A_440 : memref<50176x32xf32, #tpu.memory_space<hbm>>) dst(%dma_wait3A_430 : memref<256x32xf32, #tpu.memory_space<vmem>>)
      %dma_start3A_443 = arith.constant 0 : i32
      %dma_start3A_444 = arith.constant 6 : i32
      %dma_start3A_445 = arith.constant 0 : i32
      %dma_start3A_446 = arith.constant 0 : i32
      %dma_start3A_447 = arith.constant 0 : i32
      %dma_start3A_448 = tpu.memref_slice %arg8[%dma_start3A_443, %dma_start3A_446, %dma_start3A_447] : memref<2x256x32xf32, #tpu.memory_space<vmem>> -> memref<1x256x32xf32, #tpu.memory_space<vmem>>
      %dma_start3A_449 = tpu.memref_squeeze %dma_start3A_448 : memref<1x256x32xf32, #tpu.memory_space<vmem>> -> memref<256x32xf32, #tpu.memory_space<vmem>>
      %dma_start3A_450 = arith.constant 0 : i32
      %dma_start3A_451 = tpu.memref_slice %arg7[%dma_start3A_444, %dma_start3A_450] : memref<8x256xi32, #tpu.memory_space<vmem>> -> memref<1x256xi32, #tpu.memory_space<vmem>>
      %dma_start3A_452 = tpu.memref_squeeze %dma_start3A_451 : memref<1x256xi32, #tpu.memory_space<vmem>> -> memref<256xi32, #tpu.memory_space<vmem>>
      %dma_start3A_453 = arith.constant 0 : i32
      %dma_start3A_454 = arith.constant 0 : i32
      %dma_start3A_455 = tpu.memref_slice %arg10[%dma_start3A_453, %dma_start3A_454] : memref<50176x32xf32, #tpu.memory_space<vmem_shared>> -> memref<50176x32xf32, #tpu.memory_space<vmem_shared>>
      %dma_start3A_456 = tpu.memref_slice %arg12[%dma_start3A_445] : memref<2x!tpu.dma_semaphore, #tpu.memory_space<semaphore_mem>> -> memref<1x!tpu.dma_semaphore, #tpu.memory_space<semaphore_mem>>
      %dma_start3A_457 = tpu.memref_squeeze %dma_start3A_456 : memref<1x!tpu.dma_semaphore, #tpu.memory_space<semaphore_mem>> -> memref<!tpu.dma_semaphore, #tpu.memory_space<semaphore_mem>>
      tpu.enqueue_indirect_dma source(%dma_start3A_449 : memref<256x32xf32, #tpu.memory_space<vmem>>) target(%dma_start3A_455 : memref<50176x32xf32, #tpu.memory_space<vmem_shared>>) offsets(%dma_start3A_452 : memref<256xi32, #tpu.memory_space<vmem>>) semaphore(%dma_start3A_457 : memref<!tpu.dma_semaphore, #tpu.memory_space<semaphore_mem>>) {add = true}
      %dma_wait3A_458 = arith.constant 0 : i32
      %dma_wait3A_459 = arith.constant 7 : i32
      %dma_wait3A_460 = arith.constant 1 : i32
      %dma_wait3A_461 = arith.constant 1 : i32
      %dma_wait3A_462 = arith.constant 0 : i32
      %dma_wait3A_463 = arith.constant 0 : i32
      %dma_wait3A_464 = tpu.memref_slice %arg8[%dma_wait3A_460, %dma_wait3A_462, %dma_wait3A_463] : memref<2x256x32xf32, #tpu.memory_space<vmem>> -> memref<1x256x32xf32, #tpu.memory_space<vmem>>
      %dma_wait3A_465 = tpu.memref_squeeze %dma_wait3A_464 : memref<1x256x32xf32, #tpu.memory_space<vmem>> -> memref<256x32xf32, #tpu.memory_space<vmem>>
      %dma_wait3A_466 = arith.constant 0 : i32
      %dma_wait3A_467 = tpu.memref_slice %arg6[%dma_wait3A_459, %dma_wait3A_466] : memref<8x256xi32, #tpu.memory_space<vmem>> -> memref<1x256xi32, #tpu.memory_space<vmem>>
      %dma_wait3A_468 = tpu.memref_squeeze %dma_wait3A_467 : memref<1x256xi32, #tpu.memory_space<vmem>> -> memref<256xi32, #tpu.memory_space<vmem>>
      %dma_wait3A_469 = arith.constant 0 : i32
      %dma_wait3A_470 = arith.constant 0 : i32
      %dma_wait3A_471 = tpu.memref_slice %arg2[%dma_wait3A_458, %dma_wait3A_469, %dma_wait3A_470] : memref<2x50176x32xf32, #tpu.memory_space<hbm>> -> memref<1x50176x32xf32, #tpu.memory_space<hbm>>
      %dma_wait3A_472 = tpu.memref_squeeze %dma_wait3A_471 : memref<1x50176x32xf32, #tpu.memory_space<hbm>> -> memref<50176x32xf32, #tpu.memory_space<hbm>>
      %dma_wait3A_473 = arith.constant 0 : i32
      %dma_wait3A_474 = arith.constant 0 : i32
      %dma_wait3A_475 = tpu.memref_slice %dma_wait3A_472[%dma_wait3A_473, %dma_wait3A_474] : memref<50176x32xf32, #tpu.memory_space<hbm>> -> memref<50176x32xf32, #tpu.memory_space<hbm>>
      %dma_wait3A_476 = tpu.memref_slice %arg11[%dma_wait3A_461] : memref<2x!tpu.dma_semaphore, #tpu.memory_space<semaphore_mem>> -> memref<1x!tpu.dma_semaphore, #tpu.memory_space<semaphore_mem>>
      %dma_wait3A_477 = tpu.memref_squeeze %dma_wait3A_476 : memref<1x!tpu.dma_semaphore, #tpu.memory_space<semaphore_mem>> -> memref<!tpu.dma_semaphore, #tpu.memory_space<semaphore_mem>>
      tpu.wait_indirect_dma semaphore(%dma_wait3A_477 : memref<!tpu.dma_semaphore, #tpu.memory_space<semaphore_mem>>) src(%dma_wait3A_475 : memref<50176x32xf32, #tpu.memory_space<hbm>>) dst(%dma_wait3A_465 : memref<256x32xf32, #tpu.memory_space<vmem>>)
      %dma_start3A_478 = arith.constant 1 : i32
      %dma_start3A_479 = arith.constant 7 : i32
      %dma_start3A_480 = arith.constant 1 : i32
      %dma_start3A_481 = arith.constant 0 : i32
      %dma_start3A_482 = arith.constant 0 : i32
      %dma_start3A_483 = tpu.memref_slice %arg8[%dma_start3A_478, %dma_start3A_481, %dma_start3A_482] : memref<2x256x32xf32, #tpu.memory_space<vmem>> -> memref<1x256x32xf32, #tpu.memory_space<vmem>>
      %dma_start3A_484 = tpu.memref_squeeze %dma_start3A_483 : memref<1x256x32xf32, #tpu.memory_space<vmem>> -> memref<256x32xf32, #tpu.memory_space<vmem>>
      %dma_start3A_485 = arith.constant 0 : i32
      %dma_start3A_486 = tpu.memref_slice %arg7[%dma_start3A_479, %dma_start3A_485] : memref<8x256xi32, #tpu.memory_space<vmem>> -> memref<1x256xi32, #tpu.memory_space<vmem>>
      %dma_start3A_487 = tpu.memref_squeeze %dma_start3A_486 : memref<1x256xi32, #tpu.memory_space<vmem>> -> memref<256xi32, #tpu.memory_space<vmem>>
      %dma_start3A_488 = arith.constant 0 : i32
      %dma_start3A_489 = arith.constant 0 : i32
      %dma_start3A_490 = tpu.memref_slice %arg10[%dma_start3A_488, %dma_start3A_489] : memref<50176x32xf32, #tpu.memory_space<vmem_shared>> -> memref<50176x32xf32, #tpu.memory_space<vmem_shared>>
      %dma_start3A_491 = tpu.memref_slice %arg12[%dma_start3A_480] : memref<2x!tpu.dma_semaphore, #tpu.memory_space<semaphore_mem>> -> memref<1x!tpu.dma_semaphore, #tpu.memory_space<semaphore_mem>>
      %dma_start3A_492 = tpu.memref_squeeze %dma_start3A_491 : memref<1x!tpu.dma_semaphore, #tpu.memory_space<semaphore_mem>> -> memref<!tpu.dma_semaphore, #tpu.memory_space<semaphore_mem>>
      tpu.enqueue_indirect_dma source(%dma_start3A_484 : memref<256x32xf32, #tpu.memory_space<vmem>>) target(%dma_start3A_490 : memref<50176x32xf32, #tpu.memory_space<vmem_shared>>) offsets(%dma_start3A_487 : memref<256xi32, #tpu.memory_space<vmem>>) semaphore(%dma_start3A_492 : memref<!tpu.dma_semaphore, #tpu.memory_space<semaphore_mem>>) {add = true}
      %dma_wait3A_493 = arith.constant 0 : i32
      %dma_wait3A_494 = arith.constant 6 : i32
      %dma_wait3A_495 = arith.constant 0 : i32
      %dma_wait3A_496 = arith.constant 0 : i32
      %dma_wait3A_497 = arith.constant 0 : i32
      %dma_wait3A_498 = tpu.memref_slice %arg8[%dma_wait3A_493, %dma_wait3A_496, %dma_wait3A_497] : memref<2x256x32xf32, #tpu.memory_space<vmem>> -> memref<1x256x32xf32, #tpu.memory_space<vmem>>
      %dma_wait3A_499 = tpu.memref_squeeze %dma_wait3A_498 : memref<1x256x32xf32, #tpu.memory_space<vmem>> -> memref<256x32xf32, #tpu.memory_space<vmem>>
      %dma_wait3A_500 = arith.constant 0 : i32
      %dma_wait3A_501 = tpu.memref_slice %arg7[%dma_wait3A_494, %dma_wait3A_500] : memref<8x256xi32, #tpu.memory_space<vmem>> -> memref<1x256xi32, #tpu.memory_space<vmem>>
      %dma_wait3A_502 = tpu.memref_squeeze %dma_wait3A_501 : memref<1x256xi32, #tpu.memory_space<vmem>> -> memref<256xi32, #tpu.memory_space<vmem>>
      %dma_wait3A_503 = arith.constant 0 : i32
      %dma_wait3A_504 = arith.constant 0 : i32
      %dma_wait3A_505 = tpu.memref_slice %arg10[%dma_wait3A_503, %dma_wait3A_504] : memref<50176x32xf32, #tpu.memory_space<vmem_shared>> -> memref<50176x32xf32, #tpu.memory_space<vmem_shared>>
      %dma_wait3A_506 = tpu.memref_slice %arg12[%dma_wait3A_495] : memref<2x!tpu.dma_semaphore, #tpu.memory_space<semaphore_mem>> -> memref<1x!tpu.dma_semaphore, #tpu.memory_space<semaphore_mem>>
      %dma_wait3A_507 = tpu.memref_squeeze %dma_wait3A_506 : memref<1x!tpu.dma_semaphore, #tpu.memory_space<semaphore_mem>> -> memref<!tpu.dma_semaphore, #tpu.memory_space<semaphore_mem>>
      tpu.wait_indirect_dma semaphore(%dma_wait3A_507 : memref<!tpu.dma_semaphore, #tpu.memory_space<semaphore_mem>>) src(%dma_wait3A_499 : memref<256x32xf32, #tpu.memory_space<vmem>>) dst(%dma_wait3A_505 : memref<50176x32xf32, #tpu.memory_space<vmem_shared>>)
      %dma_wait3A_508 = arith.constant 1 : i32
      %dma_wait3A_509 = arith.constant 7 : i32
      %dma_wait3A_510 = arith.constant 1 : i32
      %dma_wait3A_511 = arith.constant 0 : i32
      %dma_wait3A_512 = arith.constant 0 : i32
      %dma_wait3A_513 = tpu.memref_slice %arg8[%dma_wait3A_508, %dma_wait3A_511, %dma_wait3A_512] : memref<2x256x32xf32, #tpu.memory_space<vmem>> -> memref<1x256x32xf32, #tpu.memory_space<vmem>>
      %dma_wait3A_514 = tpu.memref_squeeze %dma_wait3A_513 : memref<1x256x32xf32, #tpu.memory_space<vmem>> -> memref<256x32xf32, #tpu.memory_space<vmem>>
      %dma_wait3A_515 = arith.constant 0 : i32
      %dma_wait3A_516 = tpu.memref_slice %arg7[%dma_wait3A_509, %dma_wait3A_515] : memref<8x256xi32, #tpu.memory_space<vmem>> -> memref<1x256xi32, #tpu.memory_space<vmem>>
      %dma_wait3A_517 = tpu.memref_squeeze %dma_wait3A_516 : memref<1x256xi32, #tpu.memory_space<vmem>> -> memref<256xi32, #tpu.memory_space<vmem>>
      %dma_wait3A_518 = arith.constant 0 : i32
      %dma_wait3A_519 = arith.constant 0 : i32
      %dma_wait3A_520 = tpu.memref_slice %arg10[%dma_wait3A_518, %dma_wait3A_519] : memref<50176x32xf32, #tpu.memory_space<vmem_shared>> -> memref<50176x32xf32, #tpu.memory_space<vmem_shared>>
      %dma_wait3A_521 = tpu.memref_slice %arg12[%dma_wait3A_510] : memref<2x!tpu.dma_semaphore, #tpu.memory_space<semaphore_mem>> -> memref<1x!tpu.dma_semaphore, #tpu.memory_space<semaphore_mem>>
      %dma_wait3A_522 = tpu.memref_squeeze %dma_wait3A_521 : memref<1x!tpu.dma_semaphore, #tpu.memory_space<semaphore_mem>> -> memref<!tpu.dma_semaphore, #tpu.memory_space<semaphore_mem>>
      tpu.wait_indirect_dma semaphore(%dma_wait3A_522 : memref<!tpu.dma_semaphore, #tpu.memory_space<semaphore_mem>>) src(%dma_wait3A_514 : memref<256x32xf32, #tpu.memory_space<vmem>>) dst(%dma_wait3A_520 : memref<50176x32xf32, #tpu.memory_space<vmem_shared>>)
      %scan3A_523 = arith.constant 0 : i32
      scf.yield %scan3A_523 : i32
    }
    %scan3A_21 = arith.constant 25 : i32
    %barrier3A_22 = arith.constant 0 : index
    tpu.barrier barrier_id(%barrier3A_22)
    %scan3A_23 = arith.constant 0 : i32
    %scan3A_24 = arith.constant 0 : i32
    %scan3A_25 = arith.constant 28 : i32
    %scan3A_26 = arith.addi %scan3A_24, %scan3A_25 : i32
    %scan3A_27 = arith.constant 1 : i32
    %scan3A_28 = scf.for %scan3A_30 = %scan3A_24 to %scan3A_26 step %scan3A_27 iter_args(%scan3A_31 = %scan3A_23) -> (i32)  : i32 {
      %mul3A_32 = arith.constant 3136 : i32
      %mul3A_33 = arith.muli %arg1, %mul3A_32 : i32
      %mul3A_34 = arith.constant 112 : i32
      %mul3A_35 = arith.muli %scan3A_30, %mul3A_34 : i32
      %add3A = arith.addi %mul3A_33, %mul3A_35 : i32
      "tpu.region"() ({
        %run_scoped3A = tpu.sem_alloc : memref<!tpu.dma_semaphore, #tpu.memory_space<semaphore_mem>>
        %dma_start3A = arith.constant 0 : i32
        %dma_start3A_37 = arith.constant 0 : i32
        %dma_start3A_38 = tpu.memref_slice %arg5[%arg0, %dma_start3A, %dma_start3A_37] : memref<2x50176x32xf32, #tpu.memory_space<hbm>> -> memref<1x50176x32xf32, #tpu.memory_space<hbm>>
        %dma_start3A_39 = tpu.memref_squeeze %dma_start3A_38 : memref<1x50176x32xf32, #tpu.memory_space<hbm>> -> memref<50176x32xf32, #tpu.memory_space<hbm>>
        %dma_start3A_40 = arith.constant 0 : i32
        %dma_start3A_41 = tpu.memref_slice %dma_start3A_39[%add3A, %dma_start3A_40] : memref<50176x32xf32, #tpu.memory_space<hbm>> -> memref<112x32xf32, #tpu.memory_space<hbm>>
        %dma_start3A_42 = arith.constant 0 : i32
        %dma_start3A_43 = tpu.memref_slice %arg10[%add3A, %dma_start3A_42] : memref<50176x32xf32, #tpu.memory_space<vmem_shared>> -> memref<112x32xf32, #tpu.memory_space<vmem_shared>>
        tpu.enqueue_dma source(%dma_start3A_43 : memref<112x32xf32, #tpu.memory_space<vmem_shared>>) target(%dma_start3A_41 : memref<112x32xf32, #tpu.memory_space<hbm>>) target_semaphore(%run_scoped3A : memref<!tpu.dma_semaphore, #tpu.memory_space<semaphore_mem>>)
        %dma_wait3A = arith.constant 0 : i32
        %dma_wait3A_44 = arith.constant 0 : i32
        %dma_wait3A_45 = tpu.memref_slice %arg5[%arg0, %dma_wait3A, %dma_wait3A_44] : memref<2x50176x32xf32, #tpu.memory_space<hbm>> -> memref<1x50176x32xf32, #tpu.memory_space<hbm>>
        %dma_wait3A_46 = tpu.memref_squeeze %dma_wait3A_45 : memref<1x50176x32xf32, #tpu.memory_space<hbm>> -> memref<50176x32xf32, #tpu.memory_space<hbm>>
        %dma_wait3A_47 = arith.constant 0 : i32
        %dma_wait3A_48 = tpu.memref_slice %dma_wait3A_46[%add3A, %dma_wait3A_47] : memref<50176x32xf32, #tpu.memory_space<hbm>> -> memref<112x32xf32, #tpu.memory_space<hbm>>
        %dma_wait3A_49 = arith.constant 0 : i32
        %dma_wait3A_50 = tpu.memref_slice %arg10[%add3A, %dma_wait3A_49] : memref<50176x32xf32, #tpu.memory_space<vmem_shared>> -> memref<112x32xf32, #tpu.memory_space<vmem_shared>>
        tpu.wait_dma2 semaphore(%run_scoped3A : memref<!tpu.dma_semaphore, #tpu.memory_space<semaphore_mem>>) src(%dma_wait3A_50 : memref<112x32xf32, #tpu.memory_space<vmem_shared>>) dst(%dma_wait3A_48 : memref<112x32xf32, #tpu.memory_space<hbm>>)
        tpu.yield
      }) : () -> ()
      %scan3A_36 = arith.constant 0 : i32
      scf.yield %scan3A_36 : i32
    }
    %scan3A_29 = arith.constant 28 : i32
    return
  }
}

module attributes {stable_mosaic.version = 14 : i64} {
  func.func @_tc1a(%arg0: i32, %arg1: memref<1024x24xf32, #tpu.memory_space<vmem>>, %arg2: memref<2x1024x32xf32, #tpu.memory_space<vmem>>, %arg3: memref<24x64xf32, #tpu.memory_space<vmem>>, %arg4: memref<24x64xf32, #tpu.memory_space<vmem>>, %arg5: memref<1x64xf32, #tpu.memory_space<vmem>>, %arg6: memref<64x1xf32, #tpu.memory_space<vmem>>, %arg7: memref<1024x64xf32, #tpu.memory_space<vmem>>, %arg8: memref<1x8x128xf32, #tpu.memory_space<vmem>>) attributes {dimension_semantics = [#tpu.dimension_semantics<arbitrary>], iteration_bounds = array<i64: 49>, scalar_prefetch = 0 : i64, scratch_operands = 0 : i64, tpu.core_type = #tpu.core_type<tc>, window_params = [{transform_indices = @transform_0, window_bounds = array<i64: 1024, 24>}, {transform_indices = @transform_1, window_bounds = array<i64: 2, 1024, 32>}, {pipeline_mode = #tpu.pipeline_mode<synchronous>, transform_indices = @transform_2, window_bounds = array<i64: 24, 64>}, {pipeline_mode = #tpu.pipeline_mode<synchronous>, transform_indices = @transform_3, window_bounds = array<i64: 24, 64>}, {pipeline_mode = #tpu.pipeline_mode<synchronous>, transform_indices = @transform_4, window_bounds = array<i64: 1, 64>}, {pipeline_mode = #tpu.pipeline_mode<synchronous>, transform_indices = @transform_5, window_bounds = array<i64: 64, 1>}, {transform_indices = @transform_6, window_bounds = array<i64: 1024, 64>}, {transform_indices = @transform_7, window_bounds = array<i64: 1, 8, 128>}]} {
    %get3A = arith.constant 0 : index
    %get3A_0 = arith.constant 0 : index
    %get3A_1 = arith.constant 0 : index
    %get3A_2 = vector.load %arg2[%get3A, %get3A_0, %get3A_1] : memref<2x1024x32xf32, #tpu.memory_space<vmem>>, vector<1x1024x32xf32>
    %get3A_3 = vector.shape_cast %get3A_2 : vector<1x1024x32xf32> to vector<1024x32xf32>
    %get3A_4 = arith.constant 1 : index
    %get3A_5 = arith.constant 0 : index
    %get3A_6 = arith.constant 0 : index
    %get3A_7 = vector.load %arg2[%get3A_4, %get3A_5, %get3A_6] : memref<2x1024x32xf32, #tpu.memory_space<vmem>>, vector<1x1024x32xf32>
    %get3A_8 = vector.shape_cast %get3A_7 : vector<1x1024x32xf32> to vector<1024x32xf32>
    %add3A = arith.addf %get3A_3, %get3A_8 : vector<1024x32xf32>
    %slice3A = vector.extract_strided_slice %add3A {offsets = [0, 0], sizes = [1024, 24], strides = [1, 1]} : vector<1024x32xf32> to vector<1024x24xf32>
    %slice3A_9 = vector.extract_strided_slice %add3A {offsets = [0, 24], sizes = [1024, 1], strides = [1, 1]} : vector<1024x32xf32> to vector<1024x1xf32>
    %max3A = arith.constant 1.000000e+00 : f32
    %max3A_10 = vector.broadcast %max3A : f32 to vector<1024x1xf32>
    %max3A_11 = arith.maximumf %slice3A_9, %max3A_10 : vector<1024x1xf32>
    %div3A = vector.broadcast %max3A_11 : vector<1024x1xf32> to vector<1024x24xf32>
    %div3A_12 = arith.divf %slice3A, %div3A : vector<1024x24xf32>
    %get3A_13 = arith.constant 0 : index
    %get3A_14 = arith.constant 0 : index
    %get3A_15 = vector.load %arg3[%get3A_13, %get3A_14] : memref<24x64xf32, #tpu.memory_space<vmem>>, vector<24x64xf32>
    %dot_general3A = arith.constant dense<0.000000e+00> : vector<1024x64xf32>
    %dot_general3A_16 = tpu.matmul %div3A_12, %get3A_15, %dot_general3A {dimension_numbers = #tpu.dot_dimension_numbers<[1], [0], [0], [1], [0, 0, 1, 1], [], []>, transpose_lhs_hint = false} : vector<1024x24xf32>, vector<24x64xf32>, vector<1024x64xf32> -> vector<1024x64xf32>
    %get3A_17 = arith.constant 0 : index
    %get3A_18 = arith.constant 0 : index
    %get3A_19 = vector.load %arg1[%get3A_17, %get3A_18] : memref<1024x24xf32, #tpu.memory_space<vmem>>, vector<1024x24xf32>
    %get3A_20 = arith.constant 0 : index
    %get3A_21 = arith.constant 0 : index
    %get3A_22 = vector.load %arg4[%get3A_20, %get3A_21] : memref<24x64xf32, #tpu.memory_space<vmem>>, vector<24x64xf32>
    %dot_general3A_23 = arith.constant dense<0.000000e+00> : vector<1024x64xf32>
    %dot_general3A_24 = tpu.matmul %get3A_19, %get3A_22, %dot_general3A_23 {dimension_numbers = #tpu.dot_dimension_numbers<[1], [0], [0], [1], [0, 0, 1, 1], [], []>, transpose_lhs_hint = false} : vector<1024x24xf32>, vector<24x64xf32>, vector<1024x64xf32> -> vector<1024x64xf32>
    %add3A_25 = arith.addf %dot_general3A_16, %dot_general3A_24 : vector<1024x64xf32>
    %get3A_26 = arith.constant 0 : index
    %get3A_27 = arith.constant 0 : index
    %get3A_28 = vector.load %arg5[%get3A_26, %get3A_27] : memref<1x64xf32, #tpu.memory_space<vmem>>, vector<1x64xf32>
    %add3A_29 = vector.broadcast %get3A_28 : vector<1x64xf32> to vector<1024x64xf32>
    %add3A_30 = arith.addf %add3A_25, %add3A_29 : vector<1024x64xf32>
    %max3A_31 = arith.constant 0.000000e+00 : f32
    %max3A_32 = vector.broadcast %max3A_31 : f32 to vector<1024x64xf32>
    %max3A_33 = arith.maximumf %add3A_30, %max3A_32 : vector<1024x64xf32>
    %swap3A = arith.constant 0 : index
    %swap3A_34 = arith.constant 0 : index
    %swap3A_35 = vector.load %arg7[%swap3A, %swap3A_34] : memref<1024x64xf32, #tpu.memory_space<vmem>>, vector<1024x64xf32>
    tpu.vector_store %arg7[%swap3A, %swap3A_34], %max3A_33 {strides = array<i32>} : memref<1024x64xf32, #tpu.memory_space<vmem>>, vector<1024x64xf32>,
    %get3A_36 = arith.constant 0 : index
    %get3A_37 = arith.constant 0 : index
    %get3A_38 = vector.load %arg6[%get3A_36, %get3A_37] : memref<64x1xf32, #tpu.memory_space<vmem>>, vector<64x1xf32>
    %mul3A = arith.mulf %get3A_38, %get3A_38 : vector<64x1xf32>
    %reduce_sum3A = vector.shape_cast %mul3A : vector<64x1xf32> to vector<1x64x1xf32>
    %reduce_sum3A_39 = arith.constant dense<0.000000e+00> : vector<1xf32>
    %reduce_sum3A_40 = vector.multi_reduction <add>, %reduce_sum3A, %reduce_sum3A_39 [1, 2] : vector<1x64x1xf32> to vector<1xf32>
    %reduce_sum3A_41 = vector.shape_cast %reduce_sum3A_40 : vector<1xf32> to vector<1x1x1xf32>
    %reduce_sum3A_42 = vector.extract %reduce_sum3A_41[0, 0, 0] : f32 from vector<1x1x1xf32>
    %rsqrt3A = math.rsqrt %reduce_sum3A_42 : f32
    %dot_general3A_43 = arith.constant dense<0.000000e+00> : vector<1024x1xf32>
    %dot_general3A_44 = tpu.matmul %max3A_33, %get3A_38, %dot_general3A_43 {dimension_numbers = #tpu.dot_dimension_numbers<[1], [0], [0], [1], [0, 0, 1, 1], [], []>, transpose_lhs_hint = false} : vector<1024x64xf32>, vector<64x1xf32>, vector<1024x1xf32> -> vector<1024x1xf32>
    %mul3A_45 = vector.broadcast %rsqrt3A : f32 to vector<1024x1xf32>
    %mul3A_46 = arith.mulf %dot_general3A_44, %mul3A_45 : vector<1024x1xf32>
    %tanh3A = math.tanh %mul3A_46 : vector<1024x1xf32>
    %iota3A = tpu.iota {dimensions = array<i32: 0>} : vector<1024x1xi32>
    %mul3A_47 = arith.constant 1024 : i32
    %mul3A_48 = arith.muli %arg0, %mul3A_47 : i32
    %add3A_49 = vector.broadcast %mul3A_48 : i32 to vector<1024x1xi32>
    %add3A_50 = arith.addi %iota3A, %add3A_49 : vector<1024x1xi32>
    %lt3A = arith.constant 50000 : i32
    %lt3A_51 = vector.broadcast %lt3A : i32 to vector<1024x1xi32>
    %lt3A_52 = arith.cmpi slt, %add3A_50, %lt3A_51 : vector<1024x1xi32>
    %jit3A = arith.constant -2.000000e+00 : f32
    %broadcast_in_dim3A = vector.broadcast %jit3A : f32 to vector<1024x1xf32>
    %select_n3A = arith.select %lt3A_52, %tanh3A, %broadcast_in_dim3A : vector<1024x1xi1>, vector<1024x1xf32>
    %reshape3A = vector.shape_cast %select_n3A : vector<1024x1xf32> to vector<1x8x128xf32>
    %swap3A_53 = arith.constant 0 : index
    %swap3A_54 = arith.constant 0 : index
    %swap3A_55 = arith.constant 0 : index
    %swap3A_56 = vector.load %arg8[%swap3A_53, %swap3A_54, %swap3A_55] : memref<1x8x128xf32, #tpu.memory_space<vmem>>, vector<1x8x128xf32>
    tpu.vector_store %arg8[%swap3A_53, %swap3A_54, %swap3A_55], %reshape3A {strides = array<i32>} : memref<1x8x128xf32, #tpu.memory_space<vmem>>, vector<1x8x128xf32>,
    return
  }
  func.func @transform_0(%arg0: i32) -> (i32, i32) {
    %c0_i32 = arith.constant 0 : i32
    %c0_i32_0 = arith.constant 0 : i32
    return %arg0, %c0_i32 : i32, i32
  }
  func.func @transform_1(%arg0: i32) -> (i32, i32, i32) {
    %c0_i32 = arith.constant 0 : i32
    %c0_i32_0 = arith.constant 0 : i32
    %c0_i32_1 = arith.constant 0 : i32
    return %c0_i32, %arg0, %c0_i32_0 : i32, i32, i32
  }
  func.func @transform_2(%arg0: i32) -> (i32, i32) {
    %c0_i32 = arith.constant 0 : i32
    %c0_i32_0 = arith.constant 0 : i32
    %c0_i32_1 = arith.constant 0 : i32
    return %c0_i32, %c0_i32_0 : i32, i32
  }
  func.func @transform_3(%arg0: i32) -> (i32, i32) {
    %c0_i32 = arith.constant 0 : i32
    %c0_i32_0 = arith.constant 0 : i32
    %c0_i32_1 = arith.constant 0 : i32
    return %c0_i32, %c0_i32_0 : i32, i32
  }
  func.func @transform_4(%arg0: i32) -> (i32, i32) {
    %c0_i32 = arith.constant 0 : i32
    %c0_i32_0 = arith.constant 0 : i32
    %c0_i32_1 = arith.constant 0 : i32
    return %c0_i32, %c0_i32_0 : i32, i32
  }
  func.func @transform_5(%arg0: i32) -> (i32, i32) {
    %c0_i32 = arith.constant 0 : i32
    %c0_i32_0 = arith.constant 0 : i32
    %c0_i32_1 = arith.constant 0 : i32
    return %c0_i32, %c0_i32_0 : i32, i32
  }
  func.func @transform_6(%arg0: i32) -> (i32, i32) {
    %c0_i32 = arith.constant 0 : i32
    %c0_i32_0 = arith.constant 0 : i32
    return %arg0, %c0_i32 : i32, i32
  }
  func.func @transform_7(%arg0: i32) -> (i32, i32, i32) {
    %c0_i32 = arith.constant 0 : i32
    %c0_i32_0 = arith.constant 0 : i32
    %c0_i32_1 = arith.constant 0 : i32
    return %arg0, %c0_i32, %c0_i32_0 : i32, i32, i32
  }
}

module attributes {stable_mosaic.version = 14 : i64} {
  func.func @_tc1c(%arg0: i32, %arg1: memref<1024x64xf32, #tpu.memory_space<vmem>>, %arg2: memref<64x1xf32, #tpu.memory_space<vmem>>, %arg3: memref<392x128xf32, #tpu.memory_space<vmem>>, %arg4: memref<2x1024x32xf32, #tpu.memory_space<vmem>>, %arg5: memref<1024x16xf32, #tpu.memory_space<vmem>>, %arg6: memref<2x64xf32, #tpu.memory_space<vmem>>, %arg7: memref<2xi32, #tpu.memory_space<smem>>) attributes {dimension_semantics = [#tpu.dimension_semantics<arbitrary>], iteration_bounds = array<i64: 49>, scalar_prefetch = 0 : i64, scratch_operands = 1 : i64, tpu.core_type = #tpu.core_type<tc>, window_params = [{transform_indices = @transform_0, window_bounds = array<i64: 1024, 64>}, {pipeline_mode = #tpu.pipeline_mode<synchronous>, transform_indices = @transform_1, window_bounds = array<i64: 64, 1>}, {pipeline_mode = #tpu.pipeline_mode<synchronous>, transform_indices = @transform_2, window_bounds = array<i64: 392, 128>}, {transform_indices = @transform_3, window_bounds = array<i64: 2, 1024, 32>}, {transform_indices = @transform_4, window_bounds = array<i64: 1024, 16>}, {pipeline_mode = #tpu.pipeline_mode<synchronous>, transform_indices = @transform_5, window_bounds = array<i64: 2, 64>}]} {
    %eq3A = arith.constant 0 : i32
    %eq3A_0 = arith.cmpi eq, %arg0, %eq3A : i32
    %convert_element_type3A = arith.extui %eq3A_0 : i1 to i32
    %cond3A = arith.constant 0 : i32
    %cond3A_1 = arith.cmpi ne, %convert_element_type3A, %cond3A : i32
    scf.if %cond3A_1 {
      %get3A_80 = arith.constant 0 : index
      %get3A_81 = arith.constant 0 : index
      %get3A_82 = vector.load %arg3[%get3A_80, %get3A_81] : memref<392x128xf32, #tpu.memory_space<vmem>>, vector<392x128xf32>
      %bitcast_convert_type3A_83 = tpu.bitcast %get3A_82 : vector<392x128xf32> -> vector<392x128xi32>
      %shift_right_arithmetic3A_84 = arith.constant 31 : i32
      %shift_right_arithmetic3A_85 = vector.broadcast %shift_right_arithmetic3A_84 : i32 to vector<392x128xi32>
      %shift_right_arithmetic3A_86 = arith.shrsi %bitcast_convert_type3A_83, %shift_right_arithmetic3A_85 : vector<392x128xi32>
      %and3A_87 = arith.constant 2147483647 : i32
      %and3A_88 = vector.broadcast %and3A_87 : i32 to vector<392x128xi32>
      %and3A_89 = arith.andi %shift_right_arithmetic3A_86, %and3A_88 : vector<392x128xi32>
      %xor3A_90 = arith.xori %bitcast_convert_type3A_83, %and3A_89 : vector<392x128xi32>
      %iota3A_91 = tpu.iota {dimensions = array<i32: 0>} : vector<392x128xi32>
      %mul3A_92 = arith.constant 128 : i32
      %mul3A_93 = vector.broadcast %mul3A_92 : i32 to vector<392x128xi32>
      %mul3A_94 = arith.muli %iota3A_91, %mul3A_93 : vector<392x128xi32>
      %iota3A_95 = tpu.iota {dimensions = array<i32: 1>} : vector<392x128xi32>
      %add3A_96 = arith.addi %mul3A_94, %iota3A_95 : vector<392x128xi32>
      %scan3A = arith.constant -1073741825 : i32
      %scan3A_97 = arith.constant 1065353217 : i32
      %scan3A_98 = arith.constant 0 : i32
      %scan3A_99 = arith.constant 32 : i32
      %scan3A_100 = arith.addi %scan3A_98, %scan3A_99 : i32
      %scan3A_101 = arith.constant 1 : i32
      %scan3A_102:2 = scf.for %scan3A_124 = %scan3A_98 to %scan3A_100 step %scan3A_101 iter_args(%scan3A_125 = %scan3A, %scan3A_126 = %scan3A_97) -> (i32, i32)  : i32 {
        %sub3A_127 = arith.subi %scan3A_126, %scan3A_125 : i32
        %jit3A_128 = arith.constant 2 : i32
        %div3A = arith.divsi %sub3A_127, %jit3A_128 : i32
        %sign3A = arith.constant 0 : i32
        %sign3A_129 = arith.cmpi sgt, %sub3A_127, %sign3A : i32
        %sign3A_130 = arith.extui %sign3A_129 : i1 to i32
        %sign3A_131 = arith.constant 0 : i32
        %sign3A_132 = arith.cmpi slt, %sub3A_127, %sign3A_131 : i32
        %sign3A_133 = arith.extui %sign3A_132 : i1 to i32
        %sign3A_134 = arith.subi %sign3A_130, %sign3A_133 : i32
        %sign3A_135 = arith.constant 0 : i32
        %sign3A_136 = arith.cmpi sgt, %jit3A_128, %sign3A_135 : i32
        %sign3A_137 = arith.extui %sign3A_136 : i1 to i32
        %sign3A_138 = arith.constant 0 : i32
        %sign3A_139 = arith.cmpi slt, %jit3A_128, %sign3A_138 : i32
        %sign3A_140 = arith.extui %sign3A_139 : i1 to i32
        %sign3A_141 = arith.subi %sign3A_137, %sign3A_140 : i32
        %ne3A = arith.cmpi ne, %sign3A_134, %sign3A_141 : i32
        %rem3A = arith.remsi %sub3A_127, %jit3A_128 : i32
        %ne3A_142 = arith.constant 0 : i32
        %ne3A_143 = arith.cmpi ne, %rem3A, %ne3A_142 : i32
        %and3A_144 = arith.andi %ne3A, %ne3A_143 : i1
        %sub3A_145 = arith.constant 1 : i32
        %sub3A_146 = arith.subi %div3A, %sub3A_145 : i32
        %select_n3A_147 = arith.select %and3A_144, %sub3A_146, %div3A : i32
        %add3A_148 = arith.addi %scan3A_125, %select_n3A_147 : i32
        %ge3A_149 = vector.broadcast %add3A_148 : i32 to vector<392x128xi32>
        %ge3A_150 = arith.cmpi sge, %xor3A_90, %ge3A_149 : vector<392x128xi32>
        %convert_element_type3A_151 = arith.extui %ge3A_150 : vector<392x128xi1> to vector<392x128xi32>
        %reduce_sum3A_152 = vector.shape_cast %convert_element_type3A_151 : vector<392x128xi32> to vector<1x392x128xi32>
        %reduce_sum3A_153 = arith.constant dense<0> : vector<1xi32>
        %reduce_sum3A_154 = vector.multi_reduction <add>, %reduce_sum3A_152, %reduce_sum3A_153 [1, 2] : vector<1x392x128xi32> to vector<1xi32>
        %reduce_sum3A_155 = vector.shape_cast %reduce_sum3A_154 : vector<1xi32> to vector<1x1x1xi32>
        %reduce_sum3A_156 = vector.extract %reduce_sum3A_155[0, 0, 0] : i32 from vector<1x1x1xi32>
        %ge3A_157 = arith.constant 40000 : i32
        %ge3A_158 = arith.cmpi sge, %reduce_sum3A_156, %ge3A_157 : i32
        %select_n3A_159 = arith.select %ge3A_158, %add3A_148, %scan3A_125 : i32
        %select_n3A_160 = arith.select %ge3A_158, %scan3A_126, %add3A_148 : i32
        scf.yield %select_n3A_159, %select_n3A_160 : i32, i32
      }
      %add3A_103 = arith.constant 1 : i32
      %add3A_104 = arith.addi %scan3A_102#0, %add3A_103 : i32
      %ge3A = vector.broadcast %add3A_104 : i32 to vector<392x128xi32>
      %ge3A_105 = arith.cmpi sge, %xor3A_90, %ge3A : vector<392x128xi32>
      %convert_element_type3A_106 = arith.extui %ge3A_105 : vector<392x128xi1> to vector<392x128xi32>
      %reduce_sum3A_107 = vector.shape_cast %convert_element_type3A_106 : vector<392x128xi32> to vector<1x392x128xi32>
      %reduce_sum3A_108 = arith.constant dense<0> : vector<1xi32>
      %reduce_sum3A_109 = vector.multi_reduction <add>, %reduce_sum3A_107, %reduce_sum3A_108 [1, 2] : vector<1x392x128xi32> to vector<1xi32>
      %reduce_sum3A_110 = vector.shape_cast %reduce_sum3A_109 : vector<1xi32> to vector<1x1x1xi32>
      %reduce_sum3A_111 = vector.extract %reduce_sum3A_110[0, 0, 0] : i32 from vector<1x1x1xi32>
      %sub3A = arith.constant 40000 : i32
      %sub3A_112 = arith.subi %sub3A, %reduce_sum3A_111 : i32
      %scan3A_113 = arith.constant 0 : i32
      %scan3A_114 = arith.constant 50176 : i32
      %scan3A_115 = arith.constant 0 : i32
      %scan3A_116 = arith.constant 17 : i32
      %scan3A_117 = arith.addi %scan3A_115, %scan3A_116 : i32
      %scan3A_118 = arith.constant 1 : i32
      %scan3A_119:2 = scf.for %scan3A_124 = %scan3A_115 to %scan3A_117 step %scan3A_118 iter_args(%scan3A_125 = %scan3A_113, %scan3A_126 = %scan3A_114) -> (i32, i32)  : i32 {
        %add3A_127 = arith.addi %scan3A_125, %scan3A_126 : i32
        %jit3A_128 = arith.constant 2 : i32
        %div3A = arith.divsi %add3A_127, %jit3A_128 : i32
        %sign3A = arith.constant 0 : i32
        %sign3A_129 = arith.cmpi sgt, %add3A_127, %sign3A : i32
        %sign3A_130 = arith.extui %sign3A_129 : i1 to i32
        %sign3A_131 = arith.constant 0 : i32
        %sign3A_132 = arith.cmpi slt, %add3A_127, %sign3A_131 : i32
        %sign3A_133 = arith.extui %sign3A_132 : i1 to i32
        %sign3A_134 = arith.subi %sign3A_130, %sign3A_133 : i32
        %sign3A_135 = arith.constant 0 : i32
        %sign3A_136 = arith.cmpi sgt, %jit3A_128, %sign3A_135 : i32
        %sign3A_137 = arith.extui %sign3A_136 : i1 to i32
        %sign3A_138 = arith.constant 0 : i32
        %sign3A_139 = arith.cmpi slt, %jit3A_128, %sign3A_138 : i32
        %sign3A_140 = arith.extui %sign3A_139 : i1 to i32
        %sign3A_141 = arith.subi %sign3A_137, %sign3A_140 : i32
        %ne3A = arith.cmpi ne, %sign3A_134, %sign3A_141 : i32
        %rem3A = arith.remsi %add3A_127, %jit3A_128 : i32
        %ne3A_142 = arith.constant 0 : i32
        %ne3A_143 = arith.cmpi ne, %rem3A, %ne3A_142 : i32
        %and3A_144 = arith.andi %ne3A, %ne3A_143 : i1
        %sub3A_145 = arith.constant 1 : i32
        %sub3A_146 = arith.subi %div3A, %sub3A_145 : i32
        %select_n3A_147 = arith.select %and3A_144, %sub3A_146, %div3A : i32
        %eq3A_148 = vector.broadcast %scan3A_102#0 : i32 to vector<392x128xi32>
        %eq3A_149 = arith.cmpi eq, %xor3A_90, %eq3A_148 : vector<392x128xi32>
        %lt3A_150 = vector.broadcast %select_n3A_147 : i32 to vector<392x128xi32>
        %lt3A_151 = arith.cmpi slt, %add3A_96, %lt3A_150 : vector<392x128xi32>
        %and3A_152 = arith.andi %eq3A_149, %lt3A_151 : vector<392x128xi1>
        %convert_element_type3A_153 = arith.extui %and3A_152 : vector<392x128xi1> to vector<392x128xi32>
        %reduce_sum3A_154 = vector.shape_cast %convert_element_type3A_153 : vector<392x128xi32> to vector<1x392x128xi32>
        %reduce_sum3A_155 = arith.constant dense<0> : vector<1xi32>
        %reduce_sum3A_156 = vector.multi_reduction <add>, %reduce_sum3A_154, %reduce_sum3A_155 [1, 2] : vector<1x392x128xi32> to vector<1xi32>
        %reduce_sum3A_157 = vector.shape_cast %reduce_sum3A_156 : vector<1xi32> to vector<1x1x1xi32>
        %reduce_sum3A_158 = vector.extract %reduce_sum3A_157[0, 0, 0] : i32 from vector<1x1x1xi32>
        %ge3A_159 = arith.cmpi sge, %reduce_sum3A_158, %sub3A_112 : i32
        %add3A_160 = arith.constant 1 : i32
        %add3A_161 = arith.addi %select_n3A_147, %add3A_160 : i32
        %select_n3A_162 = arith.select %ge3A_159, %scan3A_125, %add3A_161 : i32
        %select_n3A_163 = arith.select %ge3A_159, %select_n3A_147, %scan3A_126 : i32
        scf.yield %select_n3A_162, %select_n3A_163 : i32, i32
      }
      %swap3A_120 = arith.constant 0 : index
      %swap3A_121 = memref.load %arg7[%swap3A_120] : memref<2xi32, #tpu.memory_space<smem>>
      memref.store %scan3A_102#0, %arg7[%swap3A_120] : memref<2xi32, #tpu.memory_space<smem>>
      %swap3A_122 = arith.constant 1 : index
      %swap3A_123 = memref.load %arg7[%swap3A_122] : memref<2xi32, #tpu.memory_space<smem>>
      memref.store %scan3A_119#1, %arg7[%swap3A_122] : memref<2xi32, #tpu.memory_space<smem>>
    } else {
    }
    %get3A = arith.constant 0 : index
    %get3A_2 = arith.constant 0 : index
    %get3A_3 = vector.load %arg1[%get3A, %get3A_2] : memref<1024x64xf32, #tpu.memory_space<vmem>>, vector<1024x64xf32>
    %get3A_4 = arith.constant 0 : index
    %get3A_5 = arith.constant 0 : index
    %get3A_6 = vector.load %arg2[%get3A_4, %get3A_5] : memref<64x1xf32, #tpu.memory_space<vmem>>, vector<64x1xf32>
    %mul3A = arith.mulf %get3A_6, %get3A_6 : vector<64x1xf32>
    %reduce_sum3A = vector.shape_cast %mul3A : vector<64x1xf32> to vector<1x64x1xf32>
    %reduce_sum3A_7 = arith.constant dense<0.000000e+00> : vector<1xf32>
    %reduce_sum3A_8 = vector.multi_reduction <add>, %reduce_sum3A, %reduce_sum3A_7 [1, 2] : vector<1x64x1xf32> to vector<1xf32>
    %reduce_sum3A_9 = vector.shape_cast %reduce_sum3A_8 : vector<1xf32> to vector<1x1x1xf32>
    %reduce_sum3A_10 = vector.extract %reduce_sum3A_9[0, 0, 0] : f32 from vector<1x1x1xf32>
    %rsqrt3A = math.rsqrt %reduce_sum3A_10 : f32
    %dot_general3A = arith.constant dense<0.000000e+00> : vector<1024x1xf32>
    %dot_general3A_11 = tpu.matmul %get3A_3, %get3A_6, %dot_general3A {dimension_numbers = #tpu.dot_dimension_numbers<[1], [0], [0], [1], [0, 0, 1, 1], [], []>, transpose_lhs_hint = false} : vector<1024x64xf32>, vector<64x1xf32>, vector<1024x1xf32> -> vector<1024x1xf32>
    %mul3A_12 = vector.broadcast %rsqrt3A : f32 to vector<1024x1xf32>
    %mul3A_13 = arith.mulf %dot_general3A_11, %mul3A_12 : vector<1024x1xf32>
    %tanh3A = math.tanh %mul3A_13 : vector<1024x1xf32>
    %iota3A = tpu.iota {dimensions = array<i32: 0>} : vector<1024x1xi32>
    %mul3A_14 = arith.constant 1024 : i32
    %mul3A_15 = arith.muli %arg0, %mul3A_14 : i32
    %add3A = vector.broadcast %mul3A_15 : i32 to vector<1024x1xi32>
    %add3A_16 = arith.addi %iota3A, %add3A : vector<1024x1xi32>
    %lt3A = arith.constant 50000 : i32
    %lt3A_17 = vector.broadcast %lt3A : i32 to vector<1024x1xi32>
    %lt3A_18 = arith.cmpi slt, %add3A_16, %lt3A_17 : vector<1024x1xi32>
    %jit3A = arith.constant -2.000000e+00 : f32
    %broadcast_in_dim3A = vector.broadcast %jit3A : f32 to vector<1024x1xf32>
    %select_n3A = arith.select %lt3A_18, %tanh3A, %broadcast_in_dim3A : vector<1024x1xi1>, vector<1024x1xf32>
    %get3A_19 = arith.constant 0 : index
    %get3A_20 = memref.load %arg7[%get3A_19] : memref<2xi32, #tpu.memory_space<smem>>
    %get3A_21 = arith.constant 1 : index
    %get3A_22 = memref.load %arg7[%get3A_21] : memref<2xi32, #tpu.memory_space<smem>>
    %bitcast_convert_type3A = tpu.bitcast %select_n3A : vector<1024x1xf32> -> vector<1024x1xi32>
    %shift_right_arithmetic3A = arith.constant 31 : i32
    %shift_right_arithmetic3A_23 = vector.broadcast %shift_right_arithmetic3A : i32 to vector<1024x1xi32>
    %shift_right_arithmetic3A_24 = arith.shrsi %bitcast_convert_type3A, %shift_right_arithmetic3A_23 : vector<1024x1xi32>
    %and3A = arith.constant 2147483647 : i32
    %and3A_25 = vector.broadcast %and3A : i32 to vector<1024x1xi32>
    %and3A_26 = arith.andi %shift_right_arithmetic3A_24, %and3A_25 : vector<1024x1xi32>
    %xor3A = arith.xori %bitcast_convert_type3A, %and3A_26 : vector<1024x1xi32>
    %gt3A = vector.broadcast %get3A_20 : i32 to vector<1024x1xi32>
    %gt3A_27 = arith.cmpi sgt, %xor3A, %gt3A : vector<1024x1xi32>
    %eq3A_28 = vector.broadcast %get3A_20 : i32 to vector<1024x1xi32>
    %eq3A_29 = arith.cmpi eq, %xor3A, %eq3A_28 : vector<1024x1xi32>
    %lt3A_30 = vector.broadcast %get3A_22 : i32 to vector<1024x1xi32>
    %lt3A_31 = arith.cmpi slt, %add3A_16, %lt3A_30 : vector<1024x1xi32>
    %and3A_32 = arith.andi %eq3A_29, %lt3A_31 : vector<1024x1xi1>
    %or3A = arith.ori %gt3A_27, %and3A_32 : vector<1024x1xi1>
    %jit3A_33 = arith.constant 0.000000e+00 : f32
    %broadcast_in_dim3A_34 = vector.broadcast %jit3A_33 : f32 to vector<1024x1xf32>
    %select_n3A_35 = arith.select %or3A, %select_n3A, %broadcast_in_dim3A_34 : vector<1024x1xi1>, vector<1024x1xf32>
    %mul3A_36 = vector.broadcast %select_n3A_35 : vector<1024x1xf32> to vector<1024x64xf32>
    %mul3A_37 = arith.mulf %get3A_3, %mul3A_36 : vector<1024x64xf32>
    %slice3A = vector.extract_strided_slice %mul3A_37 {offsets = [0, 0], sizes = [1024, 32], strides = [1, 1]} : vector<1024x64xf32> to vector<1024x32xf32>
    %swap3A = arith.constant 0 : index
    %swap3A_38 = arith.constant 0 : index
    %swap3A_39 = arith.constant 0 : index
    %swap3A_40 = vector.load %arg4[%swap3A, %swap3A_38, %swap3A_39] : memref<2x1024x32xf32, #tpu.memory_space<vmem>>, vector<1x1024x32xf32>
    %swap3A_41 = vector.shape_cast %swap3A_40 : vector<1x1024x32xf32> to vector<1024x32xf32>
    %swap3A_42 = vector.shape_cast %slice3A : vector<1024x32xf32> to vector<1x1024x32xf32>
    tpu.vector_store %arg4[%swap3A, %swap3A_38, %swap3A_39], %swap3A_42 {strides = array<i32>} : memref<2x1024x32xf32, #tpu.memory_space<vmem>>, vector<1x1024x32xf32>,
    %slice3A_43 = vector.extract_strided_slice %mul3A_37 {offsets = [0, 32], sizes = [1024, 32], strides = [1, 1]} : vector<1024x64xf32> to vector<1024x32xf32>
    %swap3A_44 = arith.constant 1 : index
    %swap3A_45 = arith.constant 0 : index
    %swap3A_46 = arith.constant 0 : index
    %swap3A_47 = vector.load %arg4[%swap3A_44, %swap3A_45, %swap3A_46] : memref<2x1024x32xf32, #tpu.memory_space<vmem>>, vector<1x1024x32xf32>
    %swap3A_48 = vector.shape_cast %swap3A_47 : vector<1x1024x32xf32> to vector<1024x32xf32>
    %swap3A_49 = vector.shape_cast %slice3A_43 : vector<1024x32xf32> to vector<1x1024x32xf32>
    tpu.vector_store %arg4[%swap3A_44, %swap3A_45, %swap3A_46], %swap3A_49 {strides = array<i32>} : memref<2x1024x32xf32, #tpu.memory_space<vmem>>, vector<1x1024x32xf32>,
    %convert_element_type3A_50 = arith.extui %or3A : vector<1024x1xi1> to vector<1024x1xi32>
    %convert_element_type3A_51 = arith.sitofp %convert_element_type3A_50 : vector<1024x1xi32> to vector<1024x1xf32>
    %broadcast_in_dim3A_52 = arith.constant 0.000000e+00 : f32
    %broadcast_in_dim3A_53 = vector.broadcast %broadcast_in_dim3A_52 : f32 to vector<1024x15xf32>
    %concatenate3A = tpu.concatenate %convert_element_type3A_51, %broadcast_in_dim3A_53 in 1 : vector<1024x1xf32>, vector<1024x15xf32> -> vector<1024x16xf32>
    %swap3A_54 = arith.constant 0 : index
    %swap3A_55 = arith.constant 0 : index
    %swap3A_56 = vector.load %arg5[%swap3A_54, %swap3A_55] : memref<1024x16xf32, #tpu.memory_space<vmem>>, vector<1024x16xf32>
    tpu.vector_store %arg5[%swap3A_54, %swap3A_55], %concatenate3A {strides = array<i32>} : memref<1024x16xf32, #tpu.memory_space<vmem>>, vector<1024x16xf32>,
    %jit3A_57 = arith.constant 0xFF800000 : f32
    %broadcast_in_dim3A_58 = vector.shape_cast %or3A : vector<1024x1xi1> to vector<1024x1xi1>
    %broadcast_in_dim3A_59 = vector.broadcast %broadcast_in_dim3A_58 : vector<1024x1xi1> to vector<1024x64xi1>
    %broadcast_in_dim3A_60 = vector.broadcast %jit3A_57 : f32 to vector<1024x64xf32>
    %select_n3A_61 = arith.select %broadcast_in_dim3A_59, %mul3A_37, %broadcast_in_dim3A_60 : vector<1024x64xi1>, vector<1024x64xf32>
    %reduce_max3A = arith.constant dense<0xFF800000> : vector<64xf32>
    %reduce_max3A_62 = vector.multi_reduction <maximumf>, %select_n3A_61, %reduce_max3A [0] : vector<1024x64xf32> to vector<64xf32>
    %broadcast_in_dim3A_63 = vector.shape_cast %reduce_max3A_62 : vector<64xf32> to vector<1x64xf32>
    %reduce_sum3A_64 = arith.constant dense<0.000000e+00> : vector<64xf32>
    %reduce_sum3A_65 = vector.multi_reduction <add>, %mul3A_37, %reduce_sum3A_64 [0] : vector<1024x64xf32> to vector<64xf32>
    %broadcast_in_dim3A_66 = vector.shape_cast %reduce_sum3A_65 : vector<64xf32> to vector<1x64xf32>
    %mul3A_67 = arith.constant 2.500000e-05 : f32
    %mul3A_68 = vector.broadcast %mul3A_67 : f32 to vector<1x64xf32>
    %mul3A_69 = arith.mulf %broadcast_in_dim3A_66, %mul3A_68 : vector<1x64xf32>
    %eq3A_70 = arith.constant 0 : i32
    %eq3A_71 = arith.cmpi eq, %arg0, %eq3A_70 : i32
    %convert_element_type3A_72 = arith.extui %eq3A_71 : i1 to i32
    %cond3A_73 = arith.constant 0 : i32
    %cond3A_74 = arith.cmpi ne, %convert_element_type3A_72, %cond3A_73 : i32
    scf.if %cond3A_74 {
      %swap3A_80 = arith.constant 0 : index
      %swap3A_81 = arith.constant 0 : index
      %swap3A_82 = vector.load %arg6[%swap3A_80, %swap3A_81] : memref<2x64xf32, #tpu.memory_space<vmem>>, vector<1x64xf32>
      tpu.vector_store %arg6[%swap3A_80, %swap3A_81], %broadcast_in_dim3A_63 {strides = array<i32>} : memref<2x64xf32, #tpu.memory_space<vmem>>, vector<1x64xf32>,
      %swap3A_83 = arith.constant 1 : index
      %swap3A_84 = arith.constant 0 : index
      %swap3A_85 = vector.load %arg6[%swap3A_83, %swap3A_84] : memref<2x64xf32, #tpu.memory_space<vmem>>, vector<1x64xf32>
      tpu.vector_store %arg6[%swap3A_83, %swap3A_84], %mul3A_69 {strides = array<i32>} : memref<2x64xf32, #tpu.memory_space<vmem>>, vector<1x64xf32>,
    } else {
    }
    %gt3A_75 = arith.constant 0 : i32
    %gt3A_76 = arith.cmpi sgt, %arg0, %gt3A_75 : i32
    %convert_element_type3A_77 = arith.extui %gt3A_76 : i1 to i32
    %cond3A_78 = arith.constant 0 : i32
    %cond3A_79 = arith.cmpi ne, %convert_element_type3A_77, %cond3A_78 : i32
    scf.if %cond3A_79 {
      %get3A_80 = arith.constant 0 : index
      %get3A_81 = arith.constant 0 : index
      %get3A_82 = vector.load %arg6[%get3A_80, %get3A_81] : memref<2x64xf32, #tpu.memory_space<vmem>>, vector<1x64xf32>
      %max3A = arith.maximumf %get3A_82, %broadcast_in_dim3A_63 : vector<1x64xf32>
      %swap3A_83 = arith.constant 0 : index
      %swap3A_84 = arith.constant 0 : index
      %swap3A_85 = vector.load %arg6[%swap3A_83, %swap3A_84] : memref<2x64xf32, #tpu.memory_space<vmem>>, vector<1x64xf32>
      tpu.vector_store %arg6[%swap3A_83, %swap3A_84], %max3A {strides = array<i32>} : memref<2x64xf32, #tpu.memory_space<vmem>>, vector<1x64xf32>,
      %get3A_86 = arith.constant 1 : index
      %get3A_87 = arith.constant 0 : index
      %get3A_88 = vector.load %arg6[%get3A_86, %get3A_87] : memref<2x64xf32, #tpu.memory_space<vmem>>, vector<1x64xf32>
      %add3A_89 = arith.addf %get3A_88, %mul3A_69 : vector<1x64xf32>
      %swap3A_90 = arith.constant 1 : index
      %swap3A_91 = arith.constant 0 : index
      %swap3A_92 = vector.load %arg6[%swap3A_90, %swap3A_91] : memref<2x64xf32, #tpu.memory_space<vmem>>, vector<1x64xf32>
      tpu.vector_store %arg6[%swap3A_90, %swap3A_91], %add3A_89 {strides = array<i32>} : memref<2x64xf32, #tpu.memory_space<vmem>>, vector<1x64xf32>,
    } else {
    }
    return
  }
  func.func @transform_0(%arg0: i32) -> (i32, i32) {
    %c0_i32 = arith.constant 0 : i32
    %c0_i32_0 = arith.constant 0 : i32
    return %arg0, %c0_i32 : i32, i32
  }
  func.func @transform_1(%arg0: i32) -> (i32, i32) {
    %c0_i32 = arith.constant 0 : i32
    %c0_i32_0 = arith.constant 0 : i32
    %c0_i32_1 = arith.constant 0 : i32
    return %c0_i32, %c0_i32_0 : i32, i32
  }
  func.func @transform_2(%arg0: i32) -> (i32, i32) {
    %c0_i32 = arith.constant 0 : i32
    %c0_i32_0 = arith.constant 0 : i32
    %c0_i32_1 = arith.constant 0 : i32
    return %c0_i32, %c0_i32_0 : i32, i32
  }
  func.func @transform_3(%arg0: i32) -> (i32, i32, i32) {
    %c0_i32 = arith.constant 0 : i32
    %c0_i32_0 = arith.constant 0 : i32
    %c0_i32_1 = arith.constant 0 : i32
    return %c0_i32, %arg0, %c0_i32_0 : i32, i32, i32
  }
  func.func @transform_4(%arg0: i32) -> (i32, i32) {
    %c0_i32 = arith.constant 0 : i32
    %c0_i32_0 = arith.constant 0 : i32
    return %arg0, %c0_i32 : i32, i32
  }
  func.func @transform_5(%arg0: i32) -> (i32, i32) {
    %c0_i32 = arith.constant 0 : i32
    %c0_i32_0 = arith.constant 0 : i32
    %c0_i32_1 = arith.constant 0 : i32
    return %c0_i32, %c0_i32_0 : i32, i32
  }
}

module attributes {stable_mosaic.version = 14 : i64} {
  func.func @_tc2a(%arg0: i32, %arg1: memref<2x1024x32xf32, #tpu.memory_space<vmem>>, %arg2: memref<2x1024x16xf32, #tpu.memory_space<vmem>>, %arg3: memref<2x1024x32xf32, #tpu.memory_space<vmem>>, %arg4: memref<1024x16xf32, #tpu.memory_space<vmem>>, %arg5: memref<64x64xf32, #tpu.memory_space<vmem>>, %arg6: memref<64x64xf32, #tpu.memory_space<vmem>>, %arg7: memref<1x64xf32, #tpu.memory_space<vmem>>, %arg8: memref<64x1xf32, #tpu.memory_space<vmem>>, %arg9: memref<1024x64xf32, #tpu.memory_space<vmem>>, %arg10: memref<1x8x128xf32, #tpu.memory_space<vmem>>) attributes {dimension_semantics = [#tpu.dimension_semantics<arbitrary>], iteration_bounds = array<i64: 49>, scalar_prefetch = 0 : i64, scratch_operands = 0 : i64, tpu.core_type = #tpu.core_type<tc>, window_params = [{transform_indices = @transform_0, window_bounds = array<i64: 2, 1024, 32>}, {transform_indices = @transform_1, window_bounds = array<i64: 2, 1024, 16>}, {transform_indices = @transform_2, window_bounds = array<i64: 2, 1024, 32>}, {transform_indices = @transform_3, window_bounds = array<i64: 1024, 16>}, {pipeline_mode = #tpu.pipeline_mode<synchronous>, transform_indices = @transform_4, window_bounds = array<i64: 64, 64>}, {pipeline_mode = #tpu.pipeline_mode<synchronous>, transform_indices = @transform_5, window_bounds = array<i64: 64, 64>}, {pipeline_mode = #tpu.pipeline_mode<synchronous>, transform_indices = @transform_6, window_bounds = array<i64: 1, 64>}, {pipeline_mode = #tpu.pipeline_mode<synchronous>, transform_indices = @transform_7, window_bounds = array<i64: 64, 1>}, {transform_indices = @transform_8, window_bounds = array<i64: 1024, 64>}, {transform_indices = @transform_9, window_bounds = array<i64: 1, 8, 128>}]} {
    %get3A = arith.constant 0 : index
    %get3A_0 = arith.constant 0 : index
    %get3A_1 = arith.constant 0 : index
    %get3A_2 = vector.load %arg1[%get3A, %get3A_0, %get3A_1] : memref<2x1024x32xf32, #tpu.memory_space<vmem>>, vector<1x1024x32xf32>
    %get3A_3 = vector.shape_cast %get3A_2 : vector<1x1024x32xf32> to vector<1024x32xf32>
    %get3A_4 = arith.constant 1 : index
    %get3A_5 = arith.constant 0 : index
    %get3A_6 = arith.constant 0 : index
    %get3A_7 = vector.load %arg1[%get3A_4, %get3A_5, %get3A_6] : memref<2x1024x32xf32, #tpu.memory_space<vmem>>, vector<1x1024x32xf32>
    %get3A_8 = vector.shape_cast %get3A_7 : vector<1x1024x32xf32> to vector<1024x32xf32>
    %concatenate3A = tpu.concatenate %get3A_3, %get3A_8 in 1 : vector<1024x32xf32>, vector<1024x32xf32> -> vector<1024x64xf32>
    %get3A_9 = arith.constant 0 : index
    %get3A_10 = arith.constant 0 : index
    %get3A_11 = arith.constant 0 : index
    %get3A_12 = vector.load %arg2[%get3A_9, %get3A_10, %get3A_11] : memref<2x1024x16xf32, #tpu.memory_space<vmem>>, vector<1x1024x16xf32>
    %get3A_13 = vector.shape_cast %get3A_12 : vector<1x1024x16xf32> to vector<1024x16xf32>
    %slice3A = vector.extract_strided_slice %get3A_13 {offsets = [0, 0], sizes = [1024, 1], strides = [1, 1]} : vector<1024x16xf32> to vector<1024x1xf32>
    %get3A_14 = arith.constant 1 : index
    %get3A_15 = arith.constant 0 : index
    %get3A_16 = arith.constant 0 : index
    %get3A_17 = vector.load %arg2[%get3A_14, %get3A_15, %get3A_16] : memref<2x1024x16xf32, #tpu.memory_space<vmem>>, vector<1x1024x16xf32>
    %get3A_18 = vector.shape_cast %get3A_17 : vector<1x1024x16xf32> to vector<1024x16xf32>
    %slice3A_19 = vector.extract_strided_slice %get3A_18 {offsets = [0, 0], sizes = [1024, 1], strides = [1, 1]} : vector<1024x16xf32> to vector<1024x1xf32>
    %add3A = arith.addf %slice3A, %slice3A_19 : vector<1024x1xf32>
    %get3A_20 = arith.constant 0 : index
    %get3A_21 = arith.constant 0 : index
    %get3A_22 = arith.constant 0 : index
    %get3A_23 = vector.load %arg3[%get3A_20, %get3A_21, %get3A_22] : memref<2x1024x32xf32, #tpu.memory_space<vmem>>, vector<1x1024x32xf32>
    %get3A_24 = vector.shape_cast %get3A_23 : vector<1x1024x32xf32> to vector<1024x32xf32>
    %get3A_25 = arith.constant 1 : index
    %get3A_26 = arith.constant 0 : index
    %get3A_27 = arith.constant 0 : index
    %get3A_28 = vector.load %arg3[%get3A_25, %get3A_26, %get3A_27] : memref<2x1024x32xf32, #tpu.memory_space<vmem>>, vector<1x1024x32xf32>
    %get3A_29 = vector.shape_cast %get3A_28 : vector<1x1024x32xf32> to vector<1024x32xf32>
    %concatenate3A_30 = tpu.concatenate %get3A_24, %get3A_29 in 1 : vector<1024x32xf32>, vector<1024x32xf32> -> vector<1024x64xf32>
    %max3A = arith.constant 1.000000e+00 : f32
    %max3A_31 = vector.broadcast %max3A : f32 to vector<1024x1xf32>
    %max3A_32 = arith.maximumf %add3A, %max3A_31 : vector<1024x1xf32>
    %div3A = vector.broadcast %max3A_32 : vector<1024x1xf32> to vector<1024x64xf32>
    %div3A_33 = arith.divf %concatenate3A, %div3A : vector<1024x64xf32>
    %get3A_34 = arith.constant 0 : index
    %get3A_35 = arith.constant 0 : index
    %get3A_36 = vector.load %arg5[%get3A_34, %get3A_35] : memref<64x64xf32, #tpu.memory_space<vmem>>, vector<64x64xf32>
    %dot_general3A = arith.constant dense<0.000000e+00> : vector<1024x64xf32>
    %dot_general3A_37 = tpu.matmul %div3A_33, %get3A_36, %dot_general3A {dimension_numbers = #tpu.dot_dimension_numbers<[1], [0], [0], [1], [0, 0, 1, 1], [], []>, transpose_lhs_hint = false} : vector<1024x64xf32>, vector<64x64xf32>, vector<1024x64xf32> -> vector<1024x64xf32>
    %get3A_38 = arith.constant 0 : index
    %get3A_39 = arith.constant 0 : index
    %get3A_40 = vector.load %arg6[%get3A_38, %get3A_39] : memref<64x64xf32, #tpu.memory_space<vmem>>, vector<64x64xf32>
    %dot_general3A_41 = arith.constant dense<0.000000e+00> : vector<1024x64xf32>
    %dot_general3A_42 = tpu.matmul %concatenate3A_30, %get3A_40, %dot_general3A_41 {dimension_numbers = #tpu.dot_dimension_numbers<[1], [0], [0], [1], [0, 0, 1, 1], [], []>, transpose_lhs_hint = false} : vector<1024x64xf32>, vector<64x64xf32>, vector<1024x64xf32> -> vector<1024x64xf32>
    %add3A_43 = arith.addf %dot_general3A_37, %dot_general3A_42 : vector<1024x64xf32>
    %get3A_44 = arith.constant 0 : index
    %get3A_45 = arith.constant 0 : index
    %get3A_46 = vector.load %arg7[%get3A_44, %get3A_45] : memref<1x64xf32, #tpu.memory_space<vmem>>, vector<1x64xf32>
    %add3A_47 = vector.broadcast %get3A_46 : vector<1x64xf32> to vector<1024x64xf32>
    %add3A_48 = arith.addf %add3A_43, %add3A_47 : vector<1024x64xf32>
    %max3A_49 = arith.constant 0.000000e+00 : f32
    %max3A_50 = vector.broadcast %max3A_49 : f32 to vector<1024x64xf32>
    %max3A_51 = arith.maximumf %add3A_48, %max3A_50 : vector<1024x64xf32>
    %swap3A = arith.constant 0 : index
    %swap3A_52 = arith.constant 0 : index
    %swap3A_53 = vector.load %arg9[%swap3A, %swap3A_52] : memref<1024x64xf32, #tpu.memory_space<vmem>>, vector<1024x64xf32>
    tpu.vector_store %arg9[%swap3A, %swap3A_52], %max3A_51 {strides = array<i32>} : memref<1024x64xf32, #tpu.memory_space<vmem>>, vector<1024x64xf32>,
    %get3A_54 = arith.constant 0 : index
    %get3A_55 = arith.constant 0 : index
    %get3A_56 = vector.load %arg8[%get3A_54, %get3A_55] : memref<64x1xf32, #tpu.memory_space<vmem>>, vector<64x1xf32>
    %mul3A = arith.mulf %get3A_56, %get3A_56 : vector<64x1xf32>
    %reduce_sum3A = vector.shape_cast %mul3A : vector<64x1xf32> to vector<1x64x1xf32>
    %reduce_sum3A_57 = arith.constant dense<0.000000e+00> : vector<1xf32>
    %reduce_sum3A_58 = vector.multi_reduction <add>, %reduce_sum3A, %reduce_sum3A_57 [1, 2] : vector<1x64x1xf32> to vector<1xf32>
    %reduce_sum3A_59 = vector.shape_cast %reduce_sum3A_58 : vector<1xf32> to vector<1x1x1xf32>
    %reduce_sum3A_60 = vector.extract %reduce_sum3A_59[0, 0, 0] : f32 from vector<1x1x1xf32>
    %rsqrt3A = math.rsqrt %reduce_sum3A_60 : f32
    %dot_general3A_61 = arith.constant dense<0.000000e+00> : vector<1024x1xf32>
    %dot_general3A_62 = tpu.matmul %max3A_51, %get3A_56, %dot_general3A_61 {dimension_numbers = #tpu.dot_dimension_numbers<[1], [0], [0], [1], [0, 0, 1, 1], [], []>, transpose_lhs_hint = false} : vector<1024x64xf32>, vector<64x1xf32>, vector<1024x1xf32> -> vector<1024x1xf32>
    %mul3A_63 = vector.broadcast %rsqrt3A : f32 to vector<1024x1xf32>
    %mul3A_64 = arith.mulf %dot_general3A_62, %mul3A_63 : vector<1024x1xf32>
    %tanh3A = math.tanh %mul3A_64 : vector<1024x1xf32>
    %iota3A = tpu.iota {dimensions = array<i32: 0>} : vector<1024x1xi32>
    %mul3A_65 = arith.constant 1024 : i32
    %mul3A_66 = arith.muli %arg0, %mul3A_65 : i32
    %add3A_67 = vector.broadcast %mul3A_66 : i32 to vector<1024x1xi32>
    %add3A_68 = arith.addi %iota3A, %add3A_67 : vector<1024x1xi32>
    %lt3A = arith.constant 50000 : i32
    %lt3A_69 = vector.broadcast %lt3A : i32 to vector<1024x1xi32>
    %lt3A_70 = arith.cmpi slt, %add3A_68, %lt3A_69 : vector<1024x1xi32>
    %jit3A = arith.constant -2.000000e+00 : f32
    %broadcast_in_dim3A = vector.broadcast %jit3A : f32 to vector<1024x1xf32>
    %select_n3A = arith.select %lt3A_70, %tanh3A, %broadcast_in_dim3A : vector<1024x1xi1>, vector<1024x1xf32>
    %get3A_71 = arith.constant 0 : index
    %get3A_72 = arith.constant 0 : index
    %get3A_73 = vector.load %arg4[%get3A_71, %get3A_72] : memref<1024x16xf32, #tpu.memory_space<vmem>>, vector<1024x1xf32>
    %gt3A = arith.constant 0.000000e+00 : f32
    %gt3A_74 = vector.broadcast %gt3A : f32 to vector<1024x1xf32>
    %gt3A_75 = arith.cmpf ogt, %get3A_73, %gt3A_74 : vector<1024x1xf32>
    %jit3A_76 = arith.constant -2.000000e+00 : f32
    %broadcast_in_dim3A_77 = vector.broadcast %jit3A_76 : f32 to vector<1024x1xf32>
    %select_n3A_78 = arith.select %gt3A_75, %select_n3A, %broadcast_in_dim3A_77 : vector<1024x1xi1>, vector<1024x1xf32>
    %reshape3A = vector.shape_cast %select_n3A_78 : vector<1024x1xf32> to vector<1x8x128xf32>
    %swap3A_79 = arith.constant 0 : index
    %swap3A_80 = arith.constant 0 : index
    %swap3A_81 = arith.constant 0 : index
    %swap3A_82 = vector.load %arg10[%swap3A_79, %swap3A_80, %swap3A_81] : memref<1x8x128xf32, #tpu.memory_space<vmem>>, vector<1x8x128xf32>
    tpu.vector_store %arg10[%swap3A_79, %swap3A_80, %swap3A_81], %reshape3A {strides = array<i32>} : memref<1x8x128xf32, #tpu.memory_space<vmem>>, vector<1x8x128xf32>,
    return
  }
  func.func @transform_0(%arg0: i32) -> (i32, i32, i32) {
    %c0_i32 = arith.constant 0 : i32
    %c0_i32_0 = arith.constant 0 : i32
    %c0_i32_1 = arith.constant 0 : i32
    return %c0_i32, %arg0, %c0_i32_0 : i32, i32, i32
  }
  func.func @transform_1(%arg0: i32) -> (i32, i32, i32) {
    %c0_i32 = arith.constant 0 : i32
    %c0_i32_0 = arith.constant 0 : i32
    %c0_i32_1 = arith.constant 0 : i32
    return %c0_i32, %arg0, %c0_i32_0 : i32, i32, i32
  }
  func.func @transform_2(%arg0: i32) -> (i32, i32, i32) {
    %c0_i32 = arith.constant 0 : i32
    %c0_i32_0 = arith.constant 0 : i32
    %c0_i32_1 = arith.constant 0 : i32
    return %c0_i32, %arg0, %c0_i32_0 : i32, i32, i32
  }
  func.func @transform_3(%arg0: i32) -> (i32, i32) {
    %c0_i32 = arith.constant 0 : i32
    %c0_i32_0 = arith.constant 0 : i32
    return %arg0, %c0_i32 : i32, i32
  }
  func.func @transform_4(%arg0: i32) -> (i32, i32) {
    %c0_i32 = arith.constant 0 : i32
    %c0_i32_0 = arith.constant 0 : i32
    %c0_i32_1 = arith.constant 0 : i32
    return %c0_i32, %c0_i32_0 : i32, i32
  }
  func.func @transform_5(%arg0: i32) -> (i32, i32) {
    %c0_i32 = arith.constant 0 : i32
    %c0_i32_0 = arith.constant 0 : i32
    %c0_i32_1 = arith.constant 0 : i32
    return %c0_i32, %c0_i32_0 : i32, i32
  }
  func.func @transform_6(%arg0: i32) -> (i32, i32) {
    %c0_i32 = arith.constant 0 : i32
    %c0_i32_0 = arith.constant 0 : i32
    %c0_i32_1 = arith.constant 0 : i32
    return %c0_i32, %c0_i32_0 : i32, i32
  }
  func.func @transform_7(%arg0: i32) -> (i32, i32) {
    %c0_i32 = arith.constant 0 : i32
    %c0_i32_0 = arith.constant 0 : i32
    %c0_i32_1 = arith.constant 0 : i32
    return %c0_i32, %c0_i32_0 : i32, i32
  }
  func.func @transform_8(%arg0: i32) -> (i32, i32) {
    %c0_i32 = arith.constant 0 : i32
    %c0_i32_0 = arith.constant 0 : i32
    return %arg0, %c0_i32 : i32, i32
  }
  func.func @transform_9(%arg0: i32) -> (i32, i32, i32) {
    %c0_i32 = arith.constant 0 : i32
    %c0_i32_0 = arith.constant 0 : i32
    %c0_i32_1 = arith.constant 0 : i32
    return %arg0, %c0_i32, %c0_i32_0 : i32, i32, i32
  }
}

module attributes {stable_mosaic.version = 14 : i64} {
  func.func @_tc2c(%arg0: i32, %arg1: memref<1024x64xf32, #tpu.memory_space<vmem>>, %arg2: memref<1024x16xf32, #tpu.memory_space<vmem>>, %arg3: memref<64x1xf32, #tpu.memory_space<vmem>>, %arg4: memref<392x128xf32, #tpu.memory_space<vmem>>, %arg5: memref<2x64xf32, #tpu.memory_space<vmem>>, %arg6: memref<128x64xf32, #tpu.memory_space<vmem>>, %arg7: memref<1x64xf32, #tpu.memory_space<vmem>>, %arg8: memref<64x12xf32, #tpu.memory_space<vmem>>, %arg9: memref<1x12xf32, #tpu.memory_space<vmem>>, %arg10: memref<1x12xf32, #tpu.memory_space<vmem>>, %arg11: memref<2x64xf32, #tpu.memory_space<vmem>>, %arg12: memref<2xi32, #tpu.memory_space<smem>>) attributes {dimension_semantics = [#tpu.dimension_semantics<arbitrary>], iteration_bounds = array<i64: 49>, scalar_prefetch = 0 : i64, scratch_operands = 2 : i64, tpu.core_type = #tpu.core_type<tc>, window_params = [{transform_indices = @transform_0, window_bounds = array<i64: 1024, 64>}, {transform_indices = @transform_1, window_bounds = array<i64: 1024, 16>}, {pipeline_mode = #tpu.pipeline_mode<synchronous>, transform_indices = @transform_2, window_bounds = array<i64: 64, 1>}, {pipeline_mode = #tpu.pipeline_mode<synchronous>, transform_indices = @transform_3, window_bounds = array<i64: 392, 128>}, {pipeline_mode = #tpu.pipeline_mode<synchronous>, transform_indices = @transform_4, window_bounds = array<i64: 2, 64>}, {pipeline_mode = #tpu.pipeline_mode<synchronous>, transform_indices = @transform_5, window_bounds = array<i64: 128, 64>}, {pipeline_mode = #tpu.pipeline_mode<synchronous>, transform_indices = @transform_6, window_bounds = array<i64: 1, 64>}, {pipeline_mode = #tpu.pipeline_mode<synchronous>, transform_indices = @transform_7, window_bounds = array<i64: 64, 12>}, {pipeline_mode = #tpu.pipeline_mode<synchronous>, transform_indices = @transform_8, window_bounds = array<i64: 1, 12>}, {pipeline_mode = #tpu.pipeline_mode<synchronous>, transform_indices = @transform_9, window_bounds = array<i64: 1, 12>}]} {
    %eq3A = arith.constant 0 : i32
    %eq3A_0 = arith.cmpi eq, %arg0, %eq3A : i32
    %convert_element_type3A = arith.extui %eq3A_0 : i1 to i32
    %cond3A = arith.constant 0 : i32
    %cond3A_1 = arith.cmpi ne, %convert_element_type3A, %cond3A : i32
    scf.if %cond3A_1 {
      %get3A_75 = arith.constant 0 : index
      %get3A_76 = arith.constant 0 : index
      %get3A_77 = vector.load %arg4[%get3A_75, %get3A_76] : memref<392x128xf32, #tpu.memory_space<vmem>>, vector<392x128xf32>
      %bitcast_convert_type3A_78 = tpu.bitcast %get3A_77 : vector<392x128xf32> -> vector<392x128xi32>
      %shift_right_arithmetic3A_79 = arith.constant 31 : i32
      %shift_right_arithmetic3A_80 = vector.broadcast %shift_right_arithmetic3A_79 : i32 to vector<392x128xi32>
      %shift_right_arithmetic3A_81 = arith.shrsi %bitcast_convert_type3A_78, %shift_right_arithmetic3A_80 : vector<392x128xi32>
      %and3A_82 = arith.constant 2147483647 : i32
      %and3A_83 = vector.broadcast %and3A_82 : i32 to vector<392x128xi32>
      %and3A_84 = arith.andi %shift_right_arithmetic3A_81, %and3A_83 : vector<392x128xi32>
      %xor3A_85 = arith.xori %bitcast_convert_type3A_78, %and3A_84 : vector<392x128xi32>
      %iota3A_86 = tpu.iota {dimensions = array<i32: 0>} : vector<392x128xi32>
      %mul3A_87 = arith.constant 128 : i32
      %mul3A_88 = vector.broadcast %mul3A_87 : i32 to vector<392x128xi32>
      %mul3A_89 = arith.muli %iota3A_86, %mul3A_88 : vector<392x128xi32>
      %iota3A_90 = tpu.iota {dimensions = array<i32: 1>} : vector<392x128xi32>
      %add3A_91 = arith.addi %mul3A_89, %iota3A_90 : vector<392x128xi32>
      %scan3A = arith.constant -1073741825 : i32
      %scan3A_92 = arith.constant 1065353217 : i32
      %scan3A_93 = arith.constant 0 : i32
      %scan3A_94 = arith.constant 32 : i32
      %scan3A_95 = arith.addi %scan3A_93, %scan3A_94 : i32
      %scan3A_96 = arith.constant 1 : i32
      %scan3A_97:2 = scf.for %scan3A_118 = %scan3A_93 to %scan3A_95 step %scan3A_96 iter_args(%scan3A_119 = %scan3A, %scan3A_120 = %scan3A_92) -> (i32, i32)  : i32 {
        %sub3A_121 = arith.subi %scan3A_120, %scan3A_119 : i32
        %jit3A_122 = arith.constant 2 : i32
        %div3A = arith.divsi %sub3A_121, %jit3A_122 : i32
        %sign3A = arith.constant 0 : i32
        %sign3A_123 = arith.cmpi sgt, %sub3A_121, %sign3A : i32
        %sign3A_124 = arith.extui %sign3A_123 : i1 to i32
        %sign3A_125 = arith.constant 0 : i32
        %sign3A_126 = arith.cmpi slt, %sub3A_121, %sign3A_125 : i32
        %sign3A_127 = arith.extui %sign3A_126 : i1 to i32
        %sign3A_128 = arith.subi %sign3A_124, %sign3A_127 : i32
        %sign3A_129 = arith.constant 0 : i32
        %sign3A_130 = arith.cmpi sgt, %jit3A_122, %sign3A_129 : i32
        %sign3A_131 = arith.extui %sign3A_130 : i1 to i32
        %sign3A_132 = arith.constant 0 : i32
        %sign3A_133 = arith.cmpi slt, %jit3A_122, %sign3A_132 : i32
        %sign3A_134 = arith.extui %sign3A_133 : i1 to i32
        %sign3A_135 = arith.subi %sign3A_131, %sign3A_134 : i32
        %ne3A = arith.cmpi ne, %sign3A_128, %sign3A_135 : i32
        %rem3A = arith.remsi %sub3A_121, %jit3A_122 : i32
        %ne3A_136 = arith.constant 0 : i32
        %ne3A_137 = arith.cmpi ne, %rem3A, %ne3A_136 : i32
        %and3A_138 = arith.andi %ne3A, %ne3A_137 : i1
        %sub3A_139 = arith.constant 1 : i32
        %sub3A_140 = arith.subi %div3A, %sub3A_139 : i32
        %select_n3A_141 = arith.select %and3A_138, %sub3A_140, %div3A : i32
        %add3A_142 = arith.addi %scan3A_119, %select_n3A_141 : i32
        %ge3A_143 = vector.broadcast %add3A_142 : i32 to vector<392x128xi32>
        %ge3A_144 = arith.cmpi sge, %xor3A_85, %ge3A_143 : vector<392x128xi32>
        %convert_element_type3A_145 = arith.extui %ge3A_144 : vector<392x128xi1> to vector<392x128xi32>
        %reduce_sum3A_146 = vector.shape_cast %convert_element_type3A_145 : vector<392x128xi32> to vector<1x392x128xi32>
        %reduce_sum3A_147 = arith.constant dense<0> : vector<1xi32>
        %reduce_sum3A_148 = vector.multi_reduction <add>, %reduce_sum3A_146, %reduce_sum3A_147 [1, 2] : vector<1x392x128xi32> to vector<1xi32>
        %reduce_sum3A_149 = vector.shape_cast %reduce_sum3A_148 : vector<1xi32> to vector<1x1x1xi32>
        %reduce_sum3A_150 = vector.extract %reduce_sum3A_149[0, 0, 0] : i32 from vector<1x1x1xi32>
        %ge3A_151 = arith.constant 32000 : i32
        %ge3A_152 = arith.cmpi sge, %reduce_sum3A_150, %ge3A_151 : i32
        %select_n3A_153 = arith.select %ge3A_152, %add3A_142, %scan3A_119 : i32
        %select_n3A_154 = arith.select %ge3A_152, %scan3A_120, %add3A_142 : i32
        scf.yield %select_n3A_153, %select_n3A_154 : i32, i32
      }
      %add3A_98 = arith.constant 1 : i32
      %add3A_99 = arith.addi %scan3A_97#0, %add3A_98 : i32
      %ge3A = vector.broadcast %add3A_99 : i32 to vector<392x128xi32>
      %ge3A_100 = arith.cmpi sge, %xor3A_85, %ge3A : vector<392x128xi32>
      %convert_element_type3A_101 = arith.extui %ge3A_100 : vector<392x128xi1> to vector<392x128xi32>
      %reduce_sum3A_102 = vector.shape_cast %convert_element_type3A_101 : vector<392x128xi32> to vector<1x392x128xi32>
      %reduce_sum3A_103 = arith.constant dense<0> : vector<1xi32>
      %reduce_sum3A_104 = vector.multi_reduction <add>, %reduce_sum3A_102, %reduce_sum3A_103 [1, 2] : vector<1x392x128xi32> to vector<1xi32>
      %reduce_sum3A_105 = vector.shape_cast %reduce_sum3A_104 : vector<1xi32> to vector<1x1x1xi32>
      %reduce_sum3A_106 = vector.extract %reduce_sum3A_105[0, 0, 0] : i32 from vector<1x1x1xi32>
      %sub3A = arith.constant 32000 : i32
      %sub3A_107 = arith.subi %sub3A, %reduce_sum3A_106 : i32
      %scan3A_108 = arith.constant 0 : i32
      %scan3A_109 = arith.constant 50176 : i32
      %scan3A_110 = arith.constant 0 : i32
      %scan3A_111 = arith.constant 17 : i32
      %scan3A_112 = arith.addi %scan3A_110, %scan3A_111 : i32
      %scan3A_113 = arith.constant 1 : i32
      %scan3A_114:2 = scf.for %scan3A_118 = %scan3A_110 to %scan3A_112 step %scan3A_113 iter_args(%scan3A_119 = %scan3A_108, %scan3A_120 = %scan3A_109) -> (i32, i32)  : i32 {
        %add3A_121 = arith.addi %scan3A_119, %scan3A_120 : i32
        %jit3A_122 = arith.constant 2 : i32
        %div3A = arith.divsi %add3A_121, %jit3A_122 : i32
        %sign3A = arith.constant 0 : i32
        %sign3A_123 = arith.cmpi sgt, %add3A_121, %sign3A : i32
        %sign3A_124 = arith.extui %sign3A_123 : i1 to i32
        %sign3A_125 = arith.constant 0 : i32
        %sign3A_126 = arith.cmpi slt, %add3A_121, %sign3A_125 : i32
        %sign3A_127 = arith.extui %sign3A_126 : i1 to i32
        %sign3A_128 = arith.subi %sign3A_124, %sign3A_127 : i32
        %sign3A_129 = arith.constant 0 : i32
        %sign3A_130 = arith.cmpi sgt, %jit3A_122, %sign3A_129 : i32
        %sign3A_131 = arith.extui %sign3A_130 : i1 to i32
        %sign3A_132 = arith.constant 0 : i32
        %sign3A_133 = arith.cmpi slt, %jit3A_122, %sign3A_132 : i32
        %sign3A_134 = arith.extui %sign3A_133 : i1 to i32
        %sign3A_135 = arith.subi %sign3A_131, %sign3A_134 : i32
        %ne3A = arith.cmpi ne, %sign3A_128, %sign3A_135 : i32
        %rem3A = arith.remsi %add3A_121, %jit3A_122 : i32
        %ne3A_136 = arith.constant 0 : i32
        %ne3A_137 = arith.cmpi ne, %rem3A, %ne3A_136 : i32
        %and3A_138 = arith.andi %ne3A, %ne3A_137 : i1
        %sub3A_139 = arith.constant 1 : i32
        %sub3A_140 = arith.subi %div3A, %sub3A_139 : i32
        %select_n3A_141 = arith.select %and3A_138, %sub3A_140, %div3A : i32
        %eq3A_142 = vector.broadcast %scan3A_97#0 : i32 to vector<392x128xi32>
        %eq3A_143 = arith.cmpi eq, %xor3A_85, %eq3A_142 : vector<392x128xi32>
        %lt3A_144 = vector.broadcast %select_n3A_141 : i32 to vector<392x128xi32>
        %lt3A_145 = arith.cmpi slt, %add3A_91, %lt3A_144 : vector<392x128xi32>
        %and3A_146 = arith.andi %eq3A_143, %lt3A_145 : vector<392x128xi1>
        %convert_element_type3A_147 = arith.extui %and3A_146 : vector<392x128xi1> to vector<392x128xi32>
        %reduce_sum3A_148 = vector.shape_cast %convert_element_type3A_147 : vector<392x128xi32> to vector<1x392x128xi32>
        %reduce_sum3A_149 = arith.constant dense<0> : vector<1xi32>
        %reduce_sum3A_150 = vector.multi_reduction <add>, %reduce_sum3A_148, %reduce_sum3A_149 [1, 2] : vector<1x392x128xi32> to vector<1xi32>
        %reduce_sum3A_151 = vector.shape_cast %reduce_sum3A_150 : vector<1xi32> to vector<1x1x1xi32>
        %reduce_sum3A_152 = vector.extract %reduce_sum3A_151[0, 0, 0] : i32 from vector<1x1x1xi32>
        %ge3A_153 = arith.cmpi sge, %reduce_sum3A_152, %sub3A_107 : i32
        %add3A_154 = arith.constant 1 : i32
        %add3A_155 = arith.addi %select_n3A_141, %add3A_154 : i32
        %select_n3A_156 = arith.select %ge3A_153, %scan3A_119, %add3A_155 : i32
        %select_n3A_157 = arith.select %ge3A_153, %select_n3A_141, %scan3A_120 : i32
        scf.yield %select_n3A_156, %select_n3A_157 : i32, i32
      }
      %swap3A = arith.constant 0 : index
      %swap3A_115 = memref.load %arg12[%swap3A] : memref<2xi32, #tpu.memory_space<smem>>
      memref.store %scan3A_97#0, %arg12[%swap3A] : memref<2xi32, #tpu.memory_space<smem>>
      %swap3A_116 = arith.constant 1 : index
      %swap3A_117 = memref.load %arg12[%swap3A_116] : memref<2xi32, #tpu.memory_space<smem>>
      memref.store %scan3A_114#1, %arg12[%swap3A_116] : memref<2xi32, #tpu.memory_space<smem>>
    } else {
    }
    %get3A = arith.constant 0 : index
    %get3A_2 = arith.constant 0 : index
    %get3A_3 = vector.load %arg1[%get3A, %get3A_2] : memref<1024x64xf32, #tpu.memory_space<vmem>>, vector<1024x64xf32>
    %get3A_4 = arith.constant 0 : index
    %get3A_5 = arith.constant 0 : index
    %get3A_6 = vector.load %arg3[%get3A_4, %get3A_5] : memref<64x1xf32, #tpu.memory_space<vmem>>, vector<64x1xf32>
    %mul3A = arith.mulf %get3A_6, %get3A_6 : vector<64x1xf32>
    %reduce_sum3A = vector.shape_cast %mul3A : vector<64x1xf32> to vector<1x64x1xf32>
    %reduce_sum3A_7 = arith.constant dense<0.000000e+00> : vector<1xf32>
    %reduce_sum3A_8 = vector.multi_reduction <add>, %reduce_sum3A, %reduce_sum3A_7 [1, 2] : vector<1x64x1xf32> to vector<1xf32>
    %reduce_sum3A_9 = vector.shape_cast %reduce_sum3A_8 : vector<1xf32> to vector<1x1x1xf32>
    %reduce_sum3A_10 = vector.extract %reduce_sum3A_9[0, 0, 0] : f32 from vector<1x1x1xf32>
    %rsqrt3A = math.rsqrt %reduce_sum3A_10 : f32
    %dot_general3A = arith.constant dense<0.000000e+00> : vector<1024x1xf32>
    %dot_general3A_11 = tpu.matmul %get3A_3, %get3A_6, %dot_general3A {dimension_numbers = #tpu.dot_dimension_numbers<[1], [0], [0], [1], [0, 0, 1, 1], [], []>, transpose_lhs_hint = false} : vector<1024x64xf32>, vector<64x1xf32>, vector<1024x1xf32> -> vector<1024x1xf32>
    %mul3A_12 = vector.broadcast %rsqrt3A : f32 to vector<1024x1xf32>
    %mul3A_13 = arith.mulf %dot_general3A_11, %mul3A_12 : vector<1024x1xf32>
    %tanh3A = math.tanh %mul3A_13 : vector<1024x1xf32>
    %iota3A = tpu.iota {dimensions = array<i32: 0>} : vector<1024x1xi32>
    %mul3A_14 = arith.constant 1024 : i32
    %mul3A_15 = arith.muli %arg0, %mul3A_14 : i32
    %add3A = vector.broadcast %mul3A_15 : i32 to vector<1024x1xi32>
    %add3A_16 = arith.addi %iota3A, %add3A : vector<1024x1xi32>
    %lt3A = arith.constant 50000 : i32
    %lt3A_17 = vector.broadcast %lt3A : i32 to vector<1024x1xi32>
    %lt3A_18 = arith.cmpi slt, %add3A_16, %lt3A_17 : vector<1024x1xi32>
    %jit3A = arith.constant -2.000000e+00 : f32
    %broadcast_in_dim3A = vector.broadcast %jit3A : f32 to vector<1024x1xf32>
    %select_n3A = arith.select %lt3A_18, %tanh3A, %broadcast_in_dim3A : vector<1024x1xi1>, vector<1024x1xf32>
    %get3A_19 = arith.constant 0 : index
    %get3A_20 = arith.constant 0 : index
    %get3A_21 = vector.load %arg2[%get3A_19, %get3A_20] : memref<1024x16xf32, #tpu.memory_space<vmem>>, vector<1024x1xf32>
    %gt3A = arith.constant 0.000000e+00 : f32
    %gt3A_22 = vector.broadcast %gt3A : f32 to vector<1024x1xf32>
    %gt3A_23 = arith.cmpf ogt, %get3A_21, %gt3A_22 : vector<1024x1xf32>
    %jit3A_24 = arith.constant -2.000000e+00 : f32
    %broadcast_in_dim3A_25 = vector.broadcast %jit3A_24 : f32 to vector<1024x1xf32>
    %select_n3A_26 = arith.select %gt3A_23, %select_n3A, %broadcast_in_dim3A_25 : vector<1024x1xi1>, vector<1024x1xf32>
    %get3A_27 = arith.constant 0 : index
    %get3A_28 = memref.load %arg12[%get3A_27] : memref<2xi32, #tpu.memory_space<smem>>
    %get3A_29 = arith.constant 1 : index
    %get3A_30 = memref.load %arg12[%get3A_29] : memref<2xi32, #tpu.memory_space<smem>>
    %bitcast_convert_type3A = tpu.bitcast %select_n3A_26 : vector<1024x1xf32> -> vector<1024x1xi32>
    %shift_right_arithmetic3A = arith.constant 31 : i32
    %shift_right_arithmetic3A_31 = vector.broadcast %shift_right_arithmetic3A : i32 to vector<1024x1xi32>
    %shift_right_arithmetic3A_32 = arith.shrsi %bitcast_convert_type3A, %shift_right_arithmetic3A_31 : vector<1024x1xi32>
    %and3A = arith.constant 2147483647 : i32
    %and3A_33 = vector.broadcast %and3A : i32 to vector<1024x1xi32>
    %and3A_34 = arith.andi %shift_right_arithmetic3A_32, %and3A_33 : vector<1024x1xi32>
    %xor3A = arith.xori %bitcast_convert_type3A, %and3A_34 : vector<1024x1xi32>
    %gt3A_35 = vector.broadcast %get3A_28 : i32 to vector<1024x1xi32>
    %gt3A_36 = arith.cmpi sgt, %xor3A, %gt3A_35 : vector<1024x1xi32>
    %eq3A_37 = vector.broadcast %get3A_28 : i32 to vector<1024x1xi32>
    %eq3A_38 = arith.cmpi eq, %xor3A, %eq3A_37 : vector<1024x1xi32>
    %lt3A_39 = vector.broadcast %get3A_30 : i32 to vector<1024x1xi32>
    %lt3A_40 = arith.cmpi slt, %add3A_16, %lt3A_39 : vector<1024x1xi32>
    %and3A_41 = arith.andi %eq3A_38, %lt3A_40 : vector<1024x1xi1>
    %or3A = arith.ori %gt3A_36, %and3A_41 : vector<1024x1xi1>
    %jit3A_42 = arith.constant 0.000000e+00 : f32
    %broadcast_in_dim3A_43 = vector.broadcast %jit3A_42 : f32 to vector<1024x1xf32>
    %select_n3A_44 = arith.select %or3A, %select_n3A_26, %broadcast_in_dim3A_43 : vector<1024x1xi1>, vector<1024x1xf32>
    %mul3A_45 = vector.broadcast %select_n3A_44 : vector<1024x1xf32> to vector<1024x64xf32>
    %mul3A_46 = arith.mulf %get3A_3, %mul3A_45 : vector<1024x64xf32>
    %jit3A_47 = arith.constant 0xFF800000 : f32
    %broadcast_in_dim3A_48 = vector.shape_cast %or3A : vector<1024x1xi1> to vector<1024x1xi1>
    %broadcast_in_dim3A_49 = vector.broadcast %broadcast_in_dim3A_48 : vector<1024x1xi1> to vector<1024x64xi1>
    %broadcast_in_dim3A_50 = vector.broadcast %jit3A_47 : f32 to vector<1024x64xf32>
    %select_n3A_51 = arith.select %broadcast_in_dim3A_49, %mul3A_46, %broadcast_in_dim3A_50 : vector<1024x64xi1>, vector<1024x64xf32>
    %reduce_max3A = arith.constant dense<0xFF800000> : vector<64xf32>
    %reduce_max3A_52 = vector.multi_reduction <maximumf>, %select_n3A_51, %reduce_max3A [0] : vector<1024x64xf32> to vector<64xf32>
    %broadcast_in_dim3A_53 = vector.shape_cast %reduce_max3A_52 : vector<64xf32> to vector<1x64xf32>
    %reduce_sum3A_54 = arith.constant dense<0.000000e+00> : vector<64xf32>
    %reduce_sum3A_55 = vector.multi_reduction <add>, %mul3A_46, %reduce_sum3A_54 [0] : vector<1024x64xf32> to vector<64xf32>
    %broadcast_in_dim3A_56 = vector.shape_cast %reduce_sum3A_55 : vector<64xf32> to vector<1x64xf32>
    %mul3A_57 = arith.constant 3.125000e-05 : f32
    %mul3A_58 = vector.broadcast %mul3A_57 : f32 to vector<1x64xf32>
    %mul3A_59 = arith.mulf %broadcast_in_dim3A_56, %mul3A_58 : vector<1x64xf32>
    %eq3A_60 = arith.constant 0 : i32
    %eq3A_61 = arith.cmpi eq, %arg0, %eq3A_60 : i32
    %convert_element_type3A_62 = arith.extui %eq3A_61 : i1 to i32
    %cond3A_63 = arith.constant 0 : i32
    %cond3A_64 = arith.cmpi ne, %convert_element_type3A_62, %cond3A_63 : i32
    scf.if %cond3A_64 {
      %swap3A = arith.constant 0 : index
      %swap3A_75 = arith.constant 0 : index
      %swap3A_76 = vector.load %arg11[%swap3A, %swap3A_75] : memref<2x64xf32, #tpu.memory_space<vmem>>, vector<1x64xf32>
      tpu.vector_store %arg11[%swap3A, %swap3A_75], %broadcast_in_dim3A_53 {strides = array<i32>} : memref<2x64xf32, #tpu.memory_space<vmem>>, vector<1x64xf32>,
      %swap3A_77 = arith.constant 1 : index
      %swap3A_78 = arith.constant 0 : index
      %swap3A_79 = vector.load %arg11[%swap3A_77, %swap3A_78] : memref<2x64xf32, #tpu.memory_space<vmem>>, vector<1x64xf32>
      tpu.vector_store %arg11[%swap3A_77, %swap3A_78], %mul3A_59 {strides = array<i32>} : memref<2x64xf32, #tpu.memory_space<vmem>>, vector<1x64xf32>,
    } else {
    }
    %gt3A_65 = arith.constant 0 : i32
    %gt3A_66 = arith.cmpi sgt, %arg0, %gt3A_65 : i32
    %convert_element_type3A_67 = arith.extui %gt3A_66 : i1 to i32
    %cond3A_68 = arith.constant 0 : i32
    %cond3A_69 = arith.cmpi ne, %convert_element_type3A_67, %cond3A_68 : i32
    scf.if %cond3A_69 {
      %get3A_75 = arith.constant 0 : index
      %get3A_76 = arith.constant 0 : index
      %get3A_77 = vector.load %arg11[%get3A_75, %get3A_76] : memref<2x64xf32, #tpu.memory_space<vmem>>, vector<1x64xf32>
      %max3A = arith.maximumf %get3A_77, %broadcast_in_dim3A_53 : vector<1x64xf32>
      %swap3A = arith.constant 0 : index
      %swap3A_78 = arith.constant 0 : index
      %swap3A_79 = vector.load %arg11[%swap3A, %swap3A_78] : memref<2x64xf32, #tpu.memory_space<vmem>>, vector<1x64xf32>
      tpu.vector_store %arg11[%swap3A, %swap3A_78], %max3A {strides = array<i32>} : memref<2x64xf32, #tpu.memory_space<vmem>>, vector<1x64xf32>,
      %get3A_80 = arith.constant 1 : index
      %get3A_81 = arith.constant 0 : index
      %get3A_82 = vector.load %arg11[%get3A_80, %get3A_81] : memref<2x64xf32, #tpu.memory_space<vmem>>, vector<1x64xf32>
      %add3A_83 = arith.addf %get3A_82, %mul3A_59 : vector<1x64xf32>
      %swap3A_84 = arith.constant 1 : index
      %swap3A_85 = arith.constant 0 : index
      %swap3A_86 = vector.load %arg11[%swap3A_84, %swap3A_85] : memref<2x64xf32, #tpu.memory_space<vmem>>, vector<1x64xf32>
      tpu.vector_store %arg11[%swap3A_84, %swap3A_85], %add3A_83 {strides = array<i32>} : memref<2x64xf32, #tpu.memory_space<vmem>>, vector<1x64xf32>,
    } else {
    }
    %eq3A_70 = arith.constant 48 : i32
    %eq3A_71 = arith.cmpi eq, %arg0, %eq3A_70 : i32
    %convert_element_type3A_72 = arith.extui %eq3A_71 : i1 to i32
    %cond3A_73 = arith.constant 0 : i32
    %cond3A_74 = arith.cmpi ne, %convert_element_type3A_72, %cond3A_73 : i32
    scf.if %cond3A_74 {
      %get3A_75 = arith.constant 0 : index
      %get3A_76 = arith.constant 0 : index
      %get3A_77 = vector.load %arg5[%get3A_75, %get3A_76] : memref<2x64xf32, #tpu.memory_space<vmem>>, vector<2x64xf32>
      %get3A_78 = arith.constant 0 : index
      %get3A_79 = arith.constant 0 : index
      %get3A_80 = vector.load %arg11[%get3A_78, %get3A_79] : memref<2x64xf32, #tpu.memory_space<vmem>>, vector<2x64xf32>
      %slice3A = vector.extract_strided_slice %get3A_77 {offsets = [0, 0], sizes = [1, 64], strides = [1, 1]} : vector<2x64xf32> to vector<1x64xf32>
      %slice3A_81 = vector.extract_strided_slice %get3A_80 {offsets = [0, 0], sizes = [1, 64], strides = [1, 1]} : vector<2x64xf32> to vector<1x64xf32>
      %add3A_82 = arith.addf %slice3A, %slice3A_81 : vector<1x64xf32>
      %slice3A_83 = vector.extract_strided_slice %get3A_77 {offsets = [1, 0], sizes = [1, 64], strides = [1, 1]} : vector<2x64xf32> to vector<1x64xf32>
      %slice3A_84 = vector.extract_strided_slice %get3A_80 {offsets = [1, 0], sizes = [1, 64], strides = [1, 1]} : vector<2x64xf32> to vector<1x64xf32>
      %add3A_85 = arith.addf %slice3A_83, %slice3A_84 : vector<1x64xf32>
      %concatenate3A = tpu.concatenate %add3A_82, %add3A_85 in 1 : vector<1x64xf32>, vector<1x64xf32> -> vector<1x128xf32>
      %get3A_86 = arith.constant 0 : index
      %get3A_87 = arith.constant 0 : index
      %get3A_88 = vector.load %arg6[%get3A_86, %get3A_87] : memref<128x64xf32, #tpu.memory_space<vmem>>, vector<128x64xf32>
      %dot_general3A_89 = arith.constant dense<0.000000e+00> : vector<1x64xf32>
      %dot_general3A_90 = tpu.matmul %concatenate3A, %get3A_88, %dot_general3A_89 {dimension_numbers = #tpu.dot_dimension_numbers<[1], [0], [0], [1], [0, 0, 1, 1], [], []>, transpose_lhs_hint = false} : vector<1x128xf32>, vector<128x64xf32>, vector<1x64xf32> -> vector<1x64xf32>
      %get3A_91 = arith.constant 0 : index
      %get3A_92 = arith.constant 0 : index
      %get3A_93 = vector.load %arg7[%get3A_91, %get3A_92] : memref<1x64xf32, #tpu.memory_space<vmem>>, vector<1x64xf32>
      %add3A_94 = arith.addf %dot_general3A_90, %get3A_93 : vector<1x64xf32>
      %max3A = arith.constant 0.000000e+00 : f32
      %max3A_95 = vector.broadcast %max3A : f32 to vector<1x64xf32>
      %max3A_96 = arith.maximumf %add3A_94, %max3A_95 : vector<1x64xf32>
      %get3A_97 = arith.constant 0 : index
      %get3A_98 = arith.constant 0 : index
      %get3A_99 = vector.load %arg8[%get3A_97, %get3A_98] : memref<64x12xf32, #tpu.memory_space<vmem>>, vector<64x12xf32>
      %dot_general3A_100 = arith.constant dense<0.000000e+00> : vector<1x12xf32>
      %dot_general3A_101 = tpu.matmul %max3A_96, %get3A_99, %dot_general3A_100 {dimension_numbers = #tpu.dot_dimension_numbers<[1], [0], [0], [1], [0, 0, 1, 1], [], []>, transpose_lhs_hint = false} : vector<1x64xf32>, vector<64x12xf32>, vector<1x12xf32> -> vector<1x12xf32>
      %get3A_102 = arith.constant 0 : index
      %get3A_103 = arith.constant 0 : index
      %get3A_104 = vector.load %arg9[%get3A_102, %get3A_103] : memref<1x12xf32, #tpu.memory_space<vmem>>, vector<1x12xf32>
      %add3A_105 = arith.addf %dot_general3A_101, %get3A_104 : vector<1x12xf32>
      %swap3A = arith.constant 0 : index
      %swap3A_106 = arith.constant 0 : index
      %swap3A_107 = vector.load %arg10[%swap3A, %swap3A_106] : memref<1x12xf32, #tpu.memory_space<vmem>>, vector<1x12xf32>
      tpu.vector_store %arg10[%swap3A, %swap3A_106], %add3A_105 {strides = array<i32>} : memref<1x12xf32, #tpu.memory_space<vmem>>, vector<1x12xf32>,
    } else {
    }
    return
  }
  func.func @transform_0(%arg0: i32) -> (i32, i32) {
    %c0_i32 = arith.constant 0 : i32
    %c0_i32_0 = arith.constant 0 : i32
    return %arg0, %c0_i32 : i32, i32
  }
  func.func @transform_1(%arg0: i32) -> (i32, i32) {
    %c0_i32 = arith.constant 0 : i32
    %c0_i32_0 = arith.constant 0 : i32
    return %arg0, %c0_i32 : i32, i32
  }
  func.func @transform_2(%arg0: i32) -> (i32, i32) {
    %c0_i32 = arith.constant 0 : i32
    %c0_i32_0 = arith.constant 0 : i32
    %c0_i32_1 = arith.constant 0 : i32
    return %c0_i32, %c0_i32_0 : i32, i32
  }
  func.func @transform_3(%arg0: i32) -> (i32, i32) {
    %c0_i32 = arith.constant 0 : i32
    %c0_i32_0 = arith.constant 0 : i32
    %c0_i32_1 = arith.constant 0 : i32
    return %c0_i32, %c0_i32_0 : i32, i32
  }
  func.func @transform_4(%arg0: i32) -> (i32, i32) {
    %c0_i32 = arith.constant 0 : i32
    %c0_i32_0 = arith.constant 0 : i32
    %c0_i32_1 = arith.constant 0 : i32
    return %c0_i32, %c0_i32_0 : i32, i32
  }
  func.func @transform_5(%arg0: i32) -> (i32, i32) {
    %c0_i32 = arith.constant 0 : i32
    %c0_i32_0 = arith.constant 0 : i32
    %c0_i32_1 = arith.constant 0 : i32
    return %c0_i32, %c0_i32_0 : i32, i32
  }
  func.func @transform_6(%arg0: i32) -> (i32, i32) {
    %c0_i32 = arith.constant 0 : i32
    %c0_i32_0 = arith.constant 0 : i32
    %c0_i32_1 = arith.constant 0 : i32
    return %c0_i32, %c0_i32_0 : i32, i32
  }
  func.func @transform_7(%arg0: i32) -> (i32, i32) {
    %c0_i32 = arith.constant 0 : i32
    %c0_i32_0 = arith.constant 0 : i32
    %c0_i32_1 = arith.constant 0 : i32
    return %c0_i32, %c0_i32_0 : i32, i32
  }
  func.func @transform_8(%arg0: i32) -> (i32, i32) {
    %c0_i32 = arith.constant 0 : i32
    %c0_i32_0 = arith.constant 0 : i32
    %c0_i32_1 = arith.constant 0 : i32
    return %c0_i32, %c0_i32_0 : i32, i32
  }
  func.func @transform_9(%arg0: i32) -> (i32, i32) {
    %c0_i32 = arith.constant 0 : i32
    %c0_i32_0 = arith.constant 0 : i32
    %c0_i32_1 = arith.constant 0 : i32
    return %c0_i32, %c0_i32_0 : i32, i32
  }
}

</mosaic_0001>

<sc_bundles>
// kernel: kernel.12.cloned.1.call-start
scs
__scs_entry_jumppad:
0x0: {  	(pc) =	sbr.rel $0x88, $3  }
0x1: {  	(tag) =	ssettag $0x0;
	lr =	simm.s32 $0x1  }
0x2: {  	[smem:$0x3F93] =	sst lr;
	_ =	strace $0xD0000000  }
0x3: {  	_ = 	snop  }
0x4: {  	_ = 	snop  }
0x5: {  	_ = 	snop  }
0x6: {  	_ = 	snop  }
0x7: {  	_ = 	snop  }
__scs_overlays_trampoline_lowered:
0x8: {  	[smem:$0x3FA2] =	sst s0  }
0x9: {  	[smem:$0x3FA3] =	sst s1  }
0xa: {  	[smem:$0x3FA4] =	sst s2  }
0xb: {  	[smem:$0x3FA5] =	sst s3  }
0xc: {  	[smem:$0x3FA6] =	sst s4  }
0xd: {  	[smem:$0x3FA7] =	sst s5  }
0xe: {  	[smem:$0x3FA8] =	sst s6  }
0xf: {  	[smem:$0x3FA9] =	sst s7  }
0x10: {  	[smem:$0x3FAA] =	sst s8  }
0x11: {  	[smem:$0x3FAB] =	sst s9;
	s0 =	simm.s32 @!p0 $0x0  }
0x12: {  	s1 =	sld [smem:$0x3F91];
	s0 =	simm.s32 @p0 $0x1  }
0x13: {  	[smem:$0x3FAC] =	sst s0;
	s0 =	simm.s32 @!p1 $0x0  }
0x14: {  	s2 =	sld [smem:$0x3F90];
	s0 =	simm.s32 @p1 $0x1  }
0x15: {  	[smem:$0x3FAD] =	sst s0;
	s0 =	simm.s32 @!p2 $0x0  }
0x16: {  	s3 =	sld [smem:$0x3FDB];
	s0 =	simm.s32 @p2 $0x1  }
0x17: {  	s4 =	simm.s32 $0x1BF5;
	[smem:$0x3FAF] =	sst s0  }
0x18: {  	s0 =	sld [smem:$0x3F92];
	_ =	swait.ge [sflag:s4], $0x0  }
0x19: {  	s7 =	sld [smem:$0x3F93]  }
0x1a: {  	s8 =	sadd.s32 $0xFFFFE003, lr  }
0x1b: {  	s9 =	sadd.s32 $0xFFFFFEF7, lr;
	s5 =	simm.s32 $0xFFFFFFFF;
	p2 =	slt.u32 s8, $0xFFFFF086  }
0x1c: {  	p1 =	slt.u32 s9, $0xF7A;
	s5 =	simm.s32 @!p2 $0x0  }
0x1d: {  	s5 =	simm.s32 @p1 $0x1;
	p0 =	seq.s32 s7, s2  }
0x1e: {  	s7 =	smul.u32 @!p0 $0xF7A, s2;
	p2 =	seq.s32 @!p0 s5, $0x0  }
0x1f: {  	s9 =	smul.u32 $0xF7A, s1;
	s8 =	simm.s32 @!p0 $0x1BF5;
	p2 =	por !p2, p0  }
0x20: {  	[sflag:s8] =	ssyncset.s32 @!p0 $0xFFFFF086;
	s6 =	sadd.s32 @!p0 s3, s7;
	s7 =	simm.s32 @!p0 $0x108  }
0x21: {  	s3 =	sadd.s32 s3, s9;
	s6 =	sadd.s32 @!p0 $0x88, s6;
	s7 =	simm.s32 @p2 $0x1082  }
0x22: {  	[simem:s7], [sflag:s8] =	dma.local @!p0 [hbm:s6], $0xF7A  }
0x23: {  	s9 =	sor.u32 $0xD0000000, s2;
	s6 =	simm.s32 $0x108;
	_ =	swait.ge @!p0 [sflag:s8], $0x0  }
0x24: {  	s3 =	sadd.s32 $0x88, s3;
	s6 =	simm.s32 @!p1 $0x1082;
	[sflag:s4] =	ssyncset.s32 $0xFFFFF086  }
0x25: {  	[simem:s6], [sflag:s4] =	dma.local [hbm:s3], $0xF7A  }
0x26: {  	[smem:$0x3F93] =	sst s1;
	(tag) =	ssettag s2;
	_ =	strace s9  }
0x27: {  	s1 =	sld [smem:$0x3FA3]  }
0x28: {  	s2 =	sld [smem:$0x3FA4]  }
0x29: {  	s4 =	sld [smem:$0x3FA6]  }
0x2a: {  	p0 =	seq.s32 s5, $0x0;
	s5 =	sld [smem:$0x3FA7]  }
0x2b: {  	s6 =	sld [smem:$0x3FA8]  }
0x2c: {  	s7 =	sld [smem:$0x3FA9]  }
0x2d: {  	s3 =	simm.s32 $0x108;
	s8 =	sld [smem:$0x3FAA]  }
0x2e: {  	s3 =	simm.s32 @!p0 $0x1082;
	s9 =	sld [smem:$0x3FAB]  }
0x2f: {  	lr =	sadd.s32 s0, s3;
	s0 =	sld [smem:$0x3FA2]  }
0x30: {  	s3 =	sld [smem:$0x3FA5]  }
0x31: {  	[smem:$0x3FAE] =	sst s10  }
0x32: {  	s10 =	sld [smem:$0x3FAC];
	_ =	sdelay $0x3  }
0x33: {  	p0 =	seq.s32 s10, $0x1;
	s10 =	sld [smem:$0x3FAE];
	_ =	sdelay $0x3  }
0x34: {  	[smem:$0x3FAE] =	sst s10  }
0x35: {  	s10 =	sld [smem:$0x3FAD];
	_ =	sdelay $0x3  }
0x36: {  	p1 =	seq.s32 s10, $0x1;
	s10 =	sld [smem:$0x3FAE];
	_ =	sdelay $0x3  }
0x37: {  	[smem:$0x3FAE] =	sst s10  }
0x38: {  	s10 =	sld [smem:$0x3FAF]  }
0x39: {  	_ = 	snop;
	(pc) =	sbr.ind lr, $3  }
0x3a: {  	_ = 	snop  }
0x3b: {  	_ = 	snop  }
0x3c: {  	p2 =	seq.s32 s10, $0x1;
	s10 =	sld [smem:$0x3FAE]  }
0x3d: {  	_ =	shalt  }
0x3e: {  	_ =	shalt  }
0x3f: {  	_ =	shalt  }
0x40: {  	_ =	shalt  }
0x41: {  	_ =	shalt  }
0x42: {  	_ =	shalt  }
0x43: {  	_ =	shalt  }
0x44: {  	_ =	shalt  }
0x45: {  	_ =	shalt  }
0x46: {  	_ =	shalt  }
0x47: {  	_ =	shalt  }
0x48: {  	_ =	shalt  }
0x49: {  	_ =	shalt  }
0x4a: {  	_ =	shalt  }
0x4b: {  	_ =	shalt  }
0x4c: {  	_ =	shalt  }
0x4d: {  	_ =	shalt  }
0x4e: {  	_ =	shalt  }
0x4f: {  	_ =	shalt  }
0x50: {  	_ =	shalt  }
0x51: {  	_ =	shalt  }
0x52: {  	_ =	shalt  }
0x53: {  	_ =	shalt  }
0x54: {  	_ =	shalt  }
0x55: {  	_ =	shalt  }
0x56: {  	_ =	shalt  }
0x57: {  	_ =	shalt  }
0x58: {  	_ =	shalt  }
0x59: {  	_ =	shalt  }
0x5a: {  	_ =	shalt  }
0x5b: {  	_ =	shalt  }
0x5c: {  	_ =	shalt  }
0x5d: {  	_ =	shalt  }
0x5e: {  	_ =	shalt  }
0x5f: {  	_ =	shalt  }
0x60: {  	_ =	shalt  }
0x61: {  	_ =	shalt  }
0x62: {  	_ =	shalt  }
0x63: {  	_ =	shalt  }
0x64: {  	_ =	shalt  }
0x65: {  	_ =	shalt  }
0x66: {  	_ =	shalt  }
0x67: {  	_ =	shalt  }
0x68: {  	_ =	shalt  }
0x69: {  	_ =	shalt  }
0x6a: {  	_ =	shalt  }
0x6b: {  	_ =	shalt  }
0x6c: {  	_ =	shalt  }
0x6d: {  	_ =	shalt  }
0x6e: {  	_ =	shalt  }
0x6f: {  	_ =	shalt  }
0x70: {  	_ =	shalt  }
0x71: {  	_ =	shalt  }
0x72: {  	_ =	shalt  }
0x73: {  	_ =	shalt  }
0x74: {  	_ =	shalt  }
0x75: {  	_ =	shalt  }
0x76: {  	_ =	shalt  }
0x77: {  	_ =	shalt  }
0x78: {  	_ =	shalt  }
0x79: {  	_ =	shalt  }
0x7a: {  	_ =	shalt  }
0x7b: {  	_ =	shalt  }
0x7c: {  	_ =	shalt  }
0x7d: {  	_ =	shalt  }
0x7e: {  	_ =	shalt  }
0x7f: {  	_ =	shalt  }
0x80: {  	_ =	shalt  }
0x81: {  	_ =	shalt  }
0x82: {  	_ =	shalt  }
0x83: {  	_ =	shalt  }
0x84: {  	_ =	shalt  }
0x85: {  	_ =	shalt  }
0x86: {  	_ =	shalt  }
0x87: {  	_ =	shalt  }
.Lfunc_end0:
.L_simem_size_0:
called_computation.1_lowered:
.L_overlay_start_0:
0x88: {  	s2 =	sld [smem:$0x3FD9]  }
0x89: {  	s3 =	sld [smem:$0x3FFE];
	_ =	sdelay $0x1  }
0x8a: {  	s1 =	srdreg.scid  }
0x8b: {  	s0 =	sand.u32 $0x1, s1  }
0x8c: {  	s17 =	sshll.u32 s0, $0xA;
	s2 =	sadd.s32 s3, s2  }
0x8d: {  	s2 =	sadd.s32 s2, s17  }
0x8e: {  	[smem:$0x3FBA] =	sst s2  }
0x8f: {  	_ = 	snop  }
0x90: {  	(tm) =	ssettm $0x1  }
0x91: {  	s18 =	sld [smem:$0x3FFB];
	_ =	sdelay $0x3  }
0x92: {  	_ =	strace s18  }
0x93: {  	s2 =	sld [smem:$0x3FFC];
	_ =	sdelay $0x3  }
0x94: {  	_ =	strace s2  }
0x95: {  	s2 =	sld [smem:$0x3FFD];
	_ =	sdelay $0x3  }
0x96: {  	_ =	strace s2  }
0x97: {  	_ =	strace $0x8FFFFFFF  }
0x98: {  	s19 =	sld [smem:$0x3FDB];
	_ =	sdelay $0x1  }
0x99: {  	s20 =	simm.s32 $_scs_section_size  }
0x9a: {  	s4 =	simm.s32 $_size__tile_overlayer_lowered;
	s5 =	simm.s32 $_tile_overlayer_lowered  }
0x9b: {  	s6 =	simm.s32 $0x1BFF;
	s21 =	sshll.u32 s5, $0x1;
	s3 =	sadd.s32 s20, s19  }
0x9c: {  	s22 =	simm.s32 $0x0;
	s4 =	sshll.u32 s4, $0x1;
	s5 =	sadd.s32 s21, s3  }
0x9d: {  	[timem:s22], [sflag:s6] =	dma.local [hbm:s5], s4  }
0x9e: {  	_ =	swait.ge [sflag:s6], s4  }
0x9f: {  	s4 =	ssub.s32 $0x0, s4;
	[sflag:s6] =	ssyncset.done $0x0  }
0xa0: {  	[sflag:s6] =	ssyncadd.s32 s4;
	_ =	sdelay $0x1  }
0xa1: {  	s23 =	simm.s32 $0x1B8B  }
0xa2: {  	_ =	swait.ge [sflag:s23], $0x1  }
0xa3: {  	[sflag:s23] =	ssyncset.done $0x0  }
0xa4: {  	[sflag:s23] =	ssyncadd.s32 $0xFFFFFFFF  }
0xa5: {  	s4 =	sld [smem:$0x0]  }
0xa6: {  	s5 =	sand.u32 $0xFFFFFFFE, s1  }
0xa7: {  	p0 =	sne.s32 s1, s5  }
0xa8: {  	s5 =	sshll.u32 @p0 s5, $0xE  }
0xa9: {  	s5 =	sadd.s32 @p0 $0x11B8D, s5;
	s6 =	sshll.u32 @p0 s4, $0x11  }
0xaa: {  	s5 =	sor.u32 @p0 s6, s5  }
0xab: {  	[sflag:s5] =	ssyncadd.remote.s32 @p0 $0x1;
	_ =	sdelay $0x1  }
0xac: {  	s5 =	simm.s32 @p0 $0x1B8D  }
0xad: {  	_ =	swait.eq @p0 [sflag:s5], $0x1  }
0xae: {  	[sflag:s5] =	ssyncadd.s32 @p0 $0xFFFFFFFF  }
0xaf: {  	s6 =	sshll.u32 @!p0 s1, $0xE  }
0xb0: {  	s6 =	sor.u32 @!p0 $0x4000, s6;
	s5 =	simm.s32 @!p0 $0x1B8D  }
0xb1: {  	s4 =	sshll.u32 @!p0 s4, $0x11;
	s6 =	sadd.s32 @!p0 $0x11B8D, s6;
	_ =	swait.eq @!p0 [sflag:s5], $0x1  }
0xb2: {  	s4 =	sor.u32 @!p0 s4, s6;
	[sflag:s5] =	ssyncadd.s32 @!p0 $0xFFFFFFFF  }
0xb3: {  	s25 =	simm.s32 $0x1B8E;
	s24 =	sld [smem:$0x3FFE];
	[sflag:s4] =	ssyncadd.remote.s32 @!p0 $0x1  }
0xb4: {  	s26 =	simm.s32 $execute0_lowered;
	[smem:$0x3FD2] =	sst s25  }
0xb5: {  	s5 =	sshll.u32 s26, $0x1;
	_ =	strace $0x8000004C;
	[dreg:$0x1] =	wrdreg $0xFFFFFFFF  }
0xb6: {  	s28 =	simm.s32 $_size_execute0_lowered;
	s3 =	sadd.s32 s3, s5;
	[dreg:$0x0] =	wrdreg $0x0  }
0xb7: {  	s5 =	sshll.u32 s28, $0x1;
	[dreg:$0x2] =	wrdreg s3  }
0xb8: {  	[dreg:$0x3] =	wrdreg s5  }
0xb9: {  	[dreg:$0x4] =	wrdreg $0xC0  }
0xba: {  	_ =	task [dreg:s22], $0x5FFFF  }
0xbb: {  	[dreg:$0x1] =	wrdreg $0xFFFFFFFF  }
0xbc: {  	[dreg:$0x0] =	wrdreg $0x60  }
0xbd: {  	[dreg:$0x2] =	wrdreg s24  }
0xbe: {  	[dreg:$0x3] =	wrdreg $0x5E000  }
0xbf: {  	[dreg:$0x4] =	wrdreg $0x9  }
0xc0: {  	_ =	task.clear_ibuf [dreg:s22], $0x5FFFF;
	_ =	strace $0x9000004C  }
0xc1: {  	s29 =	simm.s32 $0x9;
	_ =	strace $0x8000004E  }
0xc2: {  	_ =	swait.ge [sflag:s29], $0x1  }
0xc3: {  	[sflag:s29] =	ssyncadd.s32 $0xFFFFFFFF  }
0xc4: {  	_ =	strace $0x9000004E  }
0xc5: {  	_ =	sfence  }
0xc6: {  	s30 =	sld [smem:$0x0];
	_ =	sdelay $0x2  }
0xc7: {  	s31 =	sshll.u32 s1, $0xD;
	s1 =	sshrl.u32 s1, $0x2  }
0xc8: {  	s4 =	sand.u32 $0x4000, s31;
	s1 =	sadd.s32 s1, s30  }
0xc9: {  	s0 =	sor.u32 s4, s0;
	s1 =	sshll.u32 s1, $0x11  }
0xca: {  	s0 =	sor.u32 s1, s0  }
0xcb: {  	s0 =	sadd.s32 $0x8F2B, s0  }
0xcc: {  	[sflag:s0] =	ssyncadd.remote.s32 $0x1  }
0xcd: {  	_ =	sfence.sel $0xFFFF  }
0xce: {  	[dreg:$0x0] =	wrdreg $0xFFFFFFFF;
	(pc) =	sbr.abs _section_cstart, $3  }
0xcf: {  	[dreg:$0x1] =	wrdreg $0xFFFFFFFF  }
0xd0: {  	_ =	task.clear_ibuf [dreg:s22], $0x2FFFF;
	_ =	strace $0x9FFFFFFF  }
0xd1: {  	(tm) =	ssettm $0x7FFFFFFF  }
tec
execute0_lowered:
.L_overlay_start_1:
0x0: {  	(tag) =	ssettag $0x1  }
0x1: {  	s0 =	rddreg [dreg:$0x0]  }
0x2: {  	s2 =	rddreg [dreg:$0x1];
	s9 =	stileid.u32  }
0x3: {  	s1 =	srdreg.scid;
	s30 =	simm.s32 $0x0;
	s18 =	simm.s32 $0x800  }
0x4: {  	s21 =	simm.s32 $0x200;
	s22 =	simm.s32 $0x900;
	s23 =	simm.s32 $0x400  }
0x5: {  	s24 =	simm.s32 $0xB00;
	s25 =	simm.s32 $0x600;
	[smem:$0x7FF] =	sst s30  }
0x6: {  	s11 =	simm.s32 $0x100;
	_ =	strace $0x8000004D;
	[dreg:$0x5] =	wrdreg s18  }
0x7: {  	s26 =	simm.s32 $0xD00;
	s12 =	simm.s32 $0x1000;
	[dreg:$0x6] =	wrdreg s21  }
0x8: {  	s28 =	simm.s32 $0x700;
	s13 =	simm.s32 $0x2;
	[dreg:$0x7] =	wrdreg s22  }
0x9: {  	s29 =	simm.s32 $0xE00;
	s14 =	simm.s32 $0x3000;
	[dreg:$0x8] =	wrdreg s23  }
0xa: {  	s31 =	simm.s32 $0xF00;
	s3 =	smul.u32 $0x1900, s9;
	[dreg:$0x9] =	wrdreg s24  }
0xb: {  	s1 =	sand.u32 $0x1, s1;
	s16 =	smul.u32 $0x62000, s9;
	[dreg:$0xa] =	wrdreg s25  }
0xc: {  	s4 =	sadd.s32 $0x2CA600, s0;
	s20 =	smul.u32 $0x3100, s9;
	[dreg:$0xb] =	wrdreg s26  }
0xd: {  	s9 =	simm.s32 $0x5;
	s5 =	smul.u32 $0x31000, s1;
	[dreg:$0xc] =	wrdreg s28  }
0xe: {  	s6 =	ssub.s32 $0x2, s1;
	p0 =	seq.s32 s1, $0x0;
	[dreg:$0xd] =	wrdreg s29  }
0xf: {  	[dreg:$0xe] =	wrdreg s31;
	s1 =	simm.s32 $0x0;
	s15 =	sshrl.u32 s6, $0x1  }
0x10: {  	s3 =	sadd.s32 s3, s0;
	s7 =	sadd.s32 s5, s0;
	s6 =	ssub.s32 s6, s15  }
0x11: {  	s5 =	sadd.s32 $0x2FB600, s0;
	s17 =	sadd.s32 $0x1BC00, s3;
	s0 =	sshrl.u32 s16, $0x2  }
0x12: {  	s3 =	sadd.s32 $0x2C00, s3;
	s15 =	simm.s32 $0x4;
	s16 =	simm.s32 $0x1  }
0x13: {  	s8 =	sadd.s32 $0x32C600, s7;
	s6 =	smax.u32 s6, $0x1;
	[dreg:$0x3] =	wrdreg s17  }
0x14: {  	s19 =	sadd.s32 s0, s2;
	[dreg:$0x4] =	wrdreg s3;
	s10 =	smov.u32 s5  }
0x15: {  	s17 =	simm.s32 $0x3;
	[dreg:$0xf] =	wrdreg s6;
	s6 =	simm.s32 $0x5000  }
0x16: {  	v0 =	vimm.f32 $0.0e+00;
	s10 =	smov.u32 @p0 s4;
	s18 =	sadd.s32 s8, s20;
	[dreg:$0x10] =	wrdreg s19  }
.LBB2_1:
0x17: {  	[dreg:$0x11] =	wrdreg s1;
	s0 =	simm.s32 $0x0  }
.LBB2_2:
0x18: {  	p1 =	sne.s32 s0, $0x3780  }
.Ltmp0:
0x19: {  	_ = 	snop;
	(pc) =	sbr.rel @p1 .LBB2_2-.Ltmp0, $4  }
0x1a: {  	_ = 	snop  }
0x1b: {  	s1 =	sshra.s32 s0, $0x2  }
0x1c: {  	[tilespmem:s1+$0x5000] =	vst v0  }
0x1d: {  	s0 =	sadd.s32 $0x80, s0;
	[tilespmem:s1+$0x5010] =	vst v0  }
0x1e: {  	s0 =	sadd.s32 $0x0, s19  }
0x1f: {  	[spmem:s0] =	stream.linear.scatter [tilespmem:s6], [sflag:$0x5], $0xE00, $0x38;
	[tilespmem:$0x1E600] =	vst v63  }
0x20: {  	s0 =	simm.s32 $0x3800;
	_ =	swait.ge [sflag:s9], $0xE00  }
.LBB2_4:
0x21: {  	s1 =	sshra.s32 s0, $0x2;
	[sflag:s9] =	ssyncset.done $0x0;
	p1 =	sne.s32 s0, $0x5E800  }
.Ltmp1:
0x22: {  	s1 =	sadd.s32 s1, s19;
	[sflag:s9] =	ssyncadd.s32 $0xFFFFF200;
	(pc) =	sbr.rel @p1 .LBB2_4-.Ltmp1, $3  }
0x23: {  	[spmem:s1] =	stream.linear.scatter [tilespmem:s6], [sflag:$0x5], $0xE00, $0x38;
	[tilespmem:$0x1E600] =	vst v63  }
0x24: {  	s0 =	sadd.s32 $0x3800, s0;
	_ =	sdelay $0x1  }
0x25: {  	_ =	swait.ge [sflag:s9], $0xE00  }
0x26: {  	[sflag:s9] =	ssyncset.done $0x0  }
0x27: {  	[sflag:s9] =	ssyncadd.s32 $0xFFFFF200  }
0x28: {  	[bflag:$0x0] =	sbarrier.arrive $0xFFFF  }
0x29: {  	s0 =	rddreg [dreg:$0x4]  }
0x2a: {  	s0 =	sadd.s32 $0x0, s0  }
0x2b: {  	[tilespmem:s30], [sflag:$0x5] =	stream.linear.gather [hbm4b:s0+s30], $0x800, $0x38;
	[tilespmem:$0x1E600] =	vst v63  }
0x2c: {  	_ =	swait.ge [sflag:s9], $0x800  }
0x2d: {  	s7 =	rddreg [dreg:$0x3];
	[sflag:s9] =	ssyncset.done $0x0  }
0x2e: {  	s1 =	rddreg [dreg:$0x5];
	[sflag:s9] =	ssyncadd.s32 $0xFFFFF800;
	s0 =	sadd.s32 $0x0, s7  }
0x2f: {  	[tilespmem:s1], [sflag:$0x5] =	stream.linear.gather [hbm4b:s0+s30], $0x800, $0x38;
	[tilespmem:$0x1E600] =	vst v63  }
0x30: {  	_ =	swait.ge [sflag:s9], $0x800  }
0x31: {  	s20 =	simm.s32 @p0 $0x1000;
	[sflag:s9] =	ssyncset.done $0x0  }
0x32: {  	s21 =	simm.s32 @p0 $0x100;
	s0 =	simm.s32 @p0 $0x0;
	[sflag:s9] =	ssyncadd.s32 $0xFFFFF800  }
0x33: {  	[tilespmem:s20], [sflag:$0x1] =	stream.indirect.gather @p0 [hbm4b:s4+s21], $0x20, s0, s21, $0xb8;
	[tilespmem:$0x1E600] =	vst v63  }
0x34: {  	s23 =	simm.s32 @p0 $0x3000;
	s24 =	simm.s32 @p0 $0x1  }
0x35: {  	[tilespmem:s23], [sflag:$0x2] =	stream.indirect.gather @p0 [hbm4b:s4+s21], $0x20, s21, s21, $0xb8;
	[tilespmem:$0x1E600] =	vst v63  }
0x36: {  	_ =	swait.ge @p0 [sflag:s24], $0x2000  }
0x37: {  	[sflag:s24] =	ssyncset.done @p0 $0x0  }
0x38: {  	s26 =	simm.s32 @p0 $0x3;
	s0 =	simm.s32 @p0 $0x800;
	[sflag:s24] =	ssyncadd.s32 @p0 $0xFFFFE000  }
0x39: {  	[spmem:s2] =	stream.indirect.scatter.add.f32 @p0 [tilespmem:s20], [sflag:$0x3], $0x20, s0, s21, $0xb8;
	[tilespmem:$0x1E600] =	vst v63  }
0x3a: {  	_ =	swait.ge @p0 [sflag:s26], $0x2000  }
0x3b: {  	s28 =	simm.s32 @!p0 $0x1000;
	[sflag:s26] =	ssyncset.done @p0 $0x0  }
0x3c: {  	s29 =	simm.s32 @!p0 $0x100;
	s0 =	simm.s32 @!p0 $0x0;
	[sflag:s26] =	ssyncadd.s32 @p0 $0xFFFFE000  }
0x3d: {  	[tilespmem:s28], [sflag:$0x1] =	stream.indirect.gather @!p0 [hbm4b:s5+s29], $0x20, s0, s29, $0xb8;
	[tilespmem:$0x1E600] =	vst v63  }
0x3e: {  	s31 =	simm.s32 @!p0 $0x3000;
	s0 =	simm.s32 @!p0 $0x1  }
0x3f: {  	[tilespmem:s31], [sflag:$0x2] =	stream.indirect.gather @!p0 [hbm4b:s5+s29], $0x20, s29, s29, $0xb8;
	[tilespmem:$0x1E600] =	vst v63  }
0x40: {  	_ =	swait.ge @!p0 [sflag:s0], $0x2000  }
0x41: {  	[sflag:s0] =	ssyncset.done @!p0 $0x0  }
0x42: {  	s6 =	simm.s32 @!p0 $0x3;
	s1 =	simm.s32 @!p0 $0x800;
	[sflag:s0] =	ssyncadd.s32 @!p0 $0xFFFFE000  }
0x43: {  	[spmem:s2] =	stream.indirect.scatter.add.f32 @!p0 [tilespmem:s28], [sflag:$0x3], $0x20, s1, s29, $0xb8;
	[tilespmem:$0x1E600] =	vst v63  }
0x44: {  	_ =	swait.ge @!p0 [sflag:s6], $0x2000  }
0x45: {  	[sflag:s6] =	ssyncset.done @!p0 $0x0  }
0x46: {  	s8 =	rddreg [dreg:$0x6];
	[sflag:s6] =	ssyncadd.s32 @!p0 $0xFFFFE000  }
0x47: {  	[tilespmem:s12], [sflag:$0x1] =	stream.indirect.gather [hbm4b:s10+s11], $0x20, s8, s11, $0xb8;
	[tilespmem:$0x1E600] =	vst v63  }
0x48: {  	_ =	swait.ge [sflag:s13], $0x2000  }
0x49: {  	[sflag:s13] =	ssyncset.done $0x0  }
0x4a: {  	s19 =	rddreg [dreg:$0x7];
	[sflag:s13] =	ssyncadd.s32 $0xFFFFE000  }
0x4b: {  	[spmem:s2] =	stream.indirect.scatter.add.f32 [tilespmem:s14], [sflag:$0x4], $0x20, s19, s11, $0xb8;
	[tilespmem:$0x1E600] =	vst v63  }
0x4c: {  	_ =	swait.ge [sflag:s15], $0x2000  }
0x4d: {  	[sflag:s15] =	ssyncset.done $0x0  }
0x4e: {  	s1 =	simm.s32 @p0 $0x300;
	[sflag:s15] =	ssyncadd.s32 $0xFFFFE000  }
0x4f: {  	[tilespmem:s23], [sflag:$0x2] =	stream.indirect.gather @p0 [hbm4b:s4+s21], $0x20, s1, s21, $0xb8;
	[tilespmem:$0x1E600] =	vst v63  }
0x50: {  	_ =	swait.ge @p0 [sflag:s24], $0x2000  }
0x51: {  	[sflag:s24] =	ssyncset.done @p0 $0x0  }
0x52: {  	s1 =	simm.s32 @p0 $0xA00;
	[sflag:s24] =	ssyncadd.s32 @p0 $0xFFFFE000  }
0x53: {  	[spmem:s2] =	stream.indirect.scatter.add.f32 @p0 [tilespmem:s20], [sflag:$0x3], $0x20, s1, s21, $0xb8;
	[tilespmem:$0x1E600] =	vst v63  }
0x54: {  	_ =	swait.ge @p0 [sflag:s26], $0x2000  }
0x55: {  	[sflag:s26] =	ssyncset.done @p0 $0x0  }
0x56: {  	s1 =	simm.s32 @!p0 $0x300;
	[sflag:s26] =	ssyncadd.s32 @p0 $0xFFFFE000  }
0x57: {  	[tilespmem:s31], [sflag:$0x2] =	stream.indirect.gather @!p0 [hbm4b:s5+s29], $0x20, s1, s29, $0xb8;
	[tilespmem:$0x1E600] =	vst v63  }
0x58: {  	_ =	swait.ge @!p0 [sflag:s0], $0x2000  }
0x59: {  	[sflag:s0] =	ssyncset.done @!p0 $0x0  }
0x5a: {  	s1 =	simm.s32 @!p0 $0xA00;
	[sflag:s0] =	ssyncadd.s32 @!p0 $0xFFFFE000  }
0x5b: {  	[spmem:s2] =	stream.indirect.scatter.add.f32 @!p0 [tilespmem:s28], [sflag:$0x3], $0x20, s1, s29, $0xb8;
	[tilespmem:$0x1E600] =	vst v63  }
0x5c: {  	_ =	swait.ge @!p0 [sflag:s6], $0x2000  }
0x5d: {  	[sflag:s6] =	ssyncset.done @!p0 $0x0  }
0x5e: {  	s22 =	rddreg [dreg:$0x8];
	[sflag:s6] =	ssyncadd.s32 @!p0 $0xFFFFE000  }
0x5f: {  	[tilespmem:s12], [sflag:$0x1] =	stream.indirect.gather [hbm4b:s10+s11], $0x20, s22, s11, $0xb8;
	[tilespmem:$0x1E600] =	vst v63  }
0x60: {  	_ =	swait.ge [sflag:s13], $0x2000  }
0x61: {  	[sflag:s13] =	ssyncset.done $0x0  }
0x62: {  	s25 =	rddreg [dreg:$0x9];
	[sflag:s13] =	ssyncadd.s32 $0xFFFFE000  }
0x63: {  	[spmem:s2] =	stream.indirect.scatter.add.f32 [tilespmem:s14], [sflag:$0x4], $0x20, s25, s11, $0xb8;
	[tilespmem:$0x1E600] =	vst v63  }
0x64: {  	_ =	swait.ge [sflag:s15], $0x2000  }
0x65: {  	[sflag:s15] =	ssyncset.done $0x0  }
0x66: {  	s1 =	simm.s32 @p0 $0x500;
	[sflag:s15] =	ssyncadd.s32 $0xFFFFE000  }
0x67: {  	[tilespmem:s23], [sflag:$0x2] =	stream.indirect.gather @p0 [hbm4b:s4+s21], $0x20, s1, s21, $0xb8;
	[tilespmem:$0x1E600] =	vst v63  }
0x68: {  	_ =	swait.ge @p0 [sflag:s24], $0x2000  }
0x69: {  	[sflag:s24] =	ssyncset.done @p0 $0x0  }
0x6a: {  	s1 =	simm.s32 @p0 $0xC00;
	[sflag:s24] =	ssyncadd.s32 @p0 $0xFFFFE000  }
0x6b: {  	[spmem:s2] =	stream.indirect.scatter.add.f32 @p0 [tilespmem:s20], [sflag:$0x3], $0x20, s1, s21, $0xb8;
	[tilespmem:$0x1E600] =	vst v63  }
0x6c: {  	_ =	swait.ge @p0 [sflag:s26], $0x2000  }
0x6d: {  	[sflag:s26] =	ssyncset.done @p0 $0x0  }
0x6e: {  	s19 =	simm.s32 @!p0 $0x500;
	[sflag:s26] =	ssyncadd.s32 @p0 $0xFFFFE000  }
0x6f: {  	[tilespmem:s31], [sflag:$0x2] =	stream.indirect.gather @!p0 [hbm4b:s5+s29], $0x20, s19, s29, $0xb8;
	[tilespmem:$0x1E600] =	vst v63  }
0x70: {  	_ =	swait.ge @!p0 [sflag:s0], $0x2000  }
0x71: {  	[sflag:s0] =	ssyncset.done @!p0 $0x0  }
0x72: {  	s8 =	simm.s32 @!p0 $0xC00;
	[sflag:s0] =	ssyncadd.s32 @!p0 $0xFFFFE000  }
0x73: {  	[spmem:s2] =	stream.indirect.scatter.add.f32 @!p0 [tilespmem:s28], [sflag:$0x3], $0x20, s8, s29, $0xb8;
	[tilespmem:$0x1E600] =	vst v63  }
0x74: {  	_ =	swait.ge @!p0 [sflag:s6], $0x2000  }
0x75: {  	[sflag:s6] =	ssyncset.done @!p0 $0x0  }
0x76: {  	s3 =	rddreg [dreg:$0xa];
	[sflag:s6] =	ssyncadd.s32 @!p0 $0xFFFFE000  }
0x77: {  	[tilespmem:s12], [sflag:$0x1] =	stream.indirect.gather [hbm4b:s10+s11], $0x20, s3, s11, $0xb8;
	[tilespmem:$0x1E600] =	vst v63  }
0x78: {  	_ =	swait.ge [sflag:s13], $0x2000  }
0x79: {  	[sflag:s13] =	ssyncset.done $0x0  }
0x7a: {  	s1 =	rddreg [dreg:$0xb];
	[sflag:s13] =	ssyncadd.s32 $0xFFFFE000  }
0x7b: {  	[spmem:s2] =	stream.indirect.scatter.add.f32 [tilespmem:s14], [sflag:$0x4], $0x20, s1, s11, $0xb8;
	[tilespmem:$0x1E600] =	vst v63  }
0x7c: {  	_ =	swait.ge [sflag:s15], $0x2000  }
0x7d: {  	[sflag:s15] =	ssyncset.done $0x0  }
0x7e: {  	s7 =	rddreg [dreg:$0xc];
	[sflag:s15] =	ssyncadd.s32 $0xFFFFE000  }
0x7f: {  	[tilespmem:s14], [sflag:$0x2] =	stream.indirect.gather [hbm4b:s10+s11], $0x20, s7, s11, $0xb8;
	[tilespmem:$0x1E600] =	vst v63  }
0x80: {  	_ =	swait.ge [sflag:s16], $0x2000  }
0x81: {  	[sflag:s16] =	ssyncset.done $0x0  }
0x82: {  	s22 =	rddreg [dreg:$0xd];
	[sflag:s16] =	ssyncadd.s32 $0xFFFFE000  }
0x83: {  	[spmem:s2] =	stream.indirect.scatter.add.f32 [tilespmem:s12], [sflag:$0x3], $0x20, s22, s11, $0xb8;
	[tilespmem:$0x1E600] =	vst v63  }
0x84: {  	_ =	swait.ge [sflag:s13], $0x2000  }
0x85: {  	[sflag:s13] =	ssyncset.done $0x0  }
0x86: {  	s25 =	rddreg [dreg:$0xe];
	[sflag:s13] =	ssyncadd.s32 $0xFFFFE000  }
0x87: {  	[spmem:s2] =	stream.indirect.scatter.add.f32 [tilespmem:s14], [sflag:$0x4], $0x20, s25, s11, $0xb8;
	[tilespmem:$0x1E600] =	vst v63  }
0x88: {  	_ =	swait.ge [sflag:s17], $0x2000  }
0x89: {  	[sflag:s17] =	ssyncset.done $0x0  }
0x8a: {  	[sflag:s17] =	ssyncadd.s32 $0xFFFFE000  }
0x8b: {  	s3 =	simm.s32 $0x100;
	_ =	swait.ge [sflag:s15], $0x2000  }
0x8c: {  	s22 =	simm.s32 $0x200;
	s25 =	rddreg [dreg:$0x4];
	[sflag:s15] =	ssyncset.done $0x0  }
.LBB2_6:
0x8d: {  	[sflag:s15] =	ssyncadd.s32 $0xFFFFE000;
	s25 =	sadd.s32 s3, s25  }
0x8e: {  	[tilespmem:s30], [sflag:$0x5] =	stream.linear.gather [hbm4b:s25+s30], $0x800, $0x38;
	[tilespmem:$0x1E600] =	vst v63  }
0x8f: {  	_ =	swait.ge [sflag:s9], $0x800  }
0x90: {  	s1 =	simm.s32 $0x0;
	s25 =	rddreg [dreg:$0x3];
	[sflag:s9] =	ssyncset.done $0x0  }
0x91: {  	s30 =	rddreg [dreg:$0x5];
	[sflag:s9] =	ssyncadd.s32 $0xFFFFF800;
	s25 =	sadd.s32 s3, s25  }
0x92: {  	[tilespmem:s30], [sflag:$0x5] =	stream.linear.gather [hbm4b:s25+s1], $0x800, $0x38;
	[tilespmem:$0x1E600] =	vst v63  }
0x93: {  	_ =	swait.ge [sflag:s9], $0x800  }
0x94: {  	[sflag:s9] =	ssyncset.done $0x0  }
0x95: {  	s1 =	simm.s32 @p0 $0x0;
	[sflag:s9] =	ssyncadd.s32 $0xFFFFF800  }
0x96: {  	[tilespmem:s20], [sflag:$0x1] =	stream.indirect.gather @p0 [hbm4b:s4+s21], $0x20, s1, s21, $0xb8;
	[tilespmem:$0x1E600] =	vst v63  }
0x97: {  	_ = 	snop  }
0x98: {  	[tilespmem:s23], [sflag:$0x2] =	stream.indirect.gather @p0 [hbm4b:s4+s21], $0x20, s21, s21, $0xb8;
	[tilespmem:$0x1E600] =	vst v63  }
0x99: {  	_ =	swait.ge @p0 [sflag:s24], $0x2000  }
0x9a: {  	[sflag:s24] =	ssyncset.done @p0 $0x0  }
0x9b: {  	s1 =	simm.s32 @p0 $0x800;
	[sflag:s24] =	ssyncadd.s32 @p0 $0xFFFFE000  }
0x9c: {  	[spmem:s2] =	stream.indirect.scatter.add.f32 @p0 [tilespmem:s20], [sflag:$0x3], $0x20, s1, s21, $0xb8;
	[tilespmem:$0x1E600] =	vst v63  }
0x9d: {  	_ =	swait.ge @p0 [sflag:s26], $0x2000  }
0x9e: {  	[sflag:s26] =	ssyncset.done @p0 $0x0  }
0x9f: {  	s1 =	simm.s32 @!p0 $0x0;
	[sflag:s26] =	ssyncadd.s32 @p0 $0xFFFFE000  }
0xa0: {  	[tilespmem:s28], [sflag:$0x1] =	stream.indirect.gather @!p0 [hbm4b:s5+s29], $0x20, s1, s29, $0xb8;
	[tilespmem:$0x1E600] =	vst v63  }
0xa1: {  	_ = 	snop  }
0xa2: {  	[tilespmem:s31], [sflag:$0x2] =	stream.indirect.gather @!p0 [hbm4b:s5+s29], $0x20, s29, s29, $0xb8;
	[tilespmem:$0x1E600] =	vst v63  }
0xa3: {  	_ =	swait.ge @!p0 [sflag:s0], $0x2000  }
0xa4: {  	[sflag:s0] =	ssyncset.done @!p0 $0x0  }
0xa5: {  	s1 =	simm.s32 @!p0 $0x800;
	[sflag:s0] =	ssyncadd.s32 @!p0 $0xFFFFE000  }
0xa6: {  	[spmem:s2] =	stream.indirect.scatter.add.f32 @!p0 [tilespmem:s28], [sflag:$0x3], $0x20, s1, s29, $0xb8;
	[tilespmem:$0x1E600] =	vst v63  }
0xa7: {  	_ =	swait.ge @!p0 [sflag:s6], $0x2000  }
0xa8: {  	[sflag:s6] =	ssyncset.done @!p0 $0x0  }
0xa9: {  	s25 =	rddreg [dreg:$0x6];
	[sflag:s6] =	ssyncadd.s32 @!p0 $0xFFFFE000  }
0xaa: {  	[tilespmem:s12], [sflag:$0x1] =	stream.indirect.gather [hbm4b:s10+s11], $0x20, s25, s11, $0xb8;
	[tilespmem:$0x1E600] =	vst v63  }
0xab: {  	_ =	swait.ge [sflag:s13], $0x2000  }
0xac: {  	[sflag:s13] =	ssyncset.done $0x0  }
0xad: {  	s1 =	rddreg [dreg:$0x7];
	[sflag:s13] =	ssyncadd.s32 $0xFFFFE000  }
0xae: {  	[spmem:s2] =	stream.indirect.scatter.add.f32 [tilespmem:s14], [sflag:$0x4], $0x20, s1, s11, $0xb8;
	[tilespmem:$0x1E600] =	vst v63  }
0xaf: {  	_ =	swait.ge [sflag:s15], $0x2000  }
0xb0: {  	[sflag:s15] =	ssyncset.done $0x0  }
0xb1: {  	s1 =	simm.s32 @p0 $0x300;
	[sflag:s15] =	ssyncadd.s32 $0xFFFFE000  }
0xb2: {  	[tilespmem:s23], [sflag:$0x2] =	stream.indirect.gather @p0 [hbm4b:s4+s21], $0x20, s1, s21, $0xb8;
	[tilespmem:$0x1E600] =	vst v63  }
0xb3: {  	_ =	swait.ge @p0 [sflag:s24], $0x2000  }
0xb4: {  	[sflag:s24] =	ssyncset.done @p0 $0x0  }
0xb5: {  	s1 =	simm.s32 @p0 $0xA00;
	[sflag:s24] =	ssyncadd.s32 @p0 $0xFFFFE000  }
0xb6: {  	[spmem:s2] =	stream.indirect.scatter.add.f32 @p0 [tilespmem:s20], [sflag:$0x3], $0x20, s1, s21, $0xb8;
	[tilespmem:$0x1E600] =	vst v63  }
0xb7: {  	_ =	swait.ge @p0 [sflag:s26], $0x2000  }
0xb8: {  	[sflag:s26] =	ssyncset.done @p0 $0x0  }
0xb9: {  	s1 =	simm.s32 @!p0 $0x300;
	[sflag:s26] =	ssyncadd.s32 @p0 $0xFFFFE000  }
0xba: {  	[tilespmem:s31], [sflag:$0x2] =	stream.indirect.gather @!p0 [hbm4b:s5+s29], $0x20, s1, s29, $0xb8;
	[tilespmem:$0x1E600] =	vst v63  }
0xbb: {  	_ =	swait.ge @!p0 [sflag:s0], $0x2000  }
0xbc: {  	[sflag:s0] =	ssyncset.done @!p0 $0x0  }
0xbd: {  	s1 =	simm.s32 @!p0 $0xA00;
	[sflag:s0] =	ssyncadd.s32 @!p0 $0xFFFFE000  }
0xbe: {  	[spmem:s2] =	stream.indirect.scatter.add.f32 @!p0 [tilespmem:s28], [sflag:$0x3], $0x20, s1, s29, $0xb8;
	[tilespmem:$0x1E600] =	vst v63  }
0xbf: {  	_ =	swait.ge @!p0 [sflag:s6], $0x2000  }
0xc0: {  	[sflag:s6] =	ssyncset.done @!p0 $0x0  }
0xc1: {  	s25 =	rddreg [dreg:$0x8];
	[sflag:s6] =	ssyncadd.s32 @!p0 $0xFFFFE000  }
0xc2: {  	[tilespmem:s12], [sflag:$0x1] =	stream.indirect.gather [hbm4b:s10+s11], $0x20, s25, s11, $0xb8;
	[tilespmem:$0x1E600] =	vst v63  }
0xc3: {  	_ =	swait.ge [sflag:s13], $0x2000  }
0xc4: {  	[sflag:s13] =	ssyncset.done $0x0  }
0xc5: {  	s1 =	rddreg [dreg:$0x9];
	[sflag:s13] =	ssyncadd.s32 $0xFFFFE000  }
0xc6: {  	[spmem:s2] =	stream.indirect.scatter.add.f32 [tilespmem:s14], [sflag:$0x4], $0x20, s1, s11, $0xb8;
	[tilespmem:$0x1E600] =	vst v63  }
0xc7: {  	_ =	swait.ge [sflag:s15], $0x2000  }
0xc8: {  	[sflag:s15] =	ssyncset.done $0x0  }
0xc9: {  	s1 =	simm.s32 @p0 $0x500;
	[sflag:s15] =	ssyncadd.s32 $0xFFFFE000  }
0xca: {  	[tilespmem:s23], [sflag:$0x2] =	stream.indirect.gather @p0 [hbm4b:s4+s21], $0x20, s1, s21, $0xb8;
	[tilespmem:$0x1E600] =	vst v63  }
0xcb: {  	_ =	swait.ge @p0 [sflag:s24], $0x2000  }
0xcc: {  	[sflag:s24] =	ssyncset.done @p0 $0x0  }
0xcd: {  	s1 =	simm.s32 @p0 $0xC00;
	[sflag:s24] =	ssyncadd.s32 @p0 $0xFFFFE000  }
0xce: {  	[spmem:s2] =	stream.indirect.scatter.add.f32 @p0 [tilespmem:s20], [sflag:$0x3], $0x20, s1, s21, $0xb8;
	[tilespmem:$0x1E600] =	vst v63  }
0xcf: {  	_ =	swait.ge @p0 [sflag:s26], $0x2000  }
0xd0: {  	[sflag:s26] =	ssyncset.done @p0 $0x0  }
0xd1: {  	[sflag:s26] =	ssyncadd.s32 @p0 $0xFFFFE000  }
0xd2: {  	[tilespmem:s31], [sflag:$0x2] =	stream.indirect.gather @!p0 [hbm4b:s5+s29], $0x20, s19, s29, $0xb8;
	[tilespmem:$0x1E600] =	vst v63  }
0xd3: {  	_ =	swait.ge @!p0 [sflag:s0], $0x2000  }
0xd4: {  	[sflag:s0] =	ssyncset.done @!p0 $0x0  }
0xd5: {  	[sflag:s0] =	ssyncadd.s32 @!p0 $0xFFFFE000  }
0xd6: {  	[spmem:s2] =	stream.indirect.scatter.add.f32 @!p0 [tilespmem:s28], [sflag:$0x3], $0x20, s8, s29, $0xb8;
	[tilespmem:$0x1E600] =	vst v63  }
0xd7: {  	_ =	swait.ge @!p0 [sflag:s6], $0x2000  }
0xd8: {  	[sflag:s6] =	ssyncset.done @!p0 $0x0  }
0xd9: {  	s25 =	rddreg [dreg:$0xa];
	[sflag:s6] =	ssyncadd.s32 @!p0 $0xFFFFE000  }
0xda: {  	[tilespmem:s12], [sflag:$0x1] =	stream.indirect.gather [hbm4b:s10+s11], $0x20, s25, s11, $0xb8;
	[tilespmem:$0x1E600] =	vst v63  }
0xdb: {  	_ =	swait.ge [sflag:s13], $0x2000  }
0xdc: {  	[sflag:s13] =	ssyncset.done $0x0  }
0xdd: {  	s1 =	rddreg [dreg:$0xb];
	[sflag:s13] =	ssyncadd.s32 $0xFFFFE000  }
0xde: {  	[spmem:s2] =	stream.indirect.scatter.add.f32 [tilespmem:s14], [sflag:$0x4], $0x20, s1, s11, $0xb8;
	[tilespmem:$0x1E600] =	vst v63  }
0xdf: {  	_ =	swait.ge [sflag:s15], $0x2000  }
0xe0: {  	[sflag:s15] =	ssyncset.done $0x0  }
0xe1: {  	s25 =	rddreg [dreg:$0xc];
	[sflag:s15] =	ssyncadd.s32 $0xFFFFE000  }
0xe2: {  	[tilespmem:s14], [sflag:$0x2] =	stream.indirect.gather [hbm4b:s10+s11], $0x20, s25, s11, $0xb8;
	[tilespmem:$0x1E600] =	vst v63  }
0xe3: {  	_ =	swait.ge [sflag:s16], $0x2000  }
0xe4: {  	[sflag:s16] =	ssyncset.done $0x0  }
0xe5: {  	s1 =	rddreg [dreg:$0xd];
	[sflag:s16] =	ssyncadd.s32 $0xFFFFE000  }
0xe6: {  	[spmem:s2] =	stream.indirect.scatter.add.f32 [tilespmem:s12], [sflag:$0x3], $0x20, s1, s11, $0xb8;
	[tilespmem:$0x1E600] =	vst v63  }
0xe7: {  	_ =	swait.ge [sflag:s13], $0x2000  }
0xe8: {  	s7 =	smov.u32 s22;
	s22 =	sadd.s32 $0x100, s22;
	[sflag:s13] =	ssyncset.done $0x0  }
0xe9: {  	p1 =	sne.s32 s22, $0x1900;
	s25 =	rddreg [dreg:$0xe];
	[sflag:s13] =	ssyncadd.s32 $0xFFFFE000  }
0xea: {  	[spmem:s2] =	stream.indirect.scatter.add.f32 [tilespmem:s14], [sflag:$0x4], $0x20, s25, s11, $0xb8;
	[tilespmem:$0x1E600] =	vst v63  }
.Ltmp2:
0xeb: {  	_ =	swait.ge [sflag:s17], $0x2000;
	(pc) =	sbr.rel @p1 .LBB2_6-.Ltmp2, $4  }
0xec: {  	[sflag:s17] =	ssyncset.done $0x0  }
0xed: {  	[sflag:s17] =	ssyncadd.s32 $0xFFFFE000  }
0xee: {  	s3 =	smov.u32 s7;
	_ =	swait.ge [sflag:s15], $0x2000  }
0xef: {  	s30 =	simm.s32 $0x0;
	s25 =	rddreg [dreg:$0x4];
	[sflag:s15] =	ssyncset.done $0x0  }
0xf0: {  	[sflag:s15] =	ssyncadd.s32 $0xFFFFE000;
	s0 =	sadd.s32 s3, s25  }
0xf1: {  	[tilespmem:s30], [sflag:$0x5] =	stream.linear.gather [hbm4b:s0+s30], $0x800, $0x38;
	[tilespmem:$0x1E600] =	vst v63  }
0xf2: {  	_ =	swait.ge [sflag:s9], $0x800  }
0xf3: {  	s25 =	rddreg [dreg:$0x3];
	[sflag:s9] =	ssyncset.done $0x0  }
0xf4: {  	s1 =	rddreg [dreg:$0x5];
	[sflag:s9] =	ssyncadd.s32 $0xFFFFF800;
	s0 =	sadd.s32 s3, s25  }
0xf5: {  	[tilespmem:s1], [sflag:$0x5] =	stream.linear.gather [hbm4b:s0+s30], $0x800, $0x38;
	[tilespmem:$0x1E600] =	vst v63  }
0xf6: {  	_ =	swait.ge [sflag:s9], $0x800  }
0xf7: {  	s3 =	simm.s32 @p0 $0x0;
	[sflag:s9] =	ssyncset.done $0x0  }
0xf8: {  	s0 =	simm.s32 @p0 $0x1000;
	s1 =	simm.s32 @p0 $0x100;
	[sflag:s9] =	ssyncadd.s32 $0xFFFFF800  }
0xf9: {  	[tilespmem:s0], [sflag:$0x1] =	stream.indirect.gather @p0 [hbm4b:s4+s1], $0x20, s3, s1, $0xb8;
	[tilespmem:$0x1E600] =	vst v63  }
0xfa: {  	s20 =	simm.s32 @p0 $0x3000;
	s6 =	simm.s32 @p0 $0x1  }
0xfb: {  	[tilespmem:s20], [sflag:$0x2] =	stream.indirect.gather @p0 [hbm4b:s4+s1], $0x20, s1, s1, $0xb8;
	[tilespmem:$0x1E600] =	vst v63  }
0xfc: {  	_ =	swait.ge @p0 [sflag:s6], $0x2000  }
0xfd: {  	[sflag:s6] =	ssyncset.done @p0 $0x0  }
0xfe: {  	s19 =	simm.s32 @p0 $0x3;
	s3 =	simm.s32 @p0 $0x800;
	[sflag:s6] =	ssyncadd.s32 @p0 $0xFFFFE000  }
0xff: {  	[spmem:s2] =	stream.indirect.scatter.add.f32 @p0 [tilespmem:s0], [sflag:$0x3], $0x20, s3, s1, $0xb8;
	[tilespmem:$0x1E600] =	vst v63  }
0x100: {  	_ =	swait.ge @p0 [sflag:s19], $0x2000  }
0x101: {  	s8 =	simm.s32 @!p0 $0x100;
	[sflag:s19] =	ssyncset.done @p0 $0x0  }
0x102: {  	s7 =	simm.s32 @!p0 $0x0;
	s3 =	simm.s32 @!p0 $0x1000;
	[sflag:s19] =	ssyncadd.s32 @p0 $0xFFFFE000  }
0x103: {  	[tilespmem:s3], [sflag:$0x1] =	stream.indirect.gather @!p0 [hbm4b:s5+s8], $0x20, s7, s8, $0xb8;
	[tilespmem:$0x1E600] =	vst v63  }
0x104: {  	s23 =	simm.s32 @!p0 $0x3000;
	s21 =	simm.s32 @!p0 $0x1  }
0x105: {  	[tilespmem:s23], [sflag:$0x2] =	stream.indirect.gather @!p0 [hbm4b:s5+s8], $0x20, s8, s8, $0xb8;
	[tilespmem:$0x1E600] =	vst v63  }
0x106: {  	_ =	swait.ge @!p0 [sflag:s21], $0x2000  }
0x107: {  	[sflag:s21] =	ssyncset.done @!p0 $0x0  }
0x108: {  	s22 =	simm.s32 @!p0 $0x3;
	s7 =	simm.s32 @!p0 $0x800;
	[sflag:s21] =	ssyncadd.s32 @!p0 $0xFFFFE000  }
0x109: {  	[spmem:s2] =	stream.indirect.scatter.add.f32 @!p0 [tilespmem:s3], [sflag:$0x3], $0x20, s7, s8, $0xb8;
	[tilespmem:$0x1E600] =	vst v63  }
0x10a: {  	_ =	swait.ge @!p0 [sflag:s22], $0x2000  }
0x10b: {  	[sflag:s22] =	ssyncset.done @!p0 $0x0  }
0x10c: {  	s26 =	rddreg [dreg:$0x6];
	[sflag:s22] =	ssyncadd.s32 @!p0 $0xFFFFE000  }
0x10d: {  	[tilespmem:s12], [sflag:$0x1] =	stream.indirect.gather [hbm4b:s10+s11], $0x20, s26, s11, $0xb8;
	[tilespmem:$0x1E600] =	vst v63  }
0x10e: {  	_ =	swait.ge [sflag:s13], $0x2000  }
0x10f: {  	[sflag:s13] =	ssyncset.done $0x0  }
0x110: {  	s28 =	rddreg [dreg:$0x7];
	[sflag:s13] =	ssyncadd.s32 $0xFFFFE000  }
0x111: {  	[spmem:s2] =	stream.indirect.scatter.add.f32 [tilespmem:s14], [sflag:$0x4], $0x20, s28, s11, $0xb8;
	[tilespmem:$0x1E600] =	vst v63  }
0x112: {  	_ =	swait.ge [sflag:s15], $0x2000  }
0x113: {  	[sflag:s15] =	ssyncset.done $0x0  }
0x114: {  	s7 =	simm.s32 @p0 $0x300;
	[sflag:s15] =	ssyncadd.s32 $0xFFFFE000  }
0x115: {  	[tilespmem:s20], [sflag:$0x2] =	stream.indirect.gather @p0 [hbm4b:s4+s1], $0x20, s7, s1, $0xb8;
	[tilespmem:$0x1E600] =	vst v63  }
0x116: {  	_ =	swait.ge @p0 [sflag:s6], $0x2000  }
0x117: {  	[sflag:s6] =	ssyncset.done @p0 $0x0  }
0x118: {  	s7 =	simm.s32 @p0 $0xA00;
	[sflag:s6] =	ssyncadd.s32 @p0 $0xFFFFE000  }
0x119: {  	[spmem:s2] =	stream.indirect.scatter.add.f32 @p0 [tilespmem:s0], [sflag:$0x3], $0x20, s7, s1, $0xb8;
	[tilespmem:$0x1E600] =	vst v63  }
0x11a: {  	_ =	swait.ge @p0 [sflag:s19], $0x2000  }
0x11b: {  	[sflag:s19] =	ssyncset.done @p0 $0x0  }
0x11c: {  	s7 =	simm.s32 @!p0 $0x300;
	[sflag:s19] =	ssyncadd.s32 @p0 $0xFFFFE000  }
0x11d: {  	[tilespmem:s23], [sflag:$0x2] =	stream.indirect.gather @!p0 [hbm4b:s5+s8], $0x20, s7, s8, $0xb8;
	[tilespmem:$0x1E600] =	vst v63  }
0x11e: {  	_ =	swait.ge @!p0 [sflag:s21], $0x2000  }
0x11f: {  	[sflag:s21] =	ssyncset.done @!p0 $0x0  }
0x120: {  	s7 =	simm.s32 @!p0 $0xA00;
	[sflag:s21] =	ssyncadd.s32 @!p0 $0xFFFFE000  }
0x121: {  	[spmem:s2] =	stream.indirect.scatter.add.f32 @!p0 [tilespmem:s3], [sflag:$0x3], $0x20, s7, s8, $0xb8;
	[tilespmem:$0x1E600] =	vst v63  }
0x122: {  	_ =	swait.ge @!p0 [sflag:s22], $0x2000  }
0x123: {  	[sflag:s22] =	ssyncset.done @!p0 $0x0  }
0x124: {  	s29 =	rddreg [dreg:$0x8];
	[sflag:s22] =	ssyncadd.s32 @!p0 $0xFFFFE000  }
0x125: {  	[tilespmem:s12], [sflag:$0x1] =	stream.indirect.gather [hbm4b:s10+s11], $0x20, s29, s11, $0xb8;
	[tilespmem:$0x1E600] =	vst v63  }
0x126: {  	_ =	swait.ge [sflag:s13], $0x2000  }
0x127: {  	[sflag:s13] =	ssyncset.done $0x0  }
0x128: {  	s31 =	rddreg [dreg:$0x9];
	[sflag:s13] =	ssyncadd.s32 $0xFFFFE000  }
0x129: {  	[spmem:s2] =	stream.indirect.scatter.add.f32 [tilespmem:s14], [sflag:$0x4], $0x20, s31, s11, $0xb8;
	[tilespmem:$0x1E600] =	vst v63  }
0x12a: {  	_ =	swait.ge [sflag:s15], $0x2000  }
0x12b: {  	[sflag:s15] =	ssyncset.done $0x0  }
0x12c: {  	s7 =	simm.s32 @p0 $0x500;
	[sflag:s15] =	ssyncadd.s32 $0xFFFFE000  }
0x12d: {  	[tilespmem:s20], [sflag:$0x2] =	stream.indirect.gather @p0 [hbm4b:s4+s1], $0x20, s7, s1, $0xb8;
	[tilespmem:$0x1E600] =	vst v63  }
0x12e: {  	_ =	swait.ge @p0 [sflag:s6], $0x2000  }
0x12f: {  	[sflag:s6] =	ssyncset.done @p0 $0x0  }
0x130: {  	[sflag:s6] =	ssyncadd.s32 @p0 $0xFFFFE000;
	s6 =	simm.s32 @p0 $0xC00  }
0x131: {  	[spmem:s2] =	stream.indirect.scatter.add.f32 @p0 [tilespmem:s0], [sflag:$0x3], $0x20, s6, s1, $0xb8;
	[tilespmem:$0x1E600] =	vst v63  }
0x132: {  	_ =	swait.ge @p0 [sflag:s19], $0x2000  }
0x133: {  	[sflag:s19] =	ssyncset.done @p0 $0x0  }
0x134: {  	s0 =	simm.s32 @!p0 $0x500;
	[sflag:s19] =	ssyncadd.s32 @p0 $0xFFFFE000  }
0x135: {  	[tilespmem:s23], [sflag:$0x2] =	stream.indirect.gather @!p0 [hbm4b:s5+s8], $0x20, s0, s8, $0xb8;
	[tilespmem:$0x1E600] =	vst v63  }
0x136: {  	_ =	swait.ge @!p0 [sflag:s21], $0x2000  }
0x137: {  	[sflag:s21] =	ssyncset.done @!p0 $0x0  }
0x138: {  	s0 =	simm.s32 @!p0 $0xC00;
	[sflag:s21] =	ssyncadd.s32 @!p0 $0xFFFFE000  }
0x139: {  	[spmem:s2] =	stream.indirect.scatter.add.f32 @!p0 [tilespmem:s3], [sflag:$0x3], $0x20, s0, s8, $0xb8;
	[tilespmem:$0x1E600] =	vst v63  }
0x13a: {  	_ =	swait.ge @!p0 [sflag:s22], $0x2000  }
0x13b: {  	[sflag:s22] =	ssyncset.done @!p0 $0x0  }
0x13c: {  	s21 =	rddreg [dreg:$0xa];
	[sflag:s22] =	ssyncadd.s32 @!p0 $0xFFFFE000  }
0x13d: {  	[tilespmem:s12], [sflag:$0x1] =	stream.indirect.gather [hbm4b:s10+s11], $0x20, s21, s11, $0xb8;
	[tilespmem:$0x1E600] =	vst v63  }
0x13e: {  	_ =	swait.ge [sflag:s13], $0x2000  }
0x13f: {  	[sflag:s13] =	ssyncset.done $0x0  }
0x140: {  	s23 =	rddreg [dreg:$0xb];
	[sflag:s13] =	ssyncadd.s32 $0xFFFFE000  }
0x141: {  	[spmem:s2] =	stream.indirect.scatter.add.f32 [tilespmem:s14], [sflag:$0x4], $0x20, s23, s11, $0xb8;
	[tilespmem:$0x1E600] =	vst v63  }
0x142: {  	_ =	swait.ge [sflag:s15], $0x2000  }
0x143: {  	[sflag:s15] =	ssyncset.done $0x0  }
0x144: {  	s24 =	rddreg [dreg:$0xc];
	[sflag:s15] =	ssyncadd.s32 $0xFFFFE000  }
0x145: {  	[tilespmem:s14], [sflag:$0x2] =	stream.indirect.gather [hbm4b:s10+s11], $0x20, s24, s11, $0xb8;
	[tilespmem:$0x1E600] =	vst v63  }
0x146: {  	_ =	swait.ge [sflag:s16], $0x2000  }
0x147: {  	[sflag:s16] =	ssyncset.done $0x0  }
0x148: {  	s25 =	rddreg [dreg:$0xd];
	[sflag:s16] =	ssyncadd.s32 $0xFFFFE000  }
0x149: {  	[spmem:s2] =	stream.indirect.scatter.add.f32 [tilespmem:s12], [sflag:$0x3], $0x20, s25, s11, $0xb8;
	[tilespmem:$0x1E600] =	vst v63  }
0x14a: {  	_ =	swait.ge [sflag:s13], $0x2000  }
0x14b: {  	[sflag:s13] =	ssyncset.done $0x0  }
0x14c: {  	s26 =	rddreg [dreg:$0xe];
	[sflag:s13] =	ssyncadd.s32 $0xFFFFE000  }
0x14d: {  	[spmem:s2] =	stream.indirect.scatter.add.f32 [tilespmem:s14], [sflag:$0x4], $0x20, s26, s11, $0xb8;
	[tilespmem:$0x1E600] =	vst v63  }
0x14e: {  	_ =	swait.ge [sflag:s17], $0x2000  }
0x14f: {  	[sflag:s17] =	ssyncset.done $0x0  }
0x150: {  	[sflag:s17] =	ssyncadd.s32 $0xFFFFE000  }
0x151: {  	_ =	swait.ge [sflag:s15], $0x2000  }
0x152: {  	[sflag:s15] =	ssyncset.done $0x0  }
0x153: {  	[sflag:s15] =	ssyncadd.s32 $0xFFFFE000  }
0x154: {  	s28 =	stileid.u32;
	[bflag:$0x0] =	sbarrier.arrive $0xFFFF  }
0x155: {  	s0 =	sshll.u32 s28, $0x6;
	s19 =	rddreg [dreg:$0x10]  }
0x156: {  	s29 =	sadd.s32 $0x0, s18;
	s0 =	sor.u32 $0x1C05, s0;
	s31 =	sshrl.u32 s19, $0x3  }
0x157: {  	[hbm:s29], [sflag:s0] =	dma.local [spmem:s31], $0x1C0  }
0x158: {  	s1 =	simm.s32 $0x1C0;
	s3 =	sadd.s32 $0xE00, s19;
	_ =	swait.ge [sflag:s9], $0x1C0  }
.LBB2_8:
0x159: {  	s6 =	sadd.s32 s1, s18;
	[sflag:s9] =	ssyncset.done $0x0;
	p1 =	sne.s32 s1, $0x2F40  }
.Ltmp3:
0x15a: {  	s7 =	sshrl.u32 s3, $0x3;
	[sflag:s9] =	ssyncadd.s32 $0xFFFFFE40;
	(pc) =	sbr.rel @p1 .LBB2_8-.Ltmp3, $3  }
0x15b: {  	[hbm:s6], [sflag:s0] =	dma.local [spmem:s7], $0x1C0  }
0x15c: {  	s1 =	sadd.s32 $0x1C0, s1;
	_ =	sdelay $0x1  }
0x15d: {  	s3 =	sadd.s32 $0xE00, s3;
	_ =	swait.ge [sflag:s9], $0x1C0  }
0x15e: {  	s1 =	rddreg [dreg:$0x11]  }
0x15f: {  	s0 =	rddreg [dreg:$0xf];
	s1 =	sadd.s32 $0x1, s1  }
0x160: {  	p1 =	sne.s32 s1, s0  }
.Ltmp4:
0x161: {  	_ = 	snop;
	(pc) =	sbr.rel @p1 .LBB2_1-.Ltmp4, $3  }
0x162: {  	_ =	sdelay $0x1  }
0x163: {  	[sflag:s9] =	ssyncset.done $0x0  }
0x164: {  	s6 =	simm.s32 $0x5000;
	[sflag:s9] =	ssyncadd.s32 $0xFFFFFE40  }
0x165: {  	_ =	sfence.sel $0x180000  }
0x166: {  	[bflag:$0x0] =	sbarrier.arrive $0xFFFF  }
0x167: {  	_ =	strace $0x9000004D  }
0x168: {  	s0 =	stileid.u32;
	[bflag:$0x2] =	sbarrier.arrive $0xFFFF  }
0x169: {  	p0 =	sne.s32 s0, $0x0;
	s0 =	rddreg [dreg:$0x2]  }
0x16a: {  	s0 =	sadd.s32 @!p0 $0x100000, s0  }
0x16b: {  	[sflag:s0] =	ssyncadd.tile.s32 @!p0 $0x1;
	_ =	shalt  }
.Lfunc_end2:
_tile_overlayer_lowered:
.L_overlay_start_2:
0x16c: {  	(tag) =	ssettag $0x2  }
0x16d: {  	s0 =	rddreg [dreg:$0x0];
	s2 =	stileid.u32  }
0x16e: {  	s1 =	rddreg [dreg:$0x1];
	p0 =	sne.s32 s2, $0x0  }
0x16f: {  	s3 =	rddreg [dreg:$0x2];
	[bflag:$0x3] =	sbarrier.arrive $0xFFFF;
	s2 =	simm.s32 @!p0 $0x1C05  }
0x170: {  	[timem:s3], [sflag:s2] =	dma.local @!p0 [hbm:s0], s1  }
0x171: {  	s0 =	simm.s32 @!p0 $0x5  }
0x172: {  	_ =	swait.ge @!p0 [sflag:s0], s1  }
0x173: {  	s1 =	ssub.s32 @!p0 $0x0, s1;
	[sflag:s0] =	ssyncset.done @!p0 $0x0  }
0x174: {  	[sflag:s0] =	ssyncadd.s32 @!p0 s1  }
0x175: {  	[bflag:$0x3] =	sbarrier.arrive $0xFFFF  }
0x176: {  	_ =	shalt  }

// kernel: kernel.15.cloned.1.call-start
scs
__scs_entry_jumppad:
0x0: {  	(pc) =	sbr.rel $0x88, $3  }
0x1: {  	(tag) =	ssettag $0x0;
	lr =	simm.s32 $0x1  }
0x2: {  	[smem:$0x3F93] =	sst lr;
	_ =	strace $0xD0000000  }
0x3: {  	_ = 	snop  }
0x4: {  	_ = 	snop  }
0x5: {  	_ = 	snop  }
0x6: {  	_ = 	snop  }
0x7: {  	_ = 	snop  }
__scs_overlays_trampoline_lowered:
0x8: {  	[smem:$0x3FA2] =	sst s0  }
0x9: {  	[smem:$0x3FA3] =	sst s1  }
0xa: {  	[smem:$0x3FA4] =	sst s2  }
0xb: {  	[smem:$0x3FA5] =	sst s3  }
0xc: {  	[smem:$0x3FA6] =	sst s4  }
0xd: {  	[smem:$0x3FA7] =	sst s5  }
0xe: {  	[smem:$0x3FA8] =	sst s6  }
0xf: {  	[smem:$0x3FA9] =	sst s7  }
0x10: {  	[smem:$0x3FAA] =	sst s8  }
0x11: {  	[smem:$0x3FAB] =	sst s9;
	s0 =	simm.s32 @!p0 $0x0  }
0x12: {  	s1 =	sld [smem:$0x3F91];
	s0 =	simm.s32 @p0 $0x1  }
0x13: {  	[smem:$0x3FAC] =	sst s0;
	s0 =	simm.s32 @!p1 $0x0  }
0x14: {  	s2 =	sld [smem:$0x3F90];
	s0 =	simm.s32 @p1 $0x1  }
0x15: {  	[smem:$0x3FAD] =	sst s0;
	s0 =	simm.s32 @!p2 $0x0  }
0x16: {  	s3 =	sld [smem:$0x3FDB];
	s0 =	simm.s32 @p2 $0x1  }
0x17: {  	s4 =	simm.s32 $0x1BF5;
	[smem:$0x3FAF] =	sst s0  }
0x18: {  	s0 =	sld [smem:$0x3F92];
	_ =	swait.ge [sflag:s4], $0x0  }
0x19: {  	s7 =	sld [smem:$0x3F93]  }
0x1a: {  	s8 =	sadd.s32 $0xFFFFE003, lr  }
0x1b: {  	s9 =	sadd.s32 $0xFFFFFEF7, lr;
	s5 =	simm.s32 $0xFFFFFFFF;
	p2 =	slt.u32 s8, $0xFFFFF086  }
0x1c: {  	p1 =	slt.u32 s9, $0xF7A;
	s5 =	simm.s32 @!p2 $0x0  }
0x1d: {  	s5 =	simm.s32 @p1 $0x1;
	p0 =	seq.s32 s7, s2  }
0x1e: {  	s7 =	smul.u32 @!p0 $0xF7A, s2;
	p2 =	seq.s32 @!p0 s5, $0x0  }
0x1f: {  	s9 =	smul.u32 $0xF7A, s1;
	s8 =	simm.s32 @!p0 $0x1BF5;
	p2 =	por !p2, p0  }
0x20: {  	[sflag:s8] =	ssyncset.s32 @!p0 $0xFFFFF086;
	s6 =	sadd.s32 @!p0 s3, s7;
	s7 =	simm.s32 @!p0 $0x108  }
0x21: {  	s3 =	sadd.s32 s3, s9;
	s6 =	sadd.s32 @!p0 $0x88, s6;
	s7 =	simm.s32 @p2 $0x1082  }
0x22: {  	[simem:s7], [sflag:s8] =	dma.local @!p0 [hbm:s6], $0xF7A  }
0x23: {  	s9 =	sor.u32 $0xD0000000, s2;
	s6 =	simm.s32 $0x108;
	_ =	swait.ge @!p0 [sflag:s8], $0x0  }
0x24: {  	s3 =	sadd.s32 $0x88, s3;
	s6 =	simm.s32 @!p1 $0x1082;
	[sflag:s4] =	ssyncset.s32 $0xFFFFF086  }
0x25: {  	[simem:s6], [sflag:s4] =	dma.local [hbm:s3], $0xF7A  }
0x26: {  	[smem:$0x3F93] =	sst s1;
	(tag) =	ssettag s2;
	_ =	strace s9  }
0x27: {  	s1 =	sld [smem:$0x3FA3]  }
0x28: {  	s2 =	sld [smem:$0x3FA4]  }
0x29: {  	s4 =	sld [smem:$0x3FA6]  }
0x2a: {  	p0 =	seq.s32 s5, $0x0;
	s5 =	sld [smem:$0x3FA7]  }
0x2b: {  	s6 =	sld [smem:$0x3FA8]  }
0x2c: {  	s7 =	sld [smem:$0x3FA9]  }
0x2d: {  	s3 =	simm.s32 $0x108;
	s8 =	sld [smem:$0x3FAA]  }
0x2e: {  	s3 =	simm.s32 @!p0 $0x1082;
	s9 =	sld [smem:$0x3FAB]  }
0x2f: {  	lr =	sadd.s32 s0, s3;
	s0 =	sld [smem:$0x3FA2]  }
0x30: {  	s3 =	sld [smem:$0x3FA5]  }
0x31: {  	[smem:$0x3FAE] =	sst s10  }
0x32: {  	s10 =	sld [smem:$0x3FAC];
	_ =	sdelay $0x3  }
0x33: {  	p0 =	seq.s32 s10, $0x1;
	s10 =	sld [smem:$0x3FAE];
	_ =	sdelay $0x3  }
0x34: {  	[smem:$0x3FAE] =	sst s10  }
0x35: {  	s10 =	sld [smem:$0x3FAD];
	_ =	sdelay $0x3  }
0x36: {  	p1 =	seq.s32 s10, $0x1;
	s10 =	sld [smem:$0x3FAE];
	_ =	sdelay $0x3  }
0x37: {  	[smem:$0x3FAE] =	sst s10  }
0x38: {  	s10 =	sld [smem:$0x3FAF]  }
0x39: {  	_ = 	snop;
	(pc) =	sbr.ind lr, $3  }
0x3a: {  	_ = 	snop  }
0x3b: {  	_ = 	snop  }
0x3c: {  	p2 =	seq.s32 s10, $0x1;
	s10 =	sld [smem:$0x3FAE]  }
0x3d: {  	_ =	shalt  }
0x3e: {  	_ =	shalt  }
0x3f: {  	_ =	shalt  }
0x40: {  	_ =	shalt  }
0x41: {  	_ =	shalt  }
0x42: {  	_ =	shalt  }
0x43: {  	_ =	shalt  }
0x44: {  	_ =	shalt  }
0x45: {  	_ =	shalt  }
0x46: {  	_ =	shalt  }
0x47: {  	_ =	shalt  }
0x48: {  	_ =	shalt  }
0x49: {  	_ =	shalt  }
0x4a: {  	_ =	shalt  }
0x4b: {  	_ =	shalt  }
0x4c: {  	_ =	shalt  }
0x4d: {  	_ =	shalt  }
0x4e: {  	_ =	shalt  }
0x4f: {  	_ =	shalt  }
0x50: {  	_ =	shalt  }
0x51: {  	_ =	shalt  }
0x52: {  	_ =	shalt  }
0x53: {  	_ =	shalt  }
0x54: {  	_ =	shalt  }
0x55: {  	_ =	shalt  }
0x56: {  	_ =	shalt  }
0x57: {  	_ =	shalt  }
0x58: {  	_ =	shalt  }
0x59: {  	_ =	shalt  }
0x5a: {  	_ =	shalt  }
0x5b: {  	_ =	shalt  }
0x5c: {  	_ =	shalt  }
0x5d: {  	_ =	shalt  }
0x5e: {  	_ =	shalt  }
0x5f: {  	_ =	shalt  }
0x60: {  	_ =	shalt  }
0x61: {  	_ =	shalt  }
0x62: {  	_ =	shalt  }
0x63: {  	_ =	shalt  }
0x64: {  	_ =	shalt  }
0x65: {  	_ =	shalt  }
0x66: {  	_ =	shalt  }
0x67: {  	_ =	shalt  }
0x68: {  	_ =	shalt  }
0x69: {  	_ =	shalt  }
0x6a: {  	_ =	shalt  }
0x6b: {  	_ =	shalt  }
0x6c: {  	_ =	shalt  }
0x6d: {  	_ =	shalt  }
0x6e: {  	_ =	shalt  }
0x6f: {  	_ =	shalt  }
0x70: {  	_ =	shalt  }
0x71: {  	_ =	shalt  }
0x72: {  	_ =	shalt  }
0x73: {  	_ =	shalt  }
0x74: {  	_ =	shalt  }
0x75: {  	_ =	shalt  }
0x76: {  	_ =	shalt  }
0x77: {  	_ =	shalt  }
0x78: {  	_ =	shalt  }
0x79: {  	_ =	shalt  }
0x7a: {  	_ =	shalt  }
0x7b: {  	_ =	shalt  }
0x7c: {  	_ =	shalt  }
0x7d: {  	_ =	shalt  }
0x7e: {  	_ =	shalt  }
0x7f: {  	_ =	shalt  }
0x80: {  	_ =	shalt  }
0x81: {  	_ =	shalt  }
0x82: {  	_ =	shalt  }
0x83: {  	_ =	shalt  }
0x84: {  	_ =	shalt  }
0x85: {  	_ =	shalt  }
0x86: {  	_ =	shalt  }
0x87: {  	_ =	shalt  }
.Lfunc_end0:
.L_simem_size_0:
called_computation.2_lowered:
.L_overlay_start_0:
0x88: {  	s2 =	sld [smem:$0x3FD9]  }
0x89: {  	s3 =	sld [smem:$0x3FFE];
	_ =	sdelay $0x1  }
0x8a: {  	s1 =	srdreg.scid  }
0x8b: {  	s0 =	sand.u32 $0x1, s1  }
0x8c: {  	s16 =	sshll.u32 s0, $0xA;
	s2 =	sadd.s32 s3, s2  }
0x8d: {  	s2 =	sadd.s32 s2, s16  }
0x8e: {  	[smem:$0x3FBA] =	sst s2  }
0x8f: {  	_ = 	snop  }
0x90: {  	(tm) =	ssettm $0x1  }
0x91: {  	s17 =	sld [smem:$0x3FFB];
	_ =	sdelay $0x3  }
0x92: {  	_ =	strace s17  }
0x93: {  	s2 =	sld [smem:$0x3FFC];
	_ =	sdelay $0x3  }
0x94: {  	_ =	strace s2  }
0x95: {  	s2 =	sld [smem:$0x3FFD];
	_ =	sdelay $0x3  }
0x96: {  	_ =	strace s2  }
0x97: {  	_ =	strace $0x8FFFFFFF  }
0x98: {  	s18 =	sld [smem:$0x3FDB];
	_ =	sdelay $0x1  }
0x99: {  	s19 =	simm.s32 $_scs_section_size  }
0x9a: {  	s4 =	simm.s32 $_size__tile_overlayer_lowered;
	s5 =	simm.s32 $_tile_overlayer_lowered  }
0x9b: {  	s22 =	simm.s32 $0x1BFF;
	s21 =	sshll.u32 s5, $0x1;
	s2 =	sadd.s32 s19, s18  }
0x9c: {  	s6 =	simm.s32 $0x0;
	s20 =	sshll.u32 s4, $0x1;
	s4 =	sadd.s32 s21, s2  }
0x9d: {  	[timem:s6], [sflag:s22] =	dma.local [hbm:s4], s20  }
0x9e: {  	_ =	swait.ge [sflag:s22], s20  }
0x9f: {  	s3 =	ssub.s32 $0x0, s20;
	[sflag:s22] =	ssyncset.done $0x0  }
0xa0: {  	[sflag:s22] =	ssyncadd.s32 s3;
	_ =	sdelay $0x1  }
0xa1: {  	s23 =	simm.s32 $0x1B8B  }
0xa2: {  	_ =	swait.ge [sflag:s23], $0x1  }
0xa3: {  	[sflag:s23] =	ssyncset.done $0x0  }
0xa4: {  	s25 =	simm.s32 $0x1B8E;
	s24 =	sld [smem:$0x3FFE];
	[sflag:s23] =	ssyncadd.s32 $0xFFFFFFFF  }
0xa5: {  	s26 =	simm.s32 $execute0_lowered;
	[smem:$0x3FD2] =	sst s25  }
0xa6: {  	s4 =	sshll.u32 s26, $0x1;
	_ =	strace $0x80000049;
	[dreg:$0x1] =	wrdreg $0xFFFFFFFF  }
0xa7: {  	s28 =	simm.s32 $_size_execute0_lowered;
	s2 =	sadd.s32 s2, s4;
	[dreg:$0x0] =	wrdreg $0x0  }
0xa8: {  	s4 =	sshll.u32 s28, $0x1;
	[dreg:$0x2] =	wrdreg s2  }
0xa9: {  	[dreg:$0x3] =	wrdreg s4  }
0xaa: {  	[dreg:$0x4] =	wrdreg $0xC0  }
0xab: {  	_ =	task [dreg:s6], $0x5FFFF  }
0xac: {  	[dreg:$0x1] =	wrdreg $0xFFFFFFFF  }
0xad: {  	[dreg:$0x0] =	wrdreg $0x60  }
0xae: {  	[dreg:$0x2] =	wrdreg s24  }
0xaf: {  	[dreg:$0x3] =	wrdreg $0x4F000  }
0xb0: {  	[dreg:$0x4] =	wrdreg $0xA  }
0xb1: {  	_ =	task.clear_ibuf [dreg:s6], $0x5FFFF;
	_ =	strace $0x90000049  }
0xb2: {  	s29 =	simm.s32 $0xA;
	_ =	strace $0x8000004B  }
0xb3: {  	_ =	swait.ge [sflag:s29], $0x1  }
0xb4: {  	[sflag:s29] =	ssyncadd.s32 $0xFFFFFFFF  }
0xb5: {  	_ =	strace $0x9000004B  }
0xb6: {  	_ =	sfence  }
0xb7: {  	s30 =	sld [smem:$0x0];
	_ =	sdelay $0x2  }
0xb8: {  	s31 =	sshll.u32 s1, $0xD;
	s1 =	sshrl.u32 s1, $0x2  }
0xb9: {  	s3 =	sand.u32 $0x4000, s31;
	s1 =	sadd.s32 s1, s30  }
0xba: {  	s0 =	sor.u32 s3, s0;
	s1 =	sshll.u32 s1, $0x11  }
0xbb: {  	s0 =	sor.u32 s1, s0  }
0xbc: {  	s0 =	sadd.s32 $0x8F2B, s0  }
0xbd: {  	[sflag:s0] =	ssyncadd.remote.s32 $0x1  }
0xbe: {  	_ =	sfence.sel $0xFFFF  }
0xbf: {  	[dreg:$0x0] =	wrdreg $0xFFFFFFFF;
	(pc) =	sbr.abs _section_cstart, $3  }
0xc0: {  	[dreg:$0x1] =	wrdreg $0xFFFFFFFF  }
0xc1: {  	_ =	task.clear_ibuf [dreg:s6], $0x2FFFF;
	_ =	strace $0x9FFFFFFF  }
0xc2: {  	(tm) =	ssettm $0x7FFFFFFF  }
0xc3: {  	_ =	shalt  }
tec
execute0_lowered:
.L_overlay_start_1:
0x0: {  	(tag) =	ssettag $0x1  }
0x1: {  	s5 =	rddreg [dreg:$0x0]  }
0x2: {  	s1 =	rddreg [dreg:$0x1]  }
0x3: {  	s3 =	srdreg.scid;
	s0 =	rddreg [dreg:$0x2]  }
0x4: {  	s2 =	simm.s32 $0x0;
	s12 =	simm.s32 $0x200;
	s13 =	simm.s32 $0x800  }
0x5: {  	s14 =	simm.s32 $0x2800;
	s15 =	simm.s32 $0x1;
	s4 =	sand.u32 $0x1, s3  }
0x6: {  	s16 =	simm.s32 $0x2;
	s17 =	simm.s32 $0x600;
	s6 =	smul.u32 $0xC800, s4  }
0x7: {  	s18 =	simm.s32 $0x3;
	s3 =	stileid.u32;
	s7 =	smul.u32 $0x18800, s4  }
0x8: {  	s19 =	simm.s32 $0x4;
	[smem:$0x7FF] =	sst s2;
	s9 =	smul.u32 $0x31000, s3  }
0x9: {  	_ =	strace $0x8000004A;
	s8 =	ssub.s32 $0x2, s4;
	s11 =	smul.u32 $0xC80, s3  }
0xa: {  	s4 =	sadd.s32 $0x280E00, s5;
	s21 =	smul.u32 $0x1880, s3;
	s10 =	sshrl.u32 s8, $0x1  }
0xb: {  	s6 =	sadd.s32 s6, s5;
	s5 =	sadd.s32 s7, s5;
	s29 =	ssub.s32 s8, s10  }
0xc: {  	s30 =	sshrl.u32 s9, $0x2;
	s9 =	simm.s32 $0x4800;
	s10 =	simm.s32 $0x5  }
0xd: {  	s20 =	sadd.s32 $0x299600, s5;
	s31 =	sadd.s32 s11, s6;
	s5 =	smax.u32 s29, $0x1  }
0xe: {  	s6 =	sadd.s32 s30, s1;
	s11 =	simm.s32 $0x400;
	s7 =	sadd.s32 $0x1BC00, s31  }
0xf: {  	v0 =	vimm.f32 $0.0e+00;
	s8 =	sadd.s32 $0x2C00, s31;
	s20 =	sadd.s32 s20, s21;
	s21 =	simm.s32 $0x0  }
.LBB2_1:
0x10: {  	s22 =	simm.s32 $0x0  }
.LBB2_2:
0x11: {  	p0 =	sne.s32 s22, $0x1BC0  }
.Ltmp0:
0x12: {  	_ = 	snop;
	(pc) =	sbr.rel @p0 .LBB2_2-.Ltmp0, $3  }
0x13: {  	_ =	sdelay $0x1  }
0x14: {  	s23 =	sshra.s32 s22, $0x2  }
0x15: {  	s22 =	sadd.s32 $0x40, s22;
	[tilespmem:s23+$0x4800] =	vst v0  }
0x16: {  	s22 =	sadd.s32 $0x0, s6  }
0x17: {  	[spmem:s22] =	stream.linear.scatter [tilespmem:s9], [sflag:$0x5], $0x700, $0x38;
	[tilespmem:$0x11300] =	vst v63  }
0x18: {  	s22 =	simm.s32 $0x1C00;
	_ =	swait.ge [sflag:s10], $0x700  }
.LBB2_4:
0x19: {  	s23 =	sshra.s32 s22, $0x2;
	[sflag:s10] =	ssyncset.done $0x0;
	p0 =	sne.s32 s22, $0x2F400  }
.Ltmp1:
0x1a: {  	s23 =	sadd.s32 s23, s6;
	[sflag:s10] =	ssyncadd.s32 $0xFFFFF900;
	(pc) =	sbr.rel @p0 .LBB2_4-.Ltmp1, $3  }
0x1b: {  	[spmem:s23] =	stream.linear.scatter [tilespmem:s9], [sflag:$0x5], $0x700, $0x38;
	[tilespmem:$0x11300] =	vst v63  }
0x1c: {  	s22 =	sadd.s32 $0x1C00, s22;
	_ =	sdelay $0x1  }
0x1d: {  	_ =	swait.ge [sflag:s10], $0x700  }
0x1e: {  	[sflag:s10] =	ssyncset.done $0x0  }
0x1f: {  	[sflag:s10] =	ssyncadd.s32 $0xFFFFF900  }
0x20: {  	s22 =	sadd.s32 $0x0, s8;
	[bflag:$0x0] =	sbarrier.arrive $0xFFFF  }
0x21: {  	[tilespmem:s2], [sflag:$0x5] =	stream.linear.gather [hbm4b:s22+s2], $0x400, $0x38;
	[tilespmem:$0x11300] =	vst v63  }
0x22: {  	_ =	swait.ge [sflag:s10], $0x400  }
0x23: {  	[sflag:s10] =	ssyncset.done $0x0  }
0x24: {  	s31 =	sadd.s32 $0x0, s7;
	[sflag:s10] =	ssyncadd.s32 $0xFFFFFC00  }
0x25: {  	[tilespmem:s11], [sflag:$0x5] =	stream.linear.gather [hbm4b:s31+s2], $0x400, $0x38;
	[tilespmem:$0x11300] =	vst v63  }
0x26: {  	_ =	swait.ge [sflag:s10], $0x400  }
0x27: {  	[sflag:s10] =	ssyncset.done $0x0  }
0x28: {  	[sflag:s10] =	ssyncadd.s32 $0xFFFFFC00  }
0x29: {  	[tilespmem:s13], [sflag:$0x1] =	stream.indirect.gather [hbm4b:s4+s12], $0x10, s2, s12, $0xb8;
	[tilespmem:$0x11300] =	vst v63  }
0x2a: {  	_ = 	snop  }
0x2b: {  	[tilespmem:s14], [sflag:$0x2] =	stream.indirect.gather [hbm4b:s4+s12], $0x10, s12, s12, $0xb8;
	[tilespmem:$0x11300] =	vst v63  }
0x2c: {  	_ =	swait.ge [sflag:s15], $0x2000  }
0x2d: {  	[sflag:s15] =	ssyncset.done $0x0  }
0x2e: {  	[sflag:s15] =	ssyncadd.s32 $0xFFFFE000  }
0x2f: {  	[spmem:s1] =	stream.indirect.scatter.add.f32 [tilespmem:s13], [sflag:$0x3], $0x10, s11, s12, $0xb8;
	[tilespmem:$0x11300] =	vst v63  }
0x30: {  	_ =	swait.ge [sflag:s16], $0x2000  }
0x31: {  	[sflag:s16] =	ssyncset.done $0x0  }
0x32: {  	[sflag:s16] =	ssyncadd.s32 $0xFFFFE000  }
0x33: {  	[spmem:s1] =	stream.indirect.scatter.add.f32 [tilespmem:s14], [sflag:$0x4], $0x10, s17, s12, $0xb8;
	[tilespmem:$0x11300] =	vst v63  }
0x34: {  	_ =	swait.ge [sflag:s18], $0x2000  }
0x35: {  	[sflag:s18] =	ssyncset.done $0x0  }
0x36: {  	[sflag:s18] =	ssyncadd.s32 $0xFFFFE000  }
0x37: {  	_ =	swait.ge [sflag:s19], $0x2000  }
0x38: {  	s23 =	simm.s32 $0x100;
	s22 =	simm.s32 $0x80;
	[sflag:s19] =	ssyncset.done $0x0  }
.LBB2_6:
0x39: {  	s24 =	sadd.s32 s22, s8  }
0x3a: {  	[sflag:s19] =	ssyncadd.s32 $0xFFFFE000;
	s25 =	smov.u32 s23;
	s26 =	sadd.s32 $0x80, s23  }
0x3b: {  	[tilespmem:s2], [sflag:$0x5] =	stream.linear.gather [hbm4b:s24+s2], $0x400, $0x38;
	[tilespmem:$0x11300] =	vst v63  }
0x3c: {  	p0 =	sne.s32 s23, $0xC00;
	_ =	swait.ge [sflag:s10], $0x400  }
0x3d: {  	[sflag:s10] =	ssyncset.done $0x0  }
0x3e: {  	s23 =	sadd.s32 s22, s7;
	s22 =	smov.u32 s25;
	[sflag:s10] =	ssyncadd.s32 $0xFFFFFC00  }
0x3f: {  	[tilespmem:s11], [sflag:$0x5] =	stream.linear.gather [hbm4b:s23+s2], $0x400, $0x38;
	[tilespmem:$0x11300] =	vst v63  }
0x40: {  	_ =	swait.ge [sflag:s10], $0x400  }
0x41: {  	[sflag:s10] =	ssyncset.done $0x0  }
0x42: {  	[sflag:s10] =	ssyncadd.s32 $0xFFFFFC00  }
0x43: {  	[tilespmem:s13], [sflag:$0x1] =	stream.indirect.gather [hbm4b:s4+s12], $0x10, s2, s12, $0xb8;
	[tilespmem:$0x11300] =	vst v63  }
0x44: {  	_ = 	snop  }
0x45: {  	[tilespmem:s14], [sflag:$0x2] =	stream.indirect.gather [hbm4b:s4+s12], $0x10, s12, s12, $0xb8;
	[tilespmem:$0x11300] =	vst v63  }
0x46: {  	_ =	swait.ge [sflag:s15], $0x2000  }
0x47: {  	[sflag:s15] =	ssyncset.done $0x0  }
0x48: {  	[sflag:s15] =	ssyncadd.s32 $0xFFFFE000  }
0x49: {  	[spmem:s1] =	stream.indirect.scatter.add.f32 [tilespmem:s13], [sflag:$0x3], $0x10, s11, s12, $0xb8;
	[tilespmem:$0x11300] =	vst v63  }
0x4a: {  	_ =	swait.ge [sflag:s16], $0x2000  }
0x4b: {  	[sflag:s16] =	ssyncset.done $0x0  }
0x4c: {  	[sflag:s16] =	ssyncadd.s32 $0xFFFFE000  }
0x4d: {  	[spmem:s1] =	stream.indirect.scatter.add.f32 [tilespmem:s14], [sflag:$0x4], $0x10, s17, s12, $0xb8;
	[tilespmem:$0x11300] =	vst v63  }
.Ltmp2:
0x4e: {  	_ =	swait.ge [sflag:s18], $0x2000;
	(pc) =	sbr.rel @p0 .LBB2_6-.Ltmp2, $4  }
0x4f: {  	[sflag:s18] =	ssyncset.done $0x0  }
0x50: {  	[sflag:s18] =	ssyncadd.s32 $0xFFFFE000  }
0x51: {  	_ =	swait.ge [sflag:s19], $0x2000  }
0x52: {  	s23 =	smov.u32 s26;
	[sflag:s19] =	ssyncset.done $0x0  }
0x53: {  	s23 =	sadd.s32 s22, s8;
	[sflag:s19] =	ssyncadd.s32 $0xFFFFE000  }
0x54: {  	[tilespmem:s2], [sflag:$0x5] =	stream.linear.gather [hbm4b:s23+s2], $0x400, $0x38;
	[tilespmem:$0x11300] =	vst v63  }
0x55: {  	_ =	swait.ge [sflag:s10], $0x400  }
0x56: {  	[sflag:s10] =	ssyncset.done $0x0  }
0x57: {  	s29 =	sadd.s32 s22, s7;
	[sflag:s10] =	ssyncadd.s32 $0xFFFFFC00  }
0x58: {  	[tilespmem:s11], [sflag:$0x5] =	stream.linear.gather [hbm4b:s29+s2], $0x400, $0x38;
	[tilespmem:$0x11300] =	vst v63  }
0x59: {  	_ =	swait.ge [sflag:s10], $0x400  }
0x5a: {  	[sflag:s10] =	ssyncset.done $0x0  }
0x5b: {  	[sflag:s10] =	ssyncadd.s32 $0xFFFFFC00  }
0x5c: {  	[tilespmem:s13], [sflag:$0x1] =	stream.indirect.gather [hbm4b:s4+s12], $0x10, s2, s12, $0xb8;
	[tilespmem:$0x11300] =	vst v63  }
0x5d: {  	_ = 	snop  }
0x5e: {  	[tilespmem:s14], [sflag:$0x2] =	stream.indirect.gather [hbm4b:s4+s12], $0x10, s12, s12, $0xb8;
	[tilespmem:$0x11300] =	vst v63  }
0x5f: {  	_ =	swait.ge [sflag:s15], $0x2000  }
0x60: {  	[sflag:s15] =	ssyncset.done $0x0  }
0x61: {  	[sflag:s15] =	ssyncadd.s32 $0xFFFFE000  }
0x62: {  	[spmem:s1] =	stream.indirect.scatter.add.f32 [tilespmem:s13], [sflag:$0x3], $0x10, s11, s12, $0xb8;
	[tilespmem:$0x11300] =	vst v63  }
0x63: {  	_ =	swait.ge [sflag:s16], $0x2000  }
0x64: {  	[sflag:s16] =	ssyncset.done $0x0  }
0x65: {  	[sflag:s16] =	ssyncadd.s32 $0xFFFFE000  }
0x66: {  	[spmem:s1] =	stream.indirect.scatter.add.f32 [tilespmem:s14], [sflag:$0x4], $0x10, s17, s12, $0xb8;
	[tilespmem:$0x11300] =	vst v63  }
0x67: {  	_ =	swait.ge [sflag:s18], $0x2000  }
0x68: {  	[sflag:s18] =	ssyncset.done $0x0  }
0x69: {  	[sflag:s18] =	ssyncadd.s32 $0xFFFFE000  }
0x6a: {  	_ =	swait.ge [sflag:s19], $0x2000  }
0x6b: {  	[sflag:s19] =	ssyncset.done $0x0  }
0x6c: {  	s30 =	sshll.u32 s3, $0x6;
	s31 =	sadd.s32 $0x0, s20;
	[sflag:s19] =	ssyncadd.s32 $0xFFFFE000  }
0x6d: {  	s24 =	sshrl.u32 s6, $0x3;
	s22 =	sor.u32 $0x1C05, s30;
	[bflag:$0x0] =	sbarrier.arrive $0xFFFF  }
0x6e: {  	[hbm:s31], [sflag:s22] =	dma.local [spmem:s24], $0xE0  }
0x6f: {  	s23 =	simm.s32 $0xE0;
	s24 =	sadd.s32 $0x700, s6;
	_ =	swait.ge [sflag:s10], $0xE0  }
.LBB2_8:
0x70: {  	s25 =	sadd.s32 s23, s20;
	[sflag:s10] =	ssyncset.done $0x0;
	p0 =	sne.s32 s23, $0x17A0  }
.Ltmp3:
0x71: {  	s26 =	sshrl.u32 s24, $0x3;
	[sflag:s10] =	ssyncadd.s32 $0xFFFFFF20;
	(pc) =	sbr.rel @p0 .LBB2_8-.Ltmp3, $3  }
0x72: {  	[hbm:s25], [sflag:s22] =	dma.local [spmem:s26], $0xE0  }
0x73: {  	s23 =	sadd.s32 $0xE0, s23;
	_ =	sdelay $0x1  }
0x74: {  	s24 =	sadd.s32 $0x700, s24;
	_ =	swait.ge [sflag:s10], $0xE0  }
0x75: {  	s21 =	sadd.s32 $0x1, s21  }
0x76: {  	p0 =	sne.s32 s21, s5  }
.Ltmp4:
0x77: {  	_ = 	snop;
	(pc) =	sbr.rel @p0 .LBB2_1-.Ltmp4, $3  }
0x78: {  	_ =	sdelay $0x1  }
0x79: {  	[sflag:s10] =	ssyncset.done $0x0  }
0x7a: {  	[sflag:s10] =	ssyncadd.s32 $0xFFFFFF20  }
0x7b: {  	_ =	sfence.sel $0x180000  }
0x7c: {  	[bflag:$0x0] =	sbarrier.arrive $0xFFFF  }
0x7d: {  	p0 =	sne.s32 s3, $0x0;
	_ =	strace $0x9000004A  }
0x7e: {  	s0 =	sadd.s32 @!p0 $0x100000, s0;
	[bflag:$0x2] =	sbarrier.arrive $0xFFFF  }
0x7f: {  	[sflag:s0] =	ssyncadd.tile.s32 @!p0 $0x1;
	_ =	shalt  }
.Lfunc_end2:
_tile_overlayer_lowered:
.L_overlay_start_2:
0x80: {  	(tag) =	ssettag $0x2  }
0x81: {  	s0 =	rddreg [dreg:$0x0];
	s2 =	stileid.u32  }
0x82: {  	s1 =	rddreg [dreg:$0x1];
	p0 =	sne.s32 s2, $0x0  }
0x83: {  	s3 =	rddreg [dreg:$0x2];
	[bflag:$0x3] =	sbarrier.arrive $0xFFFF;
	s2 =	simm.s32 @!p0 $0x1C05  }
0x84: {  	[timem:s3], [sflag:s2] =	dma.local @!p0 [hbm:s0], s1  }
0x85: {  	s0 =	simm.s32 @!p0 $0x5  }
0x86: {  	_ =	swait.ge @!p0 [sflag:s0], s1  }
0x87: {  	s1 =	ssub.s32 @!p0 $0x0, s1;
	[sflag:s0] =	ssyncset.done @!p0 $0x0  }
0x88: {  	[sflag:s0] =	ssyncadd.s32 @!p0 s1  }
0x89: {  	[bflag:$0x3] =	sbarrier.arrive $0xFFFF  }
0x8a: {  	_ =	shalt  }

// kernel: kernel.9.cloned.1.call-start
scs
__scs_entry_jumppad:
0x0: {  	(pc) =	sbr.rel $0x88, $3  }
0x1: {  	(tag) =	ssettag $0x0;
	lr =	simm.s32 $0x1  }
0x2: {  	[smem:$0x3F93] =	sst lr;
	_ =	strace $0xD0000000  }
0x3: {  	_ = 	snop  }
0x4: {  	_ = 	snop  }
0x5: {  	_ = 	snop  }
0x6: {  	_ = 	snop  }
0x7: {  	_ = 	snop  }
__scs_overlays_trampoline_lowered:
0x8: {  	[smem:$0x3FA2] =	sst s0  }
0x9: {  	[smem:$0x3FA3] =	sst s1  }
0xa: {  	[smem:$0x3FA4] =	sst s2  }
0xb: {  	[smem:$0x3FA5] =	sst s3  }
0xc: {  	[smem:$0x3FA6] =	sst s4  }
0xd: {  	[smem:$0x3FA7] =	sst s5  }
0xe: {  	[smem:$0x3FA8] =	sst s6  }
0xf: {  	[smem:$0x3FA9] =	sst s7  }
0x10: {  	[smem:$0x3FAA] =	sst s8  }
0x11: {  	[smem:$0x3FAB] =	sst s9;
	s0 =	simm.s32 @!p0 $0x0  }
0x12: {  	s1 =	sld [smem:$0x3F91];
	s0 =	simm.s32 @p0 $0x1  }
0x13: {  	[smem:$0x3FAC] =	sst s0;
	s0 =	simm.s32 @!p1 $0x0  }
0x14: {  	s2 =	sld [smem:$0x3F90];
	s0 =	simm.s32 @p1 $0x1  }
0x15: {  	[smem:$0x3FAD] =	sst s0;
	s0 =	simm.s32 @!p2 $0x0  }
0x16: {  	s3 =	sld [smem:$0x3FDB];
	s0 =	simm.s32 @p2 $0x1  }
0x17: {  	s4 =	simm.s32 $0x1BF5;
	[smem:$0x3FAF] =	sst s0  }
0x18: {  	s0 =	sld [smem:$0x3F92];
	_ =	swait.ge [sflag:s4], $0x0  }
0x19: {  	s7 =	sld [smem:$0x3F93]  }
0x1a: {  	s8 =	sadd.s32 $0xFFFFE003, lr  }
0x1b: {  	s9 =	sadd.s32 $0xFFFFFEF7, lr;
	s5 =	simm.s32 $0xFFFFFFFF;
	p2 =	slt.u32 s8, $0xFFFFF086  }
0x1c: {  	p1 =	slt.u32 s9, $0xF7A;
	s5 =	simm.s32 @!p2 $0x0  }
0x1d: {  	s5 =	simm.s32 @p1 $0x1;
	p0 =	seq.s32 s7, s2  }
0x1e: {  	s7 =	smul.u32 @!p0 $0xF7A, s2;
	p2 =	seq.s32 @!p0 s5, $0x0  }
0x1f: {  	s9 =	smul.u32 $0xF7A, s1;
	s8 =	simm.s32 @!p0 $0x1BF5;
	p2 =	por !p2, p0  }
0x20: {  	[sflag:s8] =	ssyncset.s32 @!p0 $0xFFFFF086;
	s6 =	sadd.s32 @!p0 s3, s7;
	s7 =	simm.s32 @!p0 $0x108  }
0x21: {  	s3 =	sadd.s32 s3, s9;
	s6 =	sadd.s32 @!p0 $0x88, s6;
	s7 =	simm.s32 @p2 $0x1082  }
0x22: {  	[simem:s7], [sflag:s8] =	dma.local @!p0 [hbm:s6], $0xF7A  }
0x23: {  	s9 =	sor.u32 $0xD0000000, s2;
	s6 =	simm.s32 $0x108;
	_ =	swait.ge @!p0 [sflag:s8], $0x0  }
0x24: {  	s3 =	sadd.s32 $0x88, s3;
	s6 =	simm.s32 @!p1 $0x1082;
	[sflag:s4] =	ssyncset.s32 $0xFFFFF086  }
0x25: {  	[simem:s6], [sflag:s4] =	dma.local [hbm:s3], $0xF7A  }
0x26: {  	[smem:$0x3F93] =	sst s1;
	(tag) =	ssettag s2;
	_ =	strace s9  }
0x27: {  	s1 =	sld [smem:$0x3FA3]  }
0x28: {  	s2 =	sld [smem:$0x3FA4]  }
0x29: {  	s4 =	sld [smem:$0x3FA6]  }
0x2a: {  	p0 =	seq.s32 s5, $0x0;
	s5 =	sld [smem:$0x3FA7]  }
0x2b: {  	s6 =	sld [smem:$0x3FA8]  }
0x2c: {  	s7 =	sld [smem:$0x3FA9]  }
0x2d: {  	s3 =	simm.s32 $0x108;
	s8 =	sld [smem:$0x3FAA]  }
0x2e: {  	s3 =	simm.s32 @!p0 $0x1082;
	s9 =	sld [smem:$0x3FAB]  }
0x2f: {  	lr =	sadd.s32 s0, s3;
	s0 =	sld [smem:$0x3FA2]  }
0x30: {  	s3 =	sld [smem:$0x3FA5]  }
0x31: {  	[smem:$0x3FAE] =	sst s10  }
0x32: {  	s10 =	sld [smem:$0x3FAC];
	_ =	sdelay $0x3  }
0x33: {  	p0 =	seq.s32 s10, $0x1;
	s10 =	sld [smem:$0x3FAE];
	_ =	sdelay $0x3  }
0x34: {  	[smem:$0x3FAE] =	sst s10  }
0x35: {  	s10 =	sld [smem:$0x3FAD];
	_ =	sdelay $0x3  }
0x36: {  	p1 =	seq.s32 s10, $0x1;
	s10 =	sld [smem:$0x3FAE];
	_ =	sdelay $0x3  }
0x37: {  	[smem:$0x3FAE] =	sst s10  }
0x38: {  	s10 =	sld [smem:$0x3FAF]  }
0x39: {  	_ = 	snop;
	(pc) =	sbr.ind lr, $3  }
0x3a: {  	_ = 	snop  }
0x3b: {  	_ = 	snop  }
0x3c: {  	p2 =	seq.s32 s10, $0x1;
	s10 =	sld [smem:$0x3FAE]  }
0x3d: {  	_ =	shalt  }
0x3e: {  	_ =	shalt  }
0x3f: {  	_ =	shalt  }
0x40: {  	_ =	shalt  }
0x41: {  	_ =	shalt  }
0x42: {  	_ =	shalt  }
0x43: {  	_ =	shalt  }
0x44: {  	_ =	shalt  }
0x45: {  	_ =	shalt  }
0x46: {  	_ =	shalt  }
0x47: {  	_ =	shalt  }
0x48: {  	_ =	shalt  }
0x49: {  	_ =	shalt  }
0x4a: {  	_ =	shalt  }
0x4b: {  	_ =	shalt  }
0x4c: {  	_ =	shalt  }
0x4d: {  	_ =	shalt  }
0x4e: {  	_ =	shalt  }
0x4f: {  	_ =	shalt  }
0x50: {  	_ =	shalt  }
0x51: {  	_ =	shalt  }
0x52: {  	_ =	shalt  }
0x53: {  	_ =	shalt  }
0x54: {  	_ =	shalt  }
0x55: {  	_ =	shalt  }
0x56: {  	_ =	shalt  }
0x57: {  	_ =	shalt  }
0x58: {  	_ =	shalt  }
0x59: {  	_ =	shalt  }
0x5a: {  	_ =	shalt  }
0x5b: {  	_ =	shalt  }
0x5c: {  	_ =	shalt  }
0x5d: {  	_ =	shalt  }
0x5e: {  	_ =	shalt  }
0x5f: {  	_ =	shalt  }
0x60: {  	_ =	shalt  }
0x61: {  	_ =	shalt  }
0x62: {  	_ =	shalt  }
0x63: {  	_ =	shalt  }
0x64: {  	_ =	shalt  }
0x65: {  	_ =	shalt  }
0x66: {  	_ =	shalt  }
0x67: {  	_ =	shalt  }
0x68: {  	_ =	shalt  }
0x69: {  	_ =	shalt  }
0x6a: {  	_ =	shalt  }
0x6b: {  	_ =	shalt  }
0x6c: {  	_ =	shalt  }
0x6d: {  	_ =	shalt  }
0x6e: {  	_ =	shalt  }
0x6f: {  	_ =	shalt  }
0x70: {  	_ =	shalt  }
0x71: {  	_ =	shalt  }
0x72: {  	_ =	shalt  }
0x73: {  	_ =	shalt  }
0x74: {  	_ =	shalt  }
0x75: {  	_ =	shalt  }
0x76: {  	_ =	shalt  }
0x77: {  	_ =	shalt  }
0x78: {  	_ =	shalt  }
0x79: {  	_ =	shalt  }
0x7a: {  	_ =	shalt  }
0x7b: {  	_ =	shalt  }
0x7c: {  	_ =	shalt  }
0x7d: {  	_ =	shalt  }
0x7e: {  	_ =	shalt  }
0x7f: {  	_ =	shalt  }
0x80: {  	_ =	shalt  }
0x81: {  	_ =	shalt  }
0x82: {  	_ =	shalt  }
0x83: {  	_ =	shalt  }
0x84: {  	_ =	shalt  }
0x85: {  	_ =	shalt  }
0x86: {  	_ =	shalt  }
0x87: {  	_ =	shalt  }
.Lfunc_end0:
.L_simem_size_0:
called_computation_lowered:
.L_overlay_start_0:
0x88: {  	s2 =	sld [smem:$0x3FD9]  }
0x89: {  	s3 =	sld [smem:$0x3FFE];
	_ =	sdelay $0x1  }
0x8a: {  	s1 =	srdreg.scid  }
0x8b: {  	s0 =	sand.u32 $0x1, s1  }
0x8c: {  	s16 =	sshll.u32 s0, $0xA;
	s2 =	sadd.s32 s3, s2  }
0x8d: {  	s2 =	sadd.s32 s2, s16  }
0x8e: {  	[smem:$0x3FBA] =	sst s2  }
0x8f: {  	_ = 	snop  }
0x90: {  	(tm) =	ssettm $0x1  }
0x91: {  	s17 =	sld [smem:$0x3FFB];
	_ =	sdelay $0x3  }
0x92: {  	_ =	strace s17  }
0x93: {  	s2 =	sld [smem:$0x3FFC];
	_ =	sdelay $0x3  }
0x94: {  	_ =	strace s2  }
0x95: {  	s2 =	sld [smem:$0x3FFD];
	_ =	sdelay $0x3  }
0x96: {  	_ =	strace s2  }
0x97: {  	_ =	strace $0x8FFFFFFF  }
0x98: {  	s18 =	sld [smem:$0x3FDB];
	_ =	sdelay $0x1  }
0x99: {  	s19 =	simm.s32 $_scs_section_size  }
0x9a: {  	s4 =	simm.s32 $_size__tile_overlayer_lowered;
	s5 =	simm.s32 $_tile_overlayer_lowered  }
0x9b: {  	s22 =	simm.s32 $0x1BFF;
	s21 =	sshll.u32 s5, $0x1;
	s2 =	sadd.s32 s19, s18  }
0x9c: {  	s6 =	simm.s32 $0x0;
	s20 =	sshll.u32 s4, $0x1;
	s4 =	sadd.s32 s21, s2  }
0x9d: {  	[timem:s6], [sflag:s22] =	dma.local [hbm:s4], s20  }
0x9e: {  	_ =	swait.ge [sflag:s22], s20  }
0x9f: {  	s3 =	ssub.s32 $0x0, s20;
	[sflag:s22] =	ssyncset.done $0x0  }
0xa0: {  	[sflag:s22] =	ssyncadd.s32 s3;
	_ =	sdelay $0x1  }
0xa1: {  	s23 =	simm.s32 $0x1B8B  }
0xa2: {  	_ =	swait.ge [sflag:s23], $0x1  }
0xa3: {  	[sflag:s23] =	ssyncset.done $0x0  }
0xa4: {  	s25 =	simm.s32 $0x1B8E;
	s24 =	sld [smem:$0x3FFE];
	[sflag:s23] =	ssyncadd.s32 $0xFFFFFFFF  }
0xa5: {  	s26 =	simm.s32 $execute0_lowered;
	[smem:$0x3FD2] =	sst s25  }
0xa6: {  	s4 =	sshll.u32 s26, $0x1;
	_ =	strace $0x80000046;
	[dreg:$0x1] =	wrdreg $0xFFFFFFFF  }
0xa7: {  	s28 =	simm.s32 $_size_execute0_lowered;
	s2 =	sadd.s32 s2, s4;
	[dreg:$0x0] =	wrdreg $0x0  }
0xa8: {  	s4 =	sshll.u32 s28, $0x1;
	[dreg:$0x2] =	wrdreg s2  }
0xa9: {  	[dreg:$0x3] =	wrdreg s4  }
0xaa: {  	[dreg:$0x4] =	wrdreg $0xC0  }
0xab: {  	_ =	task [dreg:s6], $0x5FFFF  }
0xac: {  	[dreg:$0x1] =	wrdreg $0xFFFFFFFF  }
0xad: {  	[dreg:$0x0] =	wrdreg $0x60  }
0xae: {  	[dreg:$0x2] =	wrdreg s24  }
0xaf: {  	[dreg:$0x3] =	wrdreg $0x56000  }
0xb0: {  	[dreg:$0x4] =	wrdreg $0x9  }
0xb1: {  	_ =	task.clear_ibuf [dreg:s6], $0x5FFFF;
	_ =	strace $0x90000046  }
0xb2: {  	s29 =	simm.s32 $0x9;
	_ =	strace $0x80000048  }
0xb3: {  	_ =	swait.ge [sflag:s29], $0x1  }
0xb4: {  	[sflag:s29] =	ssyncadd.s32 $0xFFFFFFFF  }
0xb5: {  	_ =	strace $0x90000048  }
0xb6: {  	_ =	sfence  }
0xb7: {  	s30 =	sld [smem:$0x0];
	_ =	sdelay $0x2  }
0xb8: {  	s31 =	sshll.u32 s1, $0xD;
	s1 =	sshrl.u32 s1, $0x2  }
0xb9: {  	s3 =	sand.u32 $0x4000, s31;
	s1 =	sadd.s32 s1, s30  }
0xba: {  	s0 =	sor.u32 s3, s0;
	s1 =	sshll.u32 s1, $0x11  }
0xbb: {  	s0 =	sor.u32 s1, s0  }
0xbc: {  	s0 =	sadd.s32 $0x8F2B, s0  }
0xbd: {  	[sflag:s0] =	ssyncadd.remote.s32 $0x1  }
0xbe: {  	_ =	sfence.sel $0xFFFF  }
0xbf: {  	[dreg:$0x0] =	wrdreg $0xFFFFFFFF;
	(pc) =	sbr.abs _section_cstart, $3  }
0xc0: {  	[dreg:$0x1] =	wrdreg $0xFFFFFFFF  }
0xc1: {  	_ =	task.clear_ibuf [dreg:s6], $0x2FFFF;
	_ =	strace $0x9FFFFFFF  }
0xc2: {  	(tm) =	ssettm $0x7FFFFFFF  }
0xc3: {  	_ =	shalt  }
tec
execute0_lowered:
.L_overlay_start_1:
0x0: {  	(tag) =	ssettag $0x1  }
0x1: {  	s5 =	rddreg [dreg:$0x0]  }
0x2: {  	s1 =	rddreg [dreg:$0x1]  }
0x3: {  	s3 =	srdreg.scid;
	s0 =	rddreg [dreg:$0x2];
	s2 =	simm.s32 $0x0  }
0x4: {  	s12 =	simm.s32 $0x100;
	s13 =	simm.s32 $0x800;
	s14 =	simm.s32 $0x2800  }
0x5: {  	s15 =	simm.s32 $0x1;
	s16 =	simm.s32 $0x3;
	s17 =	simm.s32 $0x200  }
0x6: {  	s18 =	simm.s32 $0x2;
	s19 =	simm.s32 $0x500;
	s6 =	sand.u32 $0x1, s3  }
0x7: {  	s20 =	simm.s32 $0x4;
	s21 =	simm.s32 $0x300;
	s7 =	smul.u32 $0xC800, s6  }
0x8: {  	s22 =	simm.s32 $0x600;
	s3 =	stileid.u32;
	s8 =	smul.u32 $0x31000, s6  }
0x9: {  	s23 =	simm.s32 $0x700;
	[smem:$0x7FF] =	sst s2;
	s9 =	smul.u32 $0x62000, s3  }
0xa: {  	s4 =	sadd.s32 $0xC7000, s5;
	s6 =	ssub.s32 $0x2, s6;
	s11 =	smul.u32 $0xC80, s3  }
0xb: {  	_ =	strace $0x80000047;
	s25 =	smul.u32 $0x3100, s3;
	s10 =	sshrl.u32 s6, $0x1  }
0xc: {  	s8 =	sadd.s32 s8, s5;
	s7 =	sadd.s32 s7, s5;
	s29 =	ssub.s32 s6, s10  }
0xd: {  	s30 =	sshrl.u32 s9, $0x2;
	s9 =	simm.s32 $0x4800;
	s10 =	simm.s32 $0x5  }
0xe: {  	s24 =	sadd.s32 $0x34C00, s8;
	s5 =	smax.u32 s29, $0x1;
	s31 =	sadd.s32 s11, s7  }
0xf: {  	s6 =	sadd.s32 s30, s1;
	s11 =	simm.s32 $0x400;
	s7 =	sadd.s32 $0x1BC00, s31  }
0x10: {  	v0 =	vimm.f32 $0.0e+00;
	s8 =	sadd.s32 $0x2C00, s31;
	s24 =	sadd.s32 s24, s25;
	s25 =	simm.s32 $0x0  }
.LBB2_1:
0x11: {  	s26 =	simm.s32 $0x0  }
.LBB2_2:
0x12: {  	p0 =	sne.s32 s26, $0x3780  }
.Ltmp0:
0x13: {  	_ = 	snop;
	(pc) =	sbr.rel @p0 .LBB2_2-.Ltmp0, $4  }
0x14: {  	_ = 	snop  }
0x15: {  	s28 =	sshra.s32 s26, $0x2  }
0x16: {  	[tilespmem:s28+$0x4800] =	vst v0  }
0x17: {  	s26 =	sadd.s32 $0x80, s26;
	[tilespmem:s28+$0x4810] =	vst v0  }
0x18: {  	s26 =	sadd.s32 $0x0, s6  }
0x19: {  	[spmem:s26] =	stream.linear.scatter [tilespmem:s9], [sflag:$0x5], $0xE00, $0x38;
	[tilespmem:$0x1DE00] =	vst v63  }
0x1a: {  	s26 =	simm.s32 $0x3800;
	_ =	swait.ge [sflag:s10], $0xE00  }
.LBB2_4:
0x1b: {  	s28 =	sshra.s32 s26, $0x2;
	[sflag:s10] =	ssyncset.done $0x0;
	p0 =	sne.s32 s26, $0x5E800  }
.Ltmp1:
0x1c: {  	s28 =	sadd.s32 s28, s6;
	[sflag:s10] =	ssyncadd.s32 $0xFFFFF200;
	(pc) =	sbr.rel @p0 .LBB2_4-.Ltmp1, $3  }
0x1d: {  	[spmem:s28] =	stream.linear.scatter [tilespmem:s9], [sflag:$0x5], $0xE00, $0x38;
	[tilespmem:$0x1DE00] =	vst v63  }
0x1e: {  	s26 =	sadd.s32 $0x3800, s26;
	_ =	sdelay $0x1  }
0x1f: {  	_ =	swait.ge [sflag:s10], $0xE00  }
0x20: {  	[sflag:s10] =	ssyncset.done $0x0  }
0x21: {  	[sflag:s10] =	ssyncadd.s32 $0xFFFFF200  }
0x22: {  	s26 =	sadd.s32 $0x0, s8;
	[bflag:$0x0] =	sbarrier.arrive $0xFFFF  }
0x23: {  	[tilespmem:s2], [sflag:$0x5] =	stream.linear.gather [hbm4b:s26+s2], $0x400, $0x38;
	[tilespmem:$0x1DE00] =	vst v63  }
0x24: {  	_ =	swait.ge [sflag:s10], $0x400  }
0x25: {  	[sflag:s10] =	ssyncset.done $0x0  }
0x26: {  	s31 =	sadd.s32 $0x0, s7;
	[sflag:s10] =	ssyncadd.s32 $0xFFFFFC00  }
0x27: {  	[tilespmem:s11], [sflag:$0x5] =	stream.linear.gather [hbm4b:s31+s2], $0x400, $0x38;
	[tilespmem:$0x1DE00] =	vst v63  }
0x28: {  	_ =	swait.ge [sflag:s10], $0x400  }
0x29: {  	[sflag:s10] =	ssyncset.done $0x0  }
0x2a: {  	[sflag:s10] =	ssyncadd.s32 $0xFFFFFC00  }
0x2b: {  	[tilespmem:s13], [sflag:$0x1] =	stream.indirect.gather [hbm4b:s4+s12], $0x20, s2, s12, $0xb8;
	[tilespmem:$0x1DE00] =	vst v63  }
0x2c: {  	_ = 	snop  }
0x2d: {  	[tilespmem:s14], [sflag:$0x2] =	stream.indirect.gather [hbm4b:s4+s12], $0x20, s12, s12, $0xb8;
	[tilespmem:$0x1DE00] =	vst v63  }
0x2e: {  	_ =	swait.ge [sflag:s15], $0x2000  }
0x2f: {  	[sflag:s15] =	ssyncset.done $0x0  }
0x30: {  	[sflag:s15] =	ssyncadd.s32 $0xFFFFE000  }
0x31: {  	[spmem:s1] =	stream.indirect.scatter.add.f32 [tilespmem:s13], [sflag:$0x3], $0x20, s11, s12, $0xb8;
	[tilespmem:$0x1DE00] =	vst v63  }
0x32: {  	_ =	swait.ge [sflag:s16], $0x2000  }
0x33: {  	[sflag:s16] =	ssyncset.done $0x0  }
0x34: {  	[sflag:s16] =	ssyncadd.s32 $0xFFFFE000  }
0x35: {  	[tilespmem:s13], [sflag:$0x1] =	stream.indirect.gather [hbm4b:s4+s12], $0x20, s17, s12, $0xb8;
	[tilespmem:$0x1DE00] =	vst v63  }
0x36: {  	_ =	swait.ge [sflag:s18], $0x2000  }
0x37: {  	[sflag:s18] =	ssyncset.done $0x0  }
0x38: {  	[sflag:s18] =	ssyncadd.s32 $0xFFFFE000  }
0x39: {  	[spmem:s1] =	stream.indirect.scatter.add.f32 [tilespmem:s14], [sflag:$0x4], $0x20, s19, s12, $0xb8;
	[tilespmem:$0x1DE00] =	vst v63  }
0x3a: {  	_ =	swait.ge [sflag:s20], $0x2000  }
0x3b: {  	[sflag:s20] =	ssyncset.done $0x0  }
0x3c: {  	[sflag:s20] =	ssyncadd.s32 $0xFFFFE000  }
0x3d: {  	[tilespmem:s14], [sflag:$0x2] =	stream.indirect.gather [hbm4b:s4+s12], $0x20, s21, s12, $0xb8;
	[tilespmem:$0x1DE00] =	vst v63  }
0x3e: {  	_ =	swait.ge [sflag:s15], $0x2000  }
0x3f: {  	[sflag:s15] =	ssyncset.done $0x0  }
0x40: {  	[sflag:s15] =	ssyncadd.s32 $0xFFFFE000  }
0x41: {  	[spmem:s1] =	stream.indirect.scatter.add.f32 [tilespmem:s13], [sflag:$0x3], $0x20, s22, s12, $0xb8;
	[tilespmem:$0x1DE00] =	vst v63  }
0x42: {  	_ =	swait.ge [sflag:s18], $0x2000  }
0x43: {  	[sflag:s18] =	ssyncset.done $0x0  }
0x44: {  	[sflag:s18] =	ssyncadd.s32 $0xFFFFE000  }
0x45: {  	[spmem:s1] =	stream.indirect.scatter.add.f32 [tilespmem:s14], [sflag:$0x4], $0x20, s23, s12, $0xb8;
	[tilespmem:$0x1DE00] =	vst v63  }
0x46: {  	_ =	swait.ge [sflag:s16], $0x2000  }
0x47: {  	[sflag:s16] =	ssyncset.done $0x0  }
0x48: {  	[sflag:s16] =	ssyncadd.s32 $0xFFFFE000  }
0x49: {  	_ =	swait.ge [sflag:s20], $0x2000  }
0x4a: {  	s29 =	simm.s32 $0x100;
	s26 =	simm.s32 $0x80;
	[sflag:s20] =	ssyncset.done $0x0  }
.LBB2_6:
0x4b: {  	s30 =	sadd.s32 s26, s8  }
0x4c: {  	[sflag:s20] =	ssyncadd.s32 $0xFFFFE000;
	s31 =	smov.u32 s29;
	s28 =	sadd.s32 $0x80, s29  }
0x4d: {  	[tilespmem:s2], [sflag:$0x5] =	stream.linear.gather [hbm4b:s30+s2], $0x400, $0x38;
	[tilespmem:$0x1DE00] =	vst v63  }
0x4e: {  	p0 =	sne.s32 s29, $0xC00;
	_ =	swait.ge [sflag:s10], $0x400  }
0x4f: {  	[sflag:s10] =	ssyncset.done $0x0  }
0x50: {  	s29 =	sadd.s32 s26, s7;
	s26 =	smov.u32 s31;
	[sflag:s10] =	ssyncadd.s32 $0xFFFFFC00  }
0x51: {  	[tilespmem:s11], [sflag:$0x5] =	stream.linear.gather [hbm4b:s29+s2], $0x400, $0x38;
	[tilespmem:$0x1DE00] =	vst v63  }
0x52: {  	_ =	swait.ge [sflag:s10], $0x400  }
0x53: {  	[sflag:s10] =	ssyncset.done $0x0  }
0x54: {  	[sflag:s10] =	ssyncadd.s32 $0xFFFFFC00  }
0x55: {  	[tilespmem:s13], [sflag:$0x1] =	stream.indirect.gather [hbm4b:s4+s12], $0x20, s2, s12, $0xb8;
	[tilespmem:$0x1DE00] =	vst v63  }
0x56: {  	_ = 	snop  }
0x57: {  	[tilespmem:s14], [sflag:$0x2] =	stream.indirect.gather [hbm4b:s4+s12], $0x20, s12, s12, $0xb8;
	[tilespmem:$0x1DE00] =	vst v63  }
0x58: {  	_ =	swait.ge [sflag:s15], $0x2000  }
0x59: {  	[sflag:s15] =	ssyncset.done $0x0  }
0x5a: {  	[sflag:s15] =	ssyncadd.s32 $0xFFFFE000  }
0x5b: {  	[spmem:s1] =	stream.indirect.scatter.add.f32 [tilespmem:s13], [sflag:$0x3], $0x20, s11, s12, $0xb8;
	[tilespmem:$0x1DE00] =	vst v63  }
0x5c: {  	_ =	swait.ge [sflag:s16], $0x2000  }
0x5d: {  	[sflag:s16] =	ssyncset.done $0x0  }
0x5e: {  	[sflag:s16] =	ssyncadd.s32 $0xFFFFE000  }
0x5f: {  	[tilespmem:s13], [sflag:$0x1] =	stream.indirect.gather [hbm4b:s4+s12], $0x20, s17, s12, $0xb8;
	[tilespmem:$0x1DE00] =	vst v63  }
0x60: {  	_ =	swait.ge [sflag:s18], $0x2000  }
0x61: {  	[sflag:s18] =	ssyncset.done $0x0  }
0x62: {  	[sflag:s18] =	ssyncadd.s32 $0xFFFFE000  }
0x63: {  	[spmem:s1] =	stream.indirect.scatter.add.f32 [tilespmem:s14], [sflag:$0x4], $0x20, s19, s12, $0xb8;
	[tilespmem:$0x1DE00] =	vst v63  }
0x64: {  	_ =	swait.ge [sflag:s20], $0x2000  }
0x65: {  	[sflag:s20] =	ssyncset.done $0x0  }
0x66: {  	[sflag:s20] =	ssyncadd.s32 $0xFFFFE000  }
0x67: {  	[tilespmem:s14], [sflag:$0x2] =	stream.indirect.gather [hbm4b:s4+s12], $0x20, s21, s12, $0xb8;
	[tilespmem:$0x1DE00] =	vst v63  }
0x68: {  	_ =	swait.ge [sflag:s15], $0x2000  }
0x69: {  	[sflag:s15] =	ssyncset.done $0x0  }
0x6a: {  	[sflag:s15] =	ssyncadd.s32 $0xFFFFE000  }
0x6b: {  	[spmem:s1] =	stream.indirect.scatter.add.f32 [tilespmem:s13], [sflag:$0x3], $0x20, s22, s12, $0xb8;
	[tilespmem:$0x1DE00] =	vst v63  }
0x6c: {  	_ =	swait.ge [sflag:s18], $0x2000  }
0x6d: {  	[sflag:s18] =	ssyncset.done $0x0  }
0x6e: {  	[sflag:s18] =	ssyncadd.s32 $0xFFFFE000  }
0x6f: {  	[spmem:s1] =	stream.indirect.scatter.add.f32 [tilespmem:s14], [sflag:$0x4], $0x20, s23, s12, $0xb8;
	[tilespmem:$0x1DE00] =	vst v63  }
.Ltmp2:
0x70: {  	_ =	swait.ge [sflag:s16], $0x2000;
	(pc) =	sbr.rel @p0 .LBB2_6-.Ltmp2, $4  }
0x71: {  	[sflag:s16] =	ssyncset.done $0x0  }
0x72: {  	[sflag:s16] =	ssyncadd.s32 $0xFFFFE000  }
0x73: {  	_ =	swait.ge [sflag:s20], $0x2000  }
0x74: {  	s29 =	smov.u32 s28;
	[sflag:s20] =	ssyncset.done $0x0  }
0x75: {  	s28 =	sadd.s32 s26, s8;
	[sflag:s20] =	ssyncadd.s32 $0xFFFFE000  }
0x76: {  	[tilespmem:s2], [sflag:$0x5] =	stream.linear.gather [hbm4b:s28+s2], $0x400, $0x38;
	[tilespmem:$0x1DE00] =	vst v63  }
0x77: {  	_ =	swait.ge [sflag:s10], $0x400  }
0x78: {  	[sflag:s10] =	ssyncset.done $0x0  }
0x79: {  	s30 =	sadd.s32 s26, s7;
	[sflag:s10] =	ssyncadd.s32 $0xFFFFFC00  }
0x7a: {  	[tilespmem:s11], [sflag:$0x5] =	stream.linear.gather [hbm4b:s30+s2], $0x400, $0x38;
	[tilespmem:$0x1DE00] =	vst v63  }
0x7b: {  	_ =	swait.ge [sflag:s10], $0x400  }
0x7c: {  	[sflag:s10] =	ssyncset.done $0x0  }
0x7d: {  	[sflag:s10] =	ssyncadd.s32 $0xFFFFFC00  }
0x7e: {  	[tilespmem:s13], [sflag:$0x1] =	stream.indirect.gather [hbm4b:s4+s12], $0x20, s2, s12, $0xb8;
	[tilespmem:$0x1DE00] =	vst v63  }
0x7f: {  	_ = 	snop  }
0x80: {  	[tilespmem:s14], [sflag:$0x2] =	stream.indirect.gather [hbm4b:s4+s12], $0x20, s12, s12, $0xb8;
	[tilespmem:$0x1DE00] =	vst v63  }
0x81: {  	_ =	swait.ge [sflag:s15], $0x2000  }
0x82: {  	[sflag:s15] =	ssyncset.done $0x0  }
0x83: {  	[sflag:s15] =	ssyncadd.s32 $0xFFFFE000  }
0x84: {  	[spmem:s1] =	stream.indirect.scatter.add.f32 [tilespmem:s13], [sflag:$0x3], $0x20, s11, s12, $0xb8;
	[tilespmem:$0x1DE00] =	vst v63  }
0x85: {  	_ =	swait.ge [sflag:s16], $0x2000  }
0x86: {  	[sflag:s16] =	ssyncset.done $0x0  }
0x87: {  	[sflag:s16] =	ssyncadd.s32 $0xFFFFE000  }
0x88: {  	[tilespmem:s13], [sflag:$0x1] =	stream.indirect.gather [hbm4b:s4+s12], $0x20, s17, s12, $0xb8;
	[tilespmem:$0x1DE00] =	vst v63  }
0x89: {  	_ =	swait.ge [sflag:s18], $0x2000  }
0x8a: {  	[sflag:s18] =	ssyncset.done $0x0  }
0x8b: {  	[sflag:s18] =	ssyncadd.s32 $0xFFFFE000  }
0x8c: {  	[spmem:s1] =	stream.indirect.scatter.add.f32 [tilespmem:s14], [sflag:$0x4], $0x20, s19, s12, $0xb8;
	[tilespmem:$0x1DE00] =	vst v63  }
0x8d: {  	_ =	swait.ge [sflag:s20], $0x2000  }
0x8e: {  	[sflag:s20] =	ssyncset.done $0x0  }
0x8f: {  	[sflag:s20] =	ssyncadd.s32 $0xFFFFE000  }
0x90: {  	[tilespmem:s14], [sflag:$0x2] =	stream.indirect.gather [hbm4b:s4+s12], $0x20, s21, s12, $0xb8;
	[tilespmem:$0x1DE00] =	vst v63  }
0x91: {  	_ =	swait.ge [sflag:s15], $0x2000  }
0x92: {  	[sflag:s15] =	ssyncset.done $0x0  }
0x93: {  	[sflag:s15] =	ssyncadd.s32 $0xFFFFE000  }
0x94: {  	[spmem:s1] =	stream.indirect.scatter.add.f32 [tilespmem:s13], [sflag:$0x3], $0x20, s22, s12, $0xb8;
	[tilespmem:$0x1DE00] =	vst v63  }
0x95: {  	_ =	swait.ge [sflag:s18], $0x2000  }
0x96: {  	[sflag:s18] =	ssyncset.done $0x0  }
0x97: {  	[sflag:s18] =	ssyncadd.s32 $0xFFFFE000  }
0x98: {  	[spmem:s1] =	stream.indirect.scatter.add.f32 [tilespmem:s14], [sflag:$0x4], $0x20, s23, s12, $0xb8;
	[tilespmem:$0x1DE00] =	vst v63  }
0x99: {  	_ =	swait.ge [sflag:s16], $0x2000  }
0x9a: {  	[sflag:s16] =	ssyncset.done $0x0  }
0x9b: {  	[sflag:s16] =	ssyncadd.s32 $0xFFFFE000  }
0x9c: {  	_ =	swait.ge [sflag:s20], $0x2000  }
0x9d: {  	[sflag:s20] =	ssyncset.done $0x0  }
0x9e: {  	s31 =	sshll.u32 s3, $0x6;
	s29 =	sshrl.u32 s6, $0x3;
	[sflag:s20] =	ssyncadd.s32 $0xFFFFE000  }
0x9f: {  	s28 =	sadd.s32 $0x0, s24;
	s26 =	sor.u32 $0x1C05, s31;
	[bflag:$0x0] =	sbarrier.arrive $0xFFFF  }
0xa0: {  	[hbm:s28], [sflag:s26] =	dma.local [spmem:s29], $0x1C0  }
0xa1: {  	s28 =	simm.s32 $0x1C0;
	s29 =	sadd.s32 $0xE00, s6;
	_ =	swait.ge [sflag:s10], $0x1C0  }
.LBB2_8:
0xa2: {  	s30 =	sadd.s32 s28, s24;
	[sflag:s10] =	ssyncset.done $0x0;
	p0 =	sne.s32 s28, $0x2F40  }
.Ltmp3:
0xa3: {  	s31 =	sshrl.u32 s29, $0x3;
	[sflag:s10] =	ssyncadd.s32 $0xFFFFFE40;
	(pc) =	sbr.rel @p0 .LBB2_8-.Ltmp3, $3  }
0xa4: {  	[hbm:s30], [sflag:s26] =	dma.local [spmem:s31], $0x1C0  }
0xa5: {  	s28 =	sadd.s32 $0x1C0, s28;
	_ =	sdelay $0x1  }
0xa6: {  	s29 =	sadd.s32 $0xE00, s29;
	_ =	swait.ge [sflag:s10], $0x1C0  }
0xa7: {  	s25 =	sadd.s32 $0x1, s25  }
0xa8: {  	p0 =	sne.s32 s25, s5  }
.Ltmp4:
0xa9: {  	_ = 	snop;
	(pc) =	sbr.rel @p0 .LBB2_1-.Ltmp4, $3  }
0xaa: {  	_ =	sdelay $0x1  }
0xab: {  	[sflag:s10] =	ssyncset.done $0x0  }
0xac: {  	[sflag:s10] =	ssyncadd.s32 $0xFFFFFE40  }
0xad: {  	_ =	sfence.sel $0x180000  }
0xae: {  	[bflag:$0x0] =	sbarrier.arrive $0xFFFF  }
0xaf: {  	p0 =	sne.s32 s3, $0x0;
	_ =	strace $0x90000047  }
0xb0: {  	s0 =	sadd.s32 @!p0 $0x100000, s0;
	[bflag:$0x2] =	sbarrier.arrive $0xFFFF  }
0xb1: {  	[sflag:s0] =	ssyncadd.tile.s32 @!p0 $0x1;
	_ =	shalt  }
.Lfunc_end2:
_tile_overlayer_lowered:
.L_overlay_start_2:
0xb2: {  	(tag) =	ssettag $0x2  }
0xb3: {  	s0 =	rddreg [dreg:$0x0];
	s2 =	stileid.u32  }
0xb4: {  	s1 =	rddreg [dreg:$0x1];
	p0 =	sne.s32 s2, $0x0  }
0xb5: {  	s3 =	rddreg [dreg:$0x2];
	[bflag:$0x3] =	sbarrier.arrive $0xFFFF;
	s2 =	simm.s32 @!p0 $0x1C05  }
0xb6: {  	[timem:s3], [sflag:s2] =	dma.local @!p0 [hbm:s0], s1  }
0xb7: {  	s0 =	simm.s32 @!p0 $0x5  }
0xb8: {  	_ =	swait.ge @!p0 [sflag:s0], s1  }
0xb9: {  	s1 =	ssub.s32 @!p0 $0x0, s1;
	[sflag:s0] =	ssyncset.done @!p0 $0x0  }
0xba: {  	[sflag:s0] =	ssyncadd.s32 @!p0 s1  }
0xbb: {  	[bflag:$0x3] =	sbarrier.arrive $0xFFFF  }
0xbc: {  	_ =	shalt  }

</sc_bundles>
